<compile_context>
chip_gen: v7x
topology: tpu7x:2x2x1
jax: 0.10.2.dev20260603
libtpu: 0.0.44.dev20260713+nightly
codegen_flags: <defaults>
</compile_context>

<pallas_src>
import functools

import numpy as np
import jax
import jax.numpy as jnp
from jax import lax
from jax.experimental import pallas as pl
from jax.experimental.pallas import tpu as pltpu
from jax.experimental.pallas import tpu_sc as plsc

_B = 4096
_H = _B // 2
_NNEG = 128
_P = 4
_D = 128
_R = 512
_NW = 32
_RPW = _H // _NW


@functools.lru_cache(maxsize=1)
def _neg_idx():
    rng = np.random.default_rng(0)
    all_idx = np.arange(_B)
    neg = np.stack([rng.choice(np.delete(all_idx, i), _NNEG, replace=False)
                    for i in range(_B)])
    return neg


@functools.lru_cache(maxsize=2)
def _sc_idx(half):
    neg = _neg_idx()[half * _H:(half + 1) * _H]
    flat = (np.arange(_H)[:, None] * _B + neg).astype(np.int32)
    idx3 = np.transpose(flat.reshape(_NW, _RPW, _NNEG), (0, 2, 1)).copy()
    return jnp.asarray(idx3)


def _k1_body(off_blocks, z_ref, pz_ref, s_ref, pe_ref, zn_ref, znb_ref):
    i = pl.program_id(0)

    @pl.when(i == 0)
    def _init():
        z = z_ref[...]
        n2 = jnp.sum(z * z, axis=1, keepdims=True)
        zn = z * lax.rsqrt(jnp.maximum(n2, 1e-24))
        zn_ref[...] = zn
        znb_ref[...] = zn.astype(jnp.bfloat16)

    zn_blk = zn_ref[pl.ds((off_blocks + i) * _R, _R), :]
    s2 = jax.lax.dot_general(
        zn_blk.astype(jnp.bfloat16), znb_ref[...],
        (((1,), (1,)), ((), ())), preferred_element_type=jnp.float32)
    s_ref[...] = jnp.reshape(s2, (_R * _B,))

    p3 = pz_ref[...]
    pn2 = jnp.sum(p3 * p3, axis=2)
    pd = jnp.sum(p3 * zn_blk[:, None, :], axis=2)
    pos_s = pd * lax.rsqrt(jnp.maximum(pn2, 1e-24))
    pe_ref[...] = jnp.sum(jnp.exp(pos_s), axis=1, keepdims=True)


def _k1(z, pz, half):
    off = half * (_H // _R)
    return pl.pallas_call(
        functools.partial(_k1_body, off),
        grid=(_H // _R,),
        in_specs=[
            pl.BlockSpec((_B, _D), lambda i: (0, 0)),
            pl.BlockSpec((_R, _P, _D), lambda i, o=off: (o + i, 0, 0)),
        ],
        out_specs=[
            pl.BlockSpec((_R * _B,), lambda i: (i,)),
            pl.BlockSpec((_R, 1), lambda i: (i, 0)),
        ],
        out_shape=[
            jax.ShapeDtypeStruct((_H * _B,), jnp.float32),
            jax.ShapeDtypeStruct((_H, 1), jnp.float32),
        ],
        scratch_shapes=[
            pltpu.VMEM((_B, _D), jnp.float32),
            pltpu.VMEM((_B, _D), jnp.bfloat16),
        ],
    )(z, pz)


_CHUNK = 16


def _k2_body(s_hbm, idx_hbm, out_hbm, idx_v, val_v, acc_v, sem):
    w = lax.axis_index("s") * 2 + lax.axis_index("c")
    pltpu.sync_copy(idx_hbm.at[w], idx_v)

    def chunk(c, _):
        base = c * _CHUNK
        for k in range(_CHUNK):
            pltpu.async_copy(s_hbm.at[idx_v.at[base + k]], val_v.at[k], sem)
        for k in range(_CHUNK):
            pltpu.make_async_copy(s_hbm.at[idx_v.at[base + k]],
                                  val_v.at[k], sem).wait()
        for k in range(_CHUNK):
            for j in range(_RPW // 16):
                sl = pl.ds(j * 16, 16)
                acc_v[sl] = acc_v[sl] + jnp.exp(val_v[k, sl])
        return _

    for j in range(_RPW // 16):
        acc_v[pl.ds(j * 16, 16)] = jnp.zeros((16,), jnp.float32)
    lax.fori_loop(0, _NNEG // _CHUNK, chunk, 0)
    pltpu.sync_copy(acc_v, out_hbm.at[pl.ds(w * _RPW, _RPW)])


def _k2(s_flat, half):
    mesh = plsc.VectorSubcoreMesh(core_axis_name="c", subcore_axis_name="s")
    kfn = functools.partial(
        pl.kernel, mesh=mesh,
        out_type=jax.ShapeDtypeStruct((_H,), jnp.float32),
        scratch_types=[
            pltpu.VMEM((_NNEG, _RPW), jnp.int32),
            pltpu.VMEM((_CHUNK, _RPW), jnp.float32),
            pltpu.VMEM((_RPW,), jnp.float32),
            pltpu.SemaphoreType.DMA,
        ],
    )(_k2_body)
    return kfn(s_flat, _sc_idx(half))


def _k3_body(na_ref, nb_ref, pa_ref, pb_ref, out_ref):
    tot = jnp.float32(0.0)
    for ne, pe in ((na_ref[...], pa_ref[...][:, 0]),
                   (nb_ref[...], pb_ref[...][:, 0])):
        tot = tot + jnp.sum(jnp.log(ne + pe) - jnp.log(pe))
    out_ref[...] = jnp.full((1, 1), tot * (1.0 / _B), jnp.float32)


def _k3(na, nb, pa, pb):
    return pl.pallas_call(
        _k3_body,
        in_specs=[pl.BlockSpec((_H,), lambda: (0,)),
                  pl.BlockSpec((_H,), lambda: (0,)),
                  pl.BlockSpec((_H, 1), lambda: (0, 0)),
                  pl.BlockSpec((_H, 1), lambda: (0, 0))],
        out_specs=pl.BlockSpec((1, 1), lambda: (0, 0)),
        out_shape=jax.ShapeDtypeStruct((1, 1), jnp.float32),
    )(na, nb, pa, pb)


def kernel(z_vecs, pos_z_vecs):
    s_a, pe_a = _k1(z_vecs, pos_z_vecs, 0)
    ne_a = _k2(s_a, 0)
    s_b, pe_b = _k1(z_vecs, pos_z_vecs, 1)
    ne_b = _k2(s_b, 1)
    out = _k3(ne_a, ne_b, pe_a, pe_b)
    return jnp.reshape(out, ())

# --- scband reference (transcript-rebuilt; emitter-appended) ---
"""Pipeline reference for scband-sim-clr-loss-w-pos-59536836657309 (READ-ONLY COPY).

The authoritative reference and input builder live on the scoring server;
editing this copy changes nothing except your own understanding.
"""

import jax, jax.numpy as jnp
import numpy as np

TAU = 1.0
ALPHA = 0.5
NUM_RAND_NEGS = 128
NUM_POS = 4


def setup_inputs(seed: int = 0) -> dict:
    key = jax.random.key(seed)
    k1, k2 = jax.random.split(key)
    z_vecs = jax.random.normal(k1, (4096, 128), dtype=jnp.float32)
    pos_z_vecs = jax.random.normal(k2, (4096, 4, 128), dtype=jnp.float32)
    return {"z_vecs": z_vecs, "pos_z_vecs": pos_z_vecs}


def _normalize(x, axis=-1, eps=1e-12):
    n = jnp.linalg.norm(x, axis=axis, keepdims=True)
    return x / jnp.maximum(n, eps)


def _rand_neg_indices(batch_size, num_rand_neg):
    # host-side numpy sampling, mirrors get_rand_negs_sims with classes=None
    rng = np.random.default_rng(0)
    all_idx = np.arange(batch_size)
    neg_idx = np.stack([rng.choice(np.delete(all_idx, i), num_rand_neg, replace=False)
                        for i in range(batch_size)])
    dim0 = np.repeat(np.arange(batch_size), num_rand_neg)
    dim1 = neg_idx.reshape(-1)
    return dim0, dim1


def reference(z_vecs, pos_z_vecs):
    # normalize (F.normalize equivalent)
    z = _normalize(z_vecs, axis=-1)
    pz = _normalize(pos_z_vecs, axis=-1)
    batch_size = z.shape[0]
    num_rand_neg = min(batch_size - 1, NUM_RAND_NEGS)
    dim0, dim1 = _rand_neg_indices(batch_size, num_rand_neg)
    dim0 = jnp.asarray(dim0, dtype=jnp.int32)
    dim1 = jnp.asarray(dim1, dtype=jnp.int32)
    # gather negative rows and compute cosine sims (memory-bound gathers)
    rand_negs_sims = jnp.sum(jnp.take(z, dim0, axis=0) * jnp.take(z, dim1, axis=0),
                             axis=1).reshape(batch_size, num_rand_neg)
    # positive sims: [B, P, d] @ [B, d, 1] -> [B, P]
    pos_sims = jnp.squeeze(jnp.matmul(pz, z[:, :, None]), axis=-1)
    neg_and_pos_sims = jnp.concatenate([rand_negs_sims, pos_sims], axis=-1)
    loss_pos = jax.nn.logsumexp(pos_sims / TAU, axis=-1)
    loss_neg = jax.nn.logsumexp(neg_and_pos_sims / TAU, axis=-1)
    loss = -2.0 * (ALPHA * loss_pos - (1.0 - ALPHA) * loss_neg)
    return jnp.mean(loss)

if __name__ == "__main__":
    import jax
    _d = setup_inputs()
    print(jax.jit(kernel)(*tuple(_d.values())))

</pallas_src>

<mosaic_0001>
#map = affine_map<(d0, d1) -> (0)>
#map1 = affine_map<(d0, d1) -> (0, 0, 0)>
module attributes {stable_mosaic.version = 14 : i64} {
  func.func @_k2_body(%arg0: i32, %arg1: i32, %arg2: memref<8388608xf32, #tpu.memory_space<hbm>>, %arg3: memref<32x128x64xi32, #tpu.memory_space<hbm>>, %arg4: memref<2048xf32, #tpu.memory_space<hbm>>, %arg5: memref<128x64xi32, #tpu.memory_space<vmem>>, %arg6: memref<16x64xf32, #tpu.memory_space<vmem>>, %arg7: memref<64xf32, #tpu.memory_space<vmem>>, %arg8: memref<!tpu.dma_semaphore, #tpu.memory_space<semaphore_mem>>) attributes {dimension_semantics = [#tpu.dimension_semantics<core_parallel>, #tpu.dimension_semantics<subcore_parallel>], iteration_bounds = array<i64: 2, 16>, scalar_prefetch = 0 : i64, scratch_operands = 4 : i64, tpu.core_type = #tpu.core_type<sc_vector_subcore>, window_params = [{transform_indices = #map}, {transform_indices = #map1}, {transform_indices = #map}]} {
    %mul3A = arith.constant 2 : i32
    %mul3A_0 = arith.muli %arg1, %mul3A : i32
    %add3A = arith.addi %mul3A_0, %arg0 : i32
    "tpu.region"() ({
      %run_scoped3A = tpu.sem_alloc : memref<!tpu.dma_semaphore, #tpu.memory_space<semaphore_mem>>
      %dma_start3A = arith.constant 0 : i32
      %dma_start3A_30 = arith.constant 0 : i32
      %dma_start3A_31 = tpu.memref_slice %arg3[%add3A, %dma_start3A, %dma_start3A_30] : memref<32x128x64xi32, #tpu.memory_space<hbm>> -> memref<1x128x64xi32, #tpu.memory_space<hbm>>
      %dma_start3A_32 = tpu.memref_squeeze %dma_start3A_31 : memref<1x128x64xi32, #tpu.memory_space<hbm>> -> memref<128x64xi32, #tpu.memory_space<hbm>>
      %dma_start3A_33 = arith.constant 0 : i32
      %dma_start3A_34 = arith.constant 0 : i32
      %dma_start3A_35 = tpu.memref_slice %arg3[%add3A, %dma_start3A_33, %dma_start3A_34] : memref<32x128x64xi32, #tpu.memory_space<hbm>> -> memref<1x128x64xi32, #tpu.memory_space<hbm>>
      %dma_start3A_36 = tpu.memref_squeeze %dma_start3A_35 : memref<1x128x64xi32, #tpu.memory_space<hbm>> -> memref<128x64xi32, #tpu.memory_space<hbm>>
      tpu.enqueue_dma source(%dma_start3A_36 : memref<128x64xi32, #tpu.memory_space<hbm>>) target(%arg5 : memref<128x64xi32, #tpu.memory_space<vmem>>) target_semaphore(%run_scoped3A : memref<!tpu.dma_semaphore, #tpu.memory_space<semaphore_mem>>)
      %dma_wait3A = arith.constant 0 : i32
      %dma_wait3A_37 = arith.constant 0 : i32
      %dma_wait3A_38 = tpu.memref_slice %arg3[%add3A, %dma_wait3A, %dma_wait3A_37] : memref<32x128x64xi32, #tpu.memory_space<hbm>> -> memref<1x128x64xi32, #tpu.memory_space<hbm>>
      %dma_wait3A_39 = tpu.memref_squeeze %dma_wait3A_38 : memref<1x128x64xi32, #tpu.memory_space<hbm>> -> memref<128x64xi32, #tpu.memory_space<hbm>>
      %dma_wait3A_40 = arith.constant 0 : i32
      %dma_wait3A_41 = arith.constant 0 : i32
      %dma_wait3A_42 = tpu.memref_slice %arg3[%add3A, %dma_wait3A_40, %dma_wait3A_41] : memref<32x128x64xi32, #tpu.memory_space<hbm>> -> memref<1x128x64xi32, #tpu.memory_space<hbm>>
      %dma_wait3A_43 = tpu.memref_squeeze %dma_wait3A_42 : memref<1x128x64xi32, #tpu.memory_space<hbm>> -> memref<128x64xi32, #tpu.memory_space<hbm>>
      tpu.wait_dma2 semaphore(%run_scoped3A : memref<!tpu.dma_semaphore, #tpu.memory_space<semaphore_mem>>) src(%dma_wait3A_43 : memref<128x64xi32, #tpu.memory_space<hbm>>) dst(%arg5 : memref<128x64xi32, #tpu.memory_space<vmem>>)
      tpu.yield
    }) : () -> ()
    %broadcast_in_dim3A = arith.constant 0.000000e+00 : f32
    %broadcast_in_dim3A_1 = vector.broadcast %broadcast_in_dim3A : f32 to vector<16xf32>
    %swap3A = arith.constant 0 : index
    %swap3A_2 = tpu.vector_load %arg7[%swap3A] {strides = array<i32>} : memref<64xf32, #tpu.memory_space<vmem>>, vector<16xf32>,
    %swap3A_3 = vector.shape_cast %swap3A_2 : vector<16xf32> to vector<16xf32>
    %swap3A_4 = vector.shape_cast %broadcast_in_dim3A_1 : vector<16xf32> to vector<16xf32>
    tpu.vector_store %arg7[%swap3A], %swap3A_4 {strides = array<i32>} : memref<64xf32, #tpu.memory_space<vmem>>, vector<16xf32>,
    %broadcast_in_dim3A_5 = arith.constant 0.000000e+00 : f32
    %broadcast_in_dim3A_6 = vector.broadcast %broadcast_in_dim3A_5 : f32 to vector<16xf32>
    %swap3A_7 = arith.constant 16 : index
    %swap3A_8 = tpu.vector_load %arg7[%swap3A_7] {strides = array<i32>} : memref<64xf32, #tpu.memory_space<vmem>>, vector<16xf32>,
    %swap3A_9 = vector.shape_cast %swap3A_8 : vector<16xf32> to vector<16xf32>
    %swap3A_10 = vector.shape_cast %broadcast_in_dim3A_6 : vector<16xf32> to vector<16xf32>
    tpu.vector_store %arg7[%swap3A_7], %swap3A_10 {strides = array<i32>} : memref<64xf32, #tpu.memory_space<vmem>>, vector<16xf32>,
    %broadcast_in_dim3A_11 = arith.constant 0.000000e+00 : f32
    %broadcast_in_dim3A_12 = vector.broadcast %broadcast_in_dim3A_11 : f32 to vector<16xf32>
    %swap3A_13 = arith.constant 32 : index
    %swap3A_14 = tpu.vector_load %arg7[%swap3A_13] {strides = array<i32>} : memref<64xf32, #tpu.memory_space<vmem>>, vector<16xf32>,
    %swap3A_15 = vector.shape_cast %swap3A_14 : vector<16xf32> to vector<16xf32>
    %swap3A_16 = vector.shape_cast %broadcast_in_dim3A_12 : vector<16xf32> to vector<16xf32>
    tpu.vector_store %arg7[%swap3A_13], %swap3A_16 {strides = array<i32>} : memref<64xf32, #tpu.memory_space<vmem>>, vector<16xf32>,
    %broadcast_in_dim3A_17 = arith.constant 0.000000e+00 : f32
    %broadcast_in_dim3A_18 = vector.broadcast %broadcast_in_dim3A_17 : f32 to vector<16xf32>
    %swap3A_19 = arith.constant 48 : index
    %swap3A_20 = tpu.vector_load %arg7[%swap3A_19] {strides = array<i32>} : memref<64xf32, #tpu.memory_space<vmem>>, vector<16xf32>,
    %swap3A_21 = vector.shape_cast %swap3A_20 : vector<16xf32> to vector<16xf32>
    %swap3A_22 = vector.shape_cast %broadcast_in_dim3A_18 : vector<16xf32> to vector<16xf32>
    tpu.vector_store %arg7[%swap3A_19], %swap3A_22 {strides = array<i32>} : memref<64xf32, #tpu.memory_space<vmem>>, vector<16xf32>,
    %scan3A = arith.constant 0 : i32
    %scan3A_23 = arith.constant 0 : i32
    %scan3A_24 = arith.constant 8 : i32
    %scan3A_25 = arith.addi %scan3A_23, %scan3A_24 : i32
    %scan3A_26 = arith.constant 1 : i32
    scf.for %scan3A_30 = %scan3A_23 to %scan3A_25 step %scan3A_26  : i32 {
      %mul3A_31 = arith.constant 16 : i32
      %mul3A_32 = arith.muli %scan3A_30, %mul3A_31 : i32
      %add3A_33 = arith.constant 0 : i32
      %add3A_34 = arith.addi %mul3A_32, %add3A_33 : i32
      %dma_start3A = arith.constant 0 : i32
      %dma_start3A_35 = arith.constant 0 : i32
      %dma_start3A_36 = tpu.memref_slice %arg6[%dma_start3A, %dma_start3A_35] : memref<16x64xf32, #tpu.memory_space<vmem>> -> memref<1x64xf32, #tpu.memory_space<vmem>>
      %dma_start3A_37 = tpu.memref_squeeze %dma_start3A_36 : memref<1x64xf32, #tpu.memory_space<vmem>> -> memref<64xf32, #tpu.memory_space<vmem>>
      %dma_start3A_38 = arith.constant 0 : i32
      %dma_start3A_39 = tpu.memref_slice %arg5[%add3A_34, %dma_start3A_38] : memref<128x64xi32, #tpu.memory_space<vmem>> -> memref<1x64xi32, #tpu.memory_space<vmem>>
      %dma_start3A_40 = tpu.memref_squeeze %dma_start3A_39 : memref<1x64xi32, #tpu.memory_space<vmem>> -> memref<64xi32, #tpu.memory_space<vmem>>
      %dma_start3A_41 = arith.constant 0 : i32
      %dma_start3A_42 = tpu.memref_slice %arg2[%dma_start3A_41] : memref<8388608xf32, #tpu.memory_space<hbm>> -> memref<8388608xf32, #tpu.memory_space<hbm>>
      tpu.enqueue_indirect_dma source(%dma_start3A_42 : memref<8388608xf32, #tpu.memory_space<hbm>>) target(%dma_start3A_37 : memref<64xf32, #tpu.memory_space<vmem>>) offsets(%dma_start3A_40 : memref<64xi32, #tpu.memory_space<vmem>>) semaphore(%arg8 : memref<!tpu.dma_semaphore, #tpu.memory_space<semaphore_mem>>)
      %add3A_43 = arith.constant 1 : i32
      %add3A_44 = arith.addi %mul3A_32, %add3A_43 : i32
      %dma_start3A_45 = arith.constant 1 : i32
      %dma_start3A_46 = arith.constant 0 : i32
      %dma_start3A_47 = tpu.memref_slice %arg6[%dma_start3A_45, %dma_start3A_46] : memref<16x64xf32, #tpu.memory_space<vmem>> -> memref<1x64xf32, #tpu.memory_space<vmem>>
      %dma_start3A_48 = tpu.memref_squeeze %dma_start3A_47 : memref<1x64xf32, #tpu.memory_space<vmem>> -> memref<64xf32, #tpu.memory_space<vmem>>
      %dma_start3A_49 = arith.constant 0 : i32
      %dma_start3A_50 = tpu.memref_slice %arg5[%add3A_44, %dma_start3A_49] : memref<128x64xi32, #tpu.memory_space<vmem>> -> memref<1x64xi32, #tpu.memory_space<vmem>>
      %dma_start3A_51 = tpu.memref_squeeze %dma_start3A_50 : memref<1x64xi32, #tpu.memory_space<vmem>> -> memref<64xi32, #tpu.memory_space<vmem>>
      %dma_start3A_52 = arith.constant 0 : i32
      %dma_start3A_53 = tpu.memref_slice %arg2[%dma_start3A_52] : memref<8388608xf32, #tpu.memory_space<hbm>> -> memref<8388608xf32, #tpu.memory_space<hbm>>
      tpu.enqueue_indirect_dma source(%dma_start3A_53 : memref<8388608xf32, #tpu.memory_space<hbm>>) target(%dma_start3A_48 : memref<64xf32, #tpu.memory_space<vmem>>) offsets(%dma_start3A_51 : memref<64xi32, #tpu.memory_space<vmem>>) semaphore(%arg8 : memref<!tpu.dma_semaphore, #tpu.memory_space<semaphore_mem>>)
      %add3A_54 = arith.constant 2 : i32
      %add3A_55 = arith.addi %mul3A_32, %add3A_54 : i32
      %dma_start3A_56 = arith.constant 2 : i32
      %dma_start3A_57 = arith.constant 0 : i32
      %dma_start3A_58 = tpu.memref_slice %arg6[%dma_start3A_56, %dma_start3A_57] : memref<16x64xf32, #tpu.memory_space<vmem>> -> memref<1x64xf32, #tpu.memory_space<vmem>>
      %dma_start3A_59 = tpu.memref_squeeze %dma_start3A_58 : memref<1x64xf32, #tpu.memory_space<vmem>> -> memref<64xf32, #tpu.memory_space<vmem>>
      %dma_start3A_60 = arith.constant 0 : i32
      %dma_start3A_61 = tpu.memref_slice %arg5[%add3A_55, %dma_start3A_60] : memref<128x64xi32, #tpu.memory_space<vmem>> -> memref<1x64xi32, #tpu.memory_space<vmem>>
      %dma_start3A_62 = tpu.memref_squeeze %dma_start3A_61 : memref<1x64xi32, #tpu.memory_space<vmem>> -> memref<64xi32, #tpu.memory_space<vmem>>
      %dma_start3A_63 = arith.constant 0 : i32
      %dma_start3A_64 = tpu.memref_slice %arg2[%dma_start3A_63] : memref<8388608xf32, #tpu.memory_space<hbm>> -> memref<8388608xf32, #tpu.memory_space<hbm>>
      tpu.enqueue_indirect_dma source(%dma_start3A_64 : memref<8388608xf32, #tpu.memory_space<hbm>>) target(%dma_start3A_59 : memref<64xf32, #tpu.memory_space<vmem>>) offsets(%dma_start3A_62 : memref<64xi32, #tpu.memory_space<vmem>>) semaphore(%arg8 : memref<!tpu.dma_semaphore, #tpu.memory_space<semaphore_mem>>)
      %add3A_65 = arith.constant 3 : i32
      %add3A_66 = arith.addi %mul3A_32, %add3A_65 : i32
      %dma_start3A_67 = arith.constant 3 : i32
      %dma_start3A_68 = arith.constant 0 : i32
      %dma_start3A_69 = tpu.memref_slice %arg6[%dma_start3A_67, %dma_start3A_68] : memref<16x64xf32, #tpu.memory_space<vmem>> -> memref<1x64xf32, #tpu.memory_space<vmem>>
      %dma_start3A_70 = tpu.memref_squeeze %dma_start3A_69 : memref<1x64xf32, #tpu.memory_space<vmem>> -> memref<64xf32, #tpu.memory_space<vmem>>
      %dma_start3A_71 = arith.constant 0 : i32
      %dma_start3A_72 = tpu.memref_slice %arg5[%add3A_66, %dma_start3A_71] : memref<128x64xi32, #tpu.memory_space<vmem>> -> memref<1x64xi32, #tpu.memory_space<vmem>>
      %dma_start3A_73 = tpu.memref_squeeze %dma_start3A_72 : memref<1x64xi32, #tpu.memory_space<vmem>> -> memref<64xi32, #tpu.memory_space<vmem>>
      %dma_start3A_74 = arith.constant 0 : i32
      %dma_start3A_75 = tpu.memref_slice %arg2[%dma_start3A_74] : memref<8388608xf32, #tpu.memory_space<hbm>> -> memref<8388608xf32, #tpu.memory_space<hbm>>
      tpu.enqueue_indirect_dma source(%dma_start3A_75 : memref<8388608xf32, #tpu.memory_space<hbm>>) target(%dma_start3A_70 : memref<64xf32, #tpu.memory_space<vmem>>) offsets(%dma_start3A_73 : memref<64xi32, #tpu.memory_space<vmem>>) semaphore(%arg8 : memref<!tpu.dma_semaphore, #tpu.memory_space<semaphore_mem>>)
      %add3A_76 = arith.constant 4 : i32
      %add3A_77 = arith.addi %mul3A_32, %add3A_76 : i32
      %dma_start3A_78 = arith.constant 4 : i32
      %dma_start3A_79 = arith.constant 0 : i32
      %dma_start3A_80 = tpu.memref_slice %arg6[%dma_start3A_78, %dma_start3A_79] : memref<16x64xf32, #tpu.memory_space<vmem>> -> memref<1x64xf32, #tpu.memory_space<vmem>>
      %dma_start3A_81 = tpu.memref_squeeze %dma_start3A_80 : memref<1x64xf32, #tpu.memory_space<vmem>> -> memref<64xf32, #tpu.memory_space<vmem>>
      %dma_start3A_82 = arith.constant 0 : i32
      %dma_start3A_83 = tpu.memref_slice %arg5[%add3A_77, %dma_start3A_82] : memref<128x64xi32, #tpu.memory_space<vmem>> -> memref<1x64xi32, #tpu.memory_space<vmem>>
      %dma_start3A_84 = tpu.memref_squeeze %dma_start3A_83 : memref<1x64xi32, #tpu.memory_space<vmem>> -> memref<64xi32, #tpu.memory_space<vmem>>
      %dma_start3A_85 = arith.constant 0 : i32
      %dma_start3A_86 = tpu.memref_slice %arg2[%dma_start3A_85] : memref<8388608xf32, #tpu.memory_space<hbm>> -> memref<8388608xf32, #tpu.memory_space<hbm>>
      tpu.enqueue_indirect_dma source(%dma_start3A_86 : memref<8388608xf32, #tpu.memory_space<hbm>>) target(%dma_start3A_81 : memref<64xf32, #tpu.memory_space<vmem>>) offsets(%dma_start3A_84 : memref<64xi32, #tpu.memory_space<vmem>>) semaphore(%arg8 : memref<!tpu.dma_semaphore, #tpu.memory_space<semaphore_mem>>)
      %add3A_87 = arith.constant 5 : i32
      %add3A_88 = arith.addi %mul3A_32, %add3A_87 : i32
      %dma_start3A_89 = arith.constant 5 : i32
      %dma_start3A_90 = arith.constant 0 : i32
      %dma_start3A_91 = tpu.memref_slice %arg6[%dma_start3A_89, %dma_start3A_90] : memref<16x64xf32, #tpu.memory_space<vmem>> -> memref<1x64xf32, #tpu.memory_space<vmem>>
      %dma_start3A_92 = tpu.memref_squeeze %dma_start3A_91 : memref<1x64xf32, #tpu.memory_space<vmem>> -> memref<64xf32, #tpu.memory_space<vmem>>
      %dma_start3A_93 = arith.constant 0 : i32
      %dma_start3A_94 = tpu.memref_slice %arg5[%add3A_88, %dma_start3A_93] : memref<128x64xi32, #tpu.memory_space<vmem>> -> memref<1x64xi32, #tpu.memory_space<vmem>>
      %dma_start3A_95 = tpu.memref_squeeze %dma_start3A_94 : memref<1x64xi32, #tpu.memory_space<vmem>> -> memref<64xi32, #tpu.memory_space<vmem>>
      %dma_start3A_96 = arith.constant 0 : i32
      %dma_start3A_97 = tpu.memref_slice %arg2[%dma_start3A_96] : memref<8388608xf32, #tpu.memory_space<hbm>> -> memref<8388608xf32, #tpu.memory_space<hbm>>
      tpu.enqueue_indirect_dma source(%dma_start3A_97 : memref<8388608xf32, #tpu.memory_space<hbm>>) target(%dma_start3A_92 : memref<64xf32, #tpu.memory_space<vmem>>) offsets(%dma_start3A_95 : memref<64xi32, #tpu.memory_space<vmem>>) semaphore(%arg8 : memref<!tpu.dma_semaphore, #tpu.memory_space<semaphore_mem>>)
      %add3A_98 = arith.constant 6 : i32
      %add3A_99 = arith.addi %mul3A_32, %add3A_98 : i32
      %dma_start3A_100 = arith.constant 6 : i32
      %dma_start3A_101 = arith.constant 0 : i32
      %dma_start3A_102 = tpu.memref_slice %arg6[%dma_start3A_100, %dma_start3A_101] : memref<16x64xf32, #tpu.memory_space<vmem>> -> memref<1x64xf32, #tpu.memory_space<vmem>>
      %dma_start3A_103 = tpu.memref_squeeze %dma_start3A_102 : memref<1x64xf32, #tpu.memory_space<vmem>> -> memref<64xf32, #tpu.memory_space<vmem>>
      %dma_start3A_104 = arith.constant 0 : i32
      %dma_start3A_105 = tpu.memref_slice %arg5[%add3A_99, %dma_start3A_104] : memref<128x64xi32, #tpu.memory_space<vmem>> -> memref<1x64xi32, #tpu.memory_space<vmem>>
      %dma_start3A_106 = tpu.memref_squeeze %dma_start3A_105 : memref<1x64xi32, #tpu.memory_space<vmem>> -> memref<64xi32, #tpu.memory_space<vmem>>
      %dma_start3A_107 = arith.constant 0 : i32
      %dma_start3A_108 = tpu.memref_slice %arg2[%dma_start3A_107] : memref<8388608xf32, #tpu.memory_space<hbm>> -> memref<8388608xf32, #tpu.memory_space<hbm>>
      tpu.enqueue_indirect_dma source(%dma_start3A_108 : memref<8388608xf32, #tpu.memory_space<hbm>>) target(%dma_start3A_103 : memref<64xf32, #tpu.memory_space<vmem>>) offsets(%dma_start3A_106 : memref<64xi32, #tpu.memory_space<vmem>>) semaphore(%arg8 : memref<!tpu.dma_semaphore, #tpu.memory_space<semaphore_mem>>)
      %add3A_109 = arith.constant 7 : i32
      %add3A_110 = arith.addi %mul3A_32, %add3A_109 : i32
      %dma_start3A_111 = arith.constant 7 : i32
      %dma_start3A_112 = arith.constant 0 : i32
      %dma_start3A_113 = tpu.memref_slice %arg6[%dma_start3A_111, %dma_start3A_112] : memref<16x64xf32, #tpu.memory_space<vmem>> -> memref<1x64xf32, #tpu.memory_space<vmem>>
      %dma_start3A_114 = tpu.memref_squeeze %dma_start3A_113 : memref<1x64xf32, #tpu.memory_space<vmem>> -> memref<64xf32, #tpu.memory_space<vmem>>
      %dma_start3A_115 = arith.constant 0 : i32
      %dma_start3A_116 = tpu.memref_slice %arg5[%add3A_110, %dma_start3A_115] : memref<128x64xi32, #tpu.memory_space<vmem>> -> memref<1x64xi32, #tpu.memory_space<vmem>>
      %dma_start3A_117 = tpu.memref_squeeze %dma_start3A_116 : memref<1x64xi32, #tpu.memory_space<vmem>> -> memref<64xi32, #tpu.memory_space<vmem>>
      %dma_start3A_118 = arith.constant 0 : i32
      %dma_start3A_119 = tpu.memref_slice %arg2[%dma_start3A_118] : memref<8388608xf32, #tpu.memory_space<hbm>> -> memref<8388608xf32, #tpu.memory_space<hbm>>
      tpu.enqueue_indirect_dma source(%dma_start3A_119 : memref<8388608xf32, #tpu.memory_space<hbm>>) target(%dma_start3A_114 : memref<64xf32, #tpu.memory_space<vmem>>) offsets(%dma_start3A_117 : memref<64xi32, #tpu.memory_space<vmem>>) semaphore(%arg8 : memref<!tpu.dma_semaphore, #tpu.memory_space<semaphore_mem>>)
      %add3A_120 = arith.constant 8 : i32
      %add3A_121 = arith.addi %mul3A_32, %add3A_120 : i32
      %dma_start3A_122 = arith.constant 8 : i32
      %dma_start3A_123 = arith.constant 0 : i32
      %dma_start3A_124 = tpu.memref_slice %arg6[%dma_start3A_122, %dma_start3A_123] : memref<16x64xf32, #tpu.memory_space<vmem>> -> memref<1x64xf32, #tpu.memory_space<vmem>>
      %dma_start3A_125 = tpu.memref_squeeze %dma_start3A_124 : memref<1x64xf32, #tpu.memory_space<vmem>> -> memref<64xf32, #tpu.memory_space<vmem>>
      %dma_start3A_126 = arith.constant 0 : i32
      %dma_start3A_127 = tpu.memref_slice %arg5[%add3A_121, %dma_start3A_126] : memref<128x64xi32, #tpu.memory_space<vmem>> -> memref<1x64xi32, #tpu.memory_space<vmem>>
      %dma_start3A_128 = tpu.memref_squeeze %dma_start3A_127 : memref<1x64xi32, #tpu.memory_space<vmem>> -> memref<64xi32, #tpu.memory_space<vmem>>
      %dma_start3A_129 = arith.constant 0 : i32
      %dma_start3A_130 = tpu.memref_slice %arg2[%dma_start3A_129] : memref<8388608xf32, #tpu.memory_space<hbm>> -> memref<8388608xf32, #tpu.memory_space<hbm>>
      tpu.enqueue_indirect_dma source(%dma_start3A_130 : memref<8388608xf32, #tpu.memory_space<hbm>>) target(%dma_start3A_125 : memref<64xf32, #tpu.memory_space<vmem>>) offsets(%dma_start3A_128 : memref<64xi32, #tpu.memory_space<vmem>>) semaphore(%arg8 : memref<!tpu.dma_semaphore, #tpu.memory_space<semaphore_mem>>)
      %add3A_131 = arith.constant 9 : i32
      %add3A_132 = arith.addi %mul3A_32, %add3A_131 : i32
      %dma_start3A_133 = arith.constant 9 : i32
      %dma_start3A_134 = arith.constant 0 : i32
      %dma_start3A_135 = tpu.memref_slice %arg6[%dma_start3A_133, %dma_start3A_134] : memref<16x64xf32, #tpu.memory_space<vmem>> -> memref<1x64xf32, #tpu.memory_space<vmem>>
      %dma_start3A_136 = tpu.memref_squeeze %dma_start3A_135 : memref<1x64xf32, #tpu.memory_space<vmem>> -> memref<64xf32, #tpu.memory_space<vmem>>
      %dma_start3A_137 = arith.constant 0 : i32
      %dma_start3A_138 = tpu.memref_slice %arg5[%add3A_132, %dma_start3A_137] : memref<128x64xi32, #tpu.memory_space<vmem>> -> memref<1x64xi32, #tpu.memory_space<vmem>>
      %dma_start3A_139 = tpu.memref_squeeze %dma_start3A_138 : memref<1x64xi32, #tpu.memory_space<vmem>> -> memref<64xi32, #tpu.memory_space<vmem>>
      %dma_start3A_140 = arith.constant 0 : i32
      %dma_start3A_141 = tpu.memref_slice %arg2[%dma_start3A_140] : memref<8388608xf32, #tpu.memory_space<hbm>> -> memref<8388608xf32, #tpu.memory_space<hbm>>
      tpu.enqueue_indirect_dma source(%dma_start3A_141 : memref<8388608xf32, #tpu.memory_space<hbm>>) target(%dma_start3A_136 : memref<64xf32, #tpu.memory_space<vmem>>) offsets(%dma_start3A_139 : memref<64xi32, #tpu.memory_space<vmem>>) semaphore(%arg8 : memref<!tpu.dma_semaphore, #tpu.memory_space<semaphore_mem>>)
      %add3A_142 = arith.constant 10 : i32
      %add3A_143 = arith.addi %mul3A_32, %add3A_142 : i32
      %dma_start3A_144 = arith.constant 10 : i32
      %dma_start3A_145 = arith.constant 0 : i32
      %dma_start3A_146 = tpu.memref_slice %arg6[%dma_start3A_144, %dma_start3A_145] : memref<16x64xf32, #tpu.memory_space<vmem>> -> memref<1x64xf32, #tpu.memory_space<vmem>>
      %dma_start3A_147 = tpu.memref_squeeze %dma_start3A_146 : memref<1x64xf32, #tpu.memory_space<vmem>> -> memref<64xf32, #tpu.memory_space<vmem>>
      %dma_start3A_148 = arith.constant 0 : i32
      %dma_start3A_149 = tpu.memref_slice %arg5[%add3A_143, %dma_start3A_148] : memref<128x64xi32, #tpu.memory_space<vmem>> -> memref<1x64xi32, #tpu.memory_space<vmem>>
      %dma_start3A_150 = tpu.memref_squeeze %dma_start3A_149 : memref<1x64xi32, #tpu.memory_space<vmem>> -> memref<64xi32, #tpu.memory_space<vmem>>
      %dma_start3A_151 = arith.constant 0 : i32
      %dma_start3A_152 = tpu.memref_slice %arg2[%dma_start3A_151] : memref<8388608xf32, #tpu.memory_space<hbm>> -> memref<8388608xf32, #tpu.memory_space<hbm>>
      tpu.enqueue_indirect_dma source(%dma_start3A_152 : memref<8388608xf32, #tpu.memory_space<hbm>>) target(%dma_start3A_147 : memref<64xf32, #tpu.memory_space<vmem>>) offsets(%dma_start3A_150 : memref<64xi32, #tpu.memory_space<vmem>>) semaphore(%arg8 : memref<!tpu.dma_semaphore, #tpu.memory_space<semaphore_mem>>)
      %add3A_153 = arith.constant 11 : i32
      %add3A_154 = arith.addi %mul3A_32, %add3A_153 : i32
      %dma_start3A_155 = arith.constant 11 : i32
      %dma_start3A_156 = arith.constant 0 : i32
      %dma_start3A_157 = tpu.memref_slice %arg6[%dma_start3A_155, %dma_start3A_156] : memref<16x64xf32, #tpu.memory_space<vmem>> -> memref<1x64xf32, #tpu.memory_space<vmem>>
      %dma_start3A_158 = tpu.memref_squeeze %dma_start3A_157 : memref<1x64xf32, #tpu.memory_space<vmem>> -> memref<64xf32, #tpu.memory_space<vmem>>
      %dma_start3A_159 = arith.constant 0 : i32
      %dma_start3A_160 = tpu.memref_slice %arg5[%add3A_154, %dma_start3A_159] : memref<128x64xi32, #tpu.memory_space<vmem>> -> memref<1x64xi32, #tpu.memory_space<vmem>>
      %dma_start3A_161 = tpu.memref_squeeze %dma_start3A_160 : memref<1x64xi32, #tpu.memory_space<vmem>> -> memref<64xi32, #tpu.memory_space<vmem>>
      %dma_start3A_162 = arith.constant 0 : i32
      %dma_start3A_163 = tpu.memref_slice %arg2[%dma_start3A_162] : memref<8388608xf32, #tpu.memory_space<hbm>> -> memref<8388608xf32, #tpu.memory_space<hbm>>
      tpu.enqueue_indirect_dma source(%dma_start3A_163 : memref<8388608xf32, #tpu.memory_space<hbm>>) target(%dma_start3A_158 : memref<64xf32, #tpu.memory_space<vmem>>) offsets(%dma_start3A_161 : memref<64xi32, #tpu.memory_space<vmem>>) semaphore(%arg8 : memref<!tpu.dma_semaphore, #tpu.memory_space<semaphore_mem>>)
      %add3A_164 = arith.constant 12 : i32
      %add3A_165 = arith.addi %mul3A_32, %add3A_164 : i32
      %dma_start3A_166 = arith.constant 12 : i32
      %dma_start3A_167 = arith.constant 0 : i32
      %dma_start3A_168 = tpu.memref_slice %arg6[%dma_start3A_166, %dma_start3A_167] : memref<16x64xf32, #tpu.memory_space<vmem>> -> memref<1x64xf32, #tpu.memory_space<vmem>>
      %dma_start3A_169 = tpu.memref_squeeze %dma_start3A_168 : memref<1x64xf32, #tpu.memory_space<vmem>> -> memref<64xf32, #tpu.memory_space<vmem>>
      %dma_start3A_170 = arith.constant 0 : i32
      %dma_start3A_171 = tpu.memref_slice %arg5[%add3A_165, %dma_start3A_170] : memref<128x64xi32, #tpu.memory_space<vmem>> -> memref<1x64xi32, #tpu.memory_space<vmem>>
      %dma_start3A_172 = tpu.memref_squeeze %dma_start3A_171 : memref<1x64xi32, #tpu.memory_space<vmem>> -> memref<64xi32, #tpu.memory_space<vmem>>
      %dma_start3A_173 = arith.constant 0 : i32
      %dma_start3A_174 = tpu.memref_slice %arg2[%dma_start3A_173] : memref<8388608xf32, #tpu.memory_space<hbm>> -> memref<8388608xf32, #tpu.memory_space<hbm>>
      tpu.enqueue_indirect_dma source(%dma_start3A_174 : memref<8388608xf32, #tpu.memory_space<hbm>>) target(%dma_start3A_169 : memref<64xf32, #tpu.memory_space<vmem>>) offsets(%dma_start3A_172 : memref<64xi32, #tpu.memory_space<vmem>>) semaphore(%arg8 : memref<!tpu.dma_semaphore, #tpu.memory_space<semaphore_mem>>)
      %add3A_175 = arith.constant 13 : i32
      %add3A_176 = arith.addi %mul3A_32, %add3A_175 : i32
      %dma_start3A_177 = arith.constant 13 : i32
      %dma_start3A_178 = arith.constant 0 : i32
      %dma_start3A_179 = tpu.memref_slice %arg6[%dma_start3A_177, %dma_start3A_178] : memref<16x64xf32, #tpu.memory_space<vmem>> -> memref<1x64xf32, #tpu.memory_space<vmem>>
      %dma_start3A_180 = tpu.memref_squeeze %dma_start3A_179 : memref<1x64xf32, #tpu.memory_space<vmem>> -> memref<64xf32, #tpu.memory_space<vmem>>
      %dma_start3A_181 = arith.constant 0 : i32
      %dma_start3A_182 = tpu.memref_slice %arg5[%add3A_176, %dma_start3A_181] : memref<128x64xi32, #tpu.memory_space<vmem>> -> memref<1x64xi32, #tpu.memory_space<vmem>>
      %dma_start3A_183 = tpu.memref_squeeze %dma_start3A_182 : memref<1x64xi32, #tpu.memory_space<vmem>> -> memref<64xi32, #tpu.memory_space<vmem>>
      %dma_start3A_184 = arith.constant 0 : i32
      %dma_start3A_185 = tpu.memref_slice %arg2[%dma_start3A_184] : memref<8388608xf32, #tpu.memory_space<hbm>> -> memref<8388608xf32, #tpu.memory_space<hbm>>
      tpu.enqueue_indirect_dma source(%dma_start3A_185 : memref<8388608xf32, #tpu.memory_space<hbm>>) target(%dma_start3A_180 : memref<64xf32, #tpu.memory_space<vmem>>) offsets(%dma_start3A_183 : memref<64xi32, #tpu.memory_space<vmem>>) semaphore(%arg8 : memref<!tpu.dma_semaphore, #tpu.memory_space<semaphore_mem>>)
      %add3A_186 = arith.constant 14 : i32
      %add3A_187 = arith.addi %mul3A_32, %add3A_186 : i32
      %dma_start3A_188 = arith.constant 14 : i32
      %dma_start3A_189 = arith.constant 0 : i32
      %dma_start3A_190 = tpu.memref_slice %arg6[%dma_start3A_188, %dma_start3A_189] : memref<16x64xf32, #tpu.memory_space<vmem>> -> memref<1x64xf32, #tpu.memory_space<vmem>>
      %dma_start3A_191 = tpu.memref_squeeze %dma_start3A_190 : memref<1x64xf32, #tpu.memory_space<vmem>> -> memref<64xf32, #tpu.memory_space<vmem>>
      %dma_start3A_192 = arith.constant 0 : i32
      %dma_start3A_193 = tpu.memref_slice %arg5[%add3A_187, %dma_start3A_192] : memref<128x64xi32, #tpu.memory_space<vmem>> -> memref<1x64xi32, #tpu.memory_space<vmem>>
      %dma_start3A_194 = tpu.memref_squeeze %dma_start3A_193 : memref<1x64xi32, #tpu.memory_space<vmem>> -> memref<64xi32, #tpu.memory_space<vmem>>
      %dma_start3A_195 = arith.constant 0 : i32
      %dma_start3A_196 = tpu.memref_slice %arg2[%dma_start3A_195] : memref<8388608xf32, #tpu.memory_space<hbm>> -> memref<8388608xf32, #tpu.memory_space<hbm>>
      tpu.enqueue_indirect_dma source(%dma_start3A_196 : memref<8388608xf32, #tpu.memory_space<hbm>>) target(%dma_start3A_191 : memref<64xf32, #tpu.memory_space<vmem>>) offsets(%dma_start3A_194 : memref<64xi32, #tpu.memory_space<vmem>>) semaphore(%arg8 : memref<!tpu.dma_semaphore, #tpu.memory_space<semaphore_mem>>)
      %add3A_197 = arith.constant 15 : i32
      %add3A_198 = arith.addi %mul3A_32, %add3A_197 : i32
      %dma_start3A_199 = arith.constant 15 : i32
      %dma_start3A_200 = arith.constant 0 : i32
      %dma_start3A_201 = tpu.memref_slice %arg6[%dma_start3A_199, %dma_start3A_200] : memref<16x64xf32, #tpu.memory_space<vmem>> -> memref<1x64xf32, #tpu.memory_space<vmem>>
      %dma_start3A_202 = tpu.memref_squeeze %dma_start3A_201 : memref<1x64xf32, #tpu.memory_space<vmem>> -> memref<64xf32, #tpu.memory_space<vmem>>
      %dma_start3A_203 = arith.constant 0 : i32
      %dma_start3A_204 = tpu.memref_slice %arg5[%add3A_198, %dma_start3A_203] : memref<128x64xi32, #tpu.memory_space<vmem>> -> memref<1x64xi32, #tpu.memory_space<vmem>>
      %dma_start3A_205 = tpu.memref_squeeze %dma_start3A_204 : memref<1x64xi32, #tpu.memory_space<vmem>> -> memref<64xi32, #tpu.memory_space<vmem>>
      %dma_start3A_206 = arith.constant 0 : i32
      %dma_start3A_207 = tpu.memref_slice %arg2[%dma_start3A_206] : memref<8388608xf32, #tpu.memory_space<hbm>> -> memref<8388608xf32, #tpu.memory_space<hbm>>
      tpu.enqueue_indirect_dma source(%dma_start3A_207 : memref<8388608xf32, #tpu.memory_space<hbm>>) target(%dma_start3A_202 : memref<64xf32, #tpu.memory_space<vmem>>) offsets(%dma_start3A_205 : memref<64xi32, #tpu.memory_space<vmem>>) semaphore(%arg8 : memref<!tpu.dma_semaphore, #tpu.memory_space<semaphore_mem>>)
      %add3A_208 = arith.constant 0 : i32
      %add3A_209 = arith.addi %mul3A_32, %add3A_208 : i32
      %dma_wait3A = arith.constant 0 : i32
      %dma_wait3A_210 = arith.constant 0 : i32
      %dma_wait3A_211 = tpu.memref_slice %arg6[%dma_wait3A, %dma_wait3A_210] : memref<16x64xf32, #tpu.memory_space<vmem>> -> memref<1x64xf32, #tpu.memory_space<vmem>>
      %dma_wait3A_212 = tpu.memref_squeeze %dma_wait3A_211 : memref<1x64xf32, #tpu.memory_space<vmem>> -> memref<64xf32, #tpu.memory_space<vmem>>
      %dma_wait3A_213 = arith.constant 0 : i32
      %dma_wait3A_214 = tpu.memref_slice %arg5[%add3A_209, %dma_wait3A_213] : memref<128x64xi32, #tpu.memory_space<vmem>> -> memref<1x64xi32, #tpu.memory_space<vmem>>
      %dma_wait3A_215 = tpu.memref_squeeze %dma_wait3A_214 : memref<1x64xi32, #tpu.memory_space<vmem>> -> memref<64xi32, #tpu.memory_space<vmem>>
      %dma_wait3A_216 = arith.constant 0 : i32
      %dma_wait3A_217 = tpu.memref_slice %arg2[%dma_wait3A_216] : memref<8388608xf32, #tpu.memory_space<hbm>> -> memref<8388608xf32, #tpu.memory_space<hbm>>
      tpu.wait_indirect_dma semaphore(%arg8 : memref<!tpu.dma_semaphore, #tpu.memory_space<semaphore_mem>>) src(%dma_wait3A_217 : memref<8388608xf32, #tpu.memory_space<hbm>>) dst(%dma_wait3A_212 : memref<64xf32, #tpu.memory_space<vmem>>)
      %add3A_218 = arith.constant 1 : i32
      %add3A_219 = arith.addi %mul3A_32, %add3A_218 : i32
      %dma_wait3A_220 = arith.constant 1 : i32
      %dma_wait3A_221 = arith.constant 0 : i32
      %dma_wait3A_222 = tpu.memref_slice %arg6[%dma_wait3A_220, %dma_wait3A_221] : memref<16x64xf32, #tpu.memory_space<vmem>> -> memref<1x64xf32, #tpu.memory_space<vmem>>
      %dma_wait3A_223 = tpu.memref_squeeze %dma_wait3A_222 : memref<1x64xf32, #tpu.memory_space<vmem>> -> memref<64xf32, #tpu.memory_space<vmem>>
      %dma_wait3A_224 = arith.constant 0 : i32
      %dma_wait3A_225 = tpu.memref_slice %arg5[%add3A_219, %dma_wait3A_224] : memref<128x64xi32, #tpu.memory_space<vmem>> -> memref<1x64xi32, #tpu.memory_space<vmem>>
      %dma_wait3A_226 = tpu.memref_squeeze %dma_wait3A_225 : memref<1x64xi32, #tpu.memory_space<vmem>> -> memref<64xi32, #tpu.memory_space<vmem>>
      %dma_wait3A_227 = arith.constant 0 : i32
      %dma_wait3A_228 = tpu.memref_slice %arg2[%dma_wait3A_227] : memref<8388608xf32, #tpu.memory_space<hbm>> -> memref<8388608xf32, #tpu.memory_space<hbm>>
      tpu.wait_indirect_dma semaphore(%arg8 : memref<!tpu.dma_semaphore, #tpu.memory_space<semaphore_mem>>) src(%dma_wait3A_228 : memref<8388608xf32, #tpu.memory_space<hbm>>) dst(%dma_wait3A_223 : memref<64xf32, #tpu.memory_space<vmem>>)
      %add3A_229 = arith.constant 2 : i32
      %add3A_230 = arith.addi %mul3A_32, %add3A_229 : i32
      %dma_wait3A_231 = arith.constant 2 : i32
      %dma_wait3A_232 = arith.constant 0 : i32
      %dma_wait3A_233 = tpu.memref_slice %arg6[%dma_wait3A_231, %dma_wait3A_232] : memref<16x64xf32, #tpu.memory_space<vmem>> -> memref<1x64xf32, #tpu.memory_space<vmem>>
      %dma_wait3A_234 = tpu.memref_squeeze %dma_wait3A_233 : memref<1x64xf32, #tpu.memory_space<vmem>> -> memref<64xf32, #tpu.memory_space<vmem>>
      %dma_wait3A_235 = arith.constant 0 : i32
      %dma_wait3A_236 = tpu.memref_slice %arg5[%add3A_230, %dma_wait3A_235] : memref<128x64xi32, #tpu.memory_space<vmem>> -> memref<1x64xi32, #tpu.memory_space<vmem>>
      %dma_wait3A_237 = tpu.memref_squeeze %dma_wait3A_236 : memref<1x64xi32, #tpu.memory_space<vmem>> -> memref<64xi32, #tpu.memory_space<vmem>>
      %dma_wait3A_238 = arith.constant 0 : i32
      %dma_wait3A_239 = tpu.memref_slice %arg2[%dma_wait3A_238] : memref<8388608xf32, #tpu.memory_space<hbm>> -> memref<8388608xf32, #tpu.memory_space<hbm>>
      tpu.wait_indirect_dma semaphore(%arg8 : memref<!tpu.dma_semaphore, #tpu.memory_space<semaphore_mem>>) src(%dma_wait3A_239 : memref<8388608xf32, #tpu.memory_space<hbm>>) dst(%dma_wait3A_234 : memref<64xf32, #tpu.memory_space<vmem>>)
      %add3A_240 = arith.constant 3 : i32
      %add3A_241 = arith.addi %mul3A_32, %add3A_240 : i32
      %dma_wait3A_242 = arith.constant 3 : i32
      %dma_wait3A_243 = arith.constant 0 : i32
      %dma_wait3A_244 = tpu.memref_slice %arg6[%dma_wait3A_242, %dma_wait3A_243] : memref<16x64xf32, #tpu.memory_space<vmem>> -> memref<1x64xf32, #tpu.memory_space<vmem>>
      %dma_wait3A_245 = tpu.memref_squeeze %dma_wait3A_244 : memref<1x64xf32, #tpu.memory_space<vmem>> -> memref<64xf32, #tpu.memory_space<vmem>>
      %dma_wait3A_246 = arith.constant 0 : i32
      %dma_wait3A_247 = tpu.memref_slice %arg5[%add3A_241, %dma_wait3A_246] : memref<128x64xi32, #tpu.memory_space<vmem>> -> memref<1x64xi32, #tpu.memory_space<vmem>>
      %dma_wait3A_248 = tpu.memref_squeeze %dma_wait3A_247 : memref<1x64xi32, #tpu.memory_space<vmem>> -> memref<64xi32, #tpu.memory_space<vmem>>
      %dma_wait3A_249 = arith.constant 0 : i32
      %dma_wait3A_250 = tpu.memref_slice %arg2[%dma_wait3A_249] : memref<8388608xf32, #tpu.memory_space<hbm>> -> memref<8388608xf32, #tpu.memory_space<hbm>>
      tpu.wait_indirect_dma semaphore(%arg8 : memref<!tpu.dma_semaphore, #tpu.memory_space<semaphore_mem>>) src(%dma_wait3A_250 : memref<8388608xf32, #tpu.memory_space<hbm>>) dst(%dma_wait3A_245 : memref<64xf32, #tpu.memory_space<vmem>>)
      %add3A_251 = arith.constant 4 : i32
      %add3A_252 = arith.addi %mul3A_32, %add3A_251 : i32
      %dma_wait3A_253 = arith.constant 4 : i32
      %dma_wait3A_254 = arith.constant 0 : i32
      %dma_wait3A_255 = tpu.memref_slice %arg6[%dma_wait3A_253, %dma_wait3A_254] : memref<16x64xf32, #tpu.memory_space<vmem>> -> memref<1x64xf32, #tpu.memory_space<vmem>>
      %dma_wait3A_256 = tpu.memref_squeeze %dma_wait3A_255 : memref<1x64xf32, #tpu.memory_space<vmem>> -> memref<64xf32, #tpu.memory_space<vmem>>
      %dma_wait3A_257 = arith.constant 0 : i32
      %dma_wait3A_258 = tpu.memref_slice %arg5[%add3A_252, %dma_wait3A_257] : memref<128x64xi32, #tpu.memory_space<vmem>> -> memref<1x64xi32, #tpu.memory_space<vmem>>
      %dma_wait3A_259 = tpu.memref_squeeze %dma_wait3A_258 : memref<1x64xi32, #tpu.memory_space<vmem>> -> memref<64xi32, #tpu.memory_space<vmem>>
      %dma_wait3A_260 = arith.constant 0 : i32
      %dma_wait3A_261 = tpu.memref_slice %arg2[%dma_wait3A_260] : memref<8388608xf32, #tpu.memory_space<hbm>> -> memref<8388608xf32, #tpu.memory_space<hbm>>
      tpu.wait_indirect_dma semaphore(%arg8 : memref<!tpu.dma_semaphore, #tpu.memory_space<semaphore_mem>>) src(%dma_wait3A_261 : memref<8388608xf32, #tpu.memory_space<hbm>>) dst(%dma_wait3A_256 : memref<64xf32, #tpu.memory_space<vmem>>)
      %add3A_262 = arith.constant 5 : i32
      %add3A_263 = arith.addi %mul3A_32, %add3A_262 : i32
      %dma_wait3A_264 = arith.constant 5 : i32
      %dma_wait3A_265 = arith.constant 0 : i32
      %dma_wait3A_266 = tpu.memref_slice %arg6[%dma_wait3A_264, %dma_wait3A_265] : memref<16x64xf32, #tpu.memory_space<vmem>> -> memref<1x64xf32, #tpu.memory_space<vmem>>
      %dma_wait3A_267 = tpu.memref_squeeze %dma_wait3A_266 : memref<1x64xf32, #tpu.memory_space<vmem>> -> memref<64xf32, #tpu.memory_space<vmem>>
      %dma_wait3A_268 = arith.constant 0 : i32
      %dma_wait3A_269 = tpu.memref_slice %arg5[%add3A_263, %dma_wait3A_268] : memref<128x64xi32, #tpu.memory_space<vmem>> -> memref<1x64xi32, #tpu.memory_space<vmem>>
      %dma_wait3A_270 = tpu.memref_squeeze %dma_wait3A_269 : memref<1x64xi32, #tpu.memory_space<vmem>> -> memref<64xi32, #tpu.memory_space<vmem>>
      %dma_wait3A_271 = arith.constant 0 : i32
      %dma_wait3A_272 = tpu.memref_slice %arg2[%dma_wait3A_271] : memref<8388608xf32, #tpu.memory_space<hbm>> -> memref<8388608xf32, #tpu.memory_space<hbm>>
      tpu.wait_indirect_dma semaphore(%arg8 : memref<!tpu.dma_semaphore, #tpu.memory_space<semaphore_mem>>) src(%dma_wait3A_272 : memref<8388608xf32, #tpu.memory_space<hbm>>) dst(%dma_wait3A_267 : memref<64xf32, #tpu.memory_space<vmem>>)
      %add3A_273 = arith.constant 6 : i32
      %add3A_274 = arith.addi %mul3A_32, %add3A_273 : i32
      %dma_wait3A_275 = arith.constant 6 : i32
      %dma_wait3A_276 = arith.constant 0 : i32
      %dma_wait3A_277 = tpu.memref_slice %arg6[%dma_wait3A_275, %dma_wait3A_276] : memref<16x64xf32, #tpu.memory_space<vmem>> -> memref<1x64xf32, #tpu.memory_space<vmem>>
      %dma_wait3A_278 = tpu.memref_squeeze %dma_wait3A_277 : memref<1x64xf32, #tpu.memory_space<vmem>> -> memref<64xf32, #tpu.memory_space<vmem>>
      %dma_wait3A_279 = arith.constant 0 : i32
      %dma_wait3A_280 = tpu.memref_slice %arg5[%add3A_274, %dma_wait3A_279] : memref<128x64xi32, #tpu.memory_space<vmem>> -> memref<1x64xi32, #tpu.memory_space<vmem>>
      %dma_wait3A_281 = tpu.memref_squeeze %dma_wait3A_280 : memref<1x64xi32, #tpu.memory_space<vmem>> -> memref<64xi32, #tpu.memory_space<vmem>>
      %dma_wait3A_282 = arith.constant 0 : i32
      %dma_wait3A_283 = tpu.memref_slice %arg2[%dma_wait3A_282] : memref<8388608xf32, #tpu.memory_space<hbm>> -> memref<8388608xf32, #tpu.memory_space<hbm>>
      tpu.wait_indirect_dma semaphore(%arg8 : memref<!tpu.dma_semaphore, #tpu.memory_space<semaphore_mem>>) src(%dma_wait3A_283 : memref<8388608xf32, #tpu.memory_space<hbm>>) dst(%dma_wait3A_278 : memref<64xf32, #tpu.memory_space<vmem>>)
      %add3A_284 = arith.constant 7 : i32
      %add3A_285 = arith.addi %mul3A_32, %add3A_284 : i32
      %dma_wait3A_286 = arith.constant 7 : i32
      %dma_wait3A_287 = arith.constant 0 : i32
      %dma_wait3A_288 = tpu.memref_slice %arg6[%dma_wait3A_286, %dma_wait3A_287] : memref<16x64xf32, #tpu.memory_space<vmem>> -> memref<1x64xf32, #tpu.memory_space<vmem>>
      %dma_wait3A_289 = tpu.memref_squeeze %dma_wait3A_288 : memref<1x64xf32, #tpu.memory_space<vmem>> -> memref<64xf32, #tpu.memory_space<vmem>>
      %dma_wait3A_290 = arith.constant 0 : i32
      %dma_wait3A_291 = tpu.memref_slice %arg5[%add3A_285, %dma_wait3A_290] : memref<128x64xi32, #tpu.memory_space<vmem>> -> memref<1x64xi32, #tpu.memory_space<vmem>>
      %dma_wait3A_292 = tpu.memref_squeeze %dma_wait3A_291 : memref<1x64xi32, #tpu.memory_space<vmem>> -> memref<64xi32, #tpu.memory_space<vmem>>
      %dma_wait3A_293 = arith.constant 0 : i32
      %dma_wait3A_294 = tpu.memref_slice %arg2[%dma_wait3A_293] : memref<8388608xf32, #tpu.memory_space<hbm>> -> memref<8388608xf32, #tpu.memory_space<hbm>>
      tpu.wait_indirect_dma semaphore(%arg8 : memref<!tpu.dma_semaphore, #tpu.memory_space<semaphore_mem>>) src(%dma_wait3A_294 : memref<8388608xf32, #tpu.memory_space<hbm>>) dst(%dma_wait3A_289 : memref<64xf32, #tpu.memory_space<vmem>>)
      %add3A_295 = arith.constant 8 : i32
      %add3A_296 = arith.addi %mul3A_32, %add3A_295 : i32
      %dma_wait3A_297 = arith.constant 8 : i32
      %dma_wait3A_298 = arith.constant 0 : i32
      %dma_wait3A_299 = tpu.memref_slice %arg6[%dma_wait3A_297, %dma_wait3A_298] : memref<16x64xf32, #tpu.memory_space<vmem>> -> memref<1x64xf32, #tpu.memory_space<vmem>>
      %dma_wait3A_300 = tpu.memref_squeeze %dma_wait3A_299 : memref<1x64xf32, #tpu.memory_space<vmem>> -> memref<64xf32, #tpu.memory_space<vmem>>
      %dma_wait3A_301 = arith.constant 0 : i32
      %dma_wait3A_302 = tpu.memref_slice %arg5[%add3A_296, %dma_wait3A_301] : memref<128x64xi32, #tpu.memory_space<vmem>> -> memref<1x64xi32, #tpu.memory_space<vmem>>
      %dma_wait3A_303 = tpu.memref_squeeze %dma_wait3A_302 : memref<1x64xi32, #tpu.memory_space<vmem>> -> memref<64xi32, #tpu.memory_space<vmem>>
      %dma_wait3A_304 = arith.constant 0 : i32
      %dma_wait3A_305 = tpu.memref_slice %arg2[%dma_wait3A_304] : memref<8388608xf32, #tpu.memory_space<hbm>> -> memref<8388608xf32, #tpu.memory_space<hbm>>
      tpu.wait_indirect_dma semaphore(%arg8 : memref<!tpu.dma_semaphore, #tpu.memory_space<semaphore_mem>>) src(%dma_wait3A_305 : memref<8388608xf32, #tpu.memory_space<hbm>>) dst(%dma_wait3A_300 : memref<64xf32, #tpu.memory_space<vmem>>)
      %add3A_306 = arith.constant 9 : i32
      %add3A_307 = arith.addi %mul3A_32, %add3A_306 : i32
      %dma_wait3A_308 = arith.constant 9 : i32
      %dma_wait3A_309 = arith.constant 0 : i32
      %dma_wait3A_310 = tpu.memref_slice %arg6[%dma_wait3A_308, %dma_wait3A_309] : memref<16x64xf32, #tpu.memory_space<vmem>> -> memref<1x64xf32, #tpu.memory_space<vmem>>
      %dma_wait3A_311 = tpu.memref_squeeze %dma_wait3A_310 : memref<1x64xf32, #tpu.memory_space<vmem>> -> memref<64xf32, #tpu.memory_space<vmem>>
      %dma_wait3A_312 = arith.constant 0 : i32
      %dma_wait3A_313 = tpu.memref_slice %arg5[%add3A_307, %dma_wait3A_312] : memref<128x64xi32, #tpu.memory_space<vmem>> -> memref<1x64xi32, #tpu.memory_space<vmem>>
      %dma_wait3A_314 = tpu.memref_squeeze %dma_wait3A_313 : memref<1x64xi32, #tpu.memory_space<vmem>> -> memref<64xi32, #tpu.memory_space<vmem>>
      %dma_wait3A_315 = arith.constant 0 : i32
      %dma_wait3A_316 = tpu.memref_slice %arg2[%dma_wait3A_315] : memref<8388608xf32, #tpu.memory_space<hbm>> -> memref<8388608xf32, #tpu.memory_space<hbm>>
      tpu.wait_indirect_dma semaphore(%arg8 : memref<!tpu.dma_semaphore, #tpu.memory_space<semaphore_mem>>) src(%dma_wait3A_316 : memref<8388608xf32, #tpu.memory_space<hbm>>) dst(%dma_wait3A_311 : memref<64xf32, #tpu.memory_space<vmem>>)
      %add3A_317 = arith.constant 10 : i32
      %add3A_318 = arith.addi %mul3A_32, %add3A_317 : i32
      %dma_wait3A_319 = arith.constant 10 : i32
      %dma_wait3A_320 = arith.constant 0 : i32
      %dma_wait3A_321 = tpu.memref_slice %arg6[%dma_wait3A_319, %dma_wait3A_320] : memref<16x64xf32, #tpu.memory_space<vmem>> -> memref<1x64xf32, #tpu.memory_space<vmem>>
      %dma_wait3A_322 = tpu.memref_squeeze %dma_wait3A_321 : memref<1x64xf32, #tpu.memory_space<vmem>> -> memref<64xf32, #tpu.memory_space<vmem>>
      %dma_wait3A_323 = arith.constant 0 : i32
      %dma_wait3A_324 = tpu.memref_slice %arg5[%add3A_318, %dma_wait3A_323] : memref<128x64xi32, #tpu.memory_space<vmem>> -> memref<1x64xi32, #tpu.memory_space<vmem>>
      %dma_wait3A_325 = tpu.memref_squeeze %dma_wait3A_324 : memref<1x64xi32, #tpu.memory_space<vmem>> -> memref<64xi32, #tpu.memory_space<vmem>>
      %dma_wait3A_326 = arith.constant 0 : i32
      %dma_wait3A_327 = tpu.memref_slice %arg2[%dma_wait3A_326] : memref<8388608xf32, #tpu.memory_space<hbm>> -> memref<8388608xf32, #tpu.memory_space<hbm>>
      tpu.wait_indirect_dma semaphore(%arg8 : memref<!tpu.dma_semaphore, #tpu.memory_space<semaphore_mem>>) src(%dma_wait3A_327 : memref<8388608xf32, #tpu.memory_space<hbm>>) dst(%dma_wait3A_322 : memref<64xf32, #tpu.memory_space<vmem>>)
      %add3A_328 = arith.constant 11 : i32
      %add3A_329 = arith.addi %mul3A_32, %add3A_328 : i32
      %dma_wait3A_330 = arith.constant 11 : i32
      %dma_wait3A_331 = arith.constant 0 : i32
      %dma_wait3A_332 = tpu.memref_slice %arg6[%dma_wait3A_330, %dma_wait3A_331] : memref<16x64xf32, #tpu.memory_space<vmem>> -> memref<1x64xf32, #tpu.memory_space<vmem>>
      %dma_wait3A_333 = tpu.memref_squeeze %dma_wait3A_332 : memref<1x64xf32, #tpu.memory_space<vmem>> -> memref<64xf32, #tpu.memory_space<vmem>>
      %dma_wait3A_334 = arith.constant 0 : i32
      %dma_wait3A_335 = tpu.memref_slice %arg5[%add3A_329, %dma_wait3A_334] : memref<128x64xi32, #tpu.memory_space<vmem>> -> memref<1x64xi32, #tpu.memory_space<vmem>>
      %dma_wait3A_336 = tpu.memref_squeeze %dma_wait3A_335 : memref<1x64xi32, #tpu.memory_space<vmem>> -> memref<64xi32, #tpu.memory_space<vmem>>
      %dma_wait3A_337 = arith.constant 0 : i32
      %dma_wait3A_338 = tpu.memref_slice %arg2[%dma_wait3A_337] : memref<8388608xf32, #tpu.memory_space<hbm>> -> memref<8388608xf32, #tpu.memory_space<hbm>>
      tpu.wait_indirect_dma semaphore(%arg8 : memref<!tpu.dma_semaphore, #tpu.memory_space<semaphore_mem>>) src(%dma_wait3A_338 : memref<8388608xf32, #tpu.memory_space<hbm>>) dst(%dma_wait3A_333 : memref<64xf32, #tpu.memory_space<vmem>>)
      %add3A_339 = arith.constant 12 : i32
      %add3A_340 = arith.addi %mul3A_32, %add3A_339 : i32
      %dma_wait3A_341 = arith.constant 12 : i32
      %dma_wait3A_342 = arith.constant 0 : i32
      %dma_wait3A_343 = tpu.memref_slice %arg6[%dma_wait3A_341, %dma_wait3A_342] : memref<16x64xf32, #tpu.memory_space<vmem>> -> memref<1x64xf32, #tpu.memory_space<vmem>>
      %dma_wait3A_344 = tpu.memref_squeeze %dma_wait3A_343 : memref<1x64xf32, #tpu.memory_space<vmem>> -> memref<64xf32, #tpu.memory_space<vmem>>
      %dma_wait3A_345 = arith.constant 0 : i32
      %dma_wait3A_346 = tpu.memref_slice %arg5[%add3A_340, %dma_wait3A_345] : memref<128x64xi32, #tpu.memory_space<vmem>> -> memref<1x64xi32, #tpu.memory_space<vmem>>
      %dma_wait3A_347 = tpu.memref_squeeze %dma_wait3A_346 : memref<1x64xi32, #tpu.memory_space<vmem>> -> memref<64xi32, #tpu.memory_space<vmem>>
      %dma_wait3A_348 = arith.constant 0 : i32
      %dma_wait3A_349 = tpu.memref_slice %arg2[%dma_wait3A_348] : memref<8388608xf32, #tpu.memory_space<hbm>> -> memref<8388608xf32, #tpu.memory_space<hbm>>
      tpu.wait_indirect_dma semaphore(%arg8 : memref<!tpu.dma_semaphore, #tpu.memory_space<semaphore_mem>>) src(%dma_wait3A_349 : memref<8388608xf32, #tpu.memory_space<hbm>>) dst(%dma_wait3A_344 : memref<64xf32, #tpu.memory_space<vmem>>)
      %add3A_350 = arith.constant 13 : i32
      %add3A_351 = arith.addi %mul3A_32, %add3A_350 : i32
      %dma_wait3A_352 = arith.constant 13 : i32
      %dma_wait3A_353 = arith.constant 0 : i32
      %dma_wait3A_354 = tpu.memref_slice %arg6[%dma_wait3A_352, %dma_wait3A_353] : memref<16x64xf32, #tpu.memory_space<vmem>> -> memref<1x64xf32, #tpu.memory_space<vmem>>
      %dma_wait3A_355 = tpu.memref_squeeze %dma_wait3A_354 : memref<1x64xf32, #tpu.memory_space<vmem>> -> memref<64xf32, #tpu.memory_space<vmem>>
      %dma_wait3A_356 = arith.constant 0 : i32
      %dma_wait3A_357 = tpu.memref_slice %arg5[%add3A_351, %dma_wait3A_356] : memref<128x64xi32, #tpu.memory_space<vmem>> -> memref<1x64xi32, #tpu.memory_space<vmem>>
      %dma_wait3A_358 = tpu.memref_squeeze %dma_wait3A_357 : memref<1x64xi32, #tpu.memory_space<vmem>> -> memref<64xi32, #tpu.memory_space<vmem>>
      %dma_wait3A_359 = arith.constant 0 : i32
      %dma_wait3A_360 = tpu.memref_slice %arg2[%dma_wait3A_359] : memref<8388608xf32, #tpu.memory_space<hbm>> -> memref<8388608xf32, #tpu.memory_space<hbm>>
      tpu.wait_indirect_dma semaphore(%arg8 : memref<!tpu.dma_semaphore, #tpu.memory_space<semaphore_mem>>) src(%dma_wait3A_360 : memref<8388608xf32, #tpu.memory_space<hbm>>) dst(%dma_wait3A_355 : memref<64xf32, #tpu.memory_space<vmem>>)
      %add3A_361 = arith.constant 14 : i32
      %add3A_362 = arith.addi %mul3A_32, %add3A_361 : i32
      %dma_wait3A_363 = arith.constant 14 : i32
      %dma_wait3A_364 = arith.constant 0 : i32
      %dma_wait3A_365 = tpu.memref_slice %arg6[%dma_wait3A_363, %dma_wait3A_364] : memref<16x64xf32, #tpu.memory_space<vmem>> -> memref<1x64xf32, #tpu.memory_space<vmem>>
      %dma_wait3A_366 = tpu.memref_squeeze %dma_wait3A_365 : memref<1x64xf32, #tpu.memory_space<vmem>> -> memref<64xf32, #tpu.memory_space<vmem>>
      %dma_wait3A_367 = arith.constant 0 : i32
      %dma_wait3A_368 = tpu.memref_slice %arg5[%add3A_362, %dma_wait3A_367] : memref<128x64xi32, #tpu.memory_space<vmem>> -> memref<1x64xi32, #tpu.memory_space<vmem>>
      %dma_wait3A_369 = tpu.memref_squeeze %dma_wait3A_368 : memref<1x64xi32, #tpu.memory_space<vmem>> -> memref<64xi32, #tpu.memory_space<vmem>>
      %dma_wait3A_370 = arith.constant 0 : i32
      %dma_wait3A_371 = tpu.memref_slice %arg2[%dma_wait3A_370] : memref<8388608xf32, #tpu.memory_space<hbm>> -> memref<8388608xf32, #tpu.memory_space<hbm>>
      tpu.wait_indirect_dma semaphore(%arg8 : memref<!tpu.dma_semaphore, #tpu.memory_space<semaphore_mem>>) src(%dma_wait3A_371 : memref<8388608xf32, #tpu.memory_space<hbm>>) dst(%dma_wait3A_366 : memref<64xf32, #tpu.memory_space<vmem>>)
      %add3A_372 = arith.constant 15 : i32
      %add3A_373 = arith.addi %mul3A_32, %add3A_372 : i32
      %dma_wait3A_374 = arith.constant 15 : i32
      %dma_wait3A_375 = arith.constant 0 : i32
      %dma_wait3A_376 = tpu.memref_slice %arg6[%dma_wait3A_374, %dma_wait3A_375] : memref<16x64xf32, #tpu.memory_space<vmem>> -> memref<1x64xf32, #tpu.memory_space<vmem>>
      %dma_wait3A_377 = tpu.memref_squeeze %dma_wait3A_376 : memref<1x64xf32, #tpu.memory_space<vmem>> -> memref<64xf32, #tpu.memory_space<vmem>>
      %dma_wait3A_378 = arith.constant 0 : i32
      %dma_wait3A_379 = tpu.memref_slice %arg5[%add3A_373, %dma_wait3A_378] : memref<128x64xi32, #tpu.memory_space<vmem>> -> memref<1x64xi32, #tpu.memory_space<vmem>>
      %dma_wait3A_380 = tpu.memref_squeeze %dma_wait3A_379 : memref<1x64xi32, #tpu.memory_space<vmem>> -> memref<64xi32, #tpu.memory_space<vmem>>
      %dma_wait3A_381 = arith.constant 0 : i32
      %dma_wait3A_382 = tpu.memref_slice %arg2[%dma_wait3A_381] : memref<8388608xf32, #tpu.memory_space<hbm>> -> memref<8388608xf32, #tpu.memory_space<hbm>>
      tpu.wait_indirect_dma semaphore(%arg8 : memref<!tpu.dma_semaphore, #tpu.memory_space<semaphore_mem>>) src(%dma_wait3A_382 : memref<8388608xf32, #tpu.memory_space<hbm>>) dst(%dma_wait3A_377 : memref<64xf32, #tpu.memory_space<vmem>>)
      %get3A = arith.constant 0 : index
      %get3A_383 = tpu.vector_load %arg7[%get3A] {strides = array<i32>} : memref<64xf32, #tpu.memory_space<vmem>>, vector<16xf32>,
      %get3A_384 = vector.shape_cast %get3A_383 : vector<16xf32> to vector<16xf32>
      %get3A_385 = arith.constant 0 : i32
      %get3A_386 = arith.index_cast %get3A_385 : i32 to index
      %get3A_387 = arith.constant 0 : index
      %get3A_388 = tpu.vector_load %arg6[%get3A_386, %get3A_387] {strides = array<i32>} : memref<16x64xf32, #tpu.memory_space<vmem>>, vector<1x16xf32>,
      %get3A_389 = vector.shape_cast %get3A_388 : vector<1x16xf32> to vector<16xf32>
      %exp3A = math.exp %get3A_389 : vector<16xf32>
      %add3A_390 = arith.addf %get3A_384, %exp3A : vector<16xf32>
      %swap3A_391 = arith.constant 0 : index
      %swap3A_392 = tpu.vector_load %arg7[%swap3A_391] {strides = array<i32>} : memref<64xf32, #tpu.memory_space<vmem>>, vector<16xf32>,
      %swap3A_393 = vector.shape_cast %swap3A_392 : vector<16xf32> to vector<16xf32>
      %swap3A_394 = vector.shape_cast %add3A_390 : vector<16xf32> to vector<16xf32>
      tpu.vector_store %arg7[%swap3A_391], %swap3A_394 {strides = array<i32>} : memref<64xf32, #tpu.memory_space<vmem>>, vector<16xf32>,
      %get3A_395 = arith.constant 16 : index
      %get3A_396 = tpu.vector_load %arg7[%get3A_395] {strides = array<i32>} : memref<64xf32, #tpu.memory_space<vmem>>, vector<16xf32>,
      %get3A_397 = vector.shape_cast %get3A_396 : vector<16xf32> to vector<16xf32>
      %get3A_398 = arith.constant 0 : i32
      %get3A_399 = arith.index_cast %get3A_398 : i32 to index
      %get3A_400 = arith.constant 16 : index
      %get3A_401 = tpu.vector_load %arg6[%get3A_399, %get3A_400] {strides = array<i32>} : memref<16x64xf32, #tpu.memory_space<vmem>>, vector<1x16xf32>,
      %get3A_402 = vector.shape_cast %get3A_401 : vector<1x16xf32> to vector<16xf32>
      %exp3A_403 = math.exp %get3A_402 : vector<16xf32>
      %add3A_404 = arith.addf %get3A_397, %exp3A_403 : vector<16xf32>
      %swap3A_405 = arith.constant 16 : index
      %swap3A_406 = tpu.vector_load %arg7[%swap3A_405] {strides = array<i32>} : memref<64xf32, #tpu.memory_space<vmem>>, vector<16xf32>,
      %swap3A_407 = vector.shape_cast %swap3A_406 : vector<16xf32> to vector<16xf32>
      %swap3A_408 = vector.shape_cast %add3A_404 : vector<16xf32> to vector<16xf32>
      tpu.vector_store %arg7[%swap3A_405], %swap3A_408 {strides = array<i32>} : memref<64xf32, #tpu.memory_space<vmem>>, vector<16xf32>,
      %get3A_409 = arith.constant 32 : index
      %get3A_410 = tpu.vector_load %arg7[%get3A_409] {strides = array<i32>} : memref<64xf32, #tpu.memory_space<vmem>>, vector<16xf32>,
      %get3A_411 = vector.shape_cast %get3A_410 : vector<16xf32> to vector<16xf32>
      %get3A_412 = arith.constant 0 : i32
      %get3A_413 = arith.index_cast %get3A_412 : i32 to index
      %get3A_414 = arith.constant 32 : index
      %get3A_415 = tpu.vector_load %arg6[%get3A_413, %get3A_414] {strides = array<i32>} : memref<16x64xf32, #tpu.memory_space<vmem>>, vector<1x16xf32>,
      %get3A_416 = vector.shape_cast %get3A_415 : vector<1x16xf32> to vector<16xf32>
      %exp3A_417 = math.exp %get3A_416 : vector<16xf32>
      %add3A_418 = arith.addf %get3A_411, %exp3A_417 : vector<16xf32>
      %swap3A_419 = arith.constant 32 : index
      %swap3A_420 = tpu.vector_load %arg7[%swap3A_419] {strides = array<i32>} : memref<64xf32, #tpu.memory_space<vmem>>, vector<16xf32>,
      %swap3A_421 = vector.shape_cast %swap3A_420 : vector<16xf32> to vector<16xf32>
      %swap3A_422 = vector.shape_cast %add3A_418 : vector<16xf32> to vector<16xf32>
      tpu.vector_store %arg7[%swap3A_419], %swap3A_422 {strides = array<i32>} : memref<64xf32, #tpu.memory_space<vmem>>, vector<16xf32>,
      %get3A_423 = arith.constant 48 : index
      %get3A_424 = tpu.vector_load %arg7[%get3A_423] {strides = array<i32>} : memref<64xf32, #tpu.memory_space<vmem>>, vector<16xf32>,
      %get3A_425 = vector.shape_cast %get3A_424 : vector<16xf32> to vector<16xf32>
      %get3A_426 = arith.constant 0 : i32
      %get3A_427 = arith.index_cast %get3A_426 : i32 to index
      %get3A_428 = arith.constant 48 : index
      %get3A_429 = tpu.vector_load %arg6[%get3A_427, %get3A_428] {strides = array<i32>} : memref<16x64xf32, #tpu.memory_space<vmem>>, vector<1x16xf32>,
      %get3A_430 = vector.shape_cast %get3A_429 : vector<1x16xf32> to vector<16xf32>
      %exp3A_431 = math.exp %get3A_430 : vector<16xf32>
      %add3A_432 = arith.addf %get3A_425, %exp3A_431 : vector<16xf32>
      %swap3A_433 = arith.constant 48 : index
      %swap3A_434 = tpu.vector_load %arg7[%swap3A_433] {strides = array<i32>} : memref<64xf32, #tpu.memory_space<vmem>>, vector<16xf32>,
      %swap3A_435 = vector.shape_cast %swap3A_434 : vector<16xf32> to vector<16xf32>
      %swap3A_436 = vector.shape_cast %add3A_432 : vector<16xf32> to vector<16xf32>
      tpu.vector_store %arg7[%swap3A_433], %swap3A_436 {strides = array<i32>} : memref<64xf32, #tpu.memory_space<vmem>>, vector<16xf32>,
      %get3A_437 = arith.constant 0 : index
      %get3A_438 = tpu.vector_load %arg7[%get3A_437] {strides = array<i32>} : memref<64xf32, #tpu.memory_space<vmem>>, vector<16xf32>,
      %get3A_439 = vector.shape_cast %get3A_438 : vector<16xf32> to vector<16xf32>
      %get3A_440 = arith.constant 1 : i32
      %get3A_441 = arith.index_cast %get3A_440 : i32 to index
      %get3A_442 = arith.constant 0 : index
      %get3A_443 = tpu.vector_load %arg6[%get3A_441, %get3A_442] {strides = array<i32>} : memref<16x64xf32, #tpu.memory_space<vmem>>, vector<1x16xf32>,
      %get3A_444 = vector.shape_cast %get3A_443 : vector<1x16xf32> to vector<16xf32>
      %exp3A_445 = math.exp %get3A_444 : vector<16xf32>
      %add3A_446 = arith.addf %get3A_439, %exp3A_445 : vector<16xf32>
      %swap3A_447 = arith.constant 0 : index
      %swap3A_448 = tpu.vector_load %arg7[%swap3A_447] {strides = array<i32>} : memref<64xf32, #tpu.memory_space<vmem>>, vector<16xf32>,
      %swap3A_449 = vector.shape_cast %swap3A_448 : vector<16xf32> to vector<16xf32>
      %swap3A_450 = vector.shape_cast %add3A_446 : vector<16xf32> to vector<16xf32>
      tpu.vector_store %arg7[%swap3A_447], %swap3A_450 {strides = array<i32>} : memref<64xf32, #tpu.memory_space<vmem>>, vector<16xf32>,
      %get3A_451 = arith.constant 16 : index
      %get3A_452 = tpu.vector_load %arg7[%get3A_451] {strides = array<i32>} : memref<64xf32, #tpu.memory_space<vmem>>, vector<16xf32>,
      %get3A_453 = vector.shape_cast %get3A_452 : vector<16xf32> to vector<16xf32>
      %get3A_454 = arith.constant 1 : i32
      %get3A_455 = arith.index_cast %get3A_454 : i32 to index
      %get3A_456 = arith.constant 16 : index
      %get3A_457 = tpu.vector_load %arg6[%get3A_455, %get3A_456] {strides = array<i32>} : memref<16x64xf32, #tpu.memory_space<vmem>>, vector<1x16xf32>,
      %get3A_458 = vector.shape_cast %get3A_457 : vector<1x16xf32> to vector<16xf32>
      %exp3A_459 = math.exp %get3A_458 : vector<16xf32>
      %add3A_460 = arith.addf %get3A_453, %exp3A_459 : vector<16xf32>
      %swap3A_461 = arith.constant 16 : index
      %swap3A_462 = tpu.vector_load %arg7[%swap3A_461] {strides = array<i32>} : memref<64xf32, #tpu.memory_space<vmem>>, vector<16xf32>,
      %swap3A_463 = vector.shape_cast %swap3A_462 : vector<16xf32> to vector<16xf32>
      %swap3A_464 = vector.shape_cast %add3A_460 : vector<16xf32> to vector<16xf32>
      tpu.vector_store %arg7[%swap3A_461], %swap3A_464 {strides = array<i32>} : memref<64xf32, #tpu.memory_space<vmem>>, vector<16xf32>,
      %get3A_465 = arith.constant 32 : index
      %get3A_466 = tpu.vector_load %arg7[%get3A_465] {strides = array<i32>} : memref<64xf32, #tpu.memory_space<vmem>>, vector<16xf32>,
      %get3A_467 = vector.shape_cast %get3A_466 : vector<16xf32> to vector<16xf32>
      %get3A_468 = arith.constant 1 : i32
      %get3A_469 = arith.index_cast %get3A_468 : i32 to index
      %get3A_470 = arith.constant 32 : index
      %get3A_471 = tpu.vector_load %arg6[%get3A_469, %get3A_470] {strides = array<i32>} : memref<16x64xf32, #tpu.memory_space<vmem>>, vector<1x16xf32>,
      %get3A_472 = vector.shape_cast %get3A_471 : vector<1x16xf32> to vector<16xf32>
      %exp3A_473 = math.exp %get3A_472 : vector<16xf32>
      %add3A_474 = arith.addf %get3A_467, %exp3A_473 : vector<16xf32>
      %swap3A_475 = arith.constant 32 : index
      %swap3A_476 = tpu.vector_load %arg7[%swap3A_475] {strides = array<i32>} : memref<64xf32, #tpu.memory_space<vmem>>, vector<16xf32>,
      %swap3A_477 = vector.shape_cast %swap3A_476 : vector<16xf32> to vector<16xf32>
      %swap3A_478 = vector.shape_cast %add3A_474 : vector<16xf32> to vector<16xf32>
      tpu.vector_store %arg7[%swap3A_475], %swap3A_478 {strides = array<i32>} : memref<64xf32, #tpu.memory_space<vmem>>, vector<16xf32>,
      %get3A_479 = arith.constant 48 : index
      %get3A_480 = tpu.vector_load %arg7[%get3A_479] {strides = array<i32>} : memref<64xf32, #tpu.memory_space<vmem>>, vector<16xf32>,
      %get3A_481 = vector.shape_cast %get3A_480 : vector<16xf32> to vector<16xf32>
      %get3A_482 = arith.constant 1 : i32
      %get3A_483 = arith.index_cast %get3A_482 : i32 to index
      %get3A_484 = arith.constant 48 : index
      %get3A_485 = tpu.vector_load %arg6[%get3A_483, %get3A_484] {strides = array<i32>} : memref<16x64xf32, #tpu.memory_space<vmem>>, vector<1x16xf32>,
      %get3A_486 = vector.shape_cast %get3A_485 : vector<1x16xf32> to vector<16xf32>
      %exp3A_487 = math.exp %get3A_486 : vector<16xf32>
      %add3A_488 = arith.addf %get3A_481, %exp3A_487 : vector<16xf32>
      %swap3A_489 = arith.constant 48 : index
      %swap3A_490 = tpu.vector_load %arg7[%swap3A_489] {strides = array<i32>} : memref<64xf32, #tpu.memory_space<vmem>>, vector<16xf32>,
      %swap3A_491 = vector.shape_cast %swap3A_490 : vector<16xf32> to vector<16xf32>
      %swap3A_492 = vector.shape_cast %add3A_488 : vector<16xf32> to vector<16xf32>
      tpu.vector_store %arg7[%swap3A_489], %swap3A_492 {strides = array<i32>} : memref<64xf32, #tpu.memory_space<vmem>>, vector<16xf32>,
      %get3A_493 = arith.constant 0 : index
      %get3A_494 = tpu.vector_load %arg7[%get3A_493] {strides = array<i32>} : memref<64xf32, #tpu.memory_space<vmem>>, vector<16xf32>,
      %get3A_495 = vector.shape_cast %get3A_494 : vector<16xf32> to vector<16xf32>
      %get3A_496 = arith.constant 2 : i32
      %get3A_497 = arith.index_cast %get3A_496 : i32 to index
      %get3A_498 = arith.constant 0 : index
      %get3A_499 = tpu.vector_load %arg6[%get3A_497, %get3A_498] {strides = array<i32>} : memref<16x64xf32, #tpu.memory_space<vmem>>, vector<1x16xf32>,
      %get3A_500 = vector.shape_cast %get3A_499 : vector<1x16xf32> to vector<16xf32>
      %exp3A_501 = math.exp %get3A_500 : vector<16xf32>
      %add3A_502 = arith.addf %get3A_495, %exp3A_501 : vector<16xf32>
      %swap3A_503 = arith.constant 0 : index
      %swap3A_504 = tpu.vector_load %arg7[%swap3A_503] {strides = array<i32>} : memref<64xf32, #tpu.memory_space<vmem>>, vector<16xf32>,
      %swap3A_505 = vector.shape_cast %swap3A_504 : vector<16xf32> to vector<16xf32>
      %swap3A_506 = vector.shape_cast %add3A_502 : vector<16xf32> to vector<16xf32>
      tpu.vector_store %arg7[%swap3A_503], %swap3A_506 {strides = array<i32>} : memref<64xf32, #tpu.memory_space<vmem>>, vector<16xf32>,
      %get3A_507 = arith.constant 16 : index
      %get3A_508 = tpu.vector_load %arg7[%get3A_507] {strides = array<i32>} : memref<64xf32, #tpu.memory_space<vmem>>, vector<16xf32>,
      %get3A_509 = vector.shape_cast %get3A_508 : vector<16xf32> to vector<16xf32>
      %get3A_510 = arith.constant 2 : i32
      %get3A_511 = arith.index_cast %get3A_510 : i32 to index
      %get3A_512 = arith.constant 16 : index
      %get3A_513 = tpu.vector_load %arg6[%get3A_511, %get3A_512] {strides = array<i32>} : memref<16x64xf32, #tpu.memory_space<vmem>>, vector<1x16xf32>,
      %get3A_514 = vector.shape_cast %get3A_513 : vector<1x16xf32> to vector<16xf32>
      %exp3A_515 = math.exp %get3A_514 : vector<16xf32>
      %add3A_516 = arith.addf %get3A_509, %exp3A_515 : vector<16xf32>
      %swap3A_517 = arith.constant 16 : index
      %swap3A_518 = tpu.vector_load %arg7[%swap3A_517] {strides = array<i32>} : memref<64xf32, #tpu.memory_space<vmem>>, vector<16xf32>,
      %swap3A_519 = vector.shape_cast %swap3A_518 : vector<16xf32> to vector<16xf32>
      %swap3A_520 = vector.shape_cast %add3A_516 : vector<16xf32> to vector<16xf32>
      tpu.vector_store %arg7[%swap3A_517], %swap3A_520 {strides = array<i32>} : memref<64xf32, #tpu.memory_space<vmem>>, vector<16xf32>,
      %get3A_521 = arith.constant 32 : index
      %get3A_522 = tpu.vector_load %arg7[%get3A_521] {strides = array<i32>} : memref<64xf32, #tpu.memory_space<vmem>>, vector<16xf32>,
      %get3A_523 = vector.shape_cast %get3A_522 : vector<16xf32> to vector<16xf32>
      %get3A_524 = arith.constant 2 : i32
      %get3A_525 = arith.index_cast %get3A_524 : i32 to index
      %get3A_526 = arith.constant 32 : index
      %get3A_527 = tpu.vector_load %arg6[%get3A_525, %get3A_526] {strides = array<i32>} : memref<16x64xf32, #tpu.memory_space<vmem>>, vector<1x16xf32>,
      %get3A_528 = vector.shape_cast %get3A_527 : vector<1x16xf32> to vector<16xf32>
      %exp3A_529 = math.exp %get3A_528 : vector<16xf32>
      %add3A_530 = arith.addf %get3A_523, %exp3A_529 : vector<16xf32>
      %swap3A_531 = arith.constant 32 : index
      %swap3A_532 = tpu.vector_load %arg7[%swap3A_531] {strides = array<i32>} : memref<64xf32, #tpu.memory_space<vmem>>, vector<16xf32>,
      %swap3A_533 = vector.shape_cast %swap3A_532 : vector<16xf32> to vector<16xf32>
      %swap3A_534 = vector.shape_cast %add3A_530 : vector<16xf32> to vector<16xf32>
      tpu.vector_store %arg7[%swap3A_531], %swap3A_534 {strides = array<i32>} : memref<64xf32, #tpu.memory_space<vmem>>, vector<16xf32>,
      %get3A_535 = arith.constant 48 : index
      %get3A_536 = tpu.vector_load %arg7[%get3A_535] {strides = array<i32>} : memref<64xf32, #tpu.memory_space<vmem>>, vector<16xf32>,
      %get3A_537 = vector.shape_cast %get3A_536 : vector<16xf32> to vector<16xf32>
      %get3A_538 = arith.constant 2 : i32
      %get3A_539 = arith.index_cast %get3A_538 : i32 to index
      %get3A_540 = arith.constant 48 : index
      %get3A_541 = tpu.vector_load %arg6[%get3A_539, %get3A_540] {strides = array<i32>} : memref<16x64xf32, #tpu.memory_space<vmem>>, vector<1x16xf32>,
      %get3A_542 = vector.shape_cast %get3A_541 : vector<1x16xf32> to vector<16xf32>
      %exp3A_543 = math.exp %get3A_542 : vector<16xf32>
      %add3A_544 = arith.addf %get3A_537, %exp3A_543 : vector<16xf32>
      %swap3A_545 = arith.constant 48 : index
      %swap3A_546 = tpu.vector_load %arg7[%swap3A_545] {strides = array<i32>} : memref<64xf32, #tpu.memory_space<vmem>>, vector<16xf32>,
      %swap3A_547 = vector.shape_cast %swap3A_546 : vector<16xf32> to vector<16xf32>
      %swap3A_548 = vector.shape_cast %add3A_544 : vector<16xf32> to vector<16xf32>
      tpu.vector_store %arg7[%swap3A_545], %swap3A_548 {strides = array<i32>} : memref<64xf32, #tpu.memory_space<vmem>>, vector<16xf32>,
      %get3A_549 = arith.constant 0 : index
      %get3A_550 = tpu.vector_load %arg7[%get3A_549] {strides = array<i32>} : memref<64xf32, #tpu.memory_space<vmem>>, vector<16xf32>,
      %get3A_551 = vector.shape_cast %get3A_550 : vector<16xf32> to vector<16xf32>
      %get3A_552 = arith.constant 3 : i32
      %get3A_553 = arith.index_cast %get3A_552 : i32 to index
      %get3A_554 = arith.constant 0 : index
      %get3A_555 = tpu.vector_load %arg6[%get3A_553, %get3A_554] {strides = array<i32>} : memref<16x64xf32, #tpu.memory_space<vmem>>, vector<1x16xf32>,
      %get3A_556 = vector.shape_cast %get3A_555 : vector<1x16xf32> to vector<16xf32>
      %exp3A_557 = math.exp %get3A_556 : vector<16xf32>
      %add3A_558 = arith.addf %get3A_551, %exp3A_557 : vector<16xf32>
      %swap3A_559 = arith.constant 0 : index
      %swap3A_560 = tpu.vector_load %arg7[%swap3A_559] {strides = array<i32>} : memref<64xf32, #tpu.memory_space<vmem>>, vector<16xf32>,
      %swap3A_561 = vector.shape_cast %swap3A_560 : vector<16xf32> to vector<16xf32>
      %swap3A_562 = vector.shape_cast %add3A_558 : vector<16xf32> to vector<16xf32>
      tpu.vector_store %arg7[%swap3A_559], %swap3A_562 {strides = array<i32>} : memref<64xf32, #tpu.memory_space<vmem>>, vector<16xf32>,
      %get3A_563 = arith.constant 16 : index
      %get3A_564 = tpu.vector_load %arg7[%get3A_563] {strides = array<i32>} : memref<64xf32, #tpu.memory_space<vmem>>, vector<16xf32>,
      %get3A_565 = vector.shape_cast %get3A_564 : vector<16xf32> to vector<16xf32>
      %get3A_566 = arith.constant 3 : i32
      %get3A_567 = arith.index_cast %get3A_566 : i32 to index
      %get3A_568 = arith.constant 16 : index
      %get3A_569 = tpu.vector_load %arg6[%get3A_567, %get3A_568] {strides = array<i32>} : memref<16x64xf32, #tpu.memory_space<vmem>>, vector<1x16xf32>,
      %get3A_570 = vector.shape_cast %get3A_569 : vector<1x16xf32> to vector<16xf32>
      %exp3A_571 = math.exp %get3A_570 : vector<16xf32>
      %add3A_572 = arith.addf %get3A_565, %exp3A_571 : vector<16xf32>
      %swap3A_573 = arith.constant 16 : index
      %swap3A_574 = tpu.vector_load %arg7[%swap3A_573] {strides = array<i32>} : memref<64xf32, #tpu.memory_space<vmem>>, vector<16xf32>,
      %swap3A_575 = vector.shape_cast %swap3A_574 : vector<16xf32> to vector<16xf32>
      %swap3A_576 = vector.shape_cast %add3A_572 : vector<16xf32> to vector<16xf32>
      tpu.vector_store %arg7[%swap3A_573], %swap3A_576 {strides = array<i32>} : memref<64xf32, #tpu.memory_space<vmem>>, vector<16xf32>,
      %get3A_577 = arith.constant 32 : index
      %get3A_578 = tpu.vector_load %arg7[%get3A_577] {strides = array<i32>} : memref<64xf32, #tpu.memory_space<vmem>>, vector<16xf32>,
      %get3A_579 = vector.shape_cast %get3A_578 : vector<16xf32> to vector<16xf32>
      %get3A_580 = arith.constant 3 : i32
      %get3A_581 = arith.index_cast %get3A_580 : i32 to index
      %get3A_582 = arith.constant 32 : index
      %get3A_583 = tpu.vector_load %arg6[%get3A_581, %get3A_582] {strides = array<i32>} : memref<16x64xf32, #tpu.memory_space<vmem>>, vector<1x16xf32>,
      %get3A_584 = vector.shape_cast %get3A_583 : vector<1x16xf32> to vector<16xf32>
      %exp3A_585 = math.exp %get3A_584 : vector<16xf32>
      %add3A_586 = arith.addf %get3A_579, %exp3A_585 : vector<16xf32>
      %swap3A_587 = arith.constant 32 : index
      %swap3A_588 = tpu.vector_load %arg7[%swap3A_587] {strides = array<i32>} : memref<64xf32, #tpu.memory_space<vmem>>, vector<16xf32>,
      %swap3A_589 = vector.shape_cast %swap3A_588 : vector<16xf32> to vector<16xf32>
      %swap3A_590 = vector.shape_cast %add3A_586 : vector<16xf32> to vector<16xf32>
      tpu.vector_store %arg7[%swap3A_587], %swap3A_590 {strides = array<i32>} : memref<64xf32, #tpu.memory_space<vmem>>, vector<16xf32>,
      %get3A_591 = arith.constant 48 : index
      %get3A_592 = tpu.vector_load %arg7[%get3A_591] {strides = array<i32>} : memref<64xf32, #tpu.memory_space<vmem>>, vector<16xf32>,
      %get3A_593 = vector.shape_cast %get3A_592 : vector<16xf32> to vector<16xf32>
      %get3A_594 = arith.constant 3 : i32
      %get3A_595 = arith.index_cast %get3A_594 : i32 to index
      %get3A_596 = arith.constant 48 : index
      %get3A_597 = tpu.vector_load %arg6[%get3A_595, %get3A_596] {strides = array<i32>} : memref<16x64xf32, #tpu.memory_space<vmem>>, vector<1x16xf32>,
      %get3A_598 = vector.shape_cast %get3A_597 : vector<1x16xf32> to vector<16xf32>
      %exp3A_599 = math.exp %get3A_598 : vector<16xf32>
      %add3A_600 = arith.addf %get3A_593, %exp3A_599 : vector<16xf32>
      %swap3A_601 = arith.constant 48 : index
      %swap3A_602 = tpu.vector_load %arg7[%swap3A_601] {strides = array<i32>} : memref<64xf32, #tpu.memory_space<vmem>>, vector<16xf32>,
      %swap3A_603 = vector.shape_cast %swap3A_602 : vector<16xf32> to vector<16xf32>
      %swap3A_604 = vector.shape_cast %add3A_600 : vector<16xf32> to vector<16xf32>
      tpu.vector_store %arg7[%swap3A_601], %swap3A_604 {strides = array<i32>} : memref<64xf32, #tpu.memory_space<vmem>>, vector<16xf32>,
      %get3A_605 = arith.constant 0 : index
      %get3A_606 = tpu.vector_load %arg7[%get3A_605] {strides = array<i32>} : memref<64xf32, #tpu.memory_space<vmem>>, vector<16xf32>,
      %get3A_607 = vector.shape_cast %get3A_606 : vector<16xf32> to vector<16xf32>
      %get3A_608 = arith.constant 4 : i32
      %get3A_609 = arith.index_cast %get3A_608 : i32 to index
      %get3A_610 = arith.constant 0 : index
      %get3A_611 = tpu.vector_load %arg6[%get3A_609, %get3A_610] {strides = array<i32>} : memref<16x64xf32, #tpu.memory_space<vmem>>, vector<1x16xf32>,
      %get3A_612 = vector.shape_cast %get3A_611 : vector<1x16xf32> to vector<16xf32>
      %exp3A_613 = math.exp %get3A_612 : vector<16xf32>
      %add3A_614 = arith.addf %get3A_607, %exp3A_613 : vector<16xf32>
      %swap3A_615 = arith.constant 0 : index
      %swap3A_616 = tpu.vector_load %arg7[%swap3A_615] {strides = array<i32>} : memref<64xf32, #tpu.memory_space<vmem>>, vector<16xf32>,
      %swap3A_617 = vector.shape_cast %swap3A_616 : vector<16xf32> to vector<16xf32>
      %swap3A_618 = vector.shape_cast %add3A_614 : vector<16xf32> to vector<16xf32>
      tpu.vector_store %arg7[%swap3A_615], %swap3A_618 {strides = array<i32>} : memref<64xf32, #tpu.memory_space<vmem>>, vector<16xf32>,
      %get3A_619 = arith.constant 16 : index
      %get3A_620 = tpu.vector_load %arg7[%get3A_619] {strides = array<i32>} : memref<64xf32, #tpu.memory_space<vmem>>, vector<16xf32>,
      %get3A_621 = vector.shape_cast %get3A_620 : vector<16xf32> to vector<16xf32>
      %get3A_622 = arith.constant 4 : i32
      %get3A_623 = arith.index_cast %get3A_622 : i32 to index
      %get3A_624 = arith.constant 16 : index
      %get3A_625 = tpu.vector_load %arg6[%get3A_623, %get3A_624] {strides = array<i32>} : memref<16x64xf32, #tpu.memory_space<vmem>>, vector<1x16xf32>,
      %get3A_626 = vector.shape_cast %get3A_625 : vector<1x16xf32> to vector<16xf32>
      %exp3A_627 = math.exp %get3A_626 : vector<16xf32>
      %add3A_628 = arith.addf %get3A_621, %exp3A_627 : vector<16xf32>
      %swap3A_629 = arith.constant 16 : index
      %swap3A_630 = tpu.vector_load %arg7[%swap3A_629] {strides = array<i32>} : memref<64xf32, #tpu.memory_space<vmem>>, vector<16xf32>,
      %swap3A_631 = vector.shape_cast %swap3A_630 : vector<16xf32> to vector<16xf32>
      %swap3A_632 = vector.shape_cast %add3A_628 : vector<16xf32> to vector<16xf32>
      tpu.vector_store %arg7[%swap3A_629], %swap3A_632 {strides = array<i32>} : memref<64xf32, #tpu.memory_space<vmem>>, vector<16xf32>,
      %get3A_633 = arith.constant 32 : index
      %get3A_634 = tpu.vector_load %arg7[%get3A_633] {strides = array<i32>} : memref<64xf32, #tpu.memory_space<vmem>>, vector<16xf32>,
      %get3A_635 = vector.shape_cast %get3A_634 : vector<16xf32> to vector<16xf32>
      %get3A_636 = arith.constant 4 : i32
      %get3A_637 = arith.index_cast %get3A_636 : i32 to index
      %get3A_638 = arith.constant 32 : index
      %get3A_639 = tpu.vector_load %arg6[%get3A_637, %get3A_638] {strides = array<i32>} : memref<16x64xf32, #tpu.memory_space<vmem>>, vector<1x16xf32>,
      %get3A_640 = vector.shape_cast %get3A_639 : vector<1x16xf32> to vector<16xf32>
      %exp3A_641 = math.exp %get3A_640 : vector<16xf32>
      %add3A_642 = arith.addf %get3A_635, %exp3A_641 : vector<16xf32>
      %swap3A_643 = arith.constant 32 : index
      %swap3A_644 = tpu.vector_load %arg7[%swap3A_643] {strides = array<i32>} : memref<64xf32, #tpu.memory_space<vmem>>, vector<16xf32>,
      %swap3A_645 = vector.shape_cast %swap3A_644 : vector<16xf32> to vector<16xf32>
      %swap3A_646 = vector.shape_cast %add3A_642 : vector<16xf32> to vector<16xf32>
      tpu.vector_store %arg7[%swap3A_643], %swap3A_646 {strides = array<i32>} : memref<64xf32, #tpu.memory_space<vmem>>, vector<16xf32>,
      %get3A_647 = arith.constant 48 : index
      %get3A_648 = tpu.vector_load %arg7[%get3A_647] {strides = array<i32>} : memref<64xf32, #tpu.memory_space<vmem>>, vector<16xf32>,
      %get3A_649 = vector.shape_cast %get3A_648 : vector<16xf32> to vector<16xf32>
      %get3A_650 = arith.constant 4 : i32
      %get3A_651 = arith.index_cast %get3A_650 : i32 to index
      %get3A_652 = arith.constant 48 : index
      %get3A_653 = tpu.vector_load %arg6[%get3A_651, %get3A_652] {strides = array<i32>} : memref<16x64xf32, #tpu.memory_space<vmem>>, vector<1x16xf32>,
      %get3A_654 = vector.shape_cast %get3A_653 : vector<1x16xf32> to vector<16xf32>
      %exp3A_655 = math.exp %get3A_654 : vector<16xf32>
      %add3A_656 = arith.addf %get3A_649, %exp3A_655 : vector<16xf32>
      %swap3A_657 = arith.constant 48 : index
      %swap3A_658 = tpu.vector_load %arg7[%swap3A_657] {strides = array<i32>} : memref<64xf32, #tpu.memory_space<vmem>>, vector<16xf32>,
      %swap3A_659 = vector.shape_cast %swap3A_658 : vector<16xf32> to vector<16xf32>
      %swap3A_660 = vector.shape_cast %add3A_656 : vector<16xf32> to vector<16xf32>
      tpu.vector_store %arg7[%swap3A_657], %swap3A_660 {strides = array<i32>} : memref<64xf32, #tpu.memory_space<vmem>>, vector<16xf32>,
      %get3A_661 = arith.constant 0 : index
      %get3A_662 = tpu.vector_load %arg7[%get3A_661] {strides = array<i32>} : memref<64xf32, #tpu.memory_space<vmem>>, vector<16xf32>,
      %get3A_663 = vector.shape_cast %get3A_662 : vector<16xf32> to vector<16xf32>
      %get3A_664 = arith.constant 5 : i32
      %get3A_665 = arith.index_cast %get3A_664 : i32 to index
      %get3A_666 = arith.constant 0 : index
      %get3A_667 = tpu.vector_load %arg6[%get3A_665, %get3A_666] {strides = array<i32>} : memref<16x64xf32, #tpu.memory_space<vmem>>, vector<1x16xf32>,
      %get3A_668 = vector.shape_cast %get3A_667 : vector<1x16xf32> to vector<16xf32>
      %exp3A_669 = math.exp %get3A_668 : vector<16xf32>
      %add3A_670 = arith.addf %get3A_663, %exp3A_669 : vector<16xf32>
      %swap3A_671 = arith.constant 0 : index
      %swap3A_672 = tpu.vector_load %arg7[%swap3A_671] {strides = array<i32>} : memref<64xf32, #tpu.memory_space<vmem>>, vector<16xf32>,
      %swap3A_673 = vector.shape_cast %swap3A_672 : vector<16xf32> to vector<16xf32>
      %swap3A_674 = vector.shape_cast %add3A_670 : vector<16xf32> to vector<16xf32>
      tpu.vector_store %arg7[%swap3A_671], %swap3A_674 {strides = array<i32>} : memref<64xf32, #tpu.memory_space<vmem>>, vector<16xf32>,
      %get3A_675 = arith.constant 16 : index
      %get3A_676 = tpu.vector_load %arg7[%get3A_675] {strides = array<i32>} : memref<64xf32, #tpu.memory_space<vmem>>, vector<16xf32>,
      %get3A_677 = vector.shape_cast %get3A_676 : vector<16xf32> to vector<16xf32>
      %get3A_678 = arith.constant 5 : i32
      %get3A_679 = arith.index_cast %get3A_678 : i32 to index
      %get3A_680 = arith.constant 16 : index
      %get3A_681 = tpu.vector_load %arg6[%get3A_679, %get3A_680] {strides = array<i32>} : memref<16x64xf32, #tpu.memory_space<vmem>>, vector<1x16xf32>,
      %get3A_682 = vector.shape_cast %get3A_681 : vector<1x16xf32> to vector<16xf32>
      %exp3A_683 = math.exp %get3A_682 : vector<16xf32>
      %add3A_684 = arith.addf %get3A_677, %exp3A_683 : vector<16xf32>
      %swap3A_685 = arith.constant 16 : index
      %swap3A_686 = tpu.vector_load %arg7[%swap3A_685] {strides = array<i32>} : memref<64xf32, #tpu.memory_space<vmem>>, vector<16xf32>,
      %swap3A_687 = vector.shape_cast %swap3A_686 : vector<16xf32> to vector<16xf32>
      %swap3A_688 = vector.shape_cast %add3A_684 : vector<16xf32> to vector<16xf32>
      tpu.vector_store %arg7[%swap3A_685], %swap3A_688 {strides = array<i32>} : memref<64xf32, #tpu.memory_space<vmem>>, vector<16xf32>,
      %get3A_689 = arith.constant 32 : index
      %get3A_690 = tpu.vector_load %arg7[%get3A_689] {strides = array<i32>} : memref<64xf32, #tpu.memory_space<vmem>>, vector<16xf32>,
      %get3A_691 = vector.shape_cast %get3A_690 : vector<16xf32> to vector<16xf32>
      %get3A_692 = arith.constant 5 : i32
      %get3A_693 = arith.index_cast %get3A_692 : i32 to index
      %get3A_694 = arith.constant 32 : index
      %get3A_695 = tpu.vector_load %arg6[%get3A_693, %get3A_694] {strides = array<i32>} : memref<16x64xf32, #tpu.memory_space<vmem>>, vector<1x16xf32>,
      %get3A_696 = vector.shape_cast %get3A_695 : vector<1x16xf32> to vector<16xf32>
      %exp3A_697 = math.exp %get3A_696 : vector<16xf32>
      %add3A_698 = arith.addf %get3A_691, %exp3A_697 : vector<16xf32>
      %swap3A_699 = arith.constant 32 : index
      %swap3A_700 = tpu.vector_load %arg7[%swap3A_699] {strides = array<i32>} : memref<64xf32, #tpu.memory_space<vmem>>, vector<16xf32>,
      %swap3A_701 = vector.shape_cast %swap3A_700 : vector<16xf32> to vector<16xf32>
      %swap3A_702 = vector.shape_cast %add3A_698 : vector<16xf32> to vector<16xf32>
      tpu.vector_store %arg7[%swap3A_699], %swap3A_702 {strides = array<i32>} : memref<64xf32, #tpu.memory_space<vmem>>, vector<16xf32>,
      %get3A_703 = arith.constant 48 : index
      %get3A_704 = tpu.vector_load %arg7[%get3A_703] {strides = array<i32>} : memref<64xf32, #tpu.memory_space<vmem>>, vector<16xf32>,
      %get3A_705 = vector.shape_cast %get3A_704 : vector<16xf32> to vector<16xf32>
      %get3A_706 = arith.constant 5 : i32
      %get3A_707 = arith.index_cast %get3A_706 : i32 to index
      %get3A_708 = arith.constant 48 : index
      %get3A_709 = tpu.vector_load %arg6[%get3A_707, %get3A_708] {strides = array<i32>} : memref<16x64xf32, #tpu.memory_space<vmem>>, vector<1x16xf32>,
      %get3A_710 = vector.shape_cast %get3A_709 : vector<1x16xf32> to vector<16xf32>
      %exp3A_711 = math.exp %get3A_710 : vector<16xf32>
      %add3A_712 = arith.addf %get3A_705, %exp3A_711 : vector<16xf32>
      %swap3A_713 = arith.constant 48 : index
      %swap3A_714 = tpu.vector_load %arg7[%swap3A_713] {strides = array<i32>} : memref<64xf32, #tpu.memory_space<vmem>>, vector<16xf32>,
      %swap3A_715 = vector.shape_cast %swap3A_714 : vector<16xf32> to vector<16xf32>
      %swap3A_716 = vector.shape_cast %add3A_712 : vector<16xf32> to vector<16xf32>
      tpu.vector_store %arg7[%swap3A_713], %swap3A_716 {strides = array<i32>} : memref<64xf32, #tpu.memory_space<vmem>>, vector<16xf32>,
      %get3A_717 = arith.constant 0 : index
      %get3A_718 = tpu.vector_load %arg7[%get3A_717] {strides = array<i32>} : memref<64xf32, #tpu.memory_space<vmem>>, vector<16xf32>,
      %get3A_719 = vector.shape_cast %get3A_718 : vector<16xf32> to vector<16xf32>
      %get3A_720 = arith.constant 6 : i32
      %get3A_721 = arith.index_cast %get3A_720 : i32 to index
      %get3A_722 = arith.constant 0 : index
      %get3A_723 = tpu.vector_load %arg6[%get3A_721, %get3A_722] {strides = array<i32>} : memref<16x64xf32, #tpu.memory_space<vmem>>, vector<1x16xf32>,
      %get3A_724 = vector.shape_cast %get3A_723 : vector<1x16xf32> to vector<16xf32>
      %exp3A_725 = math.exp %get3A_724 : vector<16xf32>
      %add3A_726 = arith.addf %get3A_719, %exp3A_725 : vector<16xf32>
      %swap3A_727 = arith.constant 0 : index
      %swap3A_728 = tpu.vector_load %arg7[%swap3A_727] {strides = array<i32>} : memref<64xf32, #tpu.memory_space<vmem>>, vector<16xf32>,
      %swap3A_729 = vector.shape_cast %swap3A_728 : vector<16xf32> to vector<16xf32>
      %swap3A_730 = vector.shape_cast %add3A_726 : vector<16xf32> to vector<16xf32>
      tpu.vector_store %arg7[%swap3A_727], %swap3A_730 {strides = array<i32>} : memref<64xf32, #tpu.memory_space<vmem>>, vector<16xf32>,
      %get3A_731 = arith.constant 16 : index
      %get3A_732 = tpu.vector_load %arg7[%get3A_731] {strides = array<i32>} : memref<64xf32, #tpu.memory_space<vmem>>, vector<16xf32>,
      %get3A_733 = vector.shape_cast %get3A_732 : vector<16xf32> to vector<16xf32>
      %get3A_734 = arith.constant 6 : i32
      %get3A_735 = arith.index_cast %get3A_734 : i32 to index
      %get3A_736 = arith.constant 16 : index
      %get3A_737 = tpu.vector_load %arg6[%get3A_735, %get3A_736] {strides = array<i32>} : memref<16x64xf32, #tpu.memory_space<vmem>>, vector<1x16xf32>,
      %get3A_738 = vector.shape_cast %get3A_737 : vector<1x16xf32> to vector<16xf32>
      %exp3A_739 = math.exp %get3A_738 : vector<16xf32>
      %add3A_740 = arith.addf %get3A_733, %exp3A_739 : vector<16xf32>
      %swap3A_741 = arith.constant 16 : index
      %swap3A_742 = tpu.vector_load %arg7[%swap3A_741] {strides = array<i32>} : memref<64xf32, #tpu.memory_space<vmem>>, vector<16xf32>,
      %swap3A_743 = vector.shape_cast %swap3A_742 : vector<16xf32> to vector<16xf32>
      %swap3A_744 = vector.shape_cast %add3A_740 : vector<16xf32> to vector<16xf32>
      tpu.vector_store %arg7[%swap3A_741], %swap3A_744 {strides = array<i32>} : memref<64xf32, #tpu.memory_space<vmem>>, vector<16xf32>,
      %get3A_745 = arith.constant 32 : index
      %get3A_746 = tpu.vector_load %arg7[%get3A_745] {strides = array<i32>} : memref<64xf32, #tpu.memory_space<vmem>>, vector<16xf32>,
      %get3A_747 = vector.shape_cast %get3A_746 : vector<16xf32> to vector<16xf32>
      %get3A_748 = arith.constant 6 : i32
      %get3A_749 = arith.index_cast %get3A_748 : i32 to index
      %get3A_750 = arith.constant 32 : index
      %get3A_751 = tpu.vector_load %arg6[%get3A_749, %get3A_750] {strides = array<i32>} : memref<16x64xf32, #tpu.memory_space<vmem>>, vector<1x16xf32>,
      %get3A_752 = vector.shape_cast %get3A_751 : vector<1x16xf32> to vector<16xf32>
      %exp3A_753 = math.exp %get3A_752 : vector<16xf32>
      %add3A_754 = arith.addf %get3A_747, %exp3A_753 : vector<16xf32>
      %swap3A_755 = arith.constant 32 : index
      %swap3A_756 = tpu.vector_load %arg7[%swap3A_755] {strides = array<i32>} : memref<64xf32, #tpu.memory_space<vmem>>, vector<16xf32>,
      %swap3A_757 = vector.shape_cast %swap3A_756 : vector<16xf32> to vector<16xf32>
      %swap3A_758 = vector.shape_cast %add3A_754 : vector<16xf32> to vector<16xf32>
      tpu.vector_store %arg7[%swap3A_755], %swap3A_758 {strides = array<i32>} : memref<64xf32, #tpu.memory_space<vmem>>, vector<16xf32>,
      %get3A_759 = arith.constant 48 : index
      %get3A_760 = tpu.vector_load %arg7[%get3A_759] {strides = array<i32>} : memref<64xf32, #tpu.memory_space<vmem>>, vector<16xf32>,
      %get3A_761 = vector.shape_cast %get3A_760 : vector<16xf32> to vector<16xf32>
      %get3A_762 = arith.constant 6 : i32
      %get3A_763 = arith.index_cast %get3A_762 : i32 to index
      %get3A_764 = arith.constant 48 : index
      %get3A_765 = tpu.vector_load %arg6[%get3A_763, %get3A_764] {strides = array<i32>} : memref<16x64xf32, #tpu.memory_space<vmem>>, vector<1x16xf32>,
      %get3A_766 = vector.shape_cast %get3A_765 : vector<1x16xf32> to vector<16xf32>
      %exp3A_767 = math.exp %get3A_766 : vector<16xf32>
      %add3A_768 = arith.addf %get3A_761, %exp3A_767 : vector<16xf32>
      %swap3A_769 = arith.constant 48 : index
      %swap3A_770 = tpu.vector_load %arg7[%swap3A_769] {strides = array<i32>} : memref<64xf32, #tpu.memory_space<vmem>>, vector<16xf32>,
      %swap3A_771 = vector.shape_cast %swap3A_770 : vector<16xf32> to vector<16xf32>
      %swap3A_772 = vector.shape_cast %add3A_768 : vector<16xf32> to vector<16xf32>
      tpu.vector_store %arg7[%swap3A_769], %swap3A_772 {strides = array<i32>} : memref<64xf32, #tpu.memory_space<vmem>>, vector<16xf32>,
      %get3A_773 = arith.constant 0 : index
      %get3A_774 = tpu.vector_load %arg7[%get3A_773] {strides = array<i32>} : memref<64xf32, #tpu.memory_space<vmem>>, vector<16xf32>,
      %get3A_775 = vector.shape_cast %get3A_774 : vector<16xf32> to vector<16xf32>
      %get3A_776 = arith.constant 7 : i32
      %get3A_777 = arith.index_cast %get3A_776 : i32 to index
      %get3A_778 = arith.constant 0 : index
      %get3A_779 = tpu.vector_load %arg6[%get3A_777, %get3A_778] {strides = array<i32>} : memref<16x64xf32, #tpu.memory_space<vmem>>, vector<1x16xf32>,
      %get3A_780 = vector.shape_cast %get3A_779 : vector<1x16xf32> to vector<16xf32>
      %exp3A_781 = math.exp %get3A_780 : vector<16xf32>
      %add3A_782 = arith.addf %get3A_775, %exp3A_781 : vector<16xf32>
      %swap3A_783 = arith.constant 0 : index
      %swap3A_784 = tpu.vector_load %arg7[%swap3A_783] {strides = array<i32>} : memref<64xf32, #tpu.memory_space<vmem>>, vector<16xf32>,
      %swap3A_785 = vector.shape_cast %swap3A_784 : vector<16xf32> to vector<16xf32>
      %swap3A_786 = vector.shape_cast %add3A_782 : vector<16xf32> to vector<16xf32>
      tpu.vector_store %arg7[%swap3A_783], %swap3A_786 {strides = array<i32>} : memref<64xf32, #tpu.memory_space<vmem>>, vector<16xf32>,
      %get3A_787 = arith.constant 16 : index
      %get3A_788 = tpu.vector_load %arg7[%get3A_787] {strides = array<i32>} : memref<64xf32, #tpu.memory_space<vmem>>, vector<16xf32>,
      %get3A_789 = vector.shape_cast %get3A_788 : vector<16xf32> to vector<16xf32>
      %get3A_790 = arith.constant 7 : i32
      %get3A_791 = arith.index_cast %get3A_790 : i32 to index
      %get3A_792 = arith.constant 16 : index
      %get3A_793 = tpu.vector_load %arg6[%get3A_791, %get3A_792] {strides = array<i32>} : memref<16x64xf32, #tpu.memory_space<vmem>>, vector<1x16xf32>,
      %get3A_794 = vector.shape_cast %get3A_793 : vector<1x16xf32> to vector<16xf32>
      %exp3A_795 = math.exp %get3A_794 : vector<16xf32>
      %add3A_796 = arith.addf %get3A_789, %exp3A_795 : vector<16xf32>
      %swap3A_797 = arith.constant 16 : index
      %swap3A_798 = tpu.vector_load %arg7[%swap3A_797] {strides = array<i32>} : memref<64xf32, #tpu.memory_space<vmem>>, vector<16xf32>,
      %swap3A_799 = vector.shape_cast %swap3A_798 : vector<16xf32> to vector<16xf32>
      %swap3A_800 = vector.shape_cast %add3A_796 : vector<16xf32> to vector<16xf32>
      tpu.vector_store %arg7[%swap3A_797], %swap3A_800 {strides = array<i32>} : memref<64xf32, #tpu.memory_space<vmem>>, vector<16xf32>,
      %get3A_801 = arith.constant 32 : index
      %get3A_802 = tpu.vector_load %arg7[%get3A_801] {strides = array<i32>} : memref<64xf32, #tpu.memory_space<vmem>>, vector<16xf32>,
      %get3A_803 = vector.shape_cast %get3A_802 : vector<16xf32> to vector<16xf32>
      %get3A_804 = arith.constant 7 : i32
      %get3A_805 = arith.index_cast %get3A_804 : i32 to index
      %get3A_806 = arith.constant 32 : index
      %get3A_807 = tpu.vector_load %arg6[%get3A_805, %get3A_806] {strides = array<i32>} : memref<16x64xf32, #tpu.memory_space<vmem>>, vector<1x16xf32>,
      %get3A_808 = vector.shape_cast %get3A_807 : vector<1x16xf32> to vector<16xf32>
      %exp3A_809 = math.exp %get3A_808 : vector<16xf32>
      %add3A_810 = arith.addf %get3A_803, %exp3A_809 : vector<16xf32>
      %swap3A_811 = arith.constant 32 : index
      %swap3A_812 = tpu.vector_load %arg7[%swap3A_811] {strides = array<i32>} : memref<64xf32, #tpu.memory_space<vmem>>, vector<16xf32>,
      %swap3A_813 = vector.shape_cast %swap3A_812 : vector<16xf32> to vector<16xf32>
      %swap3A_814 = vector.shape_cast %add3A_810 : vector<16xf32> to vector<16xf32>
      tpu.vector_store %arg7[%swap3A_811], %swap3A_814 {strides = array<i32>} : memref<64xf32, #tpu.memory_space<vmem>>, vector<16xf32>,
      %get3A_815 = arith.constant 48 : index
      %get3A_816 = tpu.vector_load %arg7[%get3A_815] {strides = array<i32>} : memref<64xf32, #tpu.memory_space<vmem>>, vector<16xf32>,
      %get3A_817 = vector.shape_cast %get3A_816 : vector<16xf32> to vector<16xf32>
      %get3A_818 = arith.constant 7 : i32
      %get3A_819 = arith.index_cast %get3A_818 : i32 to index
      %get3A_820 = arith.constant 48 : index
      %get3A_821 = tpu.vector_load %arg6[%get3A_819, %get3A_820] {strides = array<i32>} : memref<16x64xf32, #tpu.memory_space<vmem>>, vector<1x16xf32>,
      %get3A_822 = vector.shape_cast %get3A_821 : vector<1x16xf32> to vector<16xf32>
      %exp3A_823 = math.exp %get3A_822 : vector<16xf32>
      %add3A_824 = arith.addf %get3A_817, %exp3A_823 : vector<16xf32>
      %swap3A_825 = arith.constant 48 : index
      %swap3A_826 = tpu.vector_load %arg7[%swap3A_825] {strides = array<i32>} : memref<64xf32, #tpu.memory_space<vmem>>, vector<16xf32>,
      %swap3A_827 = vector.shape_cast %swap3A_826 : vector<16xf32> to vector<16xf32>
      %swap3A_828 = vector.shape_cast %add3A_824 : vector<16xf32> to vector<16xf32>
      tpu.vector_store %arg7[%swap3A_825], %swap3A_828 {strides = array<i32>} : memref<64xf32, #tpu.memory_space<vmem>>, vector<16xf32>,
      %get3A_829 = arith.constant 0 : index
      %get3A_830 = tpu.vector_load %arg7[%get3A_829] {strides = array<i32>} : memref<64xf32, #tpu.memory_space<vmem>>, vector<16xf32>,
      %get3A_831 = vector.shape_cast %get3A_830 : vector<16xf32> to vector<16xf32>
      %get3A_832 = arith.constant 8 : i32
      %get3A_833 = arith.index_cast %get3A_832 : i32 to index
      %get3A_834 = arith.constant 0 : index
      %get3A_835 = tpu.vector_load %arg6[%get3A_833, %get3A_834] {strides = array<i32>} : memref<16x64xf32, #tpu.memory_space<vmem>>, vector<1x16xf32>,
      %get3A_836 = vector.shape_cast %get3A_835 : vector<1x16xf32> to vector<16xf32>
      %exp3A_837 = math.exp %get3A_836 : vector<16xf32>
      %add3A_838 = arith.addf %get3A_831, %exp3A_837 : vector<16xf32>
      %swap3A_839 = arith.constant 0 : index
      %swap3A_840 = tpu.vector_load %arg7[%swap3A_839] {strides = array<i32>} : memref<64xf32, #tpu.memory_space<vmem>>, vector<16xf32>,
      %swap3A_841 = vector.shape_cast %swap3A_840 : vector<16xf32> to vector<16xf32>
      %swap3A_842 = vector.shape_cast %add3A_838 : vector<16xf32> to vector<16xf32>
      tpu.vector_store %arg7[%swap3A_839], %swap3A_842 {strides = array<i32>} : memref<64xf32, #tpu.memory_space<vmem>>, vector<16xf32>,
      %get3A_843 = arith.constant 16 : index
      %get3A_844 = tpu.vector_load %arg7[%get3A_843] {strides = array<i32>} : memref<64xf32, #tpu.memory_space<vmem>>, vector<16xf32>,
      %get3A_845 = vector.shape_cast %get3A_844 : vector<16xf32> to vector<16xf32>
      %get3A_846 = arith.constant 8 : i32
      %get3A_847 = arith.index_cast %get3A_846 : i32 to index
      %get3A_848 = arith.constant 16 : index
      %get3A_849 = tpu.vector_load %arg6[%get3A_847, %get3A_848] {strides = array<i32>} : memref<16x64xf32, #tpu.memory_space<vmem>>, vector<1x16xf32>,
      %get3A_850 = vector.shape_cast %get3A_849 : vector<1x16xf32> to vector<16xf32>
      %exp3A_851 = math.exp %get3A_850 : vector<16xf32>
      %add3A_852 = arith.addf %get3A_845, %exp3A_851 : vector<16xf32>
      %swap3A_853 = arith.constant 16 : index
      %swap3A_854 = tpu.vector_load %arg7[%swap3A_853] {strides = array<i32>} : memref<64xf32, #tpu.memory_space<vmem>>, vector<16xf32>,
      %swap3A_855 = vector.shape_cast %swap3A_854 : vector<16xf32> to vector<16xf32>
      %swap3A_856 = vector.shape_cast %add3A_852 : vector<16xf32> to vector<16xf32>
      tpu.vector_store %arg7[%swap3A_853], %swap3A_856 {strides = array<i32>} : memref<64xf32, #tpu.memory_space<vmem>>, vector<16xf32>,
      %get3A_857 = arith.constant 32 : index
      %get3A_858 = tpu.vector_load %arg7[%get3A_857] {strides = array<i32>} : memref<64xf32, #tpu.memory_space<vmem>>, vector<16xf32>,
      %get3A_859 = vector.shape_cast %get3A_858 : vector<16xf32> to vector<16xf32>
      %get3A_860 = arith.constant 8 : i32
      %get3A_861 = arith.index_cast %get3A_860 : i32 to index
      %get3A_862 = arith.constant 32 : index
      %get3A_863 = tpu.vector_load %arg6[%get3A_861, %get3A_862] {strides = array<i32>} : memref<16x64xf32, #tpu.memory_space<vmem>>, vector<1x16xf32>,
      %get3A_864 = vector.shape_cast %get3A_863 : vector<1x16xf32> to vector<16xf32>
      %exp3A_865 = math.exp %get3A_864 : vector<16xf32>
      %add3A_866 = arith.addf %get3A_859, %exp3A_865 : vector<16xf32>
      %swap3A_867 = arith.constant 32 : index
      %swap3A_868 = tpu.vector_load %arg7[%swap3A_867] {strides = array<i32>} : memref<64xf32, #tpu.memory_space<vmem>>, vector<16xf32>,
      %swap3A_869 = vector.shape_cast %swap3A_868 : vector<16xf32> to vector<16xf32>
      %swap3A_870 = vector.shape_cast %add3A_866 : vector<16xf32> to vector<16xf32>
      tpu.vector_store %arg7[%swap3A_867], %swap3A_870 {strides = array<i32>} : memref<64xf32, #tpu.memory_space<vmem>>, vector<16xf32>,
      %get3A_871 = arith.constant 48 : index
      %get3A_872 = tpu.vector_load %arg7[%get3A_871] {strides = array<i32>} : memref<64xf32, #tpu.memory_space<vmem>>, vector<16xf32>,
      %get3A_873 = vector.shape_cast %get3A_872 : vector<16xf32> to vector<16xf32>
      %get3A_874 = arith.constant 8 : i32
      %get3A_875 = arith.index_cast %get3A_874 : i32 to index
      %get3A_876 = arith.constant 48 : index
      %get3A_877 = tpu.vector_load %arg6[%get3A_875, %get3A_876] {strides = array<i32>} : memref<16x64xf32, #tpu.memory_space<vmem>>, vector<1x16xf32>,
      %get3A_878 = vector.shape_cast %get3A_877 : vector<1x16xf32> to vector<16xf32>
      %exp3A_879 = math.exp %get3A_878 : vector<16xf32>
      %add3A_880 = arith.addf %get3A_873, %exp3A_879 : vector<16xf32>
      %swap3A_881 = arith.constant 48 : index
      %swap3A_882 = tpu.vector_load %arg7[%swap3A_881] {strides = array<i32>} : memref<64xf32, #tpu.memory_space<vmem>>, vector<16xf32>,
      %swap3A_883 = vector.shape_cast %swap3A_882 : vector<16xf32> to vector<16xf32>
      %swap3A_884 = vector.shape_cast %add3A_880 : vector<16xf32> to vector<16xf32>
      tpu.vector_store %arg7[%swap3A_881], %swap3A_884 {strides = array<i32>} : memref<64xf32, #tpu.memory_space<vmem>>, vector<16xf32>,
      %get3A_885 = arith.constant 0 : index
      %get3A_886 = tpu.vector_load %arg7[%get3A_885] {strides = array<i32>} : memref<64xf32, #tpu.memory_space<vmem>>, vector<16xf32>,
      %get3A_887 = vector.shape_cast %get3A_886 : vector<16xf32> to vector<16xf32>
      %get3A_888 = arith.constant 9 : i32
      %get3A_889 = arith.index_cast %get3A_888 : i32 to index
      %get3A_890 = arith.constant 0 : index
      %get3A_891 = tpu.vector_load %arg6[%get3A_889, %get3A_890] {strides = array<i32>} : memref<16x64xf32, #tpu.memory_space<vmem>>, vector<1x16xf32>,
      %get3A_892 = vector.shape_cast %get3A_891 : vector<1x16xf32> to vector<16xf32>
      %exp3A_893 = math.exp %get3A_892 : vector<16xf32>
      %add3A_894 = arith.addf %get3A_887, %exp3A_893 : vector<16xf32>
      %swap3A_895 = arith.constant 0 : index
      %swap3A_896 = tpu.vector_load %arg7[%swap3A_895] {strides = array<i32>} : memref<64xf32, #tpu.memory_space<vmem>>, vector<16xf32>,
      %swap3A_897 = vector.shape_cast %swap3A_896 : vector<16xf32> to vector<16xf32>
      %swap3A_898 = vector.shape_cast %add3A_894 : vector<16xf32> to vector<16xf32>
      tpu.vector_store %arg7[%swap3A_895], %swap3A_898 {strides = array<i32>} : memref<64xf32, #tpu.memory_space<vmem>>, vector<16xf32>,
      %get3A_899 = arith.constant 16 : index
      %get3A_900 = tpu.vector_load %arg7[%get3A_899] {strides = array<i32>} : memref<64xf32, #tpu.memory_space<vmem>>, vector<16xf32>,
      %get3A_901 = vector.shape_cast %get3A_900 : vector<16xf32> to vector<16xf32>
      %get3A_902 = arith.constant 9 : i32
      %get3A_903 = arith.index_cast %get3A_902 : i32 to index
      %get3A_904 = arith.constant 16 : index
      %get3A_905 = tpu.vector_load %arg6[%get3A_903, %get3A_904] {strides = array<i32>} : memref<16x64xf32, #tpu.memory_space<vmem>>, vector<1x16xf32>,
      %get3A_906 = vector.shape_cast %get3A_905 : vector<1x16xf32> to vector<16xf32>
      %exp3A_907 = math.exp %get3A_906 : vector<16xf32>
      %add3A_908 = arith.addf %get3A_901, %exp3A_907 : vector<16xf32>
      %swap3A_909 = arith.constant 16 : index
      %swap3A_910 = tpu.vector_load %arg7[%swap3A_909] {strides = array<i32>} : memref<64xf32, #tpu.memory_space<vmem>>, vector<16xf32>,
      %swap3A_911 = vector.shape_cast %swap3A_910 : vector<16xf32> to vector<16xf32>
      %swap3A_912 = vector.shape_cast %add3A_908 : vector<16xf32> to vector<16xf32>
      tpu.vector_store %arg7[%swap3A_909], %swap3A_912 {strides = array<i32>} : memref<64xf32, #tpu.memory_space<vmem>>, vector<16xf32>,
      %get3A_913 = arith.constant 32 : index
      %get3A_914 = tpu.vector_load %arg7[%get3A_913] {strides = array<i32>} : memref<64xf32, #tpu.memory_space<vmem>>, vector<16xf32>,
      %get3A_915 = vector.shape_cast %get3A_914 : vector<16xf32> to vector<16xf32>
      %get3A_916 = arith.constant 9 : i32
      %get3A_917 = arith.index_cast %get3A_916 : i32 to index
      %get3A_918 = arith.constant 32 : index
      %get3A_919 = tpu.vector_load %arg6[%get3A_917, %get3A_918] {strides = array<i32>} : memref<16x64xf32, #tpu.memory_space<vmem>>, vector<1x16xf32>,
      %get3A_920 = vector.shape_cast %get3A_919 : vector<1x16xf32> to vector<16xf32>
      %exp3A_921 = math.exp %get3A_920 : vector<16xf32>
      %add3A_922 = arith.addf %get3A_915, %exp3A_921 : vector<16xf32>
      %swap3A_923 = arith.constant 32 : index
      %swap3A_924 = tpu.vector_load %arg7[%swap3A_923] {strides = array<i32>} : memref<64xf32, #tpu.memory_space<vmem>>, vector<16xf32>,
      %swap3A_925 = vector.shape_cast %swap3A_924 : vector<16xf32> to vector<16xf32>
      %swap3A_926 = vector.shape_cast %add3A_922 : vector<16xf32> to vector<16xf32>
      tpu.vector_store %arg7[%swap3A_923], %swap3A_926 {strides = array<i32>} : memref<64xf32, #tpu.memory_space<vmem>>, vector<16xf32>,
      %get3A_927 = arith.constant 48 : index
      %get3A_928 = tpu.vector_load %arg7[%get3A_927] {strides = array<i32>} : memref<64xf32, #tpu.memory_space<vmem>>, vector<16xf32>,
      %get3A_929 = vector.shape_cast %get3A_928 : vector<16xf32> to vector<16xf32>
      %get3A_930 = arith.constant 9 : i32
      %get3A_931 = arith.index_cast %get3A_930 : i32 to index
      %get3A_932 = arith.constant 48 : index
      %get3A_933 = tpu.vector_load %arg6[%get3A_931, %get3A_932] {strides = array<i32>} : memref<16x64xf32, #tpu.memory_space<vmem>>, vector<1x16xf32>,
      %get3A_934 = vector.shape_cast %get3A_933 : vector<1x16xf32> to vector<16xf32>
      %exp3A_935 = math.exp %get3A_934 : vector<16xf32>
      %add3A_936 = arith.addf %get3A_929, %exp3A_935 : vector<16xf32>
      %swap3A_937 = arith.constant 48 : index
      %swap3A_938 = tpu.vector_load %arg7[%swap3A_937] {strides = array<i32>} : memref<64xf32, #tpu.memory_space<vmem>>, vector<16xf32>,
      %swap3A_939 = vector.shape_cast %swap3A_938 : vector<16xf32> to vector<16xf32>
      %swap3A_940 = vector.shape_cast %add3A_936 : vector<16xf32> to vector<16xf32>
      tpu.vector_store %arg7[%swap3A_937], %swap3A_940 {strides = array<i32>} : memref<64xf32, #tpu.memory_space<vmem>>, vector<16xf32>,
      %get3A_941 = arith.constant 0 : index
      %get3A_942 = tpu.vector_load %arg7[%get3A_941] {strides = array<i32>} : memref<64xf32, #tpu.memory_space<vmem>>, vector<16xf32>,
      %get3A_943 = vector.shape_cast %get3A_942 : vector<16xf32> to vector<16xf32>
      %get3A_944 = arith.constant 10 : i32
      %get3A_945 = arith.index_cast %get3A_944 : i32 to index
      %get3A_946 = arith.constant 0 : index
      %get3A_947 = tpu.vector_load %arg6[%get3A_945, %get3A_946] {strides = array<i32>} : memref<16x64xf32, #tpu.memory_space<vmem>>, vector<1x16xf32>,
      %get3A_948 = vector.shape_cast %get3A_947 : vector<1x16xf32> to vector<16xf32>
      %exp3A_949 = math.exp %get3A_948 : vector<16xf32>
      %add3A_950 = arith.addf %get3A_943, %exp3A_949 : vector<16xf32>
      %swap3A_951 = arith.constant 0 : index
      %swap3A_952 = tpu.vector_load %arg7[%swap3A_951] {strides = array<i32>} : memref<64xf32, #tpu.memory_space<vmem>>, vector<16xf32>,
      %swap3A_953 = vector.shape_cast %swap3A_952 : vector<16xf32> to vector<16xf32>
      %swap3A_954 = vector.shape_cast %add3A_950 : vector<16xf32> to vector<16xf32>
      tpu.vector_store %arg7[%swap3A_951], %swap3A_954 {strides = array<i32>} : memref<64xf32, #tpu.memory_space<vmem>>, vector<16xf32>,
      %get3A_955 = arith.constant 16 : index
      %get3A_956 = tpu.vector_load %arg7[%get3A_955] {strides = array<i32>} : memref<64xf32, #tpu.memory_space<vmem>>, vector<16xf32>,
      %get3A_957 = vector.shape_cast %get3A_956 : vector<16xf32> to vector<16xf32>
      %get3A_958 = arith.constant 10 : i32
      %get3A_959 = arith.index_cast %get3A_958 : i32 to index
      %get3A_960 = arith.constant 16 : index
      %get3A_961 = tpu.vector_load %arg6[%get3A_959, %get3A_960] {strides = array<i32>} : memref<16x64xf32, #tpu.memory_space<vmem>>, vector<1x16xf32>,
      %get3A_962 = vector.shape_cast %get3A_961 : vector<1x16xf32> to vector<16xf32>
      %exp3A_963 = math.exp %get3A_962 : vector<16xf32>
      %add3A_964 = arith.addf %get3A_957, %exp3A_963 : vector<16xf32>
      %swap3A_965 = arith.constant 16 : index
      %swap3A_966 = tpu.vector_load %arg7[%swap3A_965] {strides = array<i32>} : memref<64xf32, #tpu.memory_space<vmem>>, vector<16xf32>,
      %swap3A_967 = vector.shape_cast %swap3A_966 : vector<16xf32> to vector<16xf32>
      %swap3A_968 = vector.shape_cast %add3A_964 : vector<16xf32> to vector<16xf32>
      tpu.vector_store %arg7[%swap3A_965], %swap3A_968 {strides = array<i32>} : memref<64xf32, #tpu.memory_space<vmem>>, vector<16xf32>,
      %get3A_969 = arith.constant 32 : index
      %get3A_970 = tpu.vector_load %arg7[%get3A_969] {strides = array<i32>} : memref<64xf32, #tpu.memory_space<vmem>>, vector<16xf32>,
      %get3A_971 = vector.shape_cast %get3A_970 : vector<16xf32> to vector<16xf32>
      %get3A_972 = arith.constant 10 : i32
      %get3A_973 = arith.index_cast %get3A_972 : i32 to index
      %get3A_974 = arith.constant 32 : index
      %get3A_975 = tpu.vector_load %arg6[%get3A_973, %get3A_974] {strides = array<i32>} : memref<16x64xf32, #tpu.memory_space<vmem>>, vector<1x16xf32>,
      %get3A_976 = vector.shape_cast %get3A_975 : vector<1x16xf32> to vector<16xf32>
      %exp3A_977 = math.exp %get3A_976 : vector<16xf32>
      %add3A_978 = arith.addf %get3A_971, %exp3A_977 : vector<16xf32>
      %swap3A_979 = arith.constant 32 : index
      %swap3A_980 = tpu.vector_load %arg7[%swap3A_979] {strides = array<i32>} : memref<64xf32, #tpu.memory_space<vmem>>, vector<16xf32>,
      %swap3A_981 = vector.shape_cast %swap3A_980 : vector<16xf32> to vector<16xf32>
      %swap3A_982 = vector.shape_cast %add3A_978 : vector<16xf32> to vector<16xf32>
      tpu.vector_store %arg7[%swap3A_979], %swap3A_982 {strides = array<i32>} : memref<64xf32, #tpu.memory_space<vmem>>, vector<16xf32>,
      %get3A_983 = arith.constant 48 : index
      %get3A_984 = tpu.vector_load %arg7[%get3A_983] {strides = array<i32>} : memref<64xf32, #tpu.memory_space<vmem>>, vector<16xf32>,
      %get3A_985 = vector.shape_cast %get3A_984 : vector<16xf32> to vector<16xf32>
      %get3A_986 = arith.constant 10 : i32
      %get3A_987 = arith.index_cast %get3A_986 : i32 to index
      %get3A_988 = arith.constant 48 : index
      %get3A_989 = tpu.vector_load %arg6[%get3A_987, %get3A_988] {strides = array<i32>} : memref<16x64xf32, #tpu.memory_space<vmem>>, vector<1x16xf32>,
      %get3A_990 = vector.shape_cast %get3A_989 : vector<1x16xf32> to vector<16xf32>
      %exp3A_991 = math.exp %get3A_990 : vector<16xf32>
      %add3A_992 = arith.addf %get3A_985, %exp3A_991 : vector<16xf32>
      %swap3A_993 = arith.constant 48 : index
      %swap3A_994 = tpu.vector_load %arg7[%swap3A_993] {strides = array<i32>} : memref<64xf32, #tpu.memory_space<vmem>>, vector<16xf32>,
      %swap3A_995 = vector.shape_cast %swap3A_994 : vector<16xf32> to vector<16xf32>
      %swap3A_996 = vector.shape_cast %add3A_992 : vector<16xf32> to vector<16xf32>
      tpu.vector_store %arg7[%swap3A_993], %swap3A_996 {strides = array<i32>} : memref<64xf32, #tpu.memory_space<vmem>>, vector<16xf32>,
      %get3A_997 = arith.constant 0 : index
      %get3A_998 = tpu.vector_load %arg7[%get3A_997] {strides = array<i32>} : memref<64xf32, #tpu.memory_space<vmem>>, vector<16xf32>,
      %get3A_999 = vector.shape_cast %get3A_998 : vector<16xf32> to vector<16xf32>
      %get3A_1000 = arith.constant 11 : i32
      %get3A_1001 = arith.index_cast %get3A_1000 : i32 to index
      %get3A_1002 = arith.constant 0 : index
      %get3A_1003 = tpu.vector_load %arg6[%get3A_1001, %get3A_1002] {strides = array<i32>} : memref<16x64xf32, #tpu.memory_space<vmem>>, vector<1x16xf32>,
      %get3A_1004 = vector.shape_cast %get3A_1003 : vector<1x16xf32> to vector<16xf32>
      %exp3A_1005 = math.exp %get3A_1004 : vector<16xf32>
      %add3A_1006 = arith.addf %get3A_999, %exp3A_1005 : vector<16xf32>
      %swap3A_1007 = arith.constant 0 : index
      %swap3A_1008 = tpu.vector_load %arg7[%swap3A_1007] {strides = array<i32>} : memref<64xf32, #tpu.memory_space<vmem>>, vector<16xf32>,
      %swap3A_1009 = vector.shape_cast %swap3A_1008 : vector<16xf32> to vector<16xf32>
      %swap3A_1010 = vector.shape_cast %add3A_1006 : vector<16xf32> to vector<16xf32>
      tpu.vector_store %arg7[%swap3A_1007], %swap3A_1010 {strides = array<i32>} : memref<64xf32, #tpu.memory_space<vmem>>, vector<16xf32>,
      %get3A_1011 = arith.constant 16 : index
      %get3A_1012 = tpu.vector_load %arg7[%get3A_1011] {strides = array<i32>} : memref<64xf32, #tpu.memory_space<vmem>>, vector<16xf32>,
      %get3A_1013 = vector.shape_cast %get3A_1012 : vector<16xf32> to vector<16xf32>
      %get3A_1014 = arith.constant 11 : i32
      %get3A_1015 = arith.index_cast %get3A_1014 : i32 to index
      %get3A_1016 = arith.constant 16 : index
      %get3A_1017 = tpu.vector_load %arg6[%get3A_1015, %get3A_1016] {strides = array<i32>} : memref<16x64xf32, #tpu.memory_space<vmem>>, vector<1x16xf32>,
      %get3A_1018 = vector.shape_cast %get3A_1017 : vector<1x16xf32> to vector<16xf32>
      %exp3A_1019 = math.exp %get3A_1018 : vector<16xf32>
      %add3A_1020 = arith.addf %get3A_1013, %exp3A_1019 : vector<16xf32>
      %swap3A_1021 = arith.constant 16 : index
      %swap3A_1022 = tpu.vector_load %arg7[%swap3A_1021] {strides = array<i32>} : memref<64xf32, #tpu.memory_space<vmem>>, vector<16xf32>,
      %swap3A_1023 = vector.shape_cast %swap3A_1022 : vector<16xf32> to vector<16xf32>
      %swap3A_1024 = vector.shape_cast %add3A_1020 : vector<16xf32> to vector<16xf32>
      tpu.vector_store %arg7[%swap3A_1021], %swap3A_1024 {strides = array<i32>} : memref<64xf32, #tpu.memory_space<vmem>>, vector<16xf32>,
      %get3A_1025 = arith.constant 32 : index
      %get3A_1026 = tpu.vector_load %arg7[%get3A_1025] {strides = array<i32>} : memref<64xf32, #tpu.memory_space<vmem>>, vector<16xf32>,
      %get3A_1027 = vector.shape_cast %get3A_1026 : vector<16xf32> to vector<16xf32>
      %get3A_1028 = arith.constant 11 : i32
      %get3A_1029 = arith.index_cast %get3A_1028 : i32 to index
      %get3A_1030 = arith.constant 32 : index
      %get3A_1031 = tpu.vector_load %arg6[%get3A_1029, %get3A_1030] {strides = array<i32>} : memref<16x64xf32, #tpu.memory_space<vmem>>, vector<1x16xf32>,
      %get3A_1032 = vector.shape_cast %get3A_1031 : vector<1x16xf32> to vector<16xf32>
      %exp3A_1033 = math.exp %get3A_1032 : vector<16xf32>
      %add3A_1034 = arith.addf %get3A_1027, %exp3A_1033 : vector<16xf32>
      %swap3A_1035 = arith.constant 32 : index
      %swap3A_1036 = tpu.vector_load %arg7[%swap3A_1035] {strides = array<i32>} : memref<64xf32, #tpu.memory_space<vmem>>, vector<16xf32>,
      %swap3A_1037 = vector.shape_cast %swap3A_1036 : vector<16xf32> to vector<16xf32>
      %swap3A_1038 = vector.shape_cast %add3A_1034 : vector<16xf32> to vector<16xf32>
      tpu.vector_store %arg7[%swap3A_1035], %swap3A_1038 {strides = array<i32>} : memref<64xf32, #tpu.memory_space<vmem>>, vector<16xf32>,
      %get3A_1039 = arith.constant 48 : index
      %get3A_1040 = tpu.vector_load %arg7[%get3A_1039] {strides = array<i32>} : memref<64xf32, #tpu.memory_space<vmem>>, vector<16xf32>,
      %get3A_1041 = vector.shape_cast %get3A_1040 : vector<16xf32> to vector<16xf32>
      %get3A_1042 = arith.constant 11 : i32
      %get3A_1043 = arith.index_cast %get3A_1042 : i32 to index
      %get3A_1044 = arith.constant 48 : index
      %get3A_1045 = tpu.vector_load %arg6[%get3A_1043, %get3A_1044] {strides = array<i32>} : memref<16x64xf32, #tpu.memory_space<vmem>>, vector<1x16xf32>,
      %get3A_1046 = vector.shape_cast %get3A_1045 : vector<1x16xf32> to vector<16xf32>
      %exp3A_1047 = math.exp %get3A_1046 : vector<16xf32>
      %add3A_1048 = arith.addf %get3A_1041, %exp3A_1047 : vector<16xf32>
      %swap3A_1049 = arith.constant 48 : index
      %swap3A_1050 = tpu.vector_load %arg7[%swap3A_1049] {strides = array<i32>} : memref<64xf32, #tpu.memory_space<vmem>>, vector<16xf32>,
      %swap3A_1051 = vector.shape_cast %swap3A_1050 : vector<16xf32> to vector<16xf32>
      %swap3A_1052 = vector.shape_cast %add3A_1048 : vector<16xf32> to vector<16xf32>
      tpu.vector_store %arg7[%swap3A_1049], %swap3A_1052 {strides = array<i32>} : memref<64xf32, #tpu.memory_space<vmem>>, vector<16xf32>,
      %get3A_1053 = arith.constant 0 : index
      %get3A_1054 = tpu.vector_load %arg7[%get3A_1053] {strides = array<i32>} : memref<64xf32, #tpu.memory_space<vmem>>, vector<16xf32>,
      %get3A_1055 = vector.shape_cast %get3A_1054 : vector<16xf32> to vector<16xf32>
      %get3A_1056 = arith.constant 12 : i32
      %get3A_1057 = arith.index_cast %get3A_1056 : i32 to index
      %get3A_1058 = arith.constant 0 : index
      %get3A_1059 = tpu.vector_load %arg6[%get3A_1057, %get3A_1058] {strides = array<i32>} : memref<16x64xf32, #tpu.memory_space<vmem>>, vector<1x16xf32>,
      %get3A_1060 = vector.shape_cast %get3A_1059 : vector<1x16xf32> to vector<16xf32>
      %exp3A_1061 = math.exp %get3A_1060 : vector<16xf32>
      %add3A_1062 = arith.addf %get3A_1055, %exp3A_1061 : vector<16xf32>
      %swap3A_1063 = arith.constant 0 : index
      %swap3A_1064 = tpu.vector_load %arg7[%swap3A_1063] {strides = array<i32>} : memref<64xf32, #tpu.memory_space<vmem>>, vector<16xf32>,
      %swap3A_1065 = vector.shape_cast %swap3A_1064 : vector<16xf32> to vector<16xf32>
      %swap3A_1066 = vector.shape_cast %add3A_1062 : vector<16xf32> to vector<16xf32>
      tpu.vector_store %arg7[%swap3A_1063], %swap3A_1066 {strides = array<i32>} : memref<64xf32, #tpu.memory_space<vmem>>, vector<16xf32>,
      %get3A_1067 = arith.constant 16 : index
      %get3A_1068 = tpu.vector_load %arg7[%get3A_1067] {strides = array<i32>} : memref<64xf32, #tpu.memory_space<vmem>>, vector<16xf32>,
      %get3A_1069 = vector.shape_cast %get3A_1068 : vector<16xf32> to vector<16xf32>
      %get3A_1070 = arith.constant 12 : i32
      %get3A_1071 = arith.index_cast %get3A_1070 : i32 to index
      %get3A_1072 = arith.constant 16 : index
      %get3A_1073 = tpu.vector_load %arg6[%get3A_1071, %get3A_1072] {strides = array<i32>} : memref<16x64xf32, #tpu.memory_space<vmem>>, vector<1x16xf32>,
      %get3A_1074 = vector.shape_cast %get3A_1073 : vector<1x16xf32> to vector<16xf32>
      %exp3A_1075 = math.exp %get3A_1074 : vector<16xf32>
      %add3A_1076 = arith.addf %get3A_1069, %exp3A_1075 : vector<16xf32>
      %swap3A_1077 = arith.constant 16 : index
      %swap3A_1078 = tpu.vector_load %arg7[%swap3A_1077] {strides = array<i32>} : memref<64xf32, #tpu.memory_space<vmem>>, vector<16xf32>,
      %swap3A_1079 = vector.shape_cast %swap3A_1078 : vector<16xf32> to vector<16xf32>
      %swap3A_1080 = vector.shape_cast %add3A_1076 : vector<16xf32> to vector<16xf32>
      tpu.vector_store %arg7[%swap3A_1077], %swap3A_1080 {strides = array<i32>} : memref<64xf32, #tpu.memory_space<vmem>>, vector<16xf32>,
      %get3A_1081 = arith.constant 32 : index
      %get3A_1082 = tpu.vector_load %arg7[%get3A_1081] {strides = array<i32>} : memref<64xf32, #tpu.memory_space<vmem>>, vector<16xf32>,
      %get3A_1083 = vector.shape_cast %get3A_1082 : vector<16xf32> to vector<16xf32>
      %get3A_1084 = arith.constant 12 : i32
      %get3A_1085 = arith.index_cast %get3A_1084 : i32 to index
      %get3A_1086 = arith.constant 32 : index
      %get3A_1087 = tpu.vector_load %arg6[%get3A_1085, %get3A_1086] {strides = array<i32>} : memref<16x64xf32, #tpu.memory_space<vmem>>, vector<1x16xf32>,
      %get3A_1088 = vector.shape_cast %get3A_1087 : vector<1x16xf32> to vector<16xf32>
      %exp3A_1089 = math.exp %get3A_1088 : vector<16xf32>
      %add3A_1090 = arith.addf %get3A_1083, %exp3A_1089 : vector<16xf32>
      %swap3A_1091 = arith.constant 32 : index
      %swap3A_1092 = tpu.vector_load %arg7[%swap3A_1091] {strides = array<i32>} : memref<64xf32, #tpu.memory_space<vmem>>, vector<16xf32>,
      %swap3A_1093 = vector.shape_cast %swap3A_1092 : vector<16xf32> to vector<16xf32>
      %swap3A_1094 = vector.shape_cast %add3A_1090 : vector<16xf32> to vector<16xf32>
      tpu.vector_store %arg7[%swap3A_1091], %swap3A_1094 {strides = array<i32>} : memref<64xf32, #tpu.memory_space<vmem>>, vector<16xf32>,
      %get3A_1095 = arith.constant 48 : index
      %get3A_1096 = tpu.vector_load %arg7[%get3A_1095] {strides = array<i32>} : memref<64xf32, #tpu.memory_space<vmem>>, vector<16xf32>,
      %get3A_1097 = vector.shape_cast %get3A_1096 : vector<16xf32> to vector<16xf32>
      %get3A_1098 = arith.constant 12 : i32
      %get3A_1099 = arith.index_cast %get3A_1098 : i32 to index
      %get3A_1100 = arith.constant 48 : index
      %get3A_1101 = tpu.vector_load %arg6[%get3A_1099, %get3A_1100] {strides = array<i32>} : memref<16x64xf32, #tpu.memory_space<vmem>>, vector<1x16xf32>,
      %get3A_1102 = vector.shape_cast %get3A_1101 : vector<1x16xf32> to vector<16xf32>
      %exp3A_1103 = math.exp %get3A_1102 : vector<16xf32>
      %add3A_1104 = arith.addf %get3A_1097, %exp3A_1103 : vector<16xf32>
      %swap3A_1105 = arith.constant 48 : index
      %swap3A_1106 = tpu.vector_load %arg7[%swap3A_1105] {strides = array<i32>} : memref<64xf32, #tpu.memory_space<vmem>>, vector<16xf32>,
      %swap3A_1107 = vector.shape_cast %swap3A_1106 : vector<16xf32> to vector<16xf32>
      %swap3A_1108 = vector.shape_cast %add3A_1104 : vector<16xf32> to vector<16xf32>
      tpu.vector_store %arg7[%swap3A_1105], %swap3A_1108 {strides = array<i32>} : memref<64xf32, #tpu.memory_space<vmem>>, vector<16xf32>,
      %get3A_1109 = arith.constant 0 : index
      %get3A_1110 = tpu.vector_load %arg7[%get3A_1109] {strides = array<i32>} : memref<64xf32, #tpu.memory_space<vmem>>, vector<16xf32>,
      %get3A_1111 = vector.shape_cast %get3A_1110 : vector<16xf32> to vector<16xf32>
      %get3A_1112 = arith.constant 13 : i32
      %get3A_1113 = arith.index_cast %get3A_1112 : i32 to index
      %get3A_1114 = arith.constant 0 : index
      %get3A_1115 = tpu.vector_load %arg6[%get3A_1113, %get3A_1114] {strides = array<i32>} : memref<16x64xf32, #tpu.memory_space<vmem>>, vector<1x16xf32>,
      %get3A_1116 = vector.shape_cast %get3A_1115 : vector<1x16xf32> to vector<16xf32>
      %exp3A_1117 = math.exp %get3A_1116 : vector<16xf32>
      %add3A_1118 = arith.addf %get3A_1111, %exp3A_1117 : vector<16xf32>
      %swap3A_1119 = arith.constant 0 : index
      %swap3A_1120 = tpu.vector_load %arg7[%swap3A_1119] {strides = array<i32>} : memref<64xf32, #tpu.memory_space<vmem>>, vector<16xf32>,
      %swap3A_1121 = vector.shape_cast %swap3A_1120 : vector<16xf32> to vector<16xf32>
      %swap3A_1122 = vector.shape_cast %add3A_1118 : vector<16xf32> to vector<16xf32>
      tpu.vector_store %arg7[%swap3A_1119], %swap3A_1122 {strides = array<i32>} : memref<64xf32, #tpu.memory_space<vmem>>, vector<16xf32>,
      %get3A_1123 = arith.constant 16 : index
      %get3A_1124 = tpu.vector_load %arg7[%get3A_1123] {strides = array<i32>} : memref<64xf32, #tpu.memory_space<vmem>>, vector<16xf32>,
      %get3A_1125 = vector.shape_cast %get3A_1124 : vector<16xf32> to vector<16xf32>
      %get3A_1126 = arith.constant 13 : i32
      %get3A_1127 = arith.index_cast %get3A_1126 : i32 to index
      %get3A_1128 = arith.constant 16 : index
      %get3A_1129 = tpu.vector_load %arg6[%get3A_1127, %get3A_1128] {strides = array<i32>} : memref<16x64xf32, #tpu.memory_space<vmem>>, vector<1x16xf32>,
      %get3A_1130 = vector.shape_cast %get3A_1129 : vector<1x16xf32> to vector<16xf32>
      %exp3A_1131 = math.exp %get3A_1130 : vector<16xf32>
      %add3A_1132 = arith.addf %get3A_1125, %exp3A_1131 : vector<16xf32>
      %swap3A_1133 = arith.constant 16 : index
      %swap3A_1134 = tpu.vector_load %arg7[%swap3A_1133] {strides = array<i32>} : memref<64xf32, #tpu.memory_space<vmem>>, vector<16xf32>,
      %swap3A_1135 = vector.shape_cast %swap3A_1134 : vector<16xf32> to vector<16xf32>
      %swap3A_1136 = vector.shape_cast %add3A_1132 : vector<16xf32> to vector<16xf32>
      tpu.vector_store %arg7[%swap3A_1133], %swap3A_1136 {strides = array<i32>} : memref<64xf32, #tpu.memory_space<vmem>>, vector<16xf32>,
      %get3A_1137 = arith.constant 32 : index
      %get3A_1138 = tpu.vector_load %arg7[%get3A_1137] {strides = array<i32>} : memref<64xf32, #tpu.memory_space<vmem>>, vector<16xf32>,
      %get3A_1139 = vector.shape_cast %get3A_1138 : vector<16xf32> to vector<16xf32>
      %get3A_1140 = arith.constant 13 : i32
      %get3A_1141 = arith.index_cast %get3A_1140 : i32 to index
      %get3A_1142 = arith.constant 32 : index
      %get3A_1143 = tpu.vector_load %arg6[%get3A_1141, %get3A_1142] {strides = array<i32>} : memref<16x64xf32, #tpu.memory_space<vmem>>, vector<1x16xf32>,
      %get3A_1144 = vector.shape_cast %get3A_1143 : vector<1x16xf32> to vector<16xf32>
      %exp3A_1145 = math.exp %get3A_1144 : vector<16xf32>
      %add3A_1146 = arith.addf %get3A_1139, %exp3A_1145 : vector<16xf32>
      %swap3A_1147 = arith.constant 32 : index
      %swap3A_1148 = tpu.vector_load %arg7[%swap3A_1147] {strides = array<i32>} : memref<64xf32, #tpu.memory_space<vmem>>, vector<16xf32>,
      %swap3A_1149 = vector.shape_cast %swap3A_1148 : vector<16xf32> to vector<16xf32>
      %swap3A_1150 = vector.shape_cast %add3A_1146 : vector<16xf32> to vector<16xf32>
      tpu.vector_store %arg7[%swap3A_1147], %swap3A_1150 {strides = array<i32>} : memref<64xf32, #tpu.memory_space<vmem>>, vector<16xf32>,
      %get3A_1151 = arith.constant 48 : index
      %get3A_1152 = tpu.vector_load %arg7[%get3A_1151] {strides = array<i32>} : memref<64xf32, #tpu.memory_space<vmem>>, vector<16xf32>,
      %get3A_1153 = vector.shape_cast %get3A_1152 : vector<16xf32> to vector<16xf32>
      %get3A_1154 = arith.constant 13 : i32
      %get3A_1155 = arith.index_cast %get3A_1154 : i32 to index
      %get3A_1156 = arith.constant 48 : index
      %get3A_1157 = tpu.vector_load %arg6[%get3A_1155, %get3A_1156] {strides = array<i32>} : memref<16x64xf32, #tpu.memory_space<vmem>>, vector<1x16xf32>,
      %get3A_1158 = vector.shape_cast %get3A_1157 : vector<1x16xf32> to vector<16xf32>
      %exp3A_1159 = math.exp %get3A_1158 : vector<16xf32>
      %add3A_1160 = arith.addf %get3A_1153, %exp3A_1159 : vector<16xf32>
      %swap3A_1161 = arith.constant 48 : index
      %swap3A_1162 = tpu.vector_load %arg7[%swap3A_1161] {strides = array<i32>} : memref<64xf32, #tpu.memory_space<vmem>>, vector<16xf32>,
      %swap3A_1163 = vector.shape_cast %swap3A_1162 : vector<16xf32> to vector<16xf32>
      %swap3A_1164 = vector.shape_cast %add3A_1160 : vector<16xf32> to vector<16xf32>
      tpu.vector_store %arg7[%swap3A_1161], %swap3A_1164 {strides = array<i32>} : memref<64xf32, #tpu.memory_space<vmem>>, vector<16xf32>,
      %get3A_1165 = arith.constant 0 : index
      %get3A_1166 = tpu.vector_load %arg7[%get3A_1165] {strides = array<i32>} : memref<64xf32, #tpu.memory_space<vmem>>, vector<16xf32>,
      %get3A_1167 = vector.shape_cast %get3A_1166 : vector<16xf32> to vector<16xf32>
      %get3A_1168 = arith.constant 14 : i32
      %get3A_1169 = arith.index_cast %get3A_1168 : i32 to index
      %get3A_1170 = arith.constant 0 : index
      %get3A_1171 = tpu.vector_load %arg6[%get3A_1169, %get3A_1170] {strides = array<i32>} : memref<16x64xf32, #tpu.memory_space<vmem>>, vector<1x16xf32>,
      %get3A_1172 = vector.shape_cast %get3A_1171 : vector<1x16xf32> to vector<16xf32>
      %exp3A_1173 = math.exp %get3A_1172 : vector<16xf32>
      %add3A_1174 = arith.addf %get3A_1167, %exp3A_1173 : vector<16xf32>
      %swap3A_1175 = arith.constant 0 : index
      %swap3A_1176 = tpu.vector_load %arg7[%swap3A_1175] {strides = array<i32>} : memref<64xf32, #tpu.memory_space<vmem>>, vector<16xf32>,
      %swap3A_1177 = vector.shape_cast %swap3A_1176 : vector<16xf32> to vector<16xf32>
      %swap3A_1178 = vector.shape_cast %add3A_1174 : vector<16xf32> to vector<16xf32>
      tpu.vector_store %arg7[%swap3A_1175], %swap3A_1178 {strides = array<i32>} : memref<64xf32, #tpu.memory_space<vmem>>, vector<16xf32>,
      %get3A_1179 = arith.constant 16 : index
      %get3A_1180 = tpu.vector_load %arg7[%get3A_1179] {strides = array<i32>} : memref<64xf32, #tpu.memory_space<vmem>>, vector<16xf32>,
      %get3A_1181 = vector.shape_cast %get3A_1180 : vector<16xf32> to vector<16xf32>
      %get3A_1182 = arith.constant 14 : i32
      %get3A_1183 = arith.index_cast %get3A_1182 : i32 to index
      %get3A_1184 = arith.constant 16 : index
      %get3A_1185 = tpu.vector_load %arg6[%get3A_1183, %get3A_1184] {strides = array<i32>} : memref<16x64xf32, #tpu.memory_space<vmem>>, vector<1x16xf32>,
      %get3A_1186 = vector.shape_cast %get3A_1185 : vector<1x16xf32> to vector<16xf32>
      %exp3A_1187 = math.exp %get3A_1186 : vector<16xf32>
      %add3A_1188 = arith.addf %get3A_1181, %exp3A_1187 : vector<16xf32>
      %swap3A_1189 = arith.constant 16 : index
      %swap3A_1190 = tpu.vector_load %arg7[%swap3A_1189] {strides = array<i32>} : memref<64xf32, #tpu.memory_space<vmem>>, vector<16xf32>,
      %swap3A_1191 = vector.shape_cast %swap3A_1190 : vector<16xf32> to vector<16xf32>
      %swap3A_1192 = vector.shape_cast %add3A_1188 : vector<16xf32> to vector<16xf32>
      tpu.vector_store %arg7[%swap3A_1189], %swap3A_1192 {strides = array<i32>} : memref<64xf32, #tpu.memory_space<vmem>>, vector<16xf32>,
      %get3A_1193 = arith.constant 32 : index
      %get3A_1194 = tpu.vector_load %arg7[%get3A_1193] {strides = array<i32>} : memref<64xf32, #tpu.memory_space<vmem>>, vector<16xf32>,
      %get3A_1195 = vector.shape_cast %get3A_1194 : vector<16xf32> to vector<16xf32>
      %get3A_1196 = arith.constant 14 : i32
      %get3A_1197 = arith.index_cast %get3A_1196 : i32 to index
      %get3A_1198 = arith.constant 32 : index
      %get3A_1199 = tpu.vector_load %arg6[%get3A_1197, %get3A_1198] {strides = array<i32>} : memref<16x64xf32, #tpu.memory_space<vmem>>, vector<1x16xf32>,
      %get3A_1200 = vector.shape_cast %get3A_1199 : vector<1x16xf32> to vector<16xf32>
      %exp3A_1201 = math.exp %get3A_1200 : vector<16xf32>
      %add3A_1202 = arith.addf %get3A_1195, %exp3A_1201 : vector<16xf32>
      %swap3A_1203 = arith.constant 32 : index
      %swap3A_1204 = tpu.vector_load %arg7[%swap3A_1203] {strides = array<i32>} : memref<64xf32, #tpu.memory_space<vmem>>, vector<16xf32>,
      %swap3A_1205 = vector.shape_cast %swap3A_1204 : vector<16xf32> to vector<16xf32>
      %swap3A_1206 = vector.shape_cast %add3A_1202 : vector<16xf32> to vector<16xf32>
      tpu.vector_store %arg7[%swap3A_1203], %swap3A_1206 {strides = array<i32>} : memref<64xf32, #tpu.memory_space<vmem>>, vector<16xf32>,
      %get3A_1207 = arith.constant 48 : index
      %get3A_1208 = tpu.vector_load %arg7[%get3A_1207] {strides = array<i32>} : memref<64xf32, #tpu.memory_space<vmem>>, vector<16xf32>,
      %get3A_1209 = vector.shape_cast %get3A_1208 : vector<16xf32> to vector<16xf32>
      %get3A_1210 = arith.constant 14 : i32
      %get3A_1211 = arith.index_cast %get3A_1210 : i32 to index
      %get3A_1212 = arith.constant 48 : index
      %get3A_1213 = tpu.vector_load %arg6[%get3A_1211, %get3A_1212] {strides = array<i32>} : memref<16x64xf32, #tpu.memory_space<vmem>>, vector<1x16xf32>,
      %get3A_1214 = vector.shape_cast %get3A_1213 : vector<1x16xf32> to vector<16xf32>
      %exp3A_1215 = math.exp %get3A_1214 : vector<16xf32>
      %add3A_1216 = arith.addf %get3A_1209, %exp3A_1215 : vector<16xf32>
      %swap3A_1217 = arith.constant 48 : index
      %swap3A_1218 = tpu.vector_load %arg7[%swap3A_1217] {strides = array<i32>} : memref<64xf32, #tpu.memory_space<vmem>>, vector<16xf32>,
      %swap3A_1219 = vector.shape_cast %swap3A_1218 : vector<16xf32> to vector<16xf32>
      %swap3A_1220 = vector.shape_cast %add3A_1216 : vector<16xf32> to vector<16xf32>
      tpu.vector_store %arg7[%swap3A_1217], %swap3A_1220 {strides = array<i32>} : memref<64xf32, #tpu.memory_space<vmem>>, vector<16xf32>,
      %get3A_1221 = arith.constant 0 : index
      %get3A_1222 = tpu.vector_load %arg7[%get3A_1221] {strides = array<i32>} : memref<64xf32, #tpu.memory_space<vmem>>, vector<16xf32>,
      %get3A_1223 = vector.shape_cast %get3A_1222 : vector<16xf32> to vector<16xf32>
      %get3A_1224 = arith.constant 15 : i32
      %get3A_1225 = arith.index_cast %get3A_1224 : i32 to index
      %get3A_1226 = arith.constant 0 : index
      %get3A_1227 = tpu.vector_load %arg6[%get3A_1225, %get3A_1226] {strides = array<i32>} : memref<16x64xf32, #tpu.memory_space<vmem>>, vector<1x16xf32>,
      %get3A_1228 = vector.shape_cast %get3A_1227 : vector<1x16xf32> to vector<16xf32>
      %exp3A_1229 = math.exp %get3A_1228 : vector<16xf32>
      %add3A_1230 = arith.addf %get3A_1223, %exp3A_1229 : vector<16xf32>
      %swap3A_1231 = arith.constant 0 : index
      %swap3A_1232 = tpu.vector_load %arg7[%swap3A_1231] {strides = array<i32>} : memref<64xf32, #tpu.memory_space<vmem>>, vector<16xf32>,
      %swap3A_1233 = vector.shape_cast %swap3A_1232 : vector<16xf32> to vector<16xf32>
      %swap3A_1234 = vector.shape_cast %add3A_1230 : vector<16xf32> to vector<16xf32>
      tpu.vector_store %arg7[%swap3A_1231], %swap3A_1234 {strides = array<i32>} : memref<64xf32, #tpu.memory_space<vmem>>, vector<16xf32>,
      %get3A_1235 = arith.constant 16 : index
      %get3A_1236 = tpu.vector_load %arg7[%get3A_1235] {strides = array<i32>} : memref<64xf32, #tpu.memory_space<vmem>>, vector<16xf32>,
      %get3A_1237 = vector.shape_cast %get3A_1236 : vector<16xf32> to vector<16xf32>
      %get3A_1238 = arith.constant 15 : i32
      %get3A_1239 = arith.index_cast %get3A_1238 : i32 to index
      %get3A_1240 = arith.constant 16 : index
      %get3A_1241 = tpu.vector_load %arg6[%get3A_1239, %get3A_1240] {strides = array<i32>} : memref<16x64xf32, #tpu.memory_space<vmem>>, vector<1x16xf32>,
      %get3A_1242 = vector.shape_cast %get3A_1241 : vector<1x16xf32> to vector<16xf32>
      %exp3A_1243 = math.exp %get3A_1242 : vector<16xf32>
      %add3A_1244 = arith.addf %get3A_1237, %exp3A_1243 : vector<16xf32>
      %swap3A_1245 = arith.constant 16 : index
      %swap3A_1246 = tpu.vector_load %arg7[%swap3A_1245] {strides = array<i32>} : memref<64xf32, #tpu.memory_space<vmem>>, vector<16xf32>,
      %swap3A_1247 = vector.shape_cast %swap3A_1246 : vector<16xf32> to vector<16xf32>
      %swap3A_1248 = vector.shape_cast %add3A_1244 : vector<16xf32> to vector<16xf32>
      tpu.vector_store %arg7[%swap3A_1245], %swap3A_1248 {strides = array<i32>} : memref<64xf32, #tpu.memory_space<vmem>>, vector<16xf32>,
      %get3A_1249 = arith.constant 32 : index
      %get3A_1250 = tpu.vector_load %arg7[%get3A_1249] {strides = array<i32>} : memref<64xf32, #tpu.memory_space<vmem>>, vector<16xf32>,
      %get3A_1251 = vector.shape_cast %get3A_1250 : vector<16xf32> to vector<16xf32>
      %get3A_1252 = arith.constant 15 : i32
      %get3A_1253 = arith.index_cast %get3A_1252 : i32 to index
      %get3A_1254 = arith.constant 32 : index
      %get3A_1255 = tpu.vector_load %arg6[%get3A_1253, %get3A_1254] {strides = array<i32>} : memref<16x64xf32, #tpu.memory_space<vmem>>, vector<1x16xf32>,
      %get3A_1256 = vector.shape_cast %get3A_1255 : vector<1x16xf32> to vector<16xf32>
      %exp3A_1257 = math.exp %get3A_1256 : vector<16xf32>
      %add3A_1258 = arith.addf %get3A_1251, %exp3A_1257 : vector<16xf32>
      %swap3A_1259 = arith.constant 32 : index
      %swap3A_1260 = tpu.vector_load %arg7[%swap3A_1259] {strides = array<i32>} : memref<64xf32, #tpu.memory_space<vmem>>, vector<16xf32>,
      %swap3A_1261 = vector.shape_cast %swap3A_1260 : vector<16xf32> to vector<16xf32>
      %swap3A_1262 = vector.shape_cast %add3A_1258 : vector<16xf32> to vector<16xf32>
      tpu.vector_store %arg7[%swap3A_1259], %swap3A_1262 {strides = array<i32>} : memref<64xf32, #tpu.memory_space<vmem>>, vector<16xf32>,
      %get3A_1263 = arith.constant 48 : index
      %get3A_1264 = tpu.vector_load %arg7[%get3A_1263] {strides = array<i32>} : memref<64xf32, #tpu.memory_space<vmem>>, vector<16xf32>,
      %get3A_1265 = vector.shape_cast %get3A_1264 : vector<16xf32> to vector<16xf32>
      %get3A_1266 = arith.constant 15 : i32
      %get3A_1267 = arith.index_cast %get3A_1266 : i32 to index
      %get3A_1268 = arith.constant 48 : index
      %get3A_1269 = tpu.vector_load %arg6[%get3A_1267, %get3A_1268] {strides = array<i32>} : memref<16x64xf32, #tpu.memory_space<vmem>>, vector<1x16xf32>,
      %get3A_1270 = vector.shape_cast %get3A_1269 : vector<1x16xf32> to vector<16xf32>
      %exp3A_1271 = math.exp %get3A_1270 : vector<16xf32>
      %add3A_1272 = arith.addf %get3A_1265, %exp3A_1271 : vector<16xf32>
      %swap3A_1273 = arith.constant 48 : index
      %swap3A_1274 = tpu.vector_load %arg7[%swap3A_1273] {strides = array<i32>} : memref<64xf32, #tpu.memory_space<vmem>>, vector<16xf32>,
      %swap3A_1275 = vector.shape_cast %swap3A_1274 : vector<16xf32> to vector<16xf32>
      %swap3A_1276 = vector.shape_cast %add3A_1272 : vector<16xf32> to vector<16xf32>
      tpu.vector_store %arg7[%swap3A_1273], %swap3A_1276 {strides = array<i32>} : memref<64xf32, #tpu.memory_space<vmem>>, vector<16xf32>,
    }
    %scan3A_27 = arith.constant 8 : i32
    %mul3A_28 = arith.constant 64 : i32
    %mul3A_29 = arith.muli %add3A, %mul3A_28 : i32
    "tpu.region"() ({
      %run_scoped3A = tpu.sem_alloc : memref<!tpu.dma_semaphore, #tpu.memory_space<semaphore_mem>>
      %dma_start3A = tpu.memref_slice %arg4[%mul3A_29] : memref<2048xf32, #tpu.memory_space<hbm>> -> memref<64xf32, #tpu.memory_space<hbm>>
      %dma_start3A_30 = tpu.memref_slice %arg4[%mul3A_29] : memref<2048xf32, #tpu.memory_space<hbm>> -> memref<64xf32, #tpu.memory_space<hbm>>
      tpu.enqueue_dma source(%arg7 : memref<64xf32, #tpu.memory_space<vmem>>) target(%dma_start3A_30 : memref<64xf32, #tpu.memory_space<hbm>>) target_semaphore(%run_scoped3A : memref<!tpu.dma_semaphore, #tpu.memory_space<semaphore_mem>>)
      %dma_wait3A = tpu.memref_slice %arg4[%mul3A_29] : memref<2048xf32, #tpu.memory_space<hbm>> -> memref<64xf32, #tpu.memory_space<hbm>>
      %dma_wait3A_31 = tpu.memref_slice %arg4[%mul3A_29] : memref<2048xf32, #tpu.memory_space<hbm>> -> memref<64xf32, #tpu.memory_space<hbm>>
      tpu.wait_dma2 semaphore(%run_scoped3A : memref<!tpu.dma_semaphore, #tpu.memory_space<semaphore_mem>>) src(%arg7 : memref<64xf32, #tpu.memory_space<vmem>>) dst(%dma_wait3A_31 : memref<64xf32, #tpu.memory_space<hbm>>)
      tpu.yield
    }) : () -> ()
    return
  }
}

#map = affine_map<(d0, d1) -> (0)>
#map1 = affine_map<(d0, d1) -> (0, 0, 0)>
module attributes {stable_mosaic.version = 14 : i64} {
  func.func @_k2_body(%arg0: i32, %arg1: i32, %arg2: memref<8388608xf32, #tpu.memory_space<hbm>>, %arg3: memref<32x128x64xi32, #tpu.memory_space<hbm>>, %arg4: memref<2048xf32, #tpu.memory_space<hbm>>, %arg5: memref<128x64xi32, #tpu.memory_space<vmem>>, %arg6: memref<16x64xf32, #tpu.memory_space<vmem>>, %arg7: memref<64xf32, #tpu.memory_space<vmem>>, %arg8: memref<!tpu.dma_semaphore, #tpu.memory_space<semaphore_mem>>) attributes {dimension_semantics = [#tpu.dimension_semantics<core_parallel>, #tpu.dimension_semantics<subcore_parallel>], iteration_bounds = array<i64: 2, 16>, scalar_prefetch = 0 : i64, scratch_operands = 4 : i64, tpu.core_type = #tpu.core_type<sc_vector_subcore>, window_params = [{transform_indices = #map}, {transform_indices = #map1}, {transform_indices = #map}]} {
    %mul3A = arith.constant 2 : i32
    %mul3A_0 = arith.muli %arg1, %mul3A : i32
    %add3A = arith.addi %mul3A_0, %arg0 : i32
    "tpu.region"() ({
      %run_scoped3A = tpu.sem_alloc : memref<!tpu.dma_semaphore, #tpu.memory_space<semaphore_mem>>
      %dma_start3A = arith.constant 0 : i32
      %dma_start3A_30 = arith.constant 0 : i32
      %dma_start3A_31 = tpu.memref_slice %arg3[%add3A, %dma_start3A, %dma_start3A_30] : memref<32x128x64xi32, #tpu.memory_space<hbm>> -> memref<1x128x64xi32, #tpu.memory_space<hbm>>
      %dma_start3A_32 = tpu.memref_squeeze %dma_start3A_31 : memref<1x128x64xi32, #tpu.memory_space<hbm>> -> memref<128x64xi32, #tpu.memory_space<hbm>>
      %dma_start3A_33 = arith.constant 0 : i32
      %dma_start3A_34 = arith.constant 0 : i32
      %dma_start3A_35 = tpu.memref_slice %arg3[%add3A, %dma_start3A_33, %dma_start3A_34] : memref<32x128x64xi32, #tpu.memory_space<hbm>> -> memref<1x128x64xi32, #tpu.memory_space<hbm>>
      %dma_start3A_36 = tpu.memref_squeeze %dma_start3A_35 : memref<1x128x64xi32, #tpu.memory_space<hbm>> -> memref<128x64xi32, #tpu.memory_space<hbm>>
      tpu.enqueue_dma source(%dma_start3A_36 : memref<128x64xi32, #tpu.memory_space<hbm>>) target(%arg5 : memref<128x64xi32, #tpu.memory_space<vmem>>) target_semaphore(%run_scoped3A : memref<!tpu.dma_semaphore, #tpu.memory_space<semaphore_mem>>)
      %dma_wait3A = arith.constant 0 : i32
      %dma_wait3A_37 = arith.constant 0 : i32
      %dma_wait3A_38 = tpu.memref_slice %arg3[%add3A, %dma_wait3A, %dma_wait3A_37] : memref<32x128x64xi32, #tpu.memory_space<hbm>> -> memref<1x128x64xi32, #tpu.memory_space<hbm>>
      %dma_wait3A_39 = tpu.memref_squeeze %dma_wait3A_38 : memref<1x128x64xi32, #tpu.memory_space<hbm>> -> memref<128x64xi32, #tpu.memory_space<hbm>>
      %dma_wait3A_40 = arith.constant 0 : i32
      %dma_wait3A_41 = arith.constant 0 : i32
      %dma_wait3A_42 = tpu.memref_slice %arg3[%add3A, %dma_wait3A_40, %dma_wait3A_41] : memref<32x128x64xi32, #tpu.memory_space<hbm>> -> memref<1x128x64xi32, #tpu.memory_space<hbm>>
      %dma_wait3A_43 = tpu.memref_squeeze %dma_wait3A_42 : memref<1x128x64xi32, #tpu.memory_space<hbm>> -> memref<128x64xi32, #tpu.memory_space<hbm>>
      tpu.wait_dma2 semaphore(%run_scoped3A : memref<!tpu.dma_semaphore, #tpu.memory_space<semaphore_mem>>) src(%dma_wait3A_43 : memref<128x64xi32, #tpu.memory_space<hbm>>) dst(%arg5 : memref<128x64xi32, #tpu.memory_space<vmem>>)
      tpu.yield
    }) : () -> ()
    %broadcast_in_dim3A = arith.constant 0.000000e+00 : f32
    %broadcast_in_dim3A_1 = vector.broadcast %broadcast_in_dim3A : f32 to vector<16xf32>
    %swap3A = arith.constant 0 : index
    %swap3A_2 = tpu.vector_load %arg7[%swap3A] {strides = array<i32>} : memref<64xf32, #tpu.memory_space<vmem>>, vector<16xf32>,
    %swap3A_3 = vector.shape_cast %swap3A_2 : vector<16xf32> to vector<16xf32>
    %swap3A_4 = vector.shape_cast %broadcast_in_dim3A_1 : vector<16xf32> to vector<16xf32>
    tpu.vector_store %arg7[%swap3A], %swap3A_4 {strides = array<i32>} : memref<64xf32, #tpu.memory_space<vmem>>, vector<16xf32>,
    %broadcast_in_dim3A_5 = arith.constant 0.000000e+00 : f32
    %broadcast_in_dim3A_6 = vector.broadcast %broadcast_in_dim3A_5 : f32 to vector<16xf32>
    %swap3A_7 = arith.constant 16 : index
    %swap3A_8 = tpu.vector_load %arg7[%swap3A_7] {strides = array<i32>} : memref<64xf32, #tpu.memory_space<vmem>>, vector<16xf32>,
    %swap3A_9 = vector.shape_cast %swap3A_8 : vector<16xf32> to vector<16xf32>
    %swap3A_10 = vector.shape_cast %broadcast_in_dim3A_6 : vector<16xf32> to vector<16xf32>
    tpu.vector_store %arg7[%swap3A_7], %swap3A_10 {strides = array<i32>} : memref<64xf32, #tpu.memory_space<vmem>>, vector<16xf32>,
    %broadcast_in_dim3A_11 = arith.constant 0.000000e+00 : f32
    %broadcast_in_dim3A_12 = vector.broadcast %broadcast_in_dim3A_11 : f32 to vector<16xf32>
    %swap3A_13 = arith.constant 32 : index
    %swap3A_14 = tpu.vector_load %arg7[%swap3A_13] {strides = array<i32>} : memref<64xf32, #tpu.memory_space<vmem>>, vector<16xf32>,
    %swap3A_15 = vector.shape_cast %swap3A_14 : vector<16xf32> to vector<16xf32>
    %swap3A_16 = vector.shape_cast %broadcast_in_dim3A_12 : vector<16xf32> to vector<16xf32>
    tpu.vector_store %arg7[%swap3A_13], %swap3A_16 {strides = array<i32>} : memref<64xf32, #tpu.memory_space<vmem>>, vector<16xf32>,
    %broadcast_in_dim3A_17 = arith.constant 0.000000e+00 : f32
    %broadcast_in_dim3A_18 = vector.broadcast %broadcast_in_dim3A_17 : f32 to vector<16xf32>
    %swap3A_19 = arith.constant 48 : index
    %swap3A_20 = tpu.vector_load %arg7[%swap3A_19] {strides = array<i32>} : memref<64xf32, #tpu.memory_space<vmem>>, vector<16xf32>,
    %swap3A_21 = vector.shape_cast %swap3A_20 : vector<16xf32> to vector<16xf32>
    %swap3A_22 = vector.shape_cast %broadcast_in_dim3A_18 : vector<16xf32> to vector<16xf32>
    tpu.vector_store %arg7[%swap3A_19], %swap3A_22 {strides = array<i32>} : memref<64xf32, #tpu.memory_space<vmem>>, vector<16xf32>,
    %scan3A = arith.constant 0 : i32
    %scan3A_23 = arith.constant 0 : i32
    %scan3A_24 = arith.constant 8 : i32
    %scan3A_25 = arith.addi %scan3A_23, %scan3A_24 : i32
    %scan3A_26 = arith.constant 1 : i32
    scf.for %scan3A_30 = %scan3A_23 to %scan3A_25 step %scan3A_26  : i32 {
      %mul3A_31 = arith.constant 16 : i32
      %mul3A_32 = arith.muli %scan3A_30, %mul3A_31 : i32
      %add3A_33 = arith.constant 0 : i32
      %add3A_34 = arith.addi %mul3A_32, %add3A_33 : i32
      %dma_start3A = arith.constant 0 : i32
      %dma_start3A_35 = arith.constant 0 : i32
      %dma_start3A_36 = tpu.memref_slice %arg6[%dma_start3A, %dma_start3A_35] : memref<16x64xf32, #tpu.memory_space<vmem>> -> memref<1x64xf32, #tpu.memory_space<vmem>>
      %dma_start3A_37 = tpu.memref_squeeze %dma_start3A_36 : memref<1x64xf32, #tpu.memory_space<vmem>> -> memref<64xf32, #tpu.memory_space<vmem>>
      %dma_start3A_38 = arith.constant 0 : i32
      %dma_start3A_39 = tpu.memref_slice %arg5[%add3A_34, %dma_start3A_38] : memref<128x64xi32, #tpu.memory_space<vmem>> -> memref<1x64xi32, #tpu.memory_space<vmem>>
      %dma_start3A_40 = tpu.memref_squeeze %dma_start3A_39 : memref<1x64xi32, #tpu.memory_space<vmem>> -> memref<64xi32, #tpu.memory_space<vmem>>
      %dma_start3A_41 = arith.constant 0 : i32
      %dma_start3A_42 = tpu.memref_slice %arg2[%dma_start3A_41] : memref<8388608xf32, #tpu.memory_space<hbm>> -> memref<8388608xf32, #tpu.memory_space<hbm>>
      tpu.enqueue_indirect_dma source(%dma_start3A_42 : memref<8388608xf32, #tpu.memory_space<hbm>>) target(%dma_start3A_37 : memref<64xf32, #tpu.memory_space<vmem>>) offsets(%dma_start3A_40 : memref<64xi32, #tpu.memory_space<vmem>>) semaphore(%arg8 : memref<!tpu.dma_semaphore, #tpu.memory_space<semaphore_mem>>)
      %add3A_43 = arith.constant 1 : i32
      %add3A_44 = arith.addi %mul3A_32, %add3A_43 : i32
      %dma_start3A_45 = arith.constant 1 : i32
      %dma_start3A_46 = arith.constant 0 : i32
      %dma_start3A_47 = tpu.memref_slice %arg6[%dma_start3A_45, %dma_start3A_46] : memref<16x64xf32, #tpu.memory_space<vmem>> -> memref<1x64xf32, #tpu.memory_space<vmem>>
      %dma_start3A_48 = tpu.memref_squeeze %dma_start3A_47 : memref<1x64xf32, #tpu.memory_space<vmem>> -> memref<64xf32, #tpu.memory_space<vmem>>
      %dma_start3A_49 = arith.constant 0 : i32
      %dma_start3A_50 = tpu.memref_slice %arg5[%add3A_44, %dma_start3A_49] : memref<128x64xi32, #tpu.memory_space<vmem>> -> memref<1x64xi32, #tpu.memory_space<vmem>>
      %dma_start3A_51 = tpu.memref_squeeze %dma_start3A_50 : memref<1x64xi32, #tpu.memory_space<vmem>> -> memref<64xi32, #tpu.memory_space<vmem>>
      %dma_start3A_52 = arith.constant 0 : i32
      %dma_start3A_53 = tpu.memref_slice %arg2[%dma_start3A_52] : memref<8388608xf32, #tpu.memory_space<hbm>> -> memref<8388608xf32, #tpu.memory_space<hbm>>
      tpu.enqueue_indirect_dma source(%dma_start3A_53 : memref<8388608xf32, #tpu.memory_space<hbm>>) target(%dma_start3A_48 : memref<64xf32, #tpu.memory_space<vmem>>) offsets(%dma_start3A_51 : memref<64xi32, #tpu.memory_space<vmem>>) semaphore(%arg8 : memref<!tpu.dma_semaphore, #tpu.memory_space<semaphore_mem>>)
      %add3A_54 = arith.constant 2 : i32
      %add3A_55 = arith.addi %mul3A_32, %add3A_54 : i32
      %dma_start3A_56 = arith.constant 2 : i32
      %dma_start3A_57 = arith.constant 0 : i32
      %dma_start3A_58 = tpu.memref_slice %arg6[%dma_start3A_56, %dma_start3A_57] : memref<16x64xf32, #tpu.memory_space<vmem>> -> memref<1x64xf32, #tpu.memory_space<vmem>>
      %dma_start3A_59 = tpu.memref_squeeze %dma_start3A_58 : memref<1x64xf32, #tpu.memory_space<vmem>> -> memref<64xf32, #tpu.memory_space<vmem>>
      %dma_start3A_60 = arith.constant 0 : i32
      %dma_start3A_61 = tpu.memref_slice %arg5[%add3A_55, %dma_start3A_60] : memref<128x64xi32, #tpu.memory_space<vmem>> -> memref<1x64xi32, #tpu.memory_space<vmem>>
      %dma_start3A_62 = tpu.memref_squeeze %dma_start3A_61 : memref<1x64xi32, #tpu.memory_space<vmem>> -> memref<64xi32, #tpu.memory_space<vmem>>
      %dma_start3A_63 = arith.constant 0 : i32
      %dma_start3A_64 = tpu.memref_slice %arg2[%dma_start3A_63] : memref<8388608xf32, #tpu.memory_space<hbm>> -> memref<8388608xf32, #tpu.memory_space<hbm>>
      tpu.enqueue_indirect_dma source(%dma_start3A_64 : memref<8388608xf32, #tpu.memory_space<hbm>>) target(%dma_start3A_59 : memref<64xf32, #tpu.memory_space<vmem>>) offsets(%dma_start3A_62 : memref<64xi32, #tpu.memory_space<vmem>>) semaphore(%arg8 : memref<!tpu.dma_semaphore, #tpu.memory_space<semaphore_mem>>)
      %add3A_65 = arith.constant 3 : i32
      %add3A_66 = arith.addi %mul3A_32, %add3A_65 : i32
      %dma_start3A_67 = arith.constant 3 : i32
      %dma_start3A_68 = arith.constant 0 : i32
      %dma_start3A_69 = tpu.memref_slice %arg6[%dma_start3A_67, %dma_start3A_68] : memref<16x64xf32, #tpu.memory_space<vmem>> -> memref<1x64xf32, #tpu.memory_space<vmem>>
      %dma_start3A_70 = tpu.memref_squeeze %dma_start3A_69 : memref<1x64xf32, #tpu.memory_space<vmem>> -> memref<64xf32, #tpu.memory_space<vmem>>
      %dma_start3A_71 = arith.constant 0 : i32
      %dma_start3A_72 = tpu.memref_slice %arg5[%add3A_66, %dma_start3A_71] : memref<128x64xi32, #tpu.memory_space<vmem>> -> memref<1x64xi32, #tpu.memory_space<vmem>>
      %dma_start3A_73 = tpu.memref_squeeze %dma_start3A_72 : memref<1x64xi32, #tpu.memory_space<vmem>> -> memref<64xi32, #tpu.memory_space<vmem>>
      %dma_start3A_74 = arith.constant 0 : i32
      %dma_start3A_75 = tpu.memref_slice %arg2[%dma_start3A_74] : memref<8388608xf32, #tpu.memory_space<hbm>> -> memref<8388608xf32, #tpu.memory_space<hbm>>
      tpu.enqueue_indirect_dma source(%dma_start3A_75 : memref<8388608xf32, #tpu.memory_space<hbm>>) target(%dma_start3A_70 : memref<64xf32, #tpu.memory_space<vmem>>) offsets(%dma_start3A_73 : memref<64xi32, #tpu.memory_space<vmem>>) semaphore(%arg8 : memref<!tpu.dma_semaphore, #tpu.memory_space<semaphore_mem>>)
      %add3A_76 = arith.constant 4 : i32
      %add3A_77 = arith.addi %mul3A_32, %add3A_76 : i32
      %dma_start3A_78 = arith.constant 4 : i32
      %dma_start3A_79 = arith.constant 0 : i32
      %dma_start3A_80 = tpu.memref_slice %arg6[%dma_start3A_78, %dma_start3A_79] : memref<16x64xf32, #tpu.memory_space<vmem>> -> memref<1x64xf32, #tpu.memory_space<vmem>>
      %dma_start3A_81 = tpu.memref_squeeze %dma_start3A_80 : memref<1x64xf32, #tpu.memory_space<vmem>> -> memref<64xf32, #tpu.memory_space<vmem>>
      %dma_start3A_82 = arith.constant 0 : i32
      %dma_start3A_83 = tpu.memref_slice %arg5[%add3A_77, %dma_start3A_82] : memref<128x64xi32, #tpu.memory_space<vmem>> -> memref<1x64xi32, #tpu.memory_space<vmem>>
      %dma_start3A_84 = tpu.memref_squeeze %dma_start3A_83 : memref<1x64xi32, #tpu.memory_space<vmem>> -> memref<64xi32, #tpu.memory_space<vmem>>
      %dma_start3A_85 = arith.constant 0 : i32
      %dma_start3A_86 = tpu.memref_slice %arg2[%dma_start3A_85] : memref<8388608xf32, #tpu.memory_space<hbm>> -> memref<8388608xf32, #tpu.memory_space<hbm>>
      tpu.enqueue_indirect_dma source(%dma_start3A_86 : memref<8388608xf32, #tpu.memory_space<hbm>>) target(%dma_start3A_81 : memref<64xf32, #tpu.memory_space<vmem>>) offsets(%dma_start3A_84 : memref<64xi32, #tpu.memory_space<vmem>>) semaphore(%arg8 : memref<!tpu.dma_semaphore, #tpu.memory_space<semaphore_mem>>)
      %add3A_87 = arith.constant 5 : i32
      %add3A_88 = arith.addi %mul3A_32, %add3A_87 : i32
      %dma_start3A_89 = arith.constant 5 : i32
      %dma_start3A_90 = arith.constant 0 : i32
      %dma_start3A_91 = tpu.memref_slice %arg6[%dma_start3A_89, %dma_start3A_90] : memref<16x64xf32, #tpu.memory_space<vmem>> -> memref<1x64xf32, #tpu.memory_space<vmem>>
      %dma_start3A_92 = tpu.memref_squeeze %dma_start3A_91 : memref<1x64xf32, #tpu.memory_space<vmem>> -> memref<64xf32, #tpu.memory_space<vmem>>
      %dma_start3A_93 = arith.constant 0 : i32
      %dma_start3A_94 = tpu.memref_slice %arg5[%add3A_88, %dma_start3A_93] : memref<128x64xi32, #tpu.memory_space<vmem>> -> memref<1x64xi32, #tpu.memory_space<vmem>>
      %dma_start3A_95 = tpu.memref_squeeze %dma_start3A_94 : memref<1x64xi32, #tpu.memory_space<vmem>> -> memref<64xi32, #tpu.memory_space<vmem>>
      %dma_start3A_96 = arith.constant 0 : i32
      %dma_start3A_97 = tpu.memref_slice %arg2[%dma_start3A_96] : memref<8388608xf32, #tpu.memory_space<hbm>> -> memref<8388608xf32, #tpu.memory_space<hbm>>
      tpu.enqueue_indirect_dma source(%dma_start3A_97 : memref<8388608xf32, #tpu.memory_space<hbm>>) target(%dma_start3A_92 : memref<64xf32, #tpu.memory_space<vmem>>) offsets(%dma_start3A_95 : memref<64xi32, #tpu.memory_space<vmem>>) semaphore(%arg8 : memref<!tpu.dma_semaphore, #tpu.memory_space<semaphore_mem>>)
      %add3A_98 = arith.constant 6 : i32
      %add3A_99 = arith.addi %mul3A_32, %add3A_98 : i32
      %dma_start3A_100 = arith.constant 6 : i32
      %dma_start3A_101 = arith.constant 0 : i32
      %dma_start3A_102 = tpu.memref_slice %arg6[%dma_start3A_100, %dma_start3A_101] : memref<16x64xf32, #tpu.memory_space<vmem>> -> memref<1x64xf32, #tpu.memory_space<vmem>>
      %dma_start3A_103 = tpu.memref_squeeze %dma_start3A_102 : memref<1x64xf32, #tpu.memory_space<vmem>> -> memref<64xf32, #tpu.memory_space<vmem>>
      %dma_start3A_104 = arith.constant 0 : i32
      %dma_start3A_105 = tpu.memref_slice %arg5[%add3A_99, %dma_start3A_104] : memref<128x64xi32, #tpu.memory_space<vmem>> -> memref<1x64xi32, #tpu.memory_space<vmem>>
      %dma_start3A_106 = tpu.memref_squeeze %dma_start3A_105 : memref<1x64xi32, #tpu.memory_space<vmem>> -> memref<64xi32, #tpu.memory_space<vmem>>
      %dma_start3A_107 = arith.constant 0 : i32
      %dma_start3A_108 = tpu.memref_slice %arg2[%dma_start3A_107] : memref<8388608xf32, #tpu.memory_space<hbm>> -> memref<8388608xf32, #tpu.memory_space<hbm>>
      tpu.enqueue_indirect_dma source(%dma_start3A_108 : memref<8388608xf32, #tpu.memory_space<hbm>>) target(%dma_start3A_103 : memref<64xf32, #tpu.memory_space<vmem>>) offsets(%dma_start3A_106 : memref<64xi32, #tpu.memory_space<vmem>>) semaphore(%arg8 : memref<!tpu.dma_semaphore, #tpu.memory_space<semaphore_mem>>)
      %add3A_109 = arith.constant 7 : i32
      %add3A_110 = arith.addi %mul3A_32, %add3A_109 : i32
      %dma_start3A_111 = arith.constant 7 : i32
      %dma_start3A_112 = arith.constant 0 : i32
      %dma_start3A_113 = tpu.memref_slice %arg6[%dma_start3A_111, %dma_start3A_112] : memref<16x64xf32, #tpu.memory_space<vmem>> -> memref<1x64xf32, #tpu.memory_space<vmem>>
      %dma_start3A_114 = tpu.memref_squeeze %dma_start3A_113 : memref<1x64xf32, #tpu.memory_space<vmem>> -> memref<64xf32, #tpu.memory_space<vmem>>
      %dma_start3A_115 = arith.constant 0 : i32
      %dma_start3A_116 = tpu.memref_slice %arg5[%add3A_110, %dma_start3A_115] : memref<128x64xi32, #tpu.memory_space<vmem>> -> memref<1x64xi32, #tpu.memory_space<vmem>>
      %dma_start3A_117 = tpu.memref_squeeze %dma_start3A_116 : memref<1x64xi32, #tpu.memory_space<vmem>> -> memref<64xi32, #tpu.memory_space<vmem>>
      %dma_start3A_118 = arith.constant 0 : i32
      %dma_start3A_119 = tpu.memref_slice %arg2[%dma_start3A_118] : memref<8388608xf32, #tpu.memory_space<hbm>> -> memref<8388608xf32, #tpu.memory_space<hbm>>
      tpu.enqueue_indirect_dma source(%dma_start3A_119 : memref<8388608xf32, #tpu.memory_space<hbm>>) target(%dma_start3A_114 : memref<64xf32, #tpu.memory_space<vmem>>) offsets(%dma_start3A_117 : memref<64xi32, #tpu.memory_space<vmem>>) semaphore(%arg8 : memref<!tpu.dma_semaphore, #tpu.memory_space<semaphore_mem>>)
      %add3A_120 = arith.constant 8 : i32
      %add3A_121 = arith.addi %mul3A_32, %add3A_120 : i32
      %dma_start3A_122 = arith.constant 8 : i32
      %dma_start3A_123 = arith.constant 0 : i32
      %dma_start3A_124 = tpu.memref_slice %arg6[%dma_start3A_122, %dma_start3A_123] : memref<16x64xf32, #tpu.memory_space<vmem>> -> memref<1x64xf32, #tpu.memory_space<vmem>>
      %dma_start3A_125 = tpu.memref_squeeze %dma_start3A_124 : memref<1x64xf32, #tpu.memory_space<vmem>> -> memref<64xf32, #tpu.memory_space<vmem>>
      %dma_start3A_126 = arith.constant 0 : i32
      %dma_start3A_127 = tpu.memref_slice %arg5[%add3A_121, %dma_start3A_126] : memref<128x64xi32, #tpu.memory_space<vmem>> -> memref<1x64xi32, #tpu.memory_space<vmem>>
      %dma_start3A_128 = tpu.memref_squeeze %dma_start3A_127 : memref<1x64xi32, #tpu.memory_space<vmem>> -> memref<64xi32, #tpu.memory_space<vmem>>
      %dma_start3A_129 = arith.constant 0 : i32
      %dma_start3A_130 = tpu.memref_slice %arg2[%dma_start3A_129] : memref<8388608xf32, #tpu.memory_space<hbm>> -> memref<8388608xf32, #tpu.memory_space<hbm>>
      tpu.enqueue_indirect_dma source(%dma_start3A_130 : memref<8388608xf32, #tpu.memory_space<hbm>>) target(%dma_start3A_125 : memref<64xf32, #tpu.memory_space<vmem>>) offsets(%dma_start3A_128 : memref<64xi32, #tpu.memory_space<vmem>>) semaphore(%arg8 : memref<!tpu.dma_semaphore, #tpu.memory_space<semaphore_mem>>)
      %add3A_131 = arith.constant 9 : i32
      %add3A_132 = arith.addi %mul3A_32, %add3A_131 : i32
      %dma_start3A_133 = arith.constant 9 : i32
      %dma_start3A_134 = arith.constant 0 : i32
      %dma_start3A_135 = tpu.memref_slice %arg6[%dma_start3A_133, %dma_start3A_134] : memref<16x64xf32, #tpu.memory_space<vmem>> -> memref<1x64xf32, #tpu.memory_space<vmem>>
      %dma_start3A_136 = tpu.memref_squeeze %dma_start3A_135 : memref<1x64xf32, #tpu.memory_space<vmem>> -> memref<64xf32, #tpu.memory_space<vmem>>
      %dma_start3A_137 = arith.constant 0 : i32
      %dma_start3A_138 = tpu.memref_slice %arg5[%add3A_132, %dma_start3A_137] : memref<128x64xi32, #tpu.memory_space<vmem>> -> memref<1x64xi32, #tpu.memory_space<vmem>>
      %dma_start3A_139 = tpu.memref_squeeze %dma_start3A_138 : memref<1x64xi32, #tpu.memory_space<vmem>> -> memref<64xi32, #tpu.memory_space<vmem>>
      %dma_start3A_140 = arith.constant 0 : i32
      %dma_start3A_141 = tpu.memref_slice %arg2[%dma_start3A_140] : memref<8388608xf32, #tpu.memory_space<hbm>> -> memref<8388608xf32, #tpu.memory_space<hbm>>
      tpu.enqueue_indirect_dma source(%dma_start3A_141 : memref<8388608xf32, #tpu.memory_space<hbm>>) target(%dma_start3A_136 : memref<64xf32, #tpu.memory_space<vmem>>) offsets(%dma_start3A_139 : memref<64xi32, #tpu.memory_space<vmem>>) semaphore(%arg8 : memref<!tpu.dma_semaphore, #tpu.memory_space<semaphore_mem>>)
      %add3A_142 = arith.constant 10 : i32
      %add3A_143 = arith.addi %mul3A_32, %add3A_142 : i32
      %dma_start3A_144 = arith.constant 10 : i32
      %dma_start3A_145 = arith.constant 0 : i32
      %dma_start3A_146 = tpu.memref_slice %arg6[%dma_start3A_144, %dma_start3A_145] : memref<16x64xf32, #tpu.memory_space<vmem>> -> memref<1x64xf32, #tpu.memory_space<vmem>>
      %dma_start3A_147 = tpu.memref_squeeze %dma_start3A_146 : memref<1x64xf32, #tpu.memory_space<vmem>> -> memref<64xf32, #tpu.memory_space<vmem>>
      %dma_start3A_148 = arith.constant 0 : i32
      %dma_start3A_149 = tpu.memref_slice %arg5[%add3A_143, %dma_start3A_148] : memref<128x64xi32, #tpu.memory_space<vmem>> -> memref<1x64xi32, #tpu.memory_space<vmem>>
      %dma_start3A_150 = tpu.memref_squeeze %dma_start3A_149 : memref<1x64xi32, #tpu.memory_space<vmem>> -> memref<64xi32, #tpu.memory_space<vmem>>
      %dma_start3A_151 = arith.constant 0 : i32
      %dma_start3A_152 = tpu.memref_slice %arg2[%dma_start3A_151] : memref<8388608xf32, #tpu.memory_space<hbm>> -> memref<8388608xf32, #tpu.memory_space<hbm>>
      tpu.enqueue_indirect_dma source(%dma_start3A_152 : memref<8388608xf32, #tpu.memory_space<hbm>>) target(%dma_start3A_147 : memref<64xf32, #tpu.memory_space<vmem>>) offsets(%dma_start3A_150 : memref<64xi32, #tpu.memory_space<vmem>>) semaphore(%arg8 : memref<!tpu.dma_semaphore, #tpu.memory_space<semaphore_mem>>)
      %add3A_153 = arith.constant 11 : i32
      %add3A_154 = arith.addi %mul3A_32, %add3A_153 : i32
      %dma_start3A_155 = arith.constant 11 : i32
      %dma_start3A_156 = arith.constant 0 : i32
      %dma_start3A_157 = tpu.memref_slice %arg6[%dma_start3A_155, %dma_start3A_156] : memref<16x64xf32, #tpu.memory_space<vmem>> -> memref<1x64xf32, #tpu.memory_space<vmem>>
      %dma_start3A_158 = tpu.memref_squeeze %dma_start3A_157 : memref<1x64xf32, #tpu.memory_space<vmem>> -> memref<64xf32, #tpu.memory_space<vmem>>
      %dma_start3A_159 = arith.constant 0 : i32
      %dma_start3A_160 = tpu.memref_slice %arg5[%add3A_154, %dma_start3A_159] : memref<128x64xi32, #tpu.memory_space<vmem>> -> memref<1x64xi32, #tpu.memory_space<vmem>>
      %dma_start3A_161 = tpu.memref_squeeze %dma_start3A_160 : memref<1x64xi32, #tpu.memory_space<vmem>> -> memref<64xi32, #tpu.memory_space<vmem>>
      %dma_start3A_162 = arith.constant 0 : i32
      %dma_start3A_163 = tpu.memref_slice %arg2[%dma_start3A_162] : memref<8388608xf32, #tpu.memory_space<hbm>> -> memref<8388608xf32, #tpu.memory_space<hbm>>
      tpu.enqueue_indirect_dma source(%dma_start3A_163 : memref<8388608xf32, #tpu.memory_space<hbm>>) target(%dma_start3A_158 : memref<64xf32, #tpu.memory_space<vmem>>) offsets(%dma_start3A_161 : memref<64xi32, #tpu.memory_space<vmem>>) semaphore(%arg8 : memref<!tpu.dma_semaphore, #tpu.memory_space<semaphore_mem>>)
      %add3A_164 = arith.constant 12 : i32
      %add3A_165 = arith.addi %mul3A_32, %add3A_164 : i32
      %dma_start3A_166 = arith.constant 12 : i32
      %dma_start3A_167 = arith.constant 0 : i32
      %dma_start3A_168 = tpu.memref_slice %arg6[%dma_start3A_166, %dma_start3A_167] : memref<16x64xf32, #tpu.memory_space<vmem>> -> memref<1x64xf32, #tpu.memory_space<vmem>>
      %dma_start3A_169 = tpu.memref_squeeze %dma_start3A_168 : memref<1x64xf32, #tpu.memory_space<vmem>> -> memref<64xf32, #tpu.memory_space<vmem>>
      %dma_start3A_170 = arith.constant 0 : i32
      %dma_start3A_171 = tpu.memref_slice %arg5[%add3A_165, %dma_start3A_170] : memref<128x64xi32, #tpu.memory_space<vmem>> -> memref<1x64xi32, #tpu.memory_space<vmem>>
      %dma_start3A_172 = tpu.memref_squeeze %dma_start3A_171 : memref<1x64xi32, #tpu.memory_space<vmem>> -> memref<64xi32, #tpu.memory_space<vmem>>
      %dma_start3A_173 = arith.constant 0 : i32
      %dma_start3A_174 = tpu.memref_slice %arg2[%dma_start3A_173] : memref<8388608xf32, #tpu.memory_space<hbm>> -> memref<8388608xf32, #tpu.memory_space<hbm>>
      tpu.enqueue_indirect_dma source(%dma_start3A_174 : memref<8388608xf32, #tpu.memory_space<hbm>>) target(%dma_start3A_169 : memref<64xf32, #tpu.memory_space<vmem>>) offsets(%dma_start3A_172 : memref<64xi32, #tpu.memory_space<vmem>>) semaphore(%arg8 : memref<!tpu.dma_semaphore, #tpu.memory_space<semaphore_mem>>)
      %add3A_175 = arith.constant 13 : i32
      %add3A_176 = arith.addi %mul3A_32, %add3A_175 : i32
      %dma_start3A_177 = arith.constant 13 : i32
      %dma_start3A_178 = arith.constant 0 : i32
      %dma_start3A_179 = tpu.memref_slice %arg6[%dma_start3A_177, %dma_start3A_178] : memref<16x64xf32, #tpu.memory_space<vmem>> -> memref<1x64xf32, #tpu.memory_space<vmem>>
      %dma_start3A_180 = tpu.memref_squeeze %dma_start3A_179 : memref<1x64xf32, #tpu.memory_space<vmem>> -> memref<64xf32, #tpu.memory_space<vmem>>
      %dma_start3A_181 = arith.constant 0 : i32
      %dma_start3A_182 = tpu.memref_slice %arg5[%add3A_176, %dma_start3A_181] : memref<128x64xi32, #tpu.memory_space<vmem>> -> memref<1x64xi32, #tpu.memory_space<vmem>>
      %dma_start3A_183 = tpu.memref_squeeze %dma_start3A_182 : memref<1x64xi32, #tpu.memory_space<vmem>> -> memref<64xi32, #tpu.memory_space<vmem>>
      %dma_start3A_184 = arith.constant 0 : i32
      %dma_start3A_185 = tpu.memref_slice %arg2[%dma_start3A_184] : memref<8388608xf32, #tpu.memory_space<hbm>> -> memref<8388608xf32, #tpu.memory_space<hbm>>
      tpu.enqueue_indirect_dma source(%dma_start3A_185 : memref<8388608xf32, #tpu.memory_space<hbm>>) target(%dma_start3A_180 : memref<64xf32, #tpu.memory_space<vmem>>) offsets(%dma_start3A_183 : memref<64xi32, #tpu.memory_space<vmem>>) semaphore(%arg8 : memref<!tpu.dma_semaphore, #tpu.memory_space<semaphore_mem>>)
      %add3A_186 = arith.constant 14 : i32
      %add3A_187 = arith.addi %mul3A_32, %add3A_186 : i32
      %dma_start3A_188 = arith.constant 14 : i32
      %dma_start3A_189 = arith.constant 0 : i32
      %dma_start3A_190 = tpu.memref_slice %arg6[%dma_start3A_188, %dma_start3A_189] : memref<16x64xf32, #tpu.memory_space<vmem>> -> memref<1x64xf32, #tpu.memory_space<vmem>>
      %dma_start3A_191 = tpu.memref_squeeze %dma_start3A_190 : memref<1x64xf32, #tpu.memory_space<vmem>> -> memref<64xf32, #tpu.memory_space<vmem>>
      %dma_start3A_192 = arith.constant 0 : i32
      %dma_start3A_193 = tpu.memref_slice %arg5[%add3A_187, %dma_start3A_192] : memref<128x64xi32, #tpu.memory_space<vmem>> -> memref<1x64xi32, #tpu.memory_space<vmem>>
      %dma_start3A_194 = tpu.memref_squeeze %dma_start3A_193 : memref<1x64xi32, #tpu.memory_space<vmem>> -> memref<64xi32, #tpu.memory_space<vmem>>
      %dma_start3A_195 = arith.constant 0 : i32
      %dma_start3A_196 = tpu.memref_slice %arg2[%dma_start3A_195] : memref<8388608xf32, #tpu.memory_space<hbm>> -> memref<8388608xf32, #tpu.memory_space<hbm>>
      tpu.enqueue_indirect_dma source(%dma_start3A_196 : memref<8388608xf32, #tpu.memory_space<hbm>>) target(%dma_start3A_191 : memref<64xf32, #tpu.memory_space<vmem>>) offsets(%dma_start3A_194 : memref<64xi32, #tpu.memory_space<vmem>>) semaphore(%arg8 : memref<!tpu.dma_semaphore, #tpu.memory_space<semaphore_mem>>)
      %add3A_197 = arith.constant 15 : i32
      %add3A_198 = arith.addi %mul3A_32, %add3A_197 : i32
      %dma_start3A_199 = arith.constant 15 : i32
      %dma_start3A_200 = arith.constant 0 : i32
      %dma_start3A_201 = tpu.memref_slice %arg6[%dma_start3A_199, %dma_start3A_200] : memref<16x64xf32, #tpu.memory_space<vmem>> -> memref<1x64xf32, #tpu.memory_space<vmem>>
      %dma_start3A_202 = tpu.memref_squeeze %dma_start3A_201 : memref<1x64xf32, #tpu.memory_space<vmem>> -> memref<64xf32, #tpu.memory_space<vmem>>
      %dma_start3A_203 = arith.constant 0 : i32
      %dma_start3A_204 = tpu.memref_slice %arg5[%add3A_198, %dma_start3A_203] : memref<128x64xi32, #tpu.memory_space<vmem>> -> memref<1x64xi32, #tpu.memory_space<vmem>>
      %dma_start3A_205 = tpu.memref_squeeze %dma_start3A_204 : memref<1x64xi32, #tpu.memory_space<vmem>> -> memref<64xi32, #tpu.memory_space<vmem>>
      %dma_start3A_206 = arith.constant 0 : i32
      %dma_start3A_207 = tpu.memref_slice %arg2[%dma_start3A_206] : memref<8388608xf32, #tpu.memory_space<hbm>> -> memref<8388608xf32, #tpu.memory_space<hbm>>
      tpu.enqueue_indirect_dma source(%dma_start3A_207 : memref<8388608xf32, #tpu.memory_space<hbm>>) target(%dma_start3A_202 : memref<64xf32, #tpu.memory_space<vmem>>) offsets(%dma_start3A_205 : memref<64xi32, #tpu.memory_space<vmem>>) semaphore(%arg8 : memref<!tpu.dma_semaphore, #tpu.memory_space<semaphore_mem>>)
      %add3A_208 = arith.constant 0 : i32
      %add3A_209 = arith.addi %mul3A_32, %add3A_208 : i32
      %dma_wait3A = arith.constant 0 : i32
      %dma_wait3A_210 = arith.constant 0 : i32
      %dma_wait3A_211 = tpu.memref_slice %arg6[%dma_wait3A, %dma_wait3A_210] : memref<16x64xf32, #tpu.memory_space<vmem>> -> memref<1x64xf32, #tpu.memory_space<vmem>>
      %dma_wait3A_212 = tpu.memref_squeeze %dma_wait3A_211 : memref<1x64xf32, #tpu.memory_space<vmem>> -> memref<64xf32, #tpu.memory_space<vmem>>
      %dma_wait3A_213 = arith.constant 0 : i32
      %dma_wait3A_214 = tpu.memref_slice %arg5[%add3A_209, %dma_wait3A_213] : memref<128x64xi32, #tpu.memory_space<vmem>> -> memref<1x64xi32, #tpu.memory_space<vmem>>
      %dma_wait3A_215 = tpu.memref_squeeze %dma_wait3A_214 : memref<1x64xi32, #tpu.memory_space<vmem>> -> memref<64xi32, #tpu.memory_space<vmem>>
      %dma_wait3A_216 = arith.constant 0 : i32
      %dma_wait3A_217 = tpu.memref_slice %arg2[%dma_wait3A_216] : memref<8388608xf32, #tpu.memory_space<hbm>> -> memref<8388608xf32, #tpu.memory_space<hbm>>
      tpu.wait_indirect_dma semaphore(%arg8 : memref<!tpu.dma_semaphore, #tpu.memory_space<semaphore_mem>>) src(%dma_wait3A_217 : memref<8388608xf32, #tpu.memory_space<hbm>>) dst(%dma_wait3A_212 : memref<64xf32, #tpu.memory_space<vmem>>)
      %add3A_218 = arith.constant 1 : i32
      %add3A_219 = arith.addi %mul3A_32, %add3A_218 : i32
      %dma_wait3A_220 = arith.constant 1 : i32
      %dma_wait3A_221 = arith.constant 0 : i32
      %dma_wait3A_222 = tpu.memref_slice %arg6[%dma_wait3A_220, %dma_wait3A_221] : memref<16x64xf32, #tpu.memory_space<vmem>> -> memref<1x64xf32, #tpu.memory_space<vmem>>
      %dma_wait3A_223 = tpu.memref_squeeze %dma_wait3A_222 : memref<1x64xf32, #tpu.memory_space<vmem>> -> memref<64xf32, #tpu.memory_space<vmem>>
      %dma_wait3A_224 = arith.constant 0 : i32
      %dma_wait3A_225 = tpu.memref_slice %arg5[%add3A_219, %dma_wait3A_224] : memref<128x64xi32, #tpu.memory_space<vmem>> -> memref<1x64xi32, #tpu.memory_space<vmem>>
      %dma_wait3A_226 = tpu.memref_squeeze %dma_wait3A_225 : memref<1x64xi32, #tpu.memory_space<vmem>> -> memref<64xi32, #tpu.memory_space<vmem>>
      %dma_wait3A_227 = arith.constant 0 : i32
      %dma_wait3A_228 = tpu.memref_slice %arg2[%dma_wait3A_227] : memref<8388608xf32, #tpu.memory_space<hbm>> -> memref<8388608xf32, #tpu.memory_space<hbm>>
      tpu.wait_indirect_dma semaphore(%arg8 : memref<!tpu.dma_semaphore, #tpu.memory_space<semaphore_mem>>) src(%dma_wait3A_228 : memref<8388608xf32, #tpu.memory_space<hbm>>) dst(%dma_wait3A_223 : memref<64xf32, #tpu.memory_space<vmem>>)
      %add3A_229 = arith.constant 2 : i32
      %add3A_230 = arith.addi %mul3A_32, %add3A_229 : i32
      %dma_wait3A_231 = arith.constant 2 : i32
      %dma_wait3A_232 = arith.constant 0 : i32
      %dma_wait3A_233 = tpu.memref_slice %arg6[%dma_wait3A_231, %dma_wait3A_232] : memref<16x64xf32, #tpu.memory_space<vmem>> -> memref<1x64xf32, #tpu.memory_space<vmem>>
      %dma_wait3A_234 = tpu.memref_squeeze %dma_wait3A_233 : memref<1x64xf32, #tpu.memory_space<vmem>> -> memref<64xf32, #tpu.memory_space<vmem>>
      %dma_wait3A_235 = arith.constant 0 : i32
      %dma_wait3A_236 = tpu.memref_slice %arg5[%add3A_230, %dma_wait3A_235] : memref<128x64xi32, #tpu.memory_space<vmem>> -> memref<1x64xi32, #tpu.memory_space<vmem>>
      %dma_wait3A_237 = tpu.memref_squeeze %dma_wait3A_236 : memref<1x64xi32, #tpu.memory_space<vmem>> -> memref<64xi32, #tpu.memory_space<vmem>>
      %dma_wait3A_238 = arith.constant 0 : i32
      %dma_wait3A_239 = tpu.memref_slice %arg2[%dma_wait3A_238] : memref<8388608xf32, #tpu.memory_space<hbm>> -> memref<8388608xf32, #tpu.memory_space<hbm>>
      tpu.wait_indirect_dma semaphore(%arg8 : memref<!tpu.dma_semaphore, #tpu.memory_space<semaphore_mem>>) src(%dma_wait3A_239 : memref<8388608xf32, #tpu.memory_space<hbm>>) dst(%dma_wait3A_234 : memref<64xf32, #tpu.memory_space<vmem>>)
      %add3A_240 = arith.constant 3 : i32
      %add3A_241 = arith.addi %mul3A_32, %add3A_240 : i32
      %dma_wait3A_242 = arith.constant 3 : i32
      %dma_wait3A_243 = arith.constant 0 : i32
      %dma_wait3A_244 = tpu.memref_slice %arg6[%dma_wait3A_242, %dma_wait3A_243] : memref<16x64xf32, #tpu.memory_space<vmem>> -> memref<1x64xf32, #tpu.memory_space<vmem>>
      %dma_wait3A_245 = tpu.memref_squeeze %dma_wait3A_244 : memref<1x64xf32, #tpu.memory_space<vmem>> -> memref<64xf32, #tpu.memory_space<vmem>>
      %dma_wait3A_246 = arith.constant 0 : i32
      %dma_wait3A_247 = tpu.memref_slice %arg5[%add3A_241, %dma_wait3A_246] : memref<128x64xi32, #tpu.memory_space<vmem>> -> memref<1x64xi32, #tpu.memory_space<vmem>>
      %dma_wait3A_248 = tpu.memref_squeeze %dma_wait3A_247 : memref<1x64xi32, #tpu.memory_space<vmem>> -> memref<64xi32, #tpu.memory_space<vmem>>
      %dma_wait3A_249 = arith.constant 0 : i32
      %dma_wait3A_250 = tpu.memref_slice %arg2[%dma_wait3A_249] : memref<8388608xf32, #tpu.memory_space<hbm>> -> memref<8388608xf32, #tpu.memory_space<hbm>>
      tpu.wait_indirect_dma semaphore(%arg8 : memref<!tpu.dma_semaphore, #tpu.memory_space<semaphore_mem>>) src(%dma_wait3A_250 : memref<8388608xf32, #tpu.memory_space<hbm>>) dst(%dma_wait3A_245 : memref<64xf32, #tpu.memory_space<vmem>>)
      %add3A_251 = arith.constant 4 : i32
      %add3A_252 = arith.addi %mul3A_32, %add3A_251 : i32
      %dma_wait3A_253 = arith.constant 4 : i32
      %dma_wait3A_254 = arith.constant 0 : i32
      %dma_wait3A_255 = tpu.memref_slice %arg6[%dma_wait3A_253, %dma_wait3A_254] : memref<16x64xf32, #tpu.memory_space<vmem>> -> memref<1x64xf32, #tpu.memory_space<vmem>>
      %dma_wait3A_256 = tpu.memref_squeeze %dma_wait3A_255 : memref<1x64xf32, #tpu.memory_space<vmem>> -> memref<64xf32, #tpu.memory_space<vmem>>
      %dma_wait3A_257 = arith.constant 0 : i32
      %dma_wait3A_258 = tpu.memref_slice %arg5[%add3A_252, %dma_wait3A_257] : memref<128x64xi32, #tpu.memory_space<vmem>> -> memref<1x64xi32, #tpu.memory_space<vmem>>
      %dma_wait3A_259 = tpu.memref_squeeze %dma_wait3A_258 : memref<1x64xi32, #tpu.memory_space<vmem>> -> memref<64xi32, #tpu.memory_space<vmem>>
      %dma_wait3A_260 = arith.constant 0 : i32
      %dma_wait3A_261 = tpu.memref_slice %arg2[%dma_wait3A_260] : memref<8388608xf32, #tpu.memory_space<hbm>> -> memref<8388608xf32, #tpu.memory_space<hbm>>
      tpu.wait_indirect_dma semaphore(%arg8 : memref<!tpu.dma_semaphore, #tpu.memory_space<semaphore_mem>>) src(%dma_wait3A_261 : memref<8388608xf32, #tpu.memory_space<hbm>>) dst(%dma_wait3A_256 : memref<64xf32, #tpu.memory_space<vmem>>)
      %add3A_262 = arith.constant 5 : i32
      %add3A_263 = arith.addi %mul3A_32, %add3A_262 : i32
      %dma_wait3A_264 = arith.constant 5 : i32
      %dma_wait3A_265 = arith.constant 0 : i32
      %dma_wait3A_266 = tpu.memref_slice %arg6[%dma_wait3A_264, %dma_wait3A_265] : memref<16x64xf32, #tpu.memory_space<vmem>> -> memref<1x64xf32, #tpu.memory_space<vmem>>
      %dma_wait3A_267 = tpu.memref_squeeze %dma_wait3A_266 : memref<1x64xf32, #tpu.memory_space<vmem>> -> memref<64xf32, #tpu.memory_space<vmem>>
      %dma_wait3A_268 = arith.constant 0 : i32
      %dma_wait3A_269 = tpu.memref_slice %arg5[%add3A_263, %dma_wait3A_268] : memref<128x64xi32, #tpu.memory_space<vmem>> -> memref<1x64xi32, #tpu.memory_space<vmem>>
      %dma_wait3A_270 = tpu.memref_squeeze %dma_wait3A_269 : memref<1x64xi32, #tpu.memory_space<vmem>> -> memref<64xi32, #tpu.memory_space<vmem>>
      %dma_wait3A_271 = arith.constant 0 : i32
      %dma_wait3A_272 = tpu.memref_slice %arg2[%dma_wait3A_271] : memref<8388608xf32, #tpu.memory_space<hbm>> -> memref<8388608xf32, #tpu.memory_space<hbm>>
      tpu.wait_indirect_dma semaphore(%arg8 : memref<!tpu.dma_semaphore, #tpu.memory_space<semaphore_mem>>) src(%dma_wait3A_272 : memref<8388608xf32, #tpu.memory_space<hbm>>) dst(%dma_wait3A_267 : memref<64xf32, #tpu.memory_space<vmem>>)
      %add3A_273 = arith.constant 6 : i32
      %add3A_274 = arith.addi %mul3A_32, %add3A_273 : i32
      %dma_wait3A_275 = arith.constant 6 : i32
      %dma_wait3A_276 = arith.constant 0 : i32
      %dma_wait3A_277 = tpu.memref_slice %arg6[%dma_wait3A_275, %dma_wait3A_276] : memref<16x64xf32, #tpu.memory_space<vmem>> -> memref<1x64xf32, #tpu.memory_space<vmem>>
      %dma_wait3A_278 = tpu.memref_squeeze %dma_wait3A_277 : memref<1x64xf32, #tpu.memory_space<vmem>> -> memref<64xf32, #tpu.memory_space<vmem>>
      %dma_wait3A_279 = arith.constant 0 : i32
      %dma_wait3A_280 = tpu.memref_slice %arg5[%add3A_274, %dma_wait3A_279] : memref<128x64xi32, #tpu.memory_space<vmem>> -> memref<1x64xi32, #tpu.memory_space<vmem>>
      %dma_wait3A_281 = tpu.memref_squeeze %dma_wait3A_280 : memref<1x64xi32, #tpu.memory_space<vmem>> -> memref<64xi32, #tpu.memory_space<vmem>>
      %dma_wait3A_282 = arith.constant 0 : i32
      %dma_wait3A_283 = tpu.memref_slice %arg2[%dma_wait3A_282] : memref<8388608xf32, #tpu.memory_space<hbm>> -> memref<8388608xf32, #tpu.memory_space<hbm>>
      tpu.wait_indirect_dma semaphore(%arg8 : memref<!tpu.dma_semaphore, #tpu.memory_space<semaphore_mem>>) src(%dma_wait3A_283 : memref<8388608xf32, #tpu.memory_space<hbm>>) dst(%dma_wait3A_278 : memref<64xf32, #tpu.memory_space<vmem>>)
      %add3A_284 = arith.constant 7 : i32
      %add3A_285 = arith.addi %mul3A_32, %add3A_284 : i32
      %dma_wait3A_286 = arith.constant 7 : i32
      %dma_wait3A_287 = arith.constant 0 : i32
      %dma_wait3A_288 = tpu.memref_slice %arg6[%dma_wait3A_286, %dma_wait3A_287] : memref<16x64xf32, #tpu.memory_space<vmem>> -> memref<1x64xf32, #tpu.memory_space<vmem>>
      %dma_wait3A_289 = tpu.memref_squeeze %dma_wait3A_288 : memref<1x64xf32, #tpu.memory_space<vmem>> -> memref<64xf32, #tpu.memory_space<vmem>>
      %dma_wait3A_290 = arith.constant 0 : i32
      %dma_wait3A_291 = tpu.memref_slice %arg5[%add3A_285, %dma_wait3A_290] : memref<128x64xi32, #tpu.memory_space<vmem>> -> memref<1x64xi32, #tpu.memory_space<vmem>>
      %dma_wait3A_292 = tpu.memref_squeeze %dma_wait3A_291 : memref<1x64xi32, #tpu.memory_space<vmem>> -> memref<64xi32, #tpu.memory_space<vmem>>
      %dma_wait3A_293 = arith.constant 0 : i32
      %dma_wait3A_294 = tpu.memref_slice %arg2[%dma_wait3A_293] : memref<8388608xf32, #tpu.memory_space<hbm>> -> memref<8388608xf32, #tpu.memory_space<hbm>>
      tpu.wait_indirect_dma semaphore(%arg8 : memref<!tpu.dma_semaphore, #tpu.memory_space<semaphore_mem>>) src(%dma_wait3A_294 : memref<8388608xf32, #tpu.memory_space<hbm>>) dst(%dma_wait3A_289 : memref<64xf32, #tpu.memory_space<vmem>>)
      %add3A_295 = arith.constant 8 : i32
      %add3A_296 = arith.addi %mul3A_32, %add3A_295 : i32
      %dma_wait3A_297 = arith.constant 8 : i32
      %dma_wait3A_298 = arith.constant 0 : i32
      %dma_wait3A_299 = tpu.memref_slice %arg6[%dma_wait3A_297, %dma_wait3A_298] : memref<16x64xf32, #tpu.memory_space<vmem>> -> memref<1x64xf32, #tpu.memory_space<vmem>>
      %dma_wait3A_300 = tpu.memref_squeeze %dma_wait3A_299 : memref<1x64xf32, #tpu.memory_space<vmem>> -> memref<64xf32, #tpu.memory_space<vmem>>
      %dma_wait3A_301 = arith.constant 0 : i32
      %dma_wait3A_302 = tpu.memref_slice %arg5[%add3A_296, %dma_wait3A_301] : memref<128x64xi32, #tpu.memory_space<vmem>> -> memref<1x64xi32, #tpu.memory_space<vmem>>
      %dma_wait3A_303 = tpu.memref_squeeze %dma_wait3A_302 : memref<1x64xi32, #tpu.memory_space<vmem>> -> memref<64xi32, #tpu.memory_space<vmem>>
      %dma_wait3A_304 = arith.constant 0 : i32
      %dma_wait3A_305 = tpu.memref_slice %arg2[%dma_wait3A_304] : memref<8388608xf32, #tpu.memory_space<hbm>> -> memref<8388608xf32, #tpu.memory_space<hbm>>
      tpu.wait_indirect_dma semaphore(%arg8 : memref<!tpu.dma_semaphore, #tpu.memory_space<semaphore_mem>>) src(%dma_wait3A_305 : memref<8388608xf32, #tpu.memory_space<hbm>>) dst(%dma_wait3A_300 : memref<64xf32, #tpu.memory_space<vmem>>)
      %add3A_306 = arith.constant 9 : i32
      %add3A_307 = arith.addi %mul3A_32, %add3A_306 : i32
      %dma_wait3A_308 = arith.constant 9 : i32
      %dma_wait3A_309 = arith.constant 0 : i32
      %dma_wait3A_310 = tpu.memref_slice %arg6[%dma_wait3A_308, %dma_wait3A_309] : memref<16x64xf32, #tpu.memory_space<vmem>> -> memref<1x64xf32, #tpu.memory_space<vmem>>
      %dma_wait3A_311 = tpu.memref_squeeze %dma_wait3A_310 : memref<1x64xf32, #tpu.memory_space<vmem>> -> memref<64xf32, #tpu.memory_space<vmem>>
      %dma_wait3A_312 = arith.constant 0 : i32
      %dma_wait3A_313 = tpu.memref_slice %arg5[%add3A_307, %dma_wait3A_312] : memref<128x64xi32, #tpu.memory_space<vmem>> -> memref<1x64xi32, #tpu.memory_space<vmem>>
      %dma_wait3A_314 = tpu.memref_squeeze %dma_wait3A_313 : memref<1x64xi32, #tpu.memory_space<vmem>> -> memref<64xi32, #tpu.memory_space<vmem>>
      %dma_wait3A_315 = arith.constant 0 : i32
      %dma_wait3A_316 = tpu.memref_slice %arg2[%dma_wait3A_315] : memref<8388608xf32, #tpu.memory_space<hbm>> -> memref<8388608xf32, #tpu.memory_space<hbm>>
      tpu.wait_indirect_dma semaphore(%arg8 : memref<!tpu.dma_semaphore, #tpu.memory_space<semaphore_mem>>) src(%dma_wait3A_316 : memref<8388608xf32, #tpu.memory_space<hbm>>) dst(%dma_wait3A_311 : memref<64xf32, #tpu.memory_space<vmem>>)
      %add3A_317 = arith.constant 10 : i32
      %add3A_318 = arith.addi %mul3A_32, %add3A_317 : i32
      %dma_wait3A_319 = arith.constant 10 : i32
      %dma_wait3A_320 = arith.constant 0 : i32
      %dma_wait3A_321 = tpu.memref_slice %arg6[%dma_wait3A_319, %dma_wait3A_320] : memref<16x64xf32, #tpu.memory_space<vmem>> -> memref<1x64xf32, #tpu.memory_space<vmem>>
      %dma_wait3A_322 = tpu.memref_squeeze %dma_wait3A_321 : memref<1x64xf32, #tpu.memory_space<vmem>> -> memref<64xf32, #tpu.memory_space<vmem>>
      %dma_wait3A_323 = arith.constant 0 : i32
      %dma_wait3A_324 = tpu.memref_slice %arg5[%add3A_318, %dma_wait3A_323] : memref<128x64xi32, #tpu.memory_space<vmem>> -> memref<1x64xi32, #tpu.memory_space<vmem>>
      %dma_wait3A_325 = tpu.memref_squeeze %dma_wait3A_324 : memref<1x64xi32, #tpu.memory_space<vmem>> -> memref<64xi32, #tpu.memory_space<vmem>>
      %dma_wait3A_326 = arith.constant 0 : i32
      %dma_wait3A_327 = tpu.memref_slice %arg2[%dma_wait3A_326] : memref<8388608xf32, #tpu.memory_space<hbm>> -> memref<8388608xf32, #tpu.memory_space<hbm>>
      tpu.wait_indirect_dma semaphore(%arg8 : memref<!tpu.dma_semaphore, #tpu.memory_space<semaphore_mem>>) src(%dma_wait3A_327 : memref<8388608xf32, #tpu.memory_space<hbm>>) dst(%dma_wait3A_322 : memref<64xf32, #tpu.memory_space<vmem>>)
      %add3A_328 = arith.constant 11 : i32
      %add3A_329 = arith.addi %mul3A_32, %add3A_328 : i32
      %dma_wait3A_330 = arith.constant 11 : i32
      %dma_wait3A_331 = arith.constant 0 : i32
      %dma_wait3A_332 = tpu.memref_slice %arg6[%dma_wait3A_330, %dma_wait3A_331] : memref<16x64xf32, #tpu.memory_space<vmem>> -> memref<1x64xf32, #tpu.memory_space<vmem>>
      %dma_wait3A_333 = tpu.memref_squeeze %dma_wait3A_332 : memref<1x64xf32, #tpu.memory_space<vmem>> -> memref<64xf32, #tpu.memory_space<vmem>>
      %dma_wait3A_334 = arith.constant 0 : i32
      %dma_wait3A_335 = tpu.memref_slice %arg5[%add3A_329, %dma_wait3A_334] : memref<128x64xi32, #tpu.memory_space<vmem>> -> memref<1x64xi32, #tpu.memory_space<vmem>>
      %dma_wait3A_336 = tpu.memref_squeeze %dma_wait3A_335 : memref<1x64xi32, #tpu.memory_space<vmem>> -> memref<64xi32, #tpu.memory_space<vmem>>
      %dma_wait3A_337 = arith.constant 0 : i32
      %dma_wait3A_338 = tpu.memref_slice %arg2[%dma_wait3A_337] : memref<8388608xf32, #tpu.memory_space<hbm>> -> memref<8388608xf32, #tpu.memory_space<hbm>>
      tpu.wait_indirect_dma semaphore(%arg8 : memref<!tpu.dma_semaphore, #tpu.memory_space<semaphore_mem>>) src(%dma_wait3A_338 : memref<8388608xf32, #tpu.memory_space<hbm>>) dst(%dma_wait3A_333 : memref<64xf32, #tpu.memory_space<vmem>>)
      %add3A_339 = arith.constant 12 : i32
      %add3A_340 = arith.addi %mul3A_32, %add3A_339 : i32
      %dma_wait3A_341 = arith.constant 12 : i32
      %dma_wait3A_342 = arith.constant 0 : i32
      %dma_wait3A_343 = tpu.memref_slice %arg6[%dma_wait3A_341, %dma_wait3A_342] : memref<16x64xf32, #tpu.memory_space<vmem>> -> memref<1x64xf32, #tpu.memory_space<vmem>>
      %dma_wait3A_344 = tpu.memref_squeeze %dma_wait3A_343 : memref<1x64xf32, #tpu.memory_space<vmem>> -> memref<64xf32, #tpu.memory_space<vmem>>
      %dma_wait3A_345 = arith.constant 0 : i32
      %dma_wait3A_346 = tpu.memref_slice %arg5[%add3A_340, %dma_wait3A_345] : memref<128x64xi32, #tpu.memory_space<vmem>> -> memref<1x64xi32, #tpu.memory_space<vmem>>
      %dma_wait3A_347 = tpu.memref_squeeze %dma_wait3A_346 : memref<1x64xi32, #tpu.memory_space<vmem>> -> memref<64xi32, #tpu.memory_space<vmem>>
      %dma_wait3A_348 = arith.constant 0 : i32
      %dma_wait3A_349 = tpu.memref_slice %arg2[%dma_wait3A_348] : memref<8388608xf32, #tpu.memory_space<hbm>> -> memref<8388608xf32, #tpu.memory_space<hbm>>
      tpu.wait_indirect_dma semaphore(%arg8 : memref<!tpu.dma_semaphore, #tpu.memory_space<semaphore_mem>>) src(%dma_wait3A_349 : memref<8388608xf32, #tpu.memory_space<hbm>>) dst(%dma_wait3A_344 : memref<64xf32, #tpu.memory_space<vmem>>)
      %add3A_350 = arith.constant 13 : i32
      %add3A_351 = arith.addi %mul3A_32, %add3A_350 : i32
      %dma_wait3A_352 = arith.constant 13 : i32
      %dma_wait3A_353 = arith.constant 0 : i32
      %dma_wait3A_354 = tpu.memref_slice %arg6[%dma_wait3A_352, %dma_wait3A_353] : memref<16x64xf32, #tpu.memory_space<vmem>> -> memref<1x64xf32, #tpu.memory_space<vmem>>
      %dma_wait3A_355 = tpu.memref_squeeze %dma_wait3A_354 : memref<1x64xf32, #tpu.memory_space<vmem>> -> memref<64xf32, #tpu.memory_space<vmem>>
      %dma_wait3A_356 = arith.constant 0 : i32
      %dma_wait3A_357 = tpu.memref_slice %arg5[%add3A_351, %dma_wait3A_356] : memref<128x64xi32, #tpu.memory_space<vmem>> -> memref<1x64xi32, #tpu.memory_space<vmem>>
      %dma_wait3A_358 = tpu.memref_squeeze %dma_wait3A_357 : memref<1x64xi32, #tpu.memory_space<vmem>> -> memref<64xi32, #tpu.memory_space<vmem>>
      %dma_wait3A_359 = arith.constant 0 : i32
      %dma_wait3A_360 = tpu.memref_slice %arg2[%dma_wait3A_359] : memref<8388608xf32, #tpu.memory_space<hbm>> -> memref<8388608xf32, #tpu.memory_space<hbm>>
      tpu.wait_indirect_dma semaphore(%arg8 : memref<!tpu.dma_semaphore, #tpu.memory_space<semaphore_mem>>) src(%dma_wait3A_360 : memref<8388608xf32, #tpu.memory_space<hbm>>) dst(%dma_wait3A_355 : memref<64xf32, #tpu.memory_space<vmem>>)
      %add3A_361 = arith.constant 14 : i32
      %add3A_362 = arith.addi %mul3A_32, %add3A_361 : i32
      %dma_wait3A_363 = arith.constant 14 : i32
      %dma_wait3A_364 = arith.constant 0 : i32
      %dma_wait3A_365 = tpu.memref_slice %arg6[%dma_wait3A_363, %dma_wait3A_364] : memref<16x64xf32, #tpu.memory_space<vmem>> -> memref<1x64xf32, #tpu.memory_space<vmem>>
      %dma_wait3A_366 = tpu.memref_squeeze %dma_wait3A_365 : memref<1x64xf32, #tpu.memory_space<vmem>> -> memref<64xf32, #tpu.memory_space<vmem>>
      %dma_wait3A_367 = arith.constant 0 : i32
      %dma_wait3A_368 = tpu.memref_slice %arg5[%add3A_362, %dma_wait3A_367] : memref<128x64xi32, #tpu.memory_space<vmem>> -> memref<1x64xi32, #tpu.memory_space<vmem>>
      %dma_wait3A_369 = tpu.memref_squeeze %dma_wait3A_368 : memref<1x64xi32, #tpu.memory_space<vmem>> -> memref<64xi32, #tpu.memory_space<vmem>>
      %dma_wait3A_370 = arith.constant 0 : i32
      %dma_wait3A_371 = tpu.memref_slice %arg2[%dma_wait3A_370] : memref<8388608xf32, #tpu.memory_space<hbm>> -> memref<8388608xf32, #tpu.memory_space<hbm>>
      tpu.wait_indirect_dma semaphore(%arg8 : memref<!tpu.dma_semaphore, #tpu.memory_space<semaphore_mem>>) src(%dma_wait3A_371 : memref<8388608xf32, #tpu.memory_space<hbm>>) dst(%dma_wait3A_366 : memref<64xf32, #tpu.memory_space<vmem>>)
      %add3A_372 = arith.constant 15 : i32
      %add3A_373 = arith.addi %mul3A_32, %add3A_372 : i32
      %dma_wait3A_374 = arith.constant 15 : i32
      %dma_wait3A_375 = arith.constant 0 : i32
      %dma_wait3A_376 = tpu.memref_slice %arg6[%dma_wait3A_374, %dma_wait3A_375] : memref<16x64xf32, #tpu.memory_space<vmem>> -> memref<1x64xf32, #tpu.memory_space<vmem>>
      %dma_wait3A_377 = tpu.memref_squeeze %dma_wait3A_376 : memref<1x64xf32, #tpu.memory_space<vmem>> -> memref<64xf32, #tpu.memory_space<vmem>>
      %dma_wait3A_378 = arith.constant 0 : i32
      %dma_wait3A_379 = tpu.memref_slice %arg5[%add3A_373, %dma_wait3A_378] : memref<128x64xi32, #tpu.memory_space<vmem>> -> memref<1x64xi32, #tpu.memory_space<vmem>>
      %dma_wait3A_380 = tpu.memref_squeeze %dma_wait3A_379 : memref<1x64xi32, #tpu.memory_space<vmem>> -> memref<64xi32, #tpu.memory_space<vmem>>
      %dma_wait3A_381 = arith.constant 0 : i32
      %dma_wait3A_382 = tpu.memref_slice %arg2[%dma_wait3A_381] : memref<8388608xf32, #tpu.memory_space<hbm>> -> memref<8388608xf32, #tpu.memory_space<hbm>>
      tpu.wait_indirect_dma semaphore(%arg8 : memref<!tpu.dma_semaphore, #tpu.memory_space<semaphore_mem>>) src(%dma_wait3A_382 : memref<8388608xf32, #tpu.memory_space<hbm>>) dst(%dma_wait3A_377 : memref<64xf32, #tpu.memory_space<vmem>>)
      %get3A = arith.constant 0 : index
      %get3A_383 = tpu.vector_load %arg7[%get3A] {strides = array<i32>} : memref<64xf32, #tpu.memory_space<vmem>>, vector<16xf32>,
      %get3A_384 = vector.shape_cast %get3A_383 : vector<16xf32> to vector<16xf32>
      %get3A_385 = arith.constant 0 : i32
      %get3A_386 = arith.index_cast %get3A_385 : i32 to index
      %get3A_387 = arith.constant 0 : index
      %get3A_388 = tpu.vector_load %arg6[%get3A_386, %get3A_387] {strides = array<i32>} : memref<16x64xf32, #tpu.memory_space<vmem>>, vector<1x16xf32>,
      %get3A_389 = vector.shape_cast %get3A_388 : vector<1x16xf32> to vector<16xf32>
      %exp3A = math.exp %get3A_389 : vector<16xf32>
      %add3A_390 = arith.addf %get3A_384, %exp3A : vector<16xf32>
      %swap3A_391 = arith.constant 0 : index
      %swap3A_392 = tpu.vector_load %arg7[%swap3A_391] {strides = array<i32>} : memref<64xf32, #tpu.memory_space<vmem>>, vector<16xf32>,
      %swap3A_393 = vector.shape_cast %swap3A_392 : vector<16xf32> to vector<16xf32>
      %swap3A_394 = vector.shape_cast %add3A_390 : vector<16xf32> to vector<16xf32>
      tpu.vector_store %arg7[%swap3A_391], %swap3A_394 {strides = array<i32>} : memref<64xf32, #tpu.memory_space<vmem>>, vector<16xf32>,
      %get3A_395 = arith.constant 16 : index
      %get3A_396 = tpu.vector_load %arg7[%get3A_395] {strides = array<i32>} : memref<64xf32, #tpu.memory_space<vmem>>, vector<16xf32>,
      %get3A_397 = vector.shape_cast %get3A_396 : vector<16xf32> to vector<16xf32>
      %get3A_398 = arith.constant 0 : i32
      %get3A_399 = arith.index_cast %get3A_398 : i32 to index
      %get3A_400 = arith.constant 16 : index
      %get3A_401 = tpu.vector_load %arg6[%get3A_399, %get3A_400] {strides = array<i32>} : memref<16x64xf32, #tpu.memory_space<vmem>>, vector<1x16xf32>,
      %get3A_402 = vector.shape_cast %get3A_401 : vector<1x16xf32> to vector<16xf32>
      %exp3A_403 = math.exp %get3A_402 : vector<16xf32>
      %add3A_404 = arith.addf %get3A_397, %exp3A_403 : vector<16xf32>
      %swap3A_405 = arith.constant 16 : index
      %swap3A_406 = tpu.vector_load %arg7[%swap3A_405] {strides = array<i32>} : memref<64xf32, #tpu.memory_space<vmem>>, vector<16xf32>,
      %swap3A_407 = vector.shape_cast %swap3A_406 : vector<16xf32> to vector<16xf32>
      %swap3A_408 = vector.shape_cast %add3A_404 : vector<16xf32> to vector<16xf32>
      tpu.vector_store %arg7[%swap3A_405], %swap3A_408 {strides = array<i32>} : memref<64xf32, #tpu.memory_space<vmem>>, vector<16xf32>,
      %get3A_409 = arith.constant 32 : index
      %get3A_410 = tpu.vector_load %arg7[%get3A_409] {strides = array<i32>} : memref<64xf32, #tpu.memory_space<vmem>>, vector<16xf32>,
      %get3A_411 = vector.shape_cast %get3A_410 : vector<16xf32> to vector<16xf32>
      %get3A_412 = arith.constant 0 : i32
      %get3A_413 = arith.index_cast %get3A_412 : i32 to index
      %get3A_414 = arith.constant 32 : index
      %get3A_415 = tpu.vector_load %arg6[%get3A_413, %get3A_414] {strides = array<i32>} : memref<16x64xf32, #tpu.memory_space<vmem>>, vector<1x16xf32>,
      %get3A_416 = vector.shape_cast %get3A_415 : vector<1x16xf32> to vector<16xf32>
      %exp3A_417 = math.exp %get3A_416 : vector<16xf32>
      %add3A_418 = arith.addf %get3A_411, %exp3A_417 : vector<16xf32>
      %swap3A_419 = arith.constant 32 : index
      %swap3A_420 = tpu.vector_load %arg7[%swap3A_419] {strides = array<i32>} : memref<64xf32, #tpu.memory_space<vmem>>, vector<16xf32>,
      %swap3A_421 = vector.shape_cast %swap3A_420 : vector<16xf32> to vector<16xf32>
      %swap3A_422 = vector.shape_cast %add3A_418 : vector<16xf32> to vector<16xf32>
      tpu.vector_store %arg7[%swap3A_419], %swap3A_422 {strides = array<i32>} : memref<64xf32, #tpu.memory_space<vmem>>, vector<16xf32>,
      %get3A_423 = arith.constant 48 : index
      %get3A_424 = tpu.vector_load %arg7[%get3A_423] {strides = array<i32>} : memref<64xf32, #tpu.memory_space<vmem>>, vector<16xf32>,
      %get3A_425 = vector.shape_cast %get3A_424 : vector<16xf32> to vector<16xf32>
      %get3A_426 = arith.constant 0 : i32
      %get3A_427 = arith.index_cast %get3A_426 : i32 to index
      %get3A_428 = arith.constant 48 : index
      %get3A_429 = tpu.vector_load %arg6[%get3A_427, %get3A_428] {strides = array<i32>} : memref<16x64xf32, #tpu.memory_space<vmem>>, vector<1x16xf32>,
      %get3A_430 = vector.shape_cast %get3A_429 : vector<1x16xf32> to vector<16xf32>
      %exp3A_431 = math.exp %get3A_430 : vector<16xf32>
      %add3A_432 = arith.addf %get3A_425, %exp3A_431 : vector<16xf32>
      %swap3A_433 = arith.constant 48 : index
      %swap3A_434 = tpu.vector_load %arg7[%swap3A_433] {strides = array<i32>} : memref<64xf32, #tpu.memory_space<vmem>>, vector<16xf32>,
      %swap3A_435 = vector.shape_cast %swap3A_434 : vector<16xf32> to vector<16xf32>
      %swap3A_436 = vector.shape_cast %add3A_432 : vector<16xf32> to vector<16xf32>
      tpu.vector_store %arg7[%swap3A_433], %swap3A_436 {strides = array<i32>} : memref<64xf32, #tpu.memory_space<vmem>>, vector<16xf32>,
      %get3A_437 = arith.constant 0 : index
      %get3A_438 = tpu.vector_load %arg7[%get3A_437] {strides = array<i32>} : memref<64xf32, #tpu.memory_space<vmem>>, vector<16xf32>,
      %get3A_439 = vector.shape_cast %get3A_438 : vector<16xf32> to vector<16xf32>
      %get3A_440 = arith.constant 1 : i32
      %get3A_441 = arith.index_cast %get3A_440 : i32 to index
      %get3A_442 = arith.constant 0 : index
      %get3A_443 = tpu.vector_load %arg6[%get3A_441, %get3A_442] {strides = array<i32>} : memref<16x64xf32, #tpu.memory_space<vmem>>, vector<1x16xf32>,
      %get3A_444 = vector.shape_cast %get3A_443 : vector<1x16xf32> to vector<16xf32>
      %exp3A_445 = math.exp %get3A_444 : vector<16xf32>
      %add3A_446 = arith.addf %get3A_439, %exp3A_445 : vector<16xf32>
      %swap3A_447 = arith.constant 0 : index
      %swap3A_448 = tpu.vector_load %arg7[%swap3A_447] {strides = array<i32>} : memref<64xf32, #tpu.memory_space<vmem>>, vector<16xf32>,
      %swap3A_449 = vector.shape_cast %swap3A_448 : vector<16xf32> to vector<16xf32>
      %swap3A_450 = vector.shape_cast %add3A_446 : vector<16xf32> to vector<16xf32>
      tpu.vector_store %arg7[%swap3A_447], %swap3A_450 {strides = array<i32>} : memref<64xf32, #tpu.memory_space<vmem>>, vector<16xf32>,
      %get3A_451 = arith.constant 16 : index
      %get3A_452 = tpu.vector_load %arg7[%get3A_451] {strides = array<i32>} : memref<64xf32, #tpu.memory_space<vmem>>, vector<16xf32>,
      %get3A_453 = vector.shape_cast %get3A_452 : vector<16xf32> to vector<16xf32>
      %get3A_454 = arith.constant 1 : i32
      %get3A_455 = arith.index_cast %get3A_454 : i32 to index
      %get3A_456 = arith.constant 16 : index
      %get3A_457 = tpu.vector_load %arg6[%get3A_455, %get3A_456] {strides = array<i32>} : memref<16x64xf32, #tpu.memory_space<vmem>>, vector<1x16xf32>,
      %get3A_458 = vector.shape_cast %get3A_457 : vector<1x16xf32> to vector<16xf32>
      %exp3A_459 = math.exp %get3A_458 : vector<16xf32>
      %add3A_460 = arith.addf %get3A_453, %exp3A_459 : vector<16xf32>
      %swap3A_461 = arith.constant 16 : index
      %swap3A_462 = tpu.vector_load %arg7[%swap3A_461] {strides = array<i32>} : memref<64xf32, #tpu.memory_space<vmem>>, vector<16xf32>,
      %swap3A_463 = vector.shape_cast %swap3A_462 : vector<16xf32> to vector<16xf32>
      %swap3A_464 = vector.shape_cast %add3A_460 : vector<16xf32> to vector<16xf32>
      tpu.vector_store %arg7[%swap3A_461], %swap3A_464 {strides = array<i32>} : memref<64xf32, #tpu.memory_space<vmem>>, vector<16xf32>,
      %get3A_465 = arith.constant 32 : index
      %get3A_466 = tpu.vector_load %arg7[%get3A_465] {strides = array<i32>} : memref<64xf32, #tpu.memory_space<vmem>>, vector<16xf32>,
      %get3A_467 = vector.shape_cast %get3A_466 : vector<16xf32> to vector<16xf32>
      %get3A_468 = arith.constant 1 : i32
      %get3A_469 = arith.index_cast %get3A_468 : i32 to index
      %get3A_470 = arith.constant 32 : index
      %get3A_471 = tpu.vector_load %arg6[%get3A_469, %get3A_470] {strides = array<i32>} : memref<16x64xf32, #tpu.memory_space<vmem>>, vector<1x16xf32>,
      %get3A_472 = vector.shape_cast %get3A_471 : vector<1x16xf32> to vector<16xf32>
      %exp3A_473 = math.exp %get3A_472 : vector<16xf32>
      %add3A_474 = arith.addf %get3A_467, %exp3A_473 : vector<16xf32>
      %swap3A_475 = arith.constant 32 : index
      %swap3A_476 = tpu.vector_load %arg7[%swap3A_475] {strides = array<i32>} : memref<64xf32, #tpu.memory_space<vmem>>, vector<16xf32>,
      %swap3A_477 = vector.shape_cast %swap3A_476 : vector<16xf32> to vector<16xf32>
      %swap3A_478 = vector.shape_cast %add3A_474 : vector<16xf32> to vector<16xf32>
      tpu.vector_store %arg7[%swap3A_475], %swap3A_478 {strides = array<i32>} : memref<64xf32, #tpu.memory_space<vmem>>, vector<16xf32>,
      %get3A_479 = arith.constant 48 : index
      %get3A_480 = tpu.vector_load %arg7[%get3A_479] {strides = array<i32>} : memref<64xf32, #tpu.memory_space<vmem>>, vector<16xf32>,
      %get3A_481 = vector.shape_cast %get3A_480 : vector<16xf32> to vector<16xf32>
      %get3A_482 = arith.constant 1 : i32
      %get3A_483 = arith.index_cast %get3A_482 : i32 to index
      %get3A_484 = arith.constant 48 : index
      %get3A_485 = tpu.vector_load %arg6[%get3A_483, %get3A_484] {strides = array<i32>} : memref<16x64xf32, #tpu.memory_space<vmem>>, vector<1x16xf32>,
      %get3A_486 = vector.shape_cast %get3A_485 : vector<1x16xf32> to vector<16xf32>
      %exp3A_487 = math.exp %get3A_486 : vector<16xf32>
      %add3A_488 = arith.addf %get3A_481, %exp3A_487 : vector<16xf32>
      %swap3A_489 = arith.constant 48 : index
      %swap3A_490 = tpu.vector_load %arg7[%swap3A_489] {strides = array<i32>} : memref<64xf32, #tpu.memory_space<vmem>>, vector<16xf32>,
      %swap3A_491 = vector.shape_cast %swap3A_490 : vector<16xf32> to vector<16xf32>
      %swap3A_492 = vector.shape_cast %add3A_488 : vector<16xf32> to vector<16xf32>
      tpu.vector_store %arg7[%swap3A_489], %swap3A_492 {strides = array<i32>} : memref<64xf32, #tpu.memory_space<vmem>>, vector<16xf32>,
      %get3A_493 = arith.constant 0 : index
      %get3A_494 = tpu.vector_load %arg7[%get3A_493] {strides = array<i32>} : memref<64xf32, #tpu.memory_space<vmem>>, vector<16xf32>,
      %get3A_495 = vector.shape_cast %get3A_494 : vector<16xf32> to vector<16xf32>
      %get3A_496 = arith.constant 2 : i32
      %get3A_497 = arith.index_cast %get3A_496 : i32 to index
      %get3A_498 = arith.constant 0 : index
      %get3A_499 = tpu.vector_load %arg6[%get3A_497, %get3A_498] {strides = array<i32>} : memref<16x64xf32, #tpu.memory_space<vmem>>, vector<1x16xf32>,
      %get3A_500 = vector.shape_cast %get3A_499 : vector<1x16xf32> to vector<16xf32>
      %exp3A_501 = math.exp %get3A_500 : vector<16xf32>
      %add3A_502 = arith.addf %get3A_495, %exp3A_501 : vector<16xf32>
      %swap3A_503 = arith.constant 0 : index
      %swap3A_504 = tpu.vector_load %arg7[%swap3A_503] {strides = array<i32>} : memref<64xf32, #tpu.memory_space<vmem>>, vector<16xf32>,
      %swap3A_505 = vector.shape_cast %swap3A_504 : vector<16xf32> to vector<16xf32>
      %swap3A_506 = vector.shape_cast %add3A_502 : vector<16xf32> to vector<16xf32>
      tpu.vector_store %arg7[%swap3A_503], %swap3A_506 {strides = array<i32>} : memref<64xf32, #tpu.memory_space<vmem>>, vector<16xf32>,
      %get3A_507 = arith.constant 16 : index
      %get3A_508 = tpu.vector_load %arg7[%get3A_507] {strides = array<i32>} : memref<64xf32, #tpu.memory_space<vmem>>, vector<16xf32>,
      %get3A_509 = vector.shape_cast %get3A_508 : vector<16xf32> to vector<16xf32>
      %get3A_510 = arith.constant 2 : i32
      %get3A_511 = arith.index_cast %get3A_510 : i32 to index
      %get3A_512 = arith.constant 16 : index
      %get3A_513 = tpu.vector_load %arg6[%get3A_511, %get3A_512] {strides = array<i32>} : memref<16x64xf32, #tpu.memory_space<vmem>>, vector<1x16xf32>,
      %get3A_514 = vector.shape_cast %get3A_513 : vector<1x16xf32> to vector<16xf32>
      %exp3A_515 = math.exp %get3A_514 : vector<16xf32>
      %add3A_516 = arith.addf %get3A_509, %exp3A_515 : vector<16xf32>
      %swap3A_517 = arith.constant 16 : index
      %swap3A_518 = tpu.vector_load %arg7[%swap3A_517] {strides = array<i32>} : memref<64xf32, #tpu.memory_space<vmem>>, vector<16xf32>,
      %swap3A_519 = vector.shape_cast %swap3A_518 : vector<16xf32> to vector<16xf32>
      %swap3A_520 = vector.shape_cast %add3A_516 : vector<16xf32> to vector<16xf32>
      tpu.vector_store %arg7[%swap3A_517], %swap3A_520 {strides = array<i32>} : memref<64xf32, #tpu.memory_space<vmem>>, vector<16xf32>,
      %get3A_521 = arith.constant 32 : index
      %get3A_522 = tpu.vector_load %arg7[%get3A_521] {strides = array<i32>} : memref<64xf32, #tpu.memory_space<vmem>>, vector<16xf32>,
      %get3A_523 = vector.shape_cast %get3A_522 : vector<16xf32> to vector<16xf32>
      %get3A_524 = arith.constant 2 : i32
      %get3A_525 = arith.index_cast %get3A_524 : i32 to index
      %get3A_526 = arith.constant 32 : index
      %get3A_527 = tpu.vector_load %arg6[%get3A_525, %get3A_526] {strides = array<i32>} : memref<16x64xf32, #tpu.memory_space<vmem>>, vector<1x16xf32>,
      %get3A_528 = vector.shape_cast %get3A_527 : vector<1x16xf32> to vector<16xf32>
      %exp3A_529 = math.exp %get3A_528 : vector<16xf32>
      %add3A_530 = arith.addf %get3A_523, %exp3A_529 : vector<16xf32>
      %swap3A_531 = arith.constant 32 : index
      %swap3A_532 = tpu.vector_load %arg7[%swap3A_531] {strides = array<i32>} : memref<64xf32, #tpu.memory_space<vmem>>, vector<16xf32>,
      %swap3A_533 = vector.shape_cast %swap3A_532 : vector<16xf32> to vector<16xf32>
      %swap3A_534 = vector.shape_cast %add3A_530 : vector<16xf32> to vector<16xf32>
      tpu.vector_store %arg7[%swap3A_531], %swap3A_534 {strides = array<i32>} : memref<64xf32, #tpu.memory_space<vmem>>, vector<16xf32>,
      %get3A_535 = arith.constant 48 : index
      %get3A_536 = tpu.vector_load %arg7[%get3A_535] {strides = array<i32>} : memref<64xf32, #tpu.memory_space<vmem>>, vector<16xf32>,
      %get3A_537 = vector.shape_cast %get3A_536 : vector<16xf32> to vector<16xf32>
      %get3A_538 = arith.constant 2 : i32
      %get3A_539 = arith.index_cast %get3A_538 : i32 to index
      %get3A_540 = arith.constant 48 : index
      %get3A_541 = tpu.vector_load %arg6[%get3A_539, %get3A_540] {strides = array<i32>} : memref<16x64xf32, #tpu.memory_space<vmem>>, vector<1x16xf32>,
      %get3A_542 = vector.shape_cast %get3A_541 : vector<1x16xf32> to vector<16xf32>
      %exp3A_543 = math.exp %get3A_542 : vector<16xf32>
      %add3A_544 = arith.addf %get3A_537, %exp3A_543 : vector<16xf32>
      %swap3A_545 = arith.constant 48 : index
      %swap3A_546 = tpu.vector_load %arg7[%swap3A_545] {strides = array<i32>} : memref<64xf32, #tpu.memory_space<vmem>>, vector<16xf32>,
      %swap3A_547 = vector.shape_cast %swap3A_546 : vector<16xf32> to vector<16xf32>
      %swap3A_548 = vector.shape_cast %add3A_544 : vector<16xf32> to vector<16xf32>
      tpu.vector_store %arg7[%swap3A_545], %swap3A_548 {strides = array<i32>} : memref<64xf32, #tpu.memory_space<vmem>>, vector<16xf32>,
      %get3A_549 = arith.constant 0 : index
      %get3A_550 = tpu.vector_load %arg7[%get3A_549] {strides = array<i32>} : memref<64xf32, #tpu.memory_space<vmem>>, vector<16xf32>,
      %get3A_551 = vector.shape_cast %get3A_550 : vector<16xf32> to vector<16xf32>
      %get3A_552 = arith.constant 3 : i32
      %get3A_553 = arith.index_cast %get3A_552 : i32 to index
      %get3A_554 = arith.constant 0 : index
      %get3A_555 = tpu.vector_load %arg6[%get3A_553, %get3A_554] {strides = array<i32>} : memref<16x64xf32, #tpu.memory_space<vmem>>, vector<1x16xf32>,
      %get3A_556 = vector.shape_cast %get3A_555 : vector<1x16xf32> to vector<16xf32>
      %exp3A_557 = math.exp %get3A_556 : vector<16xf32>
      %add3A_558 = arith.addf %get3A_551, %exp3A_557 : vector<16xf32>
      %swap3A_559 = arith.constant 0 : index
      %swap3A_560 = tpu.vector_load %arg7[%swap3A_559] {strides = array<i32>} : memref<64xf32, #tpu.memory_space<vmem>>, vector<16xf32>,
      %swap3A_561 = vector.shape_cast %swap3A_560 : vector<16xf32> to vector<16xf32>
      %swap3A_562 = vector.shape_cast %add3A_558 : vector<16xf32> to vector<16xf32>
      tpu.vector_store %arg7[%swap3A_559], %swap3A_562 {strides = array<i32>} : memref<64xf32, #tpu.memory_space<vmem>>, vector<16xf32>,
      %get3A_563 = arith.constant 16 : index
      %get3A_564 = tpu.vector_load %arg7[%get3A_563] {strides = array<i32>} : memref<64xf32, #tpu.memory_space<vmem>>, vector<16xf32>,
      %get3A_565 = vector.shape_cast %get3A_564 : vector<16xf32> to vector<16xf32>
      %get3A_566 = arith.constant 3 : i32
      %get3A_567 = arith.index_cast %get3A_566 : i32 to index
      %get3A_568 = arith.constant 16 : index
      %get3A_569 = tpu.vector_load %arg6[%get3A_567, %get3A_568] {strides = array<i32>} : memref<16x64xf32, #tpu.memory_space<vmem>>, vector<1x16xf32>,
      %get3A_570 = vector.shape_cast %get3A_569 : vector<1x16xf32> to vector<16xf32>
      %exp3A_571 = math.exp %get3A_570 : vector<16xf32>
      %add3A_572 = arith.addf %get3A_565, %exp3A_571 : vector<16xf32>
      %swap3A_573 = arith.constant 16 : index
      %swap3A_574 = tpu.vector_load %arg7[%swap3A_573] {strides = array<i32>} : memref<64xf32, #tpu.memory_space<vmem>>, vector<16xf32>,
      %swap3A_575 = vector.shape_cast %swap3A_574 : vector<16xf32> to vector<16xf32>
      %swap3A_576 = vector.shape_cast %add3A_572 : vector<16xf32> to vector<16xf32>
      tpu.vector_store %arg7[%swap3A_573], %swap3A_576 {strides = array<i32>} : memref<64xf32, #tpu.memory_space<vmem>>, vector<16xf32>,
      %get3A_577 = arith.constant 32 : index
      %get3A_578 = tpu.vector_load %arg7[%get3A_577] {strides = array<i32>} : memref<64xf32, #tpu.memory_space<vmem>>, vector<16xf32>,
      %get3A_579 = vector.shape_cast %get3A_578 : vector<16xf32> to vector<16xf32>
      %get3A_580 = arith.constant 3 : i32
      %get3A_581 = arith.index_cast %get3A_580 : i32 to index
      %get3A_582 = arith.constant 32 : index
      %get3A_583 = tpu.vector_load %arg6[%get3A_581, %get3A_582] {strides = array<i32>} : memref<16x64xf32, #tpu.memory_space<vmem>>, vector<1x16xf32>,
      %get3A_584 = vector.shape_cast %get3A_583 : vector<1x16xf32> to vector<16xf32>
      %exp3A_585 = math.exp %get3A_584 : vector<16xf32>
      %add3A_586 = arith.addf %get3A_579, %exp3A_585 : vector<16xf32>
      %swap3A_587 = arith.constant 32 : index
      %swap3A_588 = tpu.vector_load %arg7[%swap3A_587] {strides = array<i32>} : memref<64xf32, #tpu.memory_space<vmem>>, vector<16xf32>,
      %swap3A_589 = vector.shape_cast %swap3A_588 : vector<16xf32> to vector<16xf32>
      %swap3A_590 = vector.shape_cast %add3A_586 : vector<16xf32> to vector<16xf32>
      tpu.vector_store %arg7[%swap3A_587], %swap3A_590 {strides = array<i32>} : memref<64xf32, #tpu.memory_space<vmem>>, vector<16xf32>,
      %get3A_591 = arith.constant 48 : index
      %get3A_592 = tpu.vector_load %arg7[%get3A_591] {strides = array<i32>} : memref<64xf32, #tpu.memory_space<vmem>>, vector<16xf32>,
      %get3A_593 = vector.shape_cast %get3A_592 : vector<16xf32> to vector<16xf32>
      %get3A_594 = arith.constant 3 : i32
      %get3A_595 = arith.index_cast %get3A_594 : i32 to index
      %get3A_596 = arith.constant 48 : index
      %get3A_597 = tpu.vector_load %arg6[%get3A_595, %get3A_596] {strides = array<i32>} : memref<16x64xf32, #tpu.memory_space<vmem>>, vector<1x16xf32>,
      %get3A_598 = vector.shape_cast %get3A_597 : vector<1x16xf32> to vector<16xf32>
      %exp3A_599 = math.exp %get3A_598 : vector<16xf32>
      %add3A_600 = arith.addf %get3A_593, %exp3A_599 : vector<16xf32>
      %swap3A_601 = arith.constant 48 : index
      %swap3A_602 = tpu.vector_load %arg7[%swap3A_601] {strides = array<i32>} : memref<64xf32, #tpu.memory_space<vmem>>, vector<16xf32>,
      %swap3A_603 = vector.shape_cast %swap3A_602 : vector<16xf32> to vector<16xf32>
      %swap3A_604 = vector.shape_cast %add3A_600 : vector<16xf32> to vector<16xf32>
      tpu.vector_store %arg7[%swap3A_601], %swap3A_604 {strides = array<i32>} : memref<64xf32, #tpu.memory_space<vmem>>, vector<16xf32>,
      %get3A_605 = arith.constant 0 : index
      %get3A_606 = tpu.vector_load %arg7[%get3A_605] {strides = array<i32>} : memref<64xf32, #tpu.memory_space<vmem>>, vector<16xf32>,
      %get3A_607 = vector.shape_cast %get3A_606 : vector<16xf32> to vector<16xf32>
      %get3A_608 = arith.constant 4 : i32
      %get3A_609 = arith.index_cast %get3A_608 : i32 to index
      %get3A_610 = arith.constant 0 : index
      %get3A_611 = tpu.vector_load %arg6[%get3A_609, %get3A_610] {strides = array<i32>} : memref<16x64xf32, #tpu.memory_space<vmem>>, vector<1x16xf32>,
      %get3A_612 = vector.shape_cast %get3A_611 : vector<1x16xf32> to vector<16xf32>
      %exp3A_613 = math.exp %get3A_612 : vector<16xf32>
      %add3A_614 = arith.addf %get3A_607, %exp3A_613 : vector<16xf32>
      %swap3A_615 = arith.constant 0 : index
      %swap3A_616 = tpu.vector_load %arg7[%swap3A_615] {strides = array<i32>} : memref<64xf32, #tpu.memory_space<vmem>>, vector<16xf32>,
      %swap3A_617 = vector.shape_cast %swap3A_616 : vector<16xf32> to vector<16xf32>
      %swap3A_618 = vector.shape_cast %add3A_614 : vector<16xf32> to vector<16xf32>
      tpu.vector_store %arg7[%swap3A_615], %swap3A_618 {strides = array<i32>} : memref<64xf32, #tpu.memory_space<vmem>>, vector<16xf32>,
      %get3A_619 = arith.constant 16 : index
      %get3A_620 = tpu.vector_load %arg7[%get3A_619] {strides = array<i32>} : memref<64xf32, #tpu.memory_space<vmem>>, vector<16xf32>,
      %get3A_621 = vector.shape_cast %get3A_620 : vector<16xf32> to vector<16xf32>
      %get3A_622 = arith.constant 4 : i32
      %get3A_623 = arith.index_cast %get3A_622 : i32 to index
      %get3A_624 = arith.constant 16 : index
      %get3A_625 = tpu.vector_load %arg6[%get3A_623, %get3A_624] {strides = array<i32>} : memref<16x64xf32, #tpu.memory_space<vmem>>, vector<1x16xf32>,
      %get3A_626 = vector.shape_cast %get3A_625 : vector<1x16xf32> to vector<16xf32>
      %exp3A_627 = math.exp %get3A_626 : vector<16xf32>
      %add3A_628 = arith.addf %get3A_621, %exp3A_627 : vector<16xf32>
      %swap3A_629 = arith.constant 16 : index
      %swap3A_630 = tpu.vector_load %arg7[%swap3A_629] {strides = array<i32>} : memref<64xf32, #tpu.memory_space<vmem>>, vector<16xf32>,
      %swap3A_631 = vector.shape_cast %swap3A_630 : vector<16xf32> to vector<16xf32>
      %swap3A_632 = vector.shape_cast %add3A_628 : vector<16xf32> to vector<16xf32>
      tpu.vector_store %arg7[%swap3A_629], %swap3A_632 {strides = array<i32>} : memref<64xf32, #tpu.memory_space<vmem>>, vector<16xf32>,
      %get3A_633 = arith.constant 32 : index
      %get3A_634 = tpu.vector_load %arg7[%get3A_633] {strides = array<i32>} : memref<64xf32, #tpu.memory_space<vmem>>, vector<16xf32>,
      %get3A_635 = vector.shape_cast %get3A_634 : vector<16xf32> to vector<16xf32>
      %get3A_636 = arith.constant 4 : i32
      %get3A_637 = arith.index_cast %get3A_636 : i32 to index
      %get3A_638 = arith.constant 32 : index
      %get3A_639 = tpu.vector_load %arg6[%get3A_637, %get3A_638] {strides = array<i32>} : memref<16x64xf32, #tpu.memory_space<vmem>>, vector<1x16xf32>,
      %get3A_640 = vector.shape_cast %get3A_639 : vector<1x16xf32> to vector<16xf32>
      %exp3A_641 = math.exp %get3A_640 : vector<16xf32>
      %add3A_642 = arith.addf %get3A_635, %exp3A_641 : vector<16xf32>
      %swap3A_643 = arith.constant 32 : index
      %swap3A_644 = tpu.vector_load %arg7[%swap3A_643] {strides = array<i32>} : memref<64xf32, #tpu.memory_space<vmem>>, vector<16xf32>,
      %swap3A_645 = vector.shape_cast %swap3A_644 : vector<16xf32> to vector<16xf32>
      %swap3A_646 = vector.shape_cast %add3A_642 : vector<16xf32> to vector<16xf32>
      tpu.vector_store %arg7[%swap3A_643], %swap3A_646 {strides = array<i32>} : memref<64xf32, #tpu.memory_space<vmem>>, vector<16xf32>,
      %get3A_647 = arith.constant 48 : index
      %get3A_648 = tpu.vector_load %arg7[%get3A_647] {strides = array<i32>} : memref<64xf32, #tpu.memory_space<vmem>>, vector<16xf32>,
      %get3A_649 = vector.shape_cast %get3A_648 : vector<16xf32> to vector<16xf32>
      %get3A_650 = arith.constant 4 : i32
      %get3A_651 = arith.index_cast %get3A_650 : i32 to index
      %get3A_652 = arith.constant 48 : index
      %get3A_653 = tpu.vector_load %arg6[%get3A_651, %get3A_652] {strides = array<i32>} : memref<16x64xf32, #tpu.memory_space<vmem>>, vector<1x16xf32>,
      %get3A_654 = vector.shape_cast %get3A_653 : vector<1x16xf32> to vector<16xf32>
      %exp3A_655 = math.exp %get3A_654 : vector<16xf32>
      %add3A_656 = arith.addf %get3A_649, %exp3A_655 : vector<16xf32>
      %swap3A_657 = arith.constant 48 : index
      %swap3A_658 = tpu.vector_load %arg7[%swap3A_657] {strides = array<i32>} : memref<64xf32, #tpu.memory_space<vmem>>, vector<16xf32>,
      %swap3A_659 = vector.shape_cast %swap3A_658 : vector<16xf32> to vector<16xf32>
      %swap3A_660 = vector.shape_cast %add3A_656 : vector<16xf32> to vector<16xf32>
      tpu.vector_store %arg7[%swap3A_657], %swap3A_660 {strides = array<i32>} : memref<64xf32, #tpu.memory_space<vmem>>, vector<16xf32>,
      %get3A_661 = arith.constant 0 : index
      %get3A_662 = tpu.vector_load %arg7[%get3A_661] {strides = array<i32>} : memref<64xf32, #tpu.memory_space<vmem>>, vector<16xf32>,
      %get3A_663 = vector.shape_cast %get3A_662 : vector<16xf32> to vector<16xf32>
      %get3A_664 = arith.constant 5 : i32
      %get3A_665 = arith.index_cast %get3A_664 : i32 to index
      %get3A_666 = arith.constant 0 : index
      %get3A_667 = tpu.vector_load %arg6[%get3A_665, %get3A_666] {strides = array<i32>} : memref<16x64xf32, #tpu.memory_space<vmem>>, vector<1x16xf32>,
      %get3A_668 = vector.shape_cast %get3A_667 : vector<1x16xf32> to vector<16xf32>
      %exp3A_669 = math.exp %get3A_668 : vector<16xf32>
      %add3A_670 = arith.addf %get3A_663, %exp3A_669 : vector<16xf32>
      %swap3A_671 = arith.constant 0 : index
      %swap3A_672 = tpu.vector_load %arg7[%swap3A_671] {strides = array<i32>} : memref<64xf32, #tpu.memory_space<vmem>>, vector<16xf32>,
      %swap3A_673 = vector.shape_cast %swap3A_672 : vector<16xf32> to vector<16xf32>
      %swap3A_674 = vector.shape_cast %add3A_670 : vector<16xf32> to vector<16xf32>
      tpu.vector_store %arg7[%swap3A_671], %swap3A_674 {strides = array<i32>} : memref<64xf32, #tpu.memory_space<vmem>>, vector<16xf32>,
      %get3A_675 = arith.constant 16 : index
      %get3A_676 = tpu.vector_load %arg7[%get3A_675] {strides = array<i32>} : memref<64xf32, #tpu.memory_space<vmem>>, vector<16xf32>,
      %get3A_677 = vector.shape_cast %get3A_676 : vector<16xf32> to vector<16xf32>
      %get3A_678 = arith.constant 5 : i32
      %get3A_679 = arith.index_cast %get3A_678 : i32 to index
      %get3A_680 = arith.constant 16 : index
      %get3A_681 = tpu.vector_load %arg6[%get3A_679, %get3A_680] {strides = array<i32>} : memref<16x64xf32, #tpu.memory_space<vmem>>, vector<1x16xf32>,
      %get3A_682 = vector.shape_cast %get3A_681 : vector<1x16xf32> to vector<16xf32>
      %exp3A_683 = math.exp %get3A_682 : vector<16xf32>
      %add3A_684 = arith.addf %get3A_677, %exp3A_683 : vector<16xf32>
      %swap3A_685 = arith.constant 16 : index
      %swap3A_686 = tpu.vector_load %arg7[%swap3A_685] {strides = array<i32>} : memref<64xf32, #tpu.memory_space<vmem>>, vector<16xf32>,
      %swap3A_687 = vector.shape_cast %swap3A_686 : vector<16xf32> to vector<16xf32>
      %swap3A_688 = vector.shape_cast %add3A_684 : vector<16xf32> to vector<16xf32>
      tpu.vector_store %arg7[%swap3A_685], %swap3A_688 {strides = array<i32>} : memref<64xf32, #tpu.memory_space<vmem>>, vector<16xf32>,
      %get3A_689 = arith.constant 32 : index
      %get3A_690 = tpu.vector_load %arg7[%get3A_689] {strides = array<i32>} : memref<64xf32, #tpu.memory_space<vmem>>, vector<16xf32>,
      %get3A_691 = vector.shape_cast %get3A_690 : vector<16xf32> to vector<16xf32>
      %get3A_692 = arith.constant 5 : i32
      %get3A_693 = arith.index_cast %get3A_692 : i32 to index
      %get3A_694 = arith.constant 32 : index
      %get3A_695 = tpu.vector_load %arg6[%get3A_693, %get3A_694] {strides = array<i32>} : memref<16x64xf32, #tpu.memory_space<vmem>>, vector<1x16xf32>,
      %get3A_696 = vector.shape_cast %get3A_695 : vector<1x16xf32> to vector<16xf32>
      %exp3A_697 = math.exp %get3A_696 : vector<16xf32>
      %add3A_698 = arith.addf %get3A_691, %exp3A_697 : vector<16xf32>
      %swap3A_699 = arith.constant 32 : index
      %swap3A_700 = tpu.vector_load %arg7[%swap3A_699] {strides = array<i32>} : memref<64xf32, #tpu.memory_space<vmem>>, vector<16xf32>,
      %swap3A_701 = vector.shape_cast %swap3A_700 : vector<16xf32> to vector<16xf32>
      %swap3A_702 = vector.shape_cast %add3A_698 : vector<16xf32> to vector<16xf32>
      tpu.vector_store %arg7[%swap3A_699], %swap3A_702 {strides = array<i32>} : memref<64xf32, #tpu.memory_space<vmem>>, vector<16xf32>,
      %get3A_703 = arith.constant 48 : index
      %get3A_704 = tpu.vector_load %arg7[%get3A_703] {strides = array<i32>} : memref<64xf32, #tpu.memory_space<vmem>>, vector<16xf32>,
      %get3A_705 = vector.shape_cast %get3A_704 : vector<16xf32> to vector<16xf32>
      %get3A_706 = arith.constant 5 : i32
      %get3A_707 = arith.index_cast %get3A_706 : i32 to index
      %get3A_708 = arith.constant 48 : index
      %get3A_709 = tpu.vector_load %arg6[%get3A_707, %get3A_708] {strides = array<i32>} : memref<16x64xf32, #tpu.memory_space<vmem>>, vector<1x16xf32>,
      %get3A_710 = vector.shape_cast %get3A_709 : vector<1x16xf32> to vector<16xf32>
      %exp3A_711 = math.exp %get3A_710 : vector<16xf32>
      %add3A_712 = arith.addf %get3A_705, %exp3A_711 : vector<16xf32>
      %swap3A_713 = arith.constant 48 : index
      %swap3A_714 = tpu.vector_load %arg7[%swap3A_713] {strides = array<i32>} : memref<64xf32, #tpu.memory_space<vmem>>, vector<16xf32>,
      %swap3A_715 = vector.shape_cast %swap3A_714 : vector<16xf32> to vector<16xf32>
      %swap3A_716 = vector.shape_cast %add3A_712 : vector<16xf32> to vector<16xf32>
      tpu.vector_store %arg7[%swap3A_713], %swap3A_716 {strides = array<i32>} : memref<64xf32, #tpu.memory_space<vmem>>, vector<16xf32>,
      %get3A_717 = arith.constant 0 : index
      %get3A_718 = tpu.vector_load %arg7[%get3A_717] {strides = array<i32>} : memref<64xf32, #tpu.memory_space<vmem>>, vector<16xf32>,
      %get3A_719 = vector.shape_cast %get3A_718 : vector<16xf32> to vector<16xf32>
      %get3A_720 = arith.constant 6 : i32
      %get3A_721 = arith.index_cast %get3A_720 : i32 to index
      %get3A_722 = arith.constant 0 : index
      %get3A_723 = tpu.vector_load %arg6[%get3A_721, %get3A_722] {strides = array<i32>} : memref<16x64xf32, #tpu.memory_space<vmem>>, vector<1x16xf32>,
      %get3A_724 = vector.shape_cast %get3A_723 : vector<1x16xf32> to vector<16xf32>
      %exp3A_725 = math.exp %get3A_724 : vector<16xf32>
      %add3A_726 = arith.addf %get3A_719, %exp3A_725 : vector<16xf32>
      %swap3A_727 = arith.constant 0 : index
      %swap3A_728 = tpu.vector_load %arg7[%swap3A_727] {strides = array<i32>} : memref<64xf32, #tpu.memory_space<vmem>>, vector<16xf32>,
      %swap3A_729 = vector.shape_cast %swap3A_728 : vector<16xf32> to vector<16xf32>
      %swap3A_730 = vector.shape_cast %add3A_726 : vector<16xf32> to vector<16xf32>
      tpu.vector_store %arg7[%swap3A_727], %swap3A_730 {strides = array<i32>} : memref<64xf32, #tpu.memory_space<vmem>>, vector<16xf32>,
      %get3A_731 = arith.constant 16 : index
      %get3A_732 = tpu.vector_load %arg7[%get3A_731] {strides = array<i32>} : memref<64xf32, #tpu.memory_space<vmem>>, vector<16xf32>,
      %get3A_733 = vector.shape_cast %get3A_732 : vector<16xf32> to vector<16xf32>
      %get3A_734 = arith.constant 6 : i32
      %get3A_735 = arith.index_cast %get3A_734 : i32 to index
      %get3A_736 = arith.constant 16 : index
      %get3A_737 = tpu.vector_load %arg6[%get3A_735, %get3A_736] {strides = array<i32>} : memref<16x64xf32, #tpu.memory_space<vmem>>, vector<1x16xf32>,
      %get3A_738 = vector.shape_cast %get3A_737 : vector<1x16xf32> to vector<16xf32>
      %exp3A_739 = math.exp %get3A_738 : vector<16xf32>
      %add3A_740 = arith.addf %get3A_733, %exp3A_739 : vector<16xf32>
      %swap3A_741 = arith.constant 16 : index
      %swap3A_742 = tpu.vector_load %arg7[%swap3A_741] {strides = array<i32>} : memref<64xf32, #tpu.memory_space<vmem>>, vector<16xf32>,
      %swap3A_743 = vector.shape_cast %swap3A_742 : vector<16xf32> to vector<16xf32>
      %swap3A_744 = vector.shape_cast %add3A_740 : vector<16xf32> to vector<16xf32>
      tpu.vector_store %arg7[%swap3A_741], %swap3A_744 {strides = array<i32>} : memref<64xf32, #tpu.memory_space<vmem>>, vector<16xf32>,
      %get3A_745 = arith.constant 32 : index
      %get3A_746 = tpu.vector_load %arg7[%get3A_745] {strides = array<i32>} : memref<64xf32, #tpu.memory_space<vmem>>, vector<16xf32>,
      %get3A_747 = vector.shape_cast %get3A_746 : vector<16xf32> to vector<16xf32>
      %get3A_748 = arith.constant 6 : i32
      %get3A_749 = arith.index_cast %get3A_748 : i32 to index
      %get3A_750 = arith.constant 32 : index
      %get3A_751 = tpu.vector_load %arg6[%get3A_749, %get3A_750] {strides = array<i32>} : memref<16x64xf32, #tpu.memory_space<vmem>>, vector<1x16xf32>,
      %get3A_752 = vector.shape_cast %get3A_751 : vector<1x16xf32> to vector<16xf32>
      %exp3A_753 = math.exp %get3A_752 : vector<16xf32>
      %add3A_754 = arith.addf %get3A_747, %exp3A_753 : vector<16xf32>
      %swap3A_755 = arith.constant 32 : index
      %swap3A_756 = tpu.vector_load %arg7[%swap3A_755] {strides = array<i32>} : memref<64xf32, #tpu.memory_space<vmem>>, vector<16xf32>,
      %swap3A_757 = vector.shape_cast %swap3A_756 : vector<16xf32> to vector<16xf32>
      %swap3A_758 = vector.shape_cast %add3A_754 : vector<16xf32> to vector<16xf32>
      tpu.vector_store %arg7[%swap3A_755], %swap3A_758 {strides = array<i32>} : memref<64xf32, #tpu.memory_space<vmem>>, vector<16xf32>,
      %get3A_759 = arith.constant 48 : index
      %get3A_760 = tpu.vector_load %arg7[%get3A_759] {strides = array<i32>} : memref<64xf32, #tpu.memory_space<vmem>>, vector<16xf32>,
      %get3A_761 = vector.shape_cast %get3A_760 : vector<16xf32> to vector<16xf32>
      %get3A_762 = arith.constant 6 : i32
      %get3A_763 = arith.index_cast %get3A_762 : i32 to index
      %get3A_764 = arith.constant 48 : index
      %get3A_765 = tpu.vector_load %arg6[%get3A_763, %get3A_764] {strides = array<i32>} : memref<16x64xf32, #tpu.memory_space<vmem>>, vector<1x16xf32>,
      %get3A_766 = vector.shape_cast %get3A_765 : vector<1x16xf32> to vector<16xf32>
      %exp3A_767 = math.exp %get3A_766 : vector<16xf32>
      %add3A_768 = arith.addf %get3A_761, %exp3A_767 : vector<16xf32>
      %swap3A_769 = arith.constant 48 : index
      %swap3A_770 = tpu.vector_load %arg7[%swap3A_769] {strides = array<i32>} : memref<64xf32, #tpu.memory_space<vmem>>, vector<16xf32>,
      %swap3A_771 = vector.shape_cast %swap3A_770 : vector<16xf32> to vector<16xf32>
      %swap3A_772 = vector.shape_cast %add3A_768 : vector<16xf32> to vector<16xf32>
      tpu.vector_store %arg7[%swap3A_769], %swap3A_772 {strides = array<i32>} : memref<64xf32, #tpu.memory_space<vmem>>, vector<16xf32>,
      %get3A_773 = arith.constant 0 : index
      %get3A_774 = tpu.vector_load %arg7[%get3A_773] {strides = array<i32>} : memref<64xf32, #tpu.memory_space<vmem>>, vector<16xf32>,
      %get3A_775 = vector.shape_cast %get3A_774 : vector<16xf32> to vector<16xf32>
      %get3A_776 = arith.constant 7 : i32
      %get3A_777 = arith.index_cast %get3A_776 : i32 to index
      %get3A_778 = arith.constant 0 : index
      %get3A_779 = tpu.vector_load %arg6[%get3A_777, %get3A_778] {strides = array<i32>} : memref<16x64xf32, #tpu.memory_space<vmem>>, vector<1x16xf32>,
      %get3A_780 = vector.shape_cast %get3A_779 : vector<1x16xf32> to vector<16xf32>
      %exp3A_781 = math.exp %get3A_780 : vector<16xf32>
      %add3A_782 = arith.addf %get3A_775, %exp3A_781 : vector<16xf32>
      %swap3A_783 = arith.constant 0 : index
      %swap3A_784 = tpu.vector_load %arg7[%swap3A_783] {strides = array<i32>} : memref<64xf32, #tpu.memory_space<vmem>>, vector<16xf32>,
      %swap3A_785 = vector.shape_cast %swap3A_784 : vector<16xf32> to vector<16xf32>
      %swap3A_786 = vector.shape_cast %add3A_782 : vector<16xf32> to vector<16xf32>
      tpu.vector_store %arg7[%swap3A_783], %swap3A_786 {strides = array<i32>} : memref<64xf32, #tpu.memory_space<vmem>>, vector<16xf32>,
      %get3A_787 = arith.constant 16 : index
      %get3A_788 = tpu.vector_load %arg7[%get3A_787] {strides = array<i32>} : memref<64xf32, #tpu.memory_space<vmem>>, vector<16xf32>,
      %get3A_789 = vector.shape_cast %get3A_788 : vector<16xf32> to vector<16xf32>
      %get3A_790 = arith.constant 7 : i32
      %get3A_791 = arith.index_cast %get3A_790 : i32 to index
      %get3A_792 = arith.constant 16 : index
      %get3A_793 = tpu.vector_load %arg6[%get3A_791, %get3A_792] {strides = array<i32>} : memref<16x64xf32, #tpu.memory_space<vmem>>, vector<1x16xf32>,
      %get3A_794 = vector.shape_cast %get3A_793 : vector<1x16xf32> to vector<16xf32>
      %exp3A_795 = math.exp %get3A_794 : vector<16xf32>
      %add3A_796 = arith.addf %get3A_789, %exp3A_795 : vector<16xf32>
      %swap3A_797 = arith.constant 16 : index
      %swap3A_798 = tpu.vector_load %arg7[%swap3A_797] {strides = array<i32>} : memref<64xf32, #tpu.memory_space<vmem>>, vector<16xf32>,
      %swap3A_799 = vector.shape_cast %swap3A_798 : vector<16xf32> to vector<16xf32>
      %swap3A_800 = vector.shape_cast %add3A_796 : vector<16xf32> to vector<16xf32>
      tpu.vector_store %arg7[%swap3A_797], %swap3A_800 {strides = array<i32>} : memref<64xf32, #tpu.memory_space<vmem>>, vector<16xf32>,
      %get3A_801 = arith.constant 32 : index
      %get3A_802 = tpu.vector_load %arg7[%get3A_801] {strides = array<i32>} : memref<64xf32, #tpu.memory_space<vmem>>, vector<16xf32>,
      %get3A_803 = vector.shape_cast %get3A_802 : vector<16xf32> to vector<16xf32>
      %get3A_804 = arith.constant 7 : i32
      %get3A_805 = arith.index_cast %get3A_804 : i32 to index
      %get3A_806 = arith.constant 32 : index
      %get3A_807 = tpu.vector_load %arg6[%get3A_805, %get3A_806] {strides = array<i32>} : memref<16x64xf32, #tpu.memory_space<vmem>>, vector<1x16xf32>,
      %get3A_808 = vector.shape_cast %get3A_807 : vector<1x16xf32> to vector<16xf32>
      %exp3A_809 = math.exp %get3A_808 : vector<16xf32>
      %add3A_810 = arith.addf %get3A_803, %exp3A_809 : vector<16xf32>
      %swap3A_811 = arith.constant 32 : index
      %swap3A_812 = tpu.vector_load %arg7[%swap3A_811] {strides = array<i32>} : memref<64xf32, #tpu.memory_space<vmem>>, vector<16xf32>,
      %swap3A_813 = vector.shape_cast %swap3A_812 : vector<16xf32> to vector<16xf32>
      %swap3A_814 = vector.shape_cast %add3A_810 : vector<16xf32> to vector<16xf32>
      tpu.vector_store %arg7[%swap3A_811], %swap3A_814 {strides = array<i32>} : memref<64xf32, #tpu.memory_space<vmem>>, vector<16xf32>,
      %get3A_815 = arith.constant 48 : index
      %get3A_816 = tpu.vector_load %arg7[%get3A_815] {strides = array<i32>} : memref<64xf32, #tpu.memory_space<vmem>>, vector<16xf32>,
      %get3A_817 = vector.shape_cast %get3A_816 : vector<16xf32> to vector<16xf32>
      %get3A_818 = arith.constant 7 : i32
      %get3A_819 = arith.index_cast %get3A_818 : i32 to index
      %get3A_820 = arith.constant 48 : index
      %get3A_821 = tpu.vector_load %arg6[%get3A_819, %get3A_820] {strides = array<i32>} : memref<16x64xf32, #tpu.memory_space<vmem>>, vector<1x16xf32>,
      %get3A_822 = vector.shape_cast %get3A_821 : vector<1x16xf32> to vector<16xf32>
      %exp3A_823 = math.exp %get3A_822 : vector<16xf32>
      %add3A_824 = arith.addf %get3A_817, %exp3A_823 : vector<16xf32>
      %swap3A_825 = arith.constant 48 : index
      %swap3A_826 = tpu.vector_load %arg7[%swap3A_825] {strides = array<i32>} : memref<64xf32, #tpu.memory_space<vmem>>, vector<16xf32>,
      %swap3A_827 = vector.shape_cast %swap3A_826 : vector<16xf32> to vector<16xf32>
      %swap3A_828 = vector.shape_cast %add3A_824 : vector<16xf32> to vector<16xf32>
      tpu.vector_store %arg7[%swap3A_825], %swap3A_828 {strides = array<i32>} : memref<64xf32, #tpu.memory_space<vmem>>, vector<16xf32>,
      %get3A_829 = arith.constant 0 : index
      %get3A_830 = tpu.vector_load %arg7[%get3A_829] {strides = array<i32>} : memref<64xf32, #tpu.memory_space<vmem>>, vector<16xf32>,
      %get3A_831 = vector.shape_cast %get3A_830 : vector<16xf32> to vector<16xf32>
      %get3A_832 = arith.constant 8 : i32
      %get3A_833 = arith.index_cast %get3A_832 : i32 to index
      %get3A_834 = arith.constant 0 : index
      %get3A_835 = tpu.vector_load %arg6[%get3A_833, %get3A_834] {strides = array<i32>} : memref<16x64xf32, #tpu.memory_space<vmem>>, vector<1x16xf32>,
      %get3A_836 = vector.shape_cast %get3A_835 : vector<1x16xf32> to vector<16xf32>
      %exp3A_837 = math.exp %get3A_836 : vector<16xf32>
      %add3A_838 = arith.addf %get3A_831, %exp3A_837 : vector<16xf32>
      %swap3A_839 = arith.constant 0 : index
      %swap3A_840 = tpu.vector_load %arg7[%swap3A_839] {strides = array<i32>} : memref<64xf32, #tpu.memory_space<vmem>>, vector<16xf32>,
      %swap3A_841 = vector.shape_cast %swap3A_840 : vector<16xf32> to vector<16xf32>
      %swap3A_842 = vector.shape_cast %add3A_838 : vector<16xf32> to vector<16xf32>
      tpu.vector_store %arg7[%swap3A_839], %swap3A_842 {strides = array<i32>} : memref<64xf32, #tpu.memory_space<vmem>>, vector<16xf32>,
      %get3A_843 = arith.constant 16 : index
      %get3A_844 = tpu.vector_load %arg7[%get3A_843] {strides = array<i32>} : memref<64xf32, #tpu.memory_space<vmem>>, vector<16xf32>,
      %get3A_845 = vector.shape_cast %get3A_844 : vector<16xf32> to vector<16xf32>
      %get3A_846 = arith.constant 8 : i32
      %get3A_847 = arith.index_cast %get3A_846 : i32 to index
      %get3A_848 = arith.constant 16 : index
      %get3A_849 = tpu.vector_load %arg6[%get3A_847, %get3A_848] {strides = array<i32>} : memref<16x64xf32, #tpu.memory_space<vmem>>, vector<1x16xf32>,
      %get3A_850 = vector.shape_cast %get3A_849 : vector<1x16xf32> to vector<16xf32>
      %exp3A_851 = math.exp %get3A_850 : vector<16xf32>
      %add3A_852 = arith.addf %get3A_845, %exp3A_851 : vector<16xf32>
      %swap3A_853 = arith.constant 16 : index
      %swap3A_854 = tpu.vector_load %arg7[%swap3A_853] {strides = array<i32>} : memref<64xf32, #tpu.memory_space<vmem>>, vector<16xf32>,
      %swap3A_855 = vector.shape_cast %swap3A_854 : vector<16xf32> to vector<16xf32>
      %swap3A_856 = vector.shape_cast %add3A_852 : vector<16xf32> to vector<16xf32>
      tpu.vector_store %arg7[%swap3A_853], %swap3A_856 {strides = array<i32>} : memref<64xf32, #tpu.memory_space<vmem>>, vector<16xf32>,
      %get3A_857 = arith.constant 32 : index
      %get3A_858 = tpu.vector_load %arg7[%get3A_857] {strides = array<i32>} : memref<64xf32, #tpu.memory_space<vmem>>, vector<16xf32>,
      %get3A_859 = vector.shape_cast %get3A_858 : vector<16xf32> to vector<16xf32>
      %get3A_860 = arith.constant 8 : i32
      %get3A_861 = arith.index_cast %get3A_860 : i32 to index
      %get3A_862 = arith.constant 32 : index
      %get3A_863 = tpu.vector_load %arg6[%get3A_861, %get3A_862] {strides = array<i32>} : memref<16x64xf32, #tpu.memory_space<vmem>>, vector<1x16xf32>,
      %get3A_864 = vector.shape_cast %get3A_863 : vector<1x16xf32> to vector<16xf32>
      %exp3A_865 = math.exp %get3A_864 : vector<16xf32>
      %add3A_866 = arith.addf %get3A_859, %exp3A_865 : vector<16xf32>
      %swap3A_867 = arith.constant 32 : index
      %swap3A_868 = tpu.vector_load %arg7[%swap3A_867] {strides = array<i32>} : memref<64xf32, #tpu.memory_space<vmem>>, vector<16xf32>,
      %swap3A_869 = vector.shape_cast %swap3A_868 : vector<16xf32> to vector<16xf32>
      %swap3A_870 = vector.shape_cast %add3A_866 : vector<16xf32> to vector<16xf32>
      tpu.vector_store %arg7[%swap3A_867], %swap3A_870 {strides = array<i32>} : memref<64xf32, #tpu.memory_space<vmem>>, vector<16xf32>,
      %get3A_871 = arith.constant 48 : index
      %get3A_872 = tpu.vector_load %arg7[%get3A_871] {strides = array<i32>} : memref<64xf32, #tpu.memory_space<vmem>>, vector<16xf32>,
      %get3A_873 = vector.shape_cast %get3A_872 : vector<16xf32> to vector<16xf32>
      %get3A_874 = arith.constant 8 : i32
      %get3A_875 = arith.index_cast %get3A_874 : i32 to index
      %get3A_876 = arith.constant 48 : index
      %get3A_877 = tpu.vector_load %arg6[%get3A_875, %get3A_876] {strides = array<i32>} : memref<16x64xf32, #tpu.memory_space<vmem>>, vector<1x16xf32>,
      %get3A_878 = vector.shape_cast %get3A_877 : vector<1x16xf32> to vector<16xf32>
      %exp3A_879 = math.exp %get3A_878 : vector<16xf32>
      %add3A_880 = arith.addf %get3A_873, %exp3A_879 : vector<16xf32>
      %swap3A_881 = arith.constant 48 : index
      %swap3A_882 = tpu.vector_load %arg7[%swap3A_881] {strides = array<i32>} : memref<64xf32, #tpu.memory_space<vmem>>, vector<16xf32>,
      %swap3A_883 = vector.shape_cast %swap3A_882 : vector<16xf32> to vector<16xf32>
      %swap3A_884 = vector.shape_cast %add3A_880 : vector<16xf32> to vector<16xf32>
      tpu.vector_store %arg7[%swap3A_881], %swap3A_884 {strides = array<i32>} : memref<64xf32, #tpu.memory_space<vmem>>, vector<16xf32>,
      %get3A_885 = arith.constant 0 : index
      %get3A_886 = tpu.vector_load %arg7[%get3A_885] {strides = array<i32>} : memref<64xf32, #tpu.memory_space<vmem>>, vector<16xf32>,
      %get3A_887 = vector.shape_cast %get3A_886 : vector<16xf32> to vector<16xf32>
      %get3A_888 = arith.constant 9 : i32
      %get3A_889 = arith.index_cast %get3A_888 : i32 to index
      %get3A_890 = arith.constant 0 : index
      %get3A_891 = tpu.vector_load %arg6[%get3A_889, %get3A_890] {strides = array<i32>} : memref<16x64xf32, #tpu.memory_space<vmem>>, vector<1x16xf32>,
      %get3A_892 = vector.shape_cast %get3A_891 : vector<1x16xf32> to vector<16xf32>
      %exp3A_893 = math.exp %get3A_892 : vector<16xf32>
      %add3A_894 = arith.addf %get3A_887, %exp3A_893 : vector<16xf32>
      %swap3A_895 = arith.constant 0 : index
      %swap3A_896 = tpu.vector_load %arg7[%swap3A_895] {strides = array<i32>} : memref<64xf32, #tpu.memory_space<vmem>>, vector<16xf32>,
      %swap3A_897 = vector.shape_cast %swap3A_896 : vector<16xf32> to vector<16xf32>
      %swap3A_898 = vector.shape_cast %add3A_894 : vector<16xf32> to vector<16xf32>
      tpu.vector_store %arg7[%swap3A_895], %swap3A_898 {strides = array<i32>} : memref<64xf32, #tpu.memory_space<vmem>>, vector<16xf32>,
      %get3A_899 = arith.constant 16 : index
      %get3A_900 = tpu.vector_load %arg7[%get3A_899] {strides = array<i32>} : memref<64xf32, #tpu.memory_space<vmem>>, vector<16xf32>,
      %get3A_901 = vector.shape_cast %get3A_900 : vector<16xf32> to vector<16xf32>
      %get3A_902 = arith.constant 9 : i32
      %get3A_903 = arith.index_cast %get3A_902 : i32 to index
      %get3A_904 = arith.constant 16 : index
      %get3A_905 = tpu.vector_load %arg6[%get3A_903, %get3A_904] {strides = array<i32>} : memref<16x64xf32, #tpu.memory_space<vmem>>, vector<1x16xf32>,
      %get3A_906 = vector.shape_cast %get3A_905 : vector<1x16xf32> to vector<16xf32>
      %exp3A_907 = math.exp %get3A_906 : vector<16xf32>
      %add3A_908 = arith.addf %get3A_901, %exp3A_907 : vector<16xf32>
      %swap3A_909 = arith.constant 16 : index
      %swap3A_910 = tpu.vector_load %arg7[%swap3A_909] {strides = array<i32>} : memref<64xf32, #tpu.memory_space<vmem>>, vector<16xf32>,
      %swap3A_911 = vector.shape_cast %swap3A_910 : vector<16xf32> to vector<16xf32>
      %swap3A_912 = vector.shape_cast %add3A_908 : vector<16xf32> to vector<16xf32>
      tpu.vector_store %arg7[%swap3A_909], %swap3A_912 {strides = array<i32>} : memref<64xf32, #tpu.memory_space<vmem>>, vector<16xf32>,
      %get3A_913 = arith.constant 32 : index
      %get3A_914 = tpu.vector_load %arg7[%get3A_913] {strides = array<i32>} : memref<64xf32, #tpu.memory_space<vmem>>, vector<16xf32>,
      %get3A_915 = vector.shape_cast %get3A_914 : vector<16xf32> to vector<16xf32>
      %get3A_916 = arith.constant 9 : i32
      %get3A_917 = arith.index_cast %get3A_916 : i32 to index
      %get3A_918 = arith.constant 32 : index
      %get3A_919 = tpu.vector_load %arg6[%get3A_917, %get3A_918] {strides = array<i32>} : memref<16x64xf32, #tpu.memory_space<vmem>>, vector<1x16xf32>,
      %get3A_920 = vector.shape_cast %get3A_919 : vector<1x16xf32> to vector<16xf32>
      %exp3A_921 = math.exp %get3A_920 : vector<16xf32>
      %add3A_922 = arith.addf %get3A_915, %exp3A_921 : vector<16xf32>
      %swap3A_923 = arith.constant 32 : index
      %swap3A_924 = tpu.vector_load %arg7[%swap3A_923] {strides = array<i32>} : memref<64xf32, #tpu.memory_space<vmem>>, vector<16xf32>,
      %swap3A_925 = vector.shape_cast %swap3A_924 : vector<16xf32> to vector<16xf32>
      %swap3A_926 = vector.shape_cast %add3A_922 : vector<16xf32> to vector<16xf32>
      tpu.vector_store %arg7[%swap3A_923], %swap3A_926 {strides = array<i32>} : memref<64xf32, #tpu.memory_space<vmem>>, vector<16xf32>,
      %get3A_927 = arith.constant 48 : index
      %get3A_928 = tpu.vector_load %arg7[%get3A_927] {strides = array<i32>} : memref<64xf32, #tpu.memory_space<vmem>>, vector<16xf32>,
      %get3A_929 = vector.shape_cast %get3A_928 : vector<16xf32> to vector<16xf32>
      %get3A_930 = arith.constant 9 : i32
      %get3A_931 = arith.index_cast %get3A_930 : i32 to index
      %get3A_932 = arith.constant 48 : index
      %get3A_933 = tpu.vector_load %arg6[%get3A_931, %get3A_932] {strides = array<i32>} : memref<16x64xf32, #tpu.memory_space<vmem>>, vector<1x16xf32>,
      %get3A_934 = vector.shape_cast %get3A_933 : vector<1x16xf32> to vector<16xf32>
      %exp3A_935 = math.exp %get3A_934 : vector<16xf32>
      %add3A_936 = arith.addf %get3A_929, %exp3A_935 : vector<16xf32>
      %swap3A_937 = arith.constant 48 : index
      %swap3A_938 = tpu.vector_load %arg7[%swap3A_937] {strides = array<i32>} : memref<64xf32, #tpu.memory_space<vmem>>, vector<16xf32>,
      %swap3A_939 = vector.shape_cast %swap3A_938 : vector<16xf32> to vector<16xf32>
      %swap3A_940 = vector.shape_cast %add3A_936 : vector<16xf32> to vector<16xf32>
      tpu.vector_store %arg7[%swap3A_937], %swap3A_940 {strides = array<i32>} : memref<64xf32, #tpu.memory_space<vmem>>, vector<16xf32>,
      %get3A_941 = arith.constant 0 : index
      %get3A_942 = tpu.vector_load %arg7[%get3A_941] {strides = array<i32>} : memref<64xf32, #tpu.memory_space<vmem>>, vector<16xf32>,
      %get3A_943 = vector.shape_cast %get3A_942 : vector<16xf32> to vector<16xf32>
      %get3A_944 = arith.constant 10 : i32
      %get3A_945 = arith.index_cast %get3A_944 : i32 to index
      %get3A_946 = arith.constant 0 : index
      %get3A_947 = tpu.vector_load %arg6[%get3A_945, %get3A_946] {strides = array<i32>} : memref<16x64xf32, #tpu.memory_space<vmem>>, vector<1x16xf32>,
      %get3A_948 = vector.shape_cast %get3A_947 : vector<1x16xf32> to vector<16xf32>
      %exp3A_949 = math.exp %get3A_948 : vector<16xf32>
      %add3A_950 = arith.addf %get3A_943, %exp3A_949 : vector<16xf32>
      %swap3A_951 = arith.constant 0 : index
      %swap3A_952 = tpu.vector_load %arg7[%swap3A_951] {strides = array<i32>} : memref<64xf32, #tpu.memory_space<vmem>>, vector<16xf32>,
      %swap3A_953 = vector.shape_cast %swap3A_952 : vector<16xf32> to vector<16xf32>
      %swap3A_954 = vector.shape_cast %add3A_950 : vector<16xf32> to vector<16xf32>
      tpu.vector_store %arg7[%swap3A_951], %swap3A_954 {strides = array<i32>} : memref<64xf32, #tpu.memory_space<vmem>>, vector<16xf32>,
      %get3A_955 = arith.constant 16 : index
      %get3A_956 = tpu.vector_load %arg7[%get3A_955] {strides = array<i32>} : memref<64xf32, #tpu.memory_space<vmem>>, vector<16xf32>,
      %get3A_957 = vector.shape_cast %get3A_956 : vector<16xf32> to vector<16xf32>
      %get3A_958 = arith.constant 10 : i32
      %get3A_959 = arith.index_cast %get3A_958 : i32 to index
      %get3A_960 = arith.constant 16 : index
      %get3A_961 = tpu.vector_load %arg6[%get3A_959, %get3A_960] {strides = array<i32>} : memref<16x64xf32, #tpu.memory_space<vmem>>, vector<1x16xf32>,
      %get3A_962 = vector.shape_cast %get3A_961 : vector<1x16xf32> to vector<16xf32>
      %exp3A_963 = math.exp %get3A_962 : vector<16xf32>
      %add3A_964 = arith.addf %get3A_957, %exp3A_963 : vector<16xf32>
      %swap3A_965 = arith.constant 16 : index
      %swap3A_966 = tpu.vector_load %arg7[%swap3A_965] {strides = array<i32>} : memref<64xf32, #tpu.memory_space<vmem>>, vector<16xf32>,
      %swap3A_967 = vector.shape_cast %swap3A_966 : vector<16xf32> to vector<16xf32>
      %swap3A_968 = vector.shape_cast %add3A_964 : vector<16xf32> to vector<16xf32>
      tpu.vector_store %arg7[%swap3A_965], %swap3A_968 {strides = array<i32>} : memref<64xf32, #tpu.memory_space<vmem>>, vector<16xf32>,
      %get3A_969 = arith.constant 32 : index
      %get3A_970 = tpu.vector_load %arg7[%get3A_969] {strides = array<i32>} : memref<64xf32, #tpu.memory_space<vmem>>, vector<16xf32>,
      %get3A_971 = vector.shape_cast %get3A_970 : vector<16xf32> to vector<16xf32>
      %get3A_972 = arith.constant 10 : i32
      %get3A_973 = arith.index_cast %get3A_972 : i32 to index
      %get3A_974 = arith.constant 32 : index
      %get3A_975 = tpu.vector_load %arg6[%get3A_973, %get3A_974] {strides = array<i32>} : memref<16x64xf32, #tpu.memory_space<vmem>>, vector<1x16xf32>,
      %get3A_976 = vector.shape_cast %get3A_975 : vector<1x16xf32> to vector<16xf32>
      %exp3A_977 = math.exp %get3A_976 : vector<16xf32>
      %add3A_978 = arith.addf %get3A_971, %exp3A_977 : vector<16xf32>
      %swap3A_979 = arith.constant 32 : index
      %swap3A_980 = tpu.vector_load %arg7[%swap3A_979] {strides = array<i32>} : memref<64xf32, #tpu.memory_space<vmem>>, vector<16xf32>,
      %swap3A_981 = vector.shape_cast %swap3A_980 : vector<16xf32> to vector<16xf32>
      %swap3A_982 = vector.shape_cast %add3A_978 : vector<16xf32> to vector<16xf32>
      tpu.vector_store %arg7[%swap3A_979], %swap3A_982 {strides = array<i32>} : memref<64xf32, #tpu.memory_space<vmem>>, vector<16xf32>,
      %get3A_983 = arith.constant 48 : index
      %get3A_984 = tpu.vector_load %arg7[%get3A_983] {strides = array<i32>} : memref<64xf32, #tpu.memory_space<vmem>>, vector<16xf32>,
      %get3A_985 = vector.shape_cast %get3A_984 : vector<16xf32> to vector<16xf32>
      %get3A_986 = arith.constant 10 : i32
      %get3A_987 = arith.index_cast %get3A_986 : i32 to index
      %get3A_988 = arith.constant 48 : index
      %get3A_989 = tpu.vector_load %arg6[%get3A_987, %get3A_988] {strides = array<i32>} : memref<16x64xf32, #tpu.memory_space<vmem>>, vector<1x16xf32>,
      %get3A_990 = vector.shape_cast %get3A_989 : vector<1x16xf32> to vector<16xf32>
      %exp3A_991 = math.exp %get3A_990 : vector<16xf32>
      %add3A_992 = arith.addf %get3A_985, %exp3A_991 : vector<16xf32>
      %swap3A_993 = arith.constant 48 : index
      %swap3A_994 = tpu.vector_load %arg7[%swap3A_993] {strides = array<i32>} : memref<64xf32, #tpu.memory_space<vmem>>, vector<16xf32>,
      %swap3A_995 = vector.shape_cast %swap3A_994 : vector<16xf32> to vector<16xf32>
      %swap3A_996 = vector.shape_cast %add3A_992 : vector<16xf32> to vector<16xf32>
      tpu.vector_store %arg7[%swap3A_993], %swap3A_996 {strides = array<i32>} : memref<64xf32, #tpu.memory_space<vmem>>, vector<16xf32>,
      %get3A_997 = arith.constant 0 : index
      %get3A_998 = tpu.vector_load %arg7[%get3A_997] {strides = array<i32>} : memref<64xf32, #tpu.memory_space<vmem>>, vector<16xf32>,
      %get3A_999 = vector.shape_cast %get3A_998 : vector<16xf32> to vector<16xf32>
      %get3A_1000 = arith.constant 11 : i32
      %get3A_1001 = arith.index_cast %get3A_1000 : i32 to index
      %get3A_1002 = arith.constant 0 : index
      %get3A_1003 = tpu.vector_load %arg6[%get3A_1001, %get3A_1002] {strides = array<i32>} : memref<16x64xf32, #tpu.memory_space<vmem>>, vector<1x16xf32>,
      %get3A_1004 = vector.shape_cast %get3A_1003 : vector<1x16xf32> to vector<16xf32>
      %exp3A_1005 = math.exp %get3A_1004 : vector<16xf32>
      %add3A_1006 = arith.addf %get3A_999, %exp3A_1005 : vector<16xf32>
      %swap3A_1007 = arith.constant 0 : index
      %swap3A_1008 = tpu.vector_load %arg7[%swap3A_1007] {strides = array<i32>} : memref<64xf32, #tpu.memory_space<vmem>>, vector<16xf32>,
      %swap3A_1009 = vector.shape_cast %swap3A_1008 : vector<16xf32> to vector<16xf32>
      %swap3A_1010 = vector.shape_cast %add3A_1006 : vector<16xf32> to vector<16xf32>
      tpu.vector_store %arg7[%swap3A_1007], %swap3A_1010 {strides = array<i32>} : memref<64xf32, #tpu.memory_space<vmem>>, vector<16xf32>,
      %get3A_1011 = arith.constant 16 : index
      %get3A_1012 = tpu.vector_load %arg7[%get3A_1011] {strides = array<i32>} : memref<64xf32, #tpu.memory_space<vmem>>, vector<16xf32>,
      %get3A_1013 = vector.shape_cast %get3A_1012 : vector<16xf32> to vector<16xf32>
      %get3A_1014 = arith.constant 11 : i32
      %get3A_1015 = arith.index_cast %get3A_1014 : i32 to index
      %get3A_1016 = arith.constant 16 : index
      %get3A_1017 = tpu.vector_load %arg6[%get3A_1015, %get3A_1016] {strides = array<i32>} : memref<16x64xf32, #tpu.memory_space<vmem>>, vector<1x16xf32>,
      %get3A_1018 = vector.shape_cast %get3A_1017 : vector<1x16xf32> to vector<16xf32>
      %exp3A_1019 = math.exp %get3A_1018 : vector<16xf32>
      %add3A_1020 = arith.addf %get3A_1013, %exp3A_1019 : vector<16xf32>
      %swap3A_1021 = arith.constant 16 : index
      %swap3A_1022 = tpu.vector_load %arg7[%swap3A_1021] {strides = array<i32>} : memref<64xf32, #tpu.memory_space<vmem>>, vector<16xf32>,
      %swap3A_1023 = vector.shape_cast %swap3A_1022 : vector<16xf32> to vector<16xf32>
      %swap3A_1024 = vector.shape_cast %add3A_1020 : vector<16xf32> to vector<16xf32>
      tpu.vector_store %arg7[%swap3A_1021], %swap3A_1024 {strides = array<i32>} : memref<64xf32, #tpu.memory_space<vmem>>, vector<16xf32>,
      %get3A_1025 = arith.constant 32 : index
      %get3A_1026 = tpu.vector_load %arg7[%get3A_1025] {strides = array<i32>} : memref<64xf32, #tpu.memory_space<vmem>>, vector<16xf32>,
      %get3A_1027 = vector.shape_cast %get3A_1026 : vector<16xf32> to vector<16xf32>
      %get3A_1028 = arith.constant 11 : i32
      %get3A_1029 = arith.index_cast %get3A_1028 : i32 to index
      %get3A_1030 = arith.constant 32 : index
      %get3A_1031 = tpu.vector_load %arg6[%get3A_1029, %get3A_1030] {strides = array<i32>} : memref<16x64xf32, #tpu.memory_space<vmem>>, vector<1x16xf32>,
      %get3A_1032 = vector.shape_cast %get3A_1031 : vector<1x16xf32> to vector<16xf32>
      %exp3A_1033 = math.exp %get3A_1032 : vector<16xf32>
      %add3A_1034 = arith.addf %get3A_1027, %exp3A_1033 : vector<16xf32>
      %swap3A_1035 = arith.constant 32 : index
      %swap3A_1036 = tpu.vector_load %arg7[%swap3A_1035] {strides = array<i32>} : memref<64xf32, #tpu.memory_space<vmem>>, vector<16xf32>,
      %swap3A_1037 = vector.shape_cast %swap3A_1036 : vector<16xf32> to vector<16xf32>
      %swap3A_1038 = vector.shape_cast %add3A_1034 : vector<16xf32> to vector<16xf32>
      tpu.vector_store %arg7[%swap3A_1035], %swap3A_1038 {strides = array<i32>} : memref<64xf32, #tpu.memory_space<vmem>>, vector<16xf32>,
      %get3A_1039 = arith.constant 48 : index
      %get3A_1040 = tpu.vector_load %arg7[%get3A_1039] {strides = array<i32>} : memref<64xf32, #tpu.memory_space<vmem>>, vector<16xf32>,
      %get3A_1041 = vector.shape_cast %get3A_1040 : vector<16xf32> to vector<16xf32>
      %get3A_1042 = arith.constant 11 : i32
      %get3A_1043 = arith.index_cast %get3A_1042 : i32 to index
      %get3A_1044 = arith.constant 48 : index
      %get3A_1045 = tpu.vector_load %arg6[%get3A_1043, %get3A_1044] {strides = array<i32>} : memref<16x64xf32, #tpu.memory_space<vmem>>, vector<1x16xf32>,
      %get3A_1046 = vector.shape_cast %get3A_1045 : vector<1x16xf32> to vector<16xf32>
      %exp3A_1047 = math.exp %get3A_1046 : vector<16xf32>
      %add3A_1048 = arith.addf %get3A_1041, %exp3A_1047 : vector<16xf32>
      %swap3A_1049 = arith.constant 48 : index
      %swap3A_1050 = tpu.vector_load %arg7[%swap3A_1049] {strides = array<i32>} : memref<64xf32, #tpu.memory_space<vmem>>, vector<16xf32>,
      %swap3A_1051 = vector.shape_cast %swap3A_1050 : vector<16xf32> to vector<16xf32>
      %swap3A_1052 = vector.shape_cast %add3A_1048 : vector<16xf32> to vector<16xf32>
      tpu.vector_store %arg7[%swap3A_1049], %swap3A_1052 {strides = array<i32>} : memref<64xf32, #tpu.memory_space<vmem>>, vector<16xf32>,
      %get3A_1053 = arith.constant 0 : index
      %get3A_1054 = tpu.vector_load %arg7[%get3A_1053] {strides = array<i32>} : memref<64xf32, #tpu.memory_space<vmem>>, vector<16xf32>,
      %get3A_1055 = vector.shape_cast %get3A_1054 : vector<16xf32> to vector<16xf32>
      %get3A_1056 = arith.constant 12 : i32
      %get3A_1057 = arith.index_cast %get3A_1056 : i32 to index
      %get3A_1058 = arith.constant 0 : index
      %get3A_1059 = tpu.vector_load %arg6[%get3A_1057, %get3A_1058] {strides = array<i32>} : memref<16x64xf32, #tpu.memory_space<vmem>>, vector<1x16xf32>,
      %get3A_1060 = vector.shape_cast %get3A_1059 : vector<1x16xf32> to vector<16xf32>
      %exp3A_1061 = math.exp %get3A_1060 : vector<16xf32>
      %add3A_1062 = arith.addf %get3A_1055, %exp3A_1061 : vector<16xf32>
      %swap3A_1063 = arith.constant 0 : index
      %swap3A_1064 = tpu.vector_load %arg7[%swap3A_1063] {strides = array<i32>} : memref<64xf32, #tpu.memory_space<vmem>>, vector<16xf32>,
      %swap3A_1065 = vector.shape_cast %swap3A_1064 : vector<16xf32> to vector<16xf32>
      %swap3A_1066 = vector.shape_cast %add3A_1062 : vector<16xf32> to vector<16xf32>
      tpu.vector_store %arg7[%swap3A_1063], %swap3A_1066 {strides = array<i32>} : memref<64xf32, #tpu.memory_space<vmem>>, vector<16xf32>,
      %get3A_1067 = arith.constant 16 : index
      %get3A_1068 = tpu.vector_load %arg7[%get3A_1067] {strides = array<i32>} : memref<64xf32, #tpu.memory_space<vmem>>, vector<16xf32>,
      %get3A_1069 = vector.shape_cast %get3A_1068 : vector<16xf32> to vector<16xf32>
      %get3A_1070 = arith.constant 12 : i32
      %get3A_1071 = arith.index_cast %get3A_1070 : i32 to index
      %get3A_1072 = arith.constant 16 : index
      %get3A_1073 = tpu.vector_load %arg6[%get3A_1071, %get3A_1072] {strides = array<i32>} : memref<16x64xf32, #tpu.memory_space<vmem>>, vector<1x16xf32>,
      %get3A_1074 = vector.shape_cast %get3A_1073 : vector<1x16xf32> to vector<16xf32>
      %exp3A_1075 = math.exp %get3A_1074 : vector<16xf32>
      %add3A_1076 = arith.addf %get3A_1069, %exp3A_1075 : vector<16xf32>
      %swap3A_1077 = arith.constant 16 : index
      %swap3A_1078 = tpu.vector_load %arg7[%swap3A_1077] {strides = array<i32>} : memref<64xf32, #tpu.memory_space<vmem>>, vector<16xf32>,
      %swap3A_1079 = vector.shape_cast %swap3A_1078 : vector<16xf32> to vector<16xf32>
      %swap3A_1080 = vector.shape_cast %add3A_1076 : vector<16xf32> to vector<16xf32>
      tpu.vector_store %arg7[%swap3A_1077], %swap3A_1080 {strides = array<i32>} : memref<64xf32, #tpu.memory_space<vmem>>, vector<16xf32>,
      %get3A_1081 = arith.constant 32 : index
      %get3A_1082 = tpu.vector_load %arg7[%get3A_1081] {strides = array<i32>} : memref<64xf32, #tpu.memory_space<vmem>>, vector<16xf32>,
      %get3A_1083 = vector.shape_cast %get3A_1082 : vector<16xf32> to vector<16xf32>
      %get3A_1084 = arith.constant 12 : i32
      %get3A_1085 = arith.index_cast %get3A_1084 : i32 to index
      %get3A_1086 = arith.constant 32 : index
      %get3A_1087 = tpu.vector_load %arg6[%get3A_1085, %get3A_1086] {strides = array<i32>} : memref<16x64xf32, #tpu.memory_space<vmem>>, vector<1x16xf32>,
      %get3A_1088 = vector.shape_cast %get3A_1087 : vector<1x16xf32> to vector<16xf32>
      %exp3A_1089 = math.exp %get3A_1088 : vector<16xf32>
      %add3A_1090 = arith.addf %get3A_1083, %exp3A_1089 : vector<16xf32>
      %swap3A_1091 = arith.constant 32 : index
      %swap3A_1092 = tpu.vector_load %arg7[%swap3A_1091] {strides = array<i32>} : memref<64xf32, #tpu.memory_space<vmem>>, vector<16xf32>,
      %swap3A_1093 = vector.shape_cast %swap3A_1092 : vector<16xf32> to vector<16xf32>
      %swap3A_1094 = vector.shape_cast %add3A_1090 : vector<16xf32> to vector<16xf32>
      tpu.vector_store %arg7[%swap3A_1091], %swap3A_1094 {strides = array<i32>} : memref<64xf32, #tpu.memory_space<vmem>>, vector<16xf32>,
      %get3A_1095 = arith.constant 48 : index
      %get3A_1096 = tpu.vector_load %arg7[%get3A_1095] {strides = array<i32>} : memref<64xf32, #tpu.memory_space<vmem>>, vector<16xf32>,
      %get3A_1097 = vector.shape_cast %get3A_1096 : vector<16xf32> to vector<16xf32>
      %get3A_1098 = arith.constant 12 : i32
      %get3A_1099 = arith.index_cast %get3A_1098 : i32 to index
      %get3A_1100 = arith.constant 48 : index
      %get3A_1101 = tpu.vector_load %arg6[%get3A_1099, %get3A_1100] {strides = array<i32>} : memref<16x64xf32, #tpu.memory_space<vmem>>, vector<1x16xf32>,
      %get3A_1102 = vector.shape_cast %get3A_1101 : vector<1x16xf32> to vector<16xf32>
      %exp3A_1103 = math.exp %get3A_1102 : vector<16xf32>
      %add3A_1104 = arith.addf %get3A_1097, %exp3A_1103 : vector<16xf32>
      %swap3A_1105 = arith.constant 48 : index
      %swap3A_1106 = tpu.vector_load %arg7[%swap3A_1105] {strides = array<i32>} : memref<64xf32, #tpu.memory_space<vmem>>, vector<16xf32>,
      %swap3A_1107 = vector.shape_cast %swap3A_1106 : vector<16xf32> to vector<16xf32>
      %swap3A_1108 = vector.shape_cast %add3A_1104 : vector<16xf32> to vector<16xf32>
      tpu.vector_store %arg7[%swap3A_1105], %swap3A_1108 {strides = array<i32>} : memref<64xf32, #tpu.memory_space<vmem>>, vector<16xf32>,
      %get3A_1109 = arith.constant 0 : index
      %get3A_1110 = tpu.vector_load %arg7[%get3A_1109] {strides = array<i32>} : memref<64xf32, #tpu.memory_space<vmem>>, vector<16xf32>,
      %get3A_1111 = vector.shape_cast %get3A_1110 : vector<16xf32> to vector<16xf32>
      %get3A_1112 = arith.constant 13 : i32
      %get3A_1113 = arith.index_cast %get3A_1112 : i32 to index
      %get3A_1114 = arith.constant 0 : index
      %get3A_1115 = tpu.vector_load %arg6[%get3A_1113, %get3A_1114] {strides = array<i32>} : memref<16x64xf32, #tpu.memory_space<vmem>>, vector<1x16xf32>,
      %get3A_1116 = vector.shape_cast %get3A_1115 : vector<1x16xf32> to vector<16xf32>
      %exp3A_1117 = math.exp %get3A_1116 : vector<16xf32>
      %add3A_1118 = arith.addf %get3A_1111, %exp3A_1117 : vector<16xf32>
      %swap3A_1119 = arith.constant 0 : index
      %swap3A_1120 = tpu.vector_load %arg7[%swap3A_1119] {strides = array<i32>} : memref<64xf32, #tpu.memory_space<vmem>>, vector<16xf32>,
      %swap3A_1121 = vector.shape_cast %swap3A_1120 : vector<16xf32> to vector<16xf32>
      %swap3A_1122 = vector.shape_cast %add3A_1118 : vector<16xf32> to vector<16xf32>
      tpu.vector_store %arg7[%swap3A_1119], %swap3A_1122 {strides = array<i32>} : memref<64xf32, #tpu.memory_space<vmem>>, vector<16xf32>,
      %get3A_1123 = arith.constant 16 : index
      %get3A_1124 = tpu.vector_load %arg7[%get3A_1123] {strides = array<i32>} : memref<64xf32, #tpu.memory_space<vmem>>, vector<16xf32>,
      %get3A_1125 = vector.shape_cast %get3A_1124 : vector<16xf32> to vector<16xf32>
      %get3A_1126 = arith.constant 13 : i32
      %get3A_1127 = arith.index_cast %get3A_1126 : i32 to index
      %get3A_1128 = arith.constant 16 : index
      %get3A_1129 = tpu.vector_load %arg6[%get3A_1127, %get3A_1128] {strides = array<i32>} : memref<16x64xf32, #tpu.memory_space<vmem>>, vector<1x16xf32>,
      %get3A_1130 = vector.shape_cast %get3A_1129 : vector<1x16xf32> to vector<16xf32>
      %exp3A_1131 = math.exp %get3A_1130 : vector<16xf32>
      %add3A_1132 = arith.addf %get3A_1125, %exp3A_1131 : vector<16xf32>
      %swap3A_1133 = arith.constant 16 : index
      %swap3A_1134 = tpu.vector_load %arg7[%swap3A_1133] {strides = array<i32>} : memref<64xf32, #tpu.memory_space<vmem>>, vector<16xf32>,
      %swap3A_1135 = vector.shape_cast %swap3A_1134 : vector<16xf32> to vector<16xf32>
      %swap3A_1136 = vector.shape_cast %add3A_1132 : vector<16xf32> to vector<16xf32>
      tpu.vector_store %arg7[%swap3A_1133], %swap3A_1136 {strides = array<i32>} : memref<64xf32, #tpu.memory_space<vmem>>, vector<16xf32>,
      %get3A_1137 = arith.constant 32 : index
      %get3A_1138 = tpu.vector_load %arg7[%get3A_1137] {strides = array<i32>} : memref<64xf32, #tpu.memory_space<vmem>>, vector<16xf32>,
      %get3A_1139 = vector.shape_cast %get3A_1138 : vector<16xf32> to vector<16xf32>
      %get3A_1140 = arith.constant 13 : i32
      %get3A_1141 = arith.index_cast %get3A_1140 : i32 to index
      %get3A_1142 = arith.constant 32 : index
      %get3A_1143 = tpu.vector_load %arg6[%get3A_1141, %get3A_1142] {strides = array<i32>} : memref<16x64xf32, #tpu.memory_space<vmem>>, vector<1x16xf32>,
      %get3A_1144 = vector.shape_cast %get3A_1143 : vector<1x16xf32> to vector<16xf32>
      %exp3A_1145 = math.exp %get3A_1144 : vector<16xf32>
      %add3A_1146 = arith.addf %get3A_1139, %exp3A_1145 : vector<16xf32>
      %swap3A_1147 = arith.constant 32 : index
      %swap3A_1148 = tpu.vector_load %arg7[%swap3A_1147] {strides = array<i32>} : memref<64xf32, #tpu.memory_space<vmem>>, vector<16xf32>,
      %swap3A_1149 = vector.shape_cast %swap3A_1148 : vector<16xf32> to vector<16xf32>
      %swap3A_1150 = vector.shape_cast %add3A_1146 : vector<16xf32> to vector<16xf32>
      tpu.vector_store %arg7[%swap3A_1147], %swap3A_1150 {strides = array<i32>} : memref<64xf32, #tpu.memory_space<vmem>>, vector<16xf32>,
      %get3A_1151 = arith.constant 48 : index
      %get3A_1152 = tpu.vector_load %arg7[%get3A_1151] {strides = array<i32>} : memref<64xf32, #tpu.memory_space<vmem>>, vector<16xf32>,
      %get3A_1153 = vector.shape_cast %get3A_1152 : vector<16xf32> to vector<16xf32>
      %get3A_1154 = arith.constant 13 : i32
      %get3A_1155 = arith.index_cast %get3A_1154 : i32 to index
      %get3A_1156 = arith.constant 48 : index
      %get3A_1157 = tpu.vector_load %arg6[%get3A_1155, %get3A_1156] {strides = array<i32>} : memref<16x64xf32, #tpu.memory_space<vmem>>, vector<1x16xf32>,
      %get3A_1158 = vector.shape_cast %get3A_1157 : vector<1x16xf32> to vector<16xf32>
      %exp3A_1159 = math.exp %get3A_1158 : vector<16xf32>
      %add3A_1160 = arith.addf %get3A_1153, %exp3A_1159 : vector<16xf32>
      %swap3A_1161 = arith.constant 48 : index
      %swap3A_1162 = tpu.vector_load %arg7[%swap3A_1161] {strides = array<i32>} : memref<64xf32, #tpu.memory_space<vmem>>, vector<16xf32>,
      %swap3A_1163 = vector.shape_cast %swap3A_1162 : vector<16xf32> to vector<16xf32>
      %swap3A_1164 = vector.shape_cast %add3A_1160 : vector<16xf32> to vector<16xf32>
      tpu.vector_store %arg7[%swap3A_1161], %swap3A_1164 {strides = array<i32>} : memref<64xf32, #tpu.memory_space<vmem>>, vector<16xf32>,
      %get3A_1165 = arith.constant 0 : index
      %get3A_1166 = tpu.vector_load %arg7[%get3A_1165] {strides = array<i32>} : memref<64xf32, #tpu.memory_space<vmem>>, vector<16xf32>,
      %get3A_1167 = vector.shape_cast %get3A_1166 : vector<16xf32> to vector<16xf32>
      %get3A_1168 = arith.constant 14 : i32
      %get3A_1169 = arith.index_cast %get3A_1168 : i32 to index
      %get3A_1170 = arith.constant 0 : index
      %get3A_1171 = tpu.vector_load %arg6[%get3A_1169, %get3A_1170] {strides = array<i32>} : memref<16x64xf32, #tpu.memory_space<vmem>>, vector<1x16xf32>,
      %get3A_1172 = vector.shape_cast %get3A_1171 : vector<1x16xf32> to vector<16xf32>
      %exp3A_1173 = math.exp %get3A_1172 : vector<16xf32>
      %add3A_1174 = arith.addf %get3A_1167, %exp3A_1173 : vector<16xf32>
      %swap3A_1175 = arith.constant 0 : index
      %swap3A_1176 = tpu.vector_load %arg7[%swap3A_1175] {strides = array<i32>} : memref<64xf32, #tpu.memory_space<vmem>>, vector<16xf32>,
      %swap3A_1177 = vector.shape_cast %swap3A_1176 : vector<16xf32> to vector<16xf32>
      %swap3A_1178 = vector.shape_cast %add3A_1174 : vector<16xf32> to vector<16xf32>
      tpu.vector_store %arg7[%swap3A_1175], %swap3A_1178 {strides = array<i32>} : memref<64xf32, #tpu.memory_space<vmem>>, vector<16xf32>,
      %get3A_1179 = arith.constant 16 : index
      %get3A_1180 = tpu.vector_load %arg7[%get3A_1179] {strides = array<i32>} : memref<64xf32, #tpu.memory_space<vmem>>, vector<16xf32>,
      %get3A_1181 = vector.shape_cast %get3A_1180 : vector<16xf32> to vector<16xf32>
      %get3A_1182 = arith.constant 14 : i32
      %get3A_1183 = arith.index_cast %get3A_1182 : i32 to index
      %get3A_1184 = arith.constant 16 : index
      %get3A_1185 = tpu.vector_load %arg6[%get3A_1183, %get3A_1184] {strides = array<i32>} : memref<16x64xf32, #tpu.memory_space<vmem>>, vector<1x16xf32>,
      %get3A_1186 = vector.shape_cast %get3A_1185 : vector<1x16xf32> to vector<16xf32>
      %exp3A_1187 = math.exp %get3A_1186 : vector<16xf32>
      %add3A_1188 = arith.addf %get3A_1181, %exp3A_1187 : vector<16xf32>
      %swap3A_1189 = arith.constant 16 : index
      %swap3A_1190 = tpu.vector_load %arg7[%swap3A_1189] {strides = array<i32>} : memref<64xf32, #tpu.memory_space<vmem>>, vector<16xf32>,
      %swap3A_1191 = vector.shape_cast %swap3A_1190 : vector<16xf32> to vector<16xf32>
      %swap3A_1192 = vector.shape_cast %add3A_1188 : vector<16xf32> to vector<16xf32>
      tpu.vector_store %arg7[%swap3A_1189], %swap3A_1192 {strides = array<i32>} : memref<64xf32, #tpu.memory_space<vmem>>, vector<16xf32>,
      %get3A_1193 = arith.constant 32 : index
      %get3A_1194 = tpu.vector_load %arg7[%get3A_1193] {strides = array<i32>} : memref<64xf32, #tpu.memory_space<vmem>>, vector<16xf32>,
      %get3A_1195 = vector.shape_cast %get3A_1194 : vector<16xf32> to vector<16xf32>
      %get3A_1196 = arith.constant 14 : i32
      %get3A_1197 = arith.index_cast %get3A_1196 : i32 to index
      %get3A_1198 = arith.constant 32 : index
      %get3A_1199 = tpu.vector_load %arg6[%get3A_1197, %get3A_1198] {strides = array<i32>} : memref<16x64xf32, #tpu.memory_space<vmem>>, vector<1x16xf32>,
      %get3A_1200 = vector.shape_cast %get3A_1199 : vector<1x16xf32> to vector<16xf32>
      %exp3A_1201 = math.exp %get3A_1200 : vector<16xf32>
      %add3A_1202 = arith.addf %get3A_1195, %exp3A_1201 : vector<16xf32>
      %swap3A_1203 = arith.constant 32 : index
      %swap3A_1204 = tpu.vector_load %arg7[%swap3A_1203] {strides = array<i32>} : memref<64xf32, #tpu.memory_space<vmem>>, vector<16xf32>,
      %swap3A_1205 = vector.shape_cast %swap3A_1204 : vector<16xf32> to vector<16xf32>
      %swap3A_1206 = vector.shape_cast %add3A_1202 : vector<16xf32> to vector<16xf32>
      tpu.vector_store %arg7[%swap3A_1203], %swap3A_1206 {strides = array<i32>} : memref<64xf32, #tpu.memory_space<vmem>>, vector<16xf32>,
      %get3A_1207 = arith.constant 48 : index
      %get3A_1208 = tpu.vector_load %arg7[%get3A_1207] {strides = array<i32>} : memref<64xf32, #tpu.memory_space<vmem>>, vector<16xf32>,
      %get3A_1209 = vector.shape_cast %get3A_1208 : vector<16xf32> to vector<16xf32>
      %get3A_1210 = arith.constant 14 : i32
      %get3A_1211 = arith.index_cast %get3A_1210 : i32 to index
      %get3A_1212 = arith.constant 48 : index
      %get3A_1213 = tpu.vector_load %arg6[%get3A_1211, %get3A_1212] {strides = array<i32>} : memref<16x64xf32, #tpu.memory_space<vmem>>, vector<1x16xf32>,
      %get3A_1214 = vector.shape_cast %get3A_1213 : vector<1x16xf32> to vector<16xf32>
      %exp3A_1215 = math.exp %get3A_1214 : vector<16xf32>
      %add3A_1216 = arith.addf %get3A_1209, %exp3A_1215 : vector<16xf32>
      %swap3A_1217 = arith.constant 48 : index
      %swap3A_1218 = tpu.vector_load %arg7[%swap3A_1217] {strides = array<i32>} : memref<64xf32, #tpu.memory_space<vmem>>, vector<16xf32>,
      %swap3A_1219 = vector.shape_cast %swap3A_1218 : vector<16xf32> to vector<16xf32>
      %swap3A_1220 = vector.shape_cast %add3A_1216 : vector<16xf32> to vector<16xf32>
      tpu.vector_store %arg7[%swap3A_1217], %swap3A_1220 {strides = array<i32>} : memref<64xf32, #tpu.memory_space<vmem>>, vector<16xf32>,
      %get3A_1221 = arith.constant 0 : index
      %get3A_1222 = tpu.vector_load %arg7[%get3A_1221] {strides = array<i32>} : memref<64xf32, #tpu.memory_space<vmem>>, vector<16xf32>,
      %get3A_1223 = vector.shape_cast %get3A_1222 : vector<16xf32> to vector<16xf32>
      %get3A_1224 = arith.constant 15 : i32
      %get3A_1225 = arith.index_cast %get3A_1224 : i32 to index
      %get3A_1226 = arith.constant 0 : index
      %get3A_1227 = tpu.vector_load %arg6[%get3A_1225, %get3A_1226] {strides = array<i32>} : memref<16x64xf32, #tpu.memory_space<vmem>>, vector<1x16xf32>,
      %get3A_1228 = vector.shape_cast %get3A_1227 : vector<1x16xf32> to vector<16xf32>
      %exp3A_1229 = math.exp %get3A_1228 : vector<16xf32>
      %add3A_1230 = arith.addf %get3A_1223, %exp3A_1229 : vector<16xf32>
      %swap3A_1231 = arith.constant 0 : index
      %swap3A_1232 = tpu.vector_load %arg7[%swap3A_1231] {strides = array<i32>} : memref<64xf32, #tpu.memory_space<vmem>>, vector<16xf32>,
      %swap3A_1233 = vector.shape_cast %swap3A_1232 : vector<16xf32> to vector<16xf32>
      %swap3A_1234 = vector.shape_cast %add3A_1230 : vector<16xf32> to vector<16xf32>
      tpu.vector_store %arg7[%swap3A_1231], %swap3A_1234 {strides = array<i32>} : memref<64xf32, #tpu.memory_space<vmem>>, vector<16xf32>,
      %get3A_1235 = arith.constant 16 : index
      %get3A_1236 = tpu.vector_load %arg7[%get3A_1235] {strides = array<i32>} : memref<64xf32, #tpu.memory_space<vmem>>, vector<16xf32>,
      %get3A_1237 = vector.shape_cast %get3A_1236 : vector<16xf32> to vector<16xf32>
      %get3A_1238 = arith.constant 15 : i32
      %get3A_1239 = arith.index_cast %get3A_1238 : i32 to index
      %get3A_1240 = arith.constant 16 : index
      %get3A_1241 = tpu.vector_load %arg6[%get3A_1239, %get3A_1240] {strides = array<i32>} : memref<16x64xf32, #tpu.memory_space<vmem>>, vector<1x16xf32>,
      %get3A_1242 = vector.shape_cast %get3A_1241 : vector<1x16xf32> to vector<16xf32>
      %exp3A_1243 = math.exp %get3A_1242 : vector<16xf32>
      %add3A_1244 = arith.addf %get3A_1237, %exp3A_1243 : vector<16xf32>
      %swap3A_1245 = arith.constant 16 : index
      %swap3A_1246 = tpu.vector_load %arg7[%swap3A_1245] {strides = array<i32>} : memref<64xf32, #tpu.memory_space<vmem>>, vector<16xf32>,
      %swap3A_1247 = vector.shape_cast %swap3A_1246 : vector<16xf32> to vector<16xf32>
      %swap3A_1248 = vector.shape_cast %add3A_1244 : vector<16xf32> to vector<16xf32>
      tpu.vector_store %arg7[%swap3A_1245], %swap3A_1248 {strides = array<i32>} : memref<64xf32, #tpu.memory_space<vmem>>, vector<16xf32>,
      %get3A_1249 = arith.constant 32 : index
      %get3A_1250 = tpu.vector_load %arg7[%get3A_1249] {strides = array<i32>} : memref<64xf32, #tpu.memory_space<vmem>>, vector<16xf32>,
      %get3A_1251 = vector.shape_cast %get3A_1250 : vector<16xf32> to vector<16xf32>
      %get3A_1252 = arith.constant 15 : i32
      %get3A_1253 = arith.index_cast %get3A_1252 : i32 to index
      %get3A_1254 = arith.constant 32 : index
      %get3A_1255 = tpu.vector_load %arg6[%get3A_1253, %get3A_1254] {strides = array<i32>} : memref<16x64xf32, #tpu.memory_space<vmem>>, vector<1x16xf32>,
      %get3A_1256 = vector.shape_cast %get3A_1255 : vector<1x16xf32> to vector<16xf32>
      %exp3A_1257 = math.exp %get3A_1256 : vector<16xf32>
      %add3A_1258 = arith.addf %get3A_1251, %exp3A_1257 : vector<16xf32>
      %swap3A_1259 = arith.constant 32 : index
      %swap3A_1260 = tpu.vector_load %arg7[%swap3A_1259] {strides = array<i32>} : memref<64xf32, #tpu.memory_space<vmem>>, vector<16xf32>,
      %swap3A_1261 = vector.shape_cast %swap3A_1260 : vector<16xf32> to vector<16xf32>
      %swap3A_1262 = vector.shape_cast %add3A_1258 : vector<16xf32> to vector<16xf32>
      tpu.vector_store %arg7[%swap3A_1259], %swap3A_1262 {strides = array<i32>} : memref<64xf32, #tpu.memory_space<vmem>>, vector<16xf32>,
      %get3A_1263 = arith.constant 48 : index
      %get3A_1264 = tpu.vector_load %arg7[%get3A_1263] {strides = array<i32>} : memref<64xf32, #tpu.memory_space<vmem>>, vector<16xf32>,
      %get3A_1265 = vector.shape_cast %get3A_1264 : vector<16xf32> to vector<16xf32>
      %get3A_1266 = arith.constant 15 : i32
      %get3A_1267 = arith.index_cast %get3A_1266 : i32 to index
      %get3A_1268 = arith.constant 48 : index
      %get3A_1269 = tpu.vector_load %arg6[%get3A_1267, %get3A_1268] {strides = array<i32>} : memref<16x64xf32, #tpu.memory_space<vmem>>, vector<1x16xf32>,
      %get3A_1270 = vector.shape_cast %get3A_1269 : vector<1x16xf32> to vector<16xf32>
      %exp3A_1271 = math.exp %get3A_1270 : vector<16xf32>
      %add3A_1272 = arith.addf %get3A_1265, %exp3A_1271 : vector<16xf32>
      %swap3A_1273 = arith.constant 48 : index
      %swap3A_1274 = tpu.vector_load %arg7[%swap3A_1273] {strides = array<i32>} : memref<64xf32, #tpu.memory_space<vmem>>, vector<16xf32>,
      %swap3A_1275 = vector.shape_cast %swap3A_1274 : vector<16xf32> to vector<16xf32>
      %swap3A_1276 = vector.shape_cast %add3A_1272 : vector<16xf32> to vector<16xf32>
      tpu.vector_store %arg7[%swap3A_1273], %swap3A_1276 {strides = array<i32>} : memref<64xf32, #tpu.memory_space<vmem>>, vector<16xf32>,
    }
    %scan3A_27 = arith.constant 8 : i32
    %mul3A_28 = arith.constant 64 : i32
    %mul3A_29 = arith.muli %add3A, %mul3A_28 : i32
    "tpu.region"() ({
      %run_scoped3A = tpu.sem_alloc : memref<!tpu.dma_semaphore, #tpu.memory_space<semaphore_mem>>
      %dma_start3A = tpu.memref_slice %arg4[%mul3A_29] : memref<2048xf32, #tpu.memory_space<hbm>> -> memref<64xf32, #tpu.memory_space<hbm>>
      %dma_start3A_30 = tpu.memref_slice %arg4[%mul3A_29] : memref<2048xf32, #tpu.memory_space<hbm>> -> memref<64xf32, #tpu.memory_space<hbm>>
      tpu.enqueue_dma source(%arg7 : memref<64xf32, #tpu.memory_space<vmem>>) target(%dma_start3A_30 : memref<64xf32, #tpu.memory_space<hbm>>) target_semaphore(%run_scoped3A : memref<!tpu.dma_semaphore, #tpu.memory_space<semaphore_mem>>)
      %dma_wait3A = tpu.memref_slice %arg4[%mul3A_29] : memref<2048xf32, #tpu.memory_space<hbm>> -> memref<64xf32, #tpu.memory_space<hbm>>
      %dma_wait3A_31 = tpu.memref_slice %arg4[%mul3A_29] : memref<2048xf32, #tpu.memory_space<hbm>> -> memref<64xf32, #tpu.memory_space<hbm>>
      tpu.wait_dma2 semaphore(%run_scoped3A : memref<!tpu.dma_semaphore, #tpu.memory_space<semaphore_mem>>) src(%arg7 : memref<64xf32, #tpu.memory_space<vmem>>) dst(%dma_wait3A_31 : memref<64xf32, #tpu.memory_space<hbm>>)
      tpu.yield
    }) : () -> ()
    return
  }
}

module attributes {stable_mosaic.version = 14 : i64} {
  func.func @_k3_body(%arg0: memref<2048xf32, #tpu.memory_space<vmem>>, %arg1: memref<2048xf32, #tpu.memory_space<vmem>>, %arg2: memref<2048x1xf32, #tpu.memory_space<vmem>>, %arg3: memref<2048x1xf32, #tpu.memory_space<vmem>>, %arg4: memref<1x1xf32, #tpu.memory_space<vmem>>) attributes {dimension_semantics = [], scalar_prefetch = 0 : i64, scratch_operands = 0 : i64, tpu.core_type = #tpu.core_type<tc>} {
    %get3A = arith.constant 0 : index
    %get3A_0 = vector.load %arg0[%get3A] : memref<2048xf32, #tpu.memory_space<vmem>>, vector<2048xf32>
    %get3A_1 = arith.constant 0 : index
    %get3A_2 = arith.constant 0 : index
    %get3A_3 = vector.load %arg2[%get3A_1, %get3A_2] : memref<2048x1xf32, #tpu.memory_space<vmem>>, vector<2048x1xf32>
    %squeeze3A = vector.shape_cast %get3A_3 : vector<2048x1xf32> to vector<2048xf32>
    %get3A_4 = arith.constant 0 : index
    %get3A_5 = vector.load %arg1[%get3A_4] : memref<2048xf32, #tpu.memory_space<vmem>>, vector<2048xf32>
    %get3A_6 = arith.constant 0 : index
    %get3A_7 = arith.constant 0 : index
    %get3A_8 = vector.load %arg3[%get3A_6, %get3A_7] : memref<2048x1xf32, #tpu.memory_space<vmem>>, vector<2048x1xf32>
    %squeeze3A_9 = vector.shape_cast %get3A_8 : vector<2048x1xf32> to vector<2048xf32>
    %add3A = arith.addf %get3A_0, %squeeze3A : vector<2048xf32>
    %log3A = math.log %add3A : vector<2048xf32>
    %log3A_10 = math.log %squeeze3A : vector<2048xf32>
    %sub3A = arith.subf %log3A, %log3A_10 : vector<2048xf32>
    %reduce_sum3A = vector.shape_cast %sub3A : vector<2048xf32> to vector<1x2048xf32>
    %reduce_sum3A_11 = arith.constant dense<0.000000e+00> : vector<1xf32>
    %reduce_sum3A_12 = vector.multi_reduction <add>, %reduce_sum3A, %reduce_sum3A_11 [1] : vector<1x2048xf32> to vector<1xf32>
    %reduce_sum3A_13 = vector.shape_cast %reduce_sum3A_12 : vector<1xf32> to vector<1x1xf32>
    %reduce_sum3A_14 = vector.extract %reduce_sum3A_13[0, 0] : f32 from vector<1x1xf32>
    %add3A_15 = arith.constant 0.000000e+00 : f32
    %add3A_16 = arith.addf %add3A_15, %reduce_sum3A_14 : f32
    %add3A_17 = arith.addf %get3A_5, %squeeze3A_9 : vector<2048xf32>
    %log3A_18 = math.log %add3A_17 : vector<2048xf32>
    %log3A_19 = math.log %squeeze3A_9 : vector<2048xf32>
    %sub3A_20 = arith.subf %log3A_18, %log3A_19 : vector<2048xf32>
    %reduce_sum3A_21 = vector.shape_cast %sub3A_20 : vector<2048xf32> to vector<1x2048xf32>
    %reduce_sum3A_22 = arith.constant dense<0.000000e+00> : vector<1xf32>
    %reduce_sum3A_23 = vector.multi_reduction <add>, %reduce_sum3A_21, %reduce_sum3A_22 [1] : vector<1x2048xf32> to vector<1xf32>
    %reduce_sum3A_24 = vector.shape_cast %reduce_sum3A_23 : vector<1xf32> to vector<1x1xf32>
    %reduce_sum3A_25 = vector.extract %reduce_sum3A_24[0, 0] : f32 from vector<1x1xf32>
    %add3A_26 = arith.addf %add3A_16, %reduce_sum3A_25 : f32
    %mul3A = arith.constant 2.44140625E-4 : f32
    %mul3A_27 = arith.mulf %add3A_26, %mul3A : f32
    %broadcast_in_dim3A = vector.broadcast %mul3A_27 : f32 to vector<1x1xf32>
    %swap3A = arith.constant 0 : index
    %swap3A_28 = arith.constant 0 : index
    %swap3A_29 = vector.load %arg4[%swap3A, %swap3A_28] : memref<1x1xf32, #tpu.memory_space<vmem>>, vector<1x1xf32>
    tpu.vector_store %arg4[%swap3A, %swap3A_28], %broadcast_in_dim3A {strides = array<i32>} : memref<1x1xf32, #tpu.memory_space<vmem>>, vector<1x1xf32>,
    return
  }
}

module attributes {stable_mosaic.version = 14 : i64} {
  func.func @_k1_body(%arg0: i32, %arg1: memref<4096x128xf32, #tpu.memory_space<vmem>>, %arg2: memref<512x4x128xf32, #tpu.memory_space<vmem>>, %arg3: memref<2097152xf32, #tpu.memory_space<vmem>>, %arg4: memref<512x1xf32, #tpu.memory_space<vmem>>, %arg5: memref<4096x128xf32, #tpu.memory_space<vmem>>, %arg6: memref<4096x128xbf16, #tpu.memory_space<vmem>>) attributes {dimension_semantics = [#tpu.dimension_semantics<arbitrary>], iteration_bounds = array<i64: 4>, scalar_prefetch = 0 : i64, scratch_operands = 2 : i64, tpu.core_type = #tpu.core_type<tc>, window_params = [{pipeline_mode = #tpu.pipeline_mode<synchronous>, transform_indices = @transform_0, window_bounds = array<i64: 4096, 128>}, {transform_indices = @transform_1, window_bounds = array<i64: 512, 4, 128>}, {transform_indices = @transform_2, window_bounds = array<i64: 2097152>}, {transform_indices = @transform_3, window_bounds = array<i64: 512, 1>}]} {
    %eq3A = arith.constant 0 : i32
    %eq3A_0 = arith.cmpi eq, %arg0, %eq3A : i32
    %convert_element_type3A = arith.extui %eq3A_0 : i1 to i32
    %cond3A = arith.constant 0 : i32
    %cond3A_1 = arith.cmpi ne, %convert_element_type3A, %cond3A : i32
    scf.if %cond3A_1 {
      %get3A_31 = arith.constant 0 : index
      %get3A_32 = arith.constant 0 : index
      %get3A_33 = vector.load %arg1[%get3A_31, %get3A_32] : memref<4096x128xf32, #tpu.memory_space<vmem>>, vector<4096x128xf32>
      %mul3A_34 = arith.mulf %get3A_33, %get3A_33 : vector<4096x128xf32>
      %reduce_sum3A_35 = arith.constant dense<0.000000e+00> : vector<4096xf32>
      %reduce_sum3A_36 = vector.multi_reduction <add>, %mul3A_34, %reduce_sum3A_35 [1] : vector<4096x128xf32> to vector<4096xf32>
      %broadcast_in_dim3A_37 = vector.shape_cast %reduce_sum3A_36 : vector<4096xf32> to vector<4096x1xf32>
      %max3A_38 = arith.constant 1.000000e-24 : f32
      %max3A_39 = vector.broadcast %max3A_38 : f32 to vector<4096x1xf32>
      %max3A_40 = arith.maximumf %broadcast_in_dim3A_37, %max3A_39 : vector<4096x1xf32>
      %rsqrt3A_41 = math.rsqrt %max3A_40 : vector<4096x1xf32>
      %mul3A_42 = vector.broadcast %rsqrt3A_41 : vector<4096x1xf32> to vector<4096x128xf32>
      %mul3A_43 = arith.mulf %get3A_33, %mul3A_42 : vector<4096x128xf32>
      %swap3A_44 = arith.constant 0 : index
      %swap3A_45 = arith.constant 0 : index
      %swap3A_46 = vector.load %arg5[%swap3A_44, %swap3A_45] : memref<4096x128xf32, #tpu.memory_space<vmem>>, vector<4096x128xf32>
      tpu.vector_store %arg5[%swap3A_44, %swap3A_45], %mul3A_43 {strides = array<i32>} : memref<4096x128xf32, #tpu.memory_space<vmem>>, vector<4096x128xf32>,
      %convert_element_type3A_47 = arith.truncf %mul3A_43 : vector<4096x128xf32> to vector<4096x128xbf16>
      %swap3A_48 = arith.constant 0 : index
      %swap3A_49 = arith.constant 0 : index
      %swap3A_50 = vector.load %arg6[%swap3A_48, %swap3A_49] : memref<4096x128xbf16, #tpu.memory_space<vmem>>, vector<4096x128xbf16>
      tpu.vector_store %arg6[%swap3A_48, %swap3A_49], %convert_element_type3A_47 {strides = array<i32>} : memref<4096x128xbf16, #tpu.memory_space<vmem>>, vector<4096x128xbf16>,
    } else {
    }
    %add3A = arith.constant 0 : i32
    %add3A_2 = arith.addi %add3A, %arg0 : i32
    %mul3A = arith.constant 512 : i32
    %mul3A_3 = arith.muli %add3A_2, %mul3A : i32
    %get3A = arith.index_cast %mul3A_3 : i32 to index
    %get3A_4 = arith.constant 0 : index
    %get3A_5 = vector.load %arg5[%get3A, %get3A_4] : memref<4096x128xf32, #tpu.memory_space<vmem>>, vector<512x128xf32>
    %convert_element_type3A_6 = arith.truncf %get3A_5 : vector<512x128xf32> to vector<512x128xbf16>
    %get3A_7 = arith.constant 0 : index
    %get3A_8 = arith.constant 0 : index
    %get3A_9 = vector.load %arg6[%get3A_7, %get3A_8] : memref<4096x128xbf16, #tpu.memory_space<vmem>>, vector<4096x128xbf16>
    %dot_general3A = arith.constant dense<0.000000e+00> : vector<512x4096xf32>
    %dot_general3A_10 = tpu.matmul %convert_element_type3A_6, %get3A_9, %dot_general3A {dimension_numbers = #tpu.dot_dimension_numbers<[1], [1], [0], [0], [0, 0, 1, 0], [], []>, transpose_lhs_hint = false} : vector<512x128xbf16>, vector<4096x128xbf16>, vector<512x4096xf32> -> vector<512x4096xf32>
    %reshape3A = vector.shape_cast %dot_general3A_10 : vector<512x4096xf32> to vector<2097152xf32>
    %swap3A = arith.constant 0 : index
    %swap3A_11 = vector.load %arg3[%swap3A] : memref<2097152xf32, #tpu.memory_space<vmem>>, vector<2097152xf32>
    tpu.vector_store %arg3[%swap3A], %reshape3A {strides = array<i32>} : memref<2097152xf32, #tpu.memory_space<vmem>>, vector<2097152xf32>,
    %get3A_12 = arith.constant 0 : index
    %get3A_13 = arith.constant 0 : index
    %get3A_14 = arith.constant 0 : index
    %get3A_15 = vector.load %arg2[%get3A_12, %get3A_13, %get3A_14] : memref<512x4x128xf32, #tpu.memory_space<vmem>>, vector<512x4x128xf32>
    %mul3A_16 = arith.mulf %get3A_15, %get3A_15 : vector<512x4x128xf32>
    %reduce_sum3A = arith.constant dense<0.000000e+00> : vector<512x4xf32>
    %reduce_sum3A_17 = vector.multi_reduction <add>, %mul3A_16, %reduce_sum3A [2] : vector<512x4x128xf32> to vector<512x4xf32>
    %broadcast_in_dim3A = vector.shape_cast %get3A_5 : vector<512x128xf32> to vector<512x1x128xf32>
    %mul3A_18 = vector.broadcast %broadcast_in_dim3A : vector<512x1x128xf32> to vector<512x4x128xf32>
    %mul3A_19 = arith.mulf %get3A_15, %mul3A_18 : vector<512x4x128xf32>
    %reduce_sum3A_20 = arith.constant dense<0.000000e+00> : vector<512x4xf32>
    %reduce_sum3A_21 = vector.multi_reduction <add>, %mul3A_19, %reduce_sum3A_20 [2] : vector<512x4x128xf32> to vector<512x4xf32>
    %max3A = arith.constant 1.000000e-24 : f32
    %max3A_22 = vector.broadcast %max3A : f32 to vector<512x4xf32>
    %max3A_23 = arith.maximumf %reduce_sum3A_17, %max3A_22 : vector<512x4xf32>
    %rsqrt3A = math.rsqrt %max3A_23 : vector<512x4xf32>
    %mul3A_24 = arith.mulf %reduce_sum3A_21, %rsqrt3A : vector<512x4xf32>
    %exp3A = math.exp %mul3A_24 : vector<512x4xf32>
    %reduce_sum3A_25 = arith.constant dense<0.000000e+00> : vector<512xf32>
    %reduce_sum3A_26 = vector.multi_reduction <add>, %exp3A, %reduce_sum3A_25 [1] : vector<512x4xf32> to vector<512xf32>
    %broadcast_in_dim3A_27 = vector.shape_cast %reduce_sum3A_26 : vector<512xf32> to vector<512x1xf32>
    %swap3A_28 = arith.constant 0 : index
    %swap3A_29 = arith.constant 0 : index
    %swap3A_30 = vector.load %arg4[%swap3A_28, %swap3A_29] : memref<512x1xf32, #tpu.memory_space<vmem>>, vector<512x1xf32>
    tpu.vector_store %arg4[%swap3A_28, %swap3A_29], %broadcast_in_dim3A_27 {strides = array<i32>} : memref<512x1xf32, #tpu.memory_space<vmem>>, vector<512x1xf32>,
    return
  }
  func.func @transform_0(%arg0: i32) -> (i32, i32) {
    %c0_i32 = arith.constant 0 : i32
    %c0_i32_0 = arith.constant 0 : i32
    %c0_i32_1 = arith.constant 0 : i32
    return %c0_i32, %c0_i32_0 : i32, i32
  }
  func.func @transform_1(%arg0: i32) -> (i32, i32, i32) {
    %add3A = arith.constant 0 : i32
    %add3A_0 = arith.addi %add3A, %arg0 : i32
    %c0_i32 = arith.constant 0 : i32
    %c0_i32_1 = arith.constant 0 : i32
    %c0_i32_2 = arith.constant 0 : i32
    return %add3A_0, %c0_i32, %c0_i32_1 : i32, i32, i32
  }
  func.func @transform_2(%arg0: i32) -> i32 {
    %c0_i32 = arith.constant 0 : i32
    return %arg0 : i32
  }
  func.func @transform_3(%arg0: i32) -> (i32, i32) {
    %c0_i32 = arith.constant 0 : i32
    %c0_i32_0 = arith.constant 0 : i32
    return %arg0, %c0_i32 : i32, i32
  }
}

module attributes {stable_mosaic.version = 14 : i64} {
  func.func @_k1_body(%arg0: i32, %arg1: memref<4096x128xf32, #tpu.memory_space<vmem>>, %arg2: memref<512x4x128xf32, #tpu.memory_space<vmem>>, %arg3: memref<2097152xf32, #tpu.memory_space<vmem>>, %arg4: memref<512x1xf32, #tpu.memory_space<vmem>>, %arg5: memref<4096x128xf32, #tpu.memory_space<vmem>>, %arg6: memref<4096x128xbf16, #tpu.memory_space<vmem>>) attributes {dimension_semantics = [#tpu.dimension_semantics<arbitrary>], iteration_bounds = array<i64: 4>, scalar_prefetch = 0 : i64, scratch_operands = 2 : i64, tpu.core_type = #tpu.core_type<tc>, window_params = [{pipeline_mode = #tpu.pipeline_mode<synchronous>, transform_indices = @transform_0, window_bounds = array<i64: 4096, 128>}, {transform_indices = @transform_1, window_bounds = array<i64: 512, 4, 128>}, {transform_indices = @transform_2, window_bounds = array<i64: 2097152>}, {transform_indices = @transform_3, window_bounds = array<i64: 512, 1>}]} {
    %eq3A = arith.constant 0 : i32
    %eq3A_0 = arith.cmpi eq, %arg0, %eq3A : i32
    %convert_element_type3A = arith.extui %eq3A_0 : i1 to i32
    %cond3A = arith.constant 0 : i32
    %cond3A_1 = arith.cmpi ne, %convert_element_type3A, %cond3A : i32
    scf.if %cond3A_1 {
      %get3A_31 = arith.constant 0 : index
      %get3A_32 = arith.constant 0 : index
      %get3A_33 = vector.load %arg1[%get3A_31, %get3A_32] : memref<4096x128xf32, #tpu.memory_space<vmem>>, vector<4096x128xf32>
      %mul3A_34 = arith.mulf %get3A_33, %get3A_33 : vector<4096x128xf32>
      %reduce_sum3A_35 = arith.constant dense<0.000000e+00> : vector<4096xf32>
      %reduce_sum3A_36 = vector.multi_reduction <add>, %mul3A_34, %reduce_sum3A_35 [1] : vector<4096x128xf32> to vector<4096xf32>
      %broadcast_in_dim3A_37 = vector.shape_cast %reduce_sum3A_36 : vector<4096xf32> to vector<4096x1xf32>
      %max3A_38 = arith.constant 1.000000e-24 : f32
      %max3A_39 = vector.broadcast %max3A_38 : f32 to vector<4096x1xf32>
      %max3A_40 = arith.maximumf %broadcast_in_dim3A_37, %max3A_39 : vector<4096x1xf32>
      %rsqrt3A_41 = math.rsqrt %max3A_40 : vector<4096x1xf32>
      %mul3A_42 = vector.broadcast %rsqrt3A_41 : vector<4096x1xf32> to vector<4096x128xf32>
      %mul3A_43 = arith.mulf %get3A_33, %mul3A_42 : vector<4096x128xf32>
      %swap3A_44 = arith.constant 0 : index
      %swap3A_45 = arith.constant 0 : index
      %swap3A_46 = vector.load %arg5[%swap3A_44, %swap3A_45] : memref<4096x128xf32, #tpu.memory_space<vmem>>, vector<4096x128xf32>
      tpu.vector_store %arg5[%swap3A_44, %swap3A_45], %mul3A_43 {strides = array<i32>} : memref<4096x128xf32, #tpu.memory_space<vmem>>, vector<4096x128xf32>,
      %convert_element_type3A_47 = arith.truncf %mul3A_43 : vector<4096x128xf32> to vector<4096x128xbf16>
      %swap3A_48 = arith.constant 0 : index
      %swap3A_49 = arith.constant 0 : index
      %swap3A_50 = vector.load %arg6[%swap3A_48, %swap3A_49] : memref<4096x128xbf16, #tpu.memory_space<vmem>>, vector<4096x128xbf16>
      tpu.vector_store %arg6[%swap3A_48, %swap3A_49], %convert_element_type3A_47 {strides = array<i32>} : memref<4096x128xbf16, #tpu.memory_space<vmem>>, vector<4096x128xbf16>,
    } else {
    }
    %add3A = arith.constant 4 : i32
    %add3A_2 = arith.addi %add3A, %arg0 : i32
    %mul3A = arith.constant 512 : i32
    %mul3A_3 = arith.muli %add3A_2, %mul3A : i32
    %get3A = arith.index_cast %mul3A_3 : i32 to index
    %get3A_4 = arith.constant 0 : index
    %get3A_5 = vector.load %arg5[%get3A, %get3A_4] : memref<4096x128xf32, #tpu.memory_space<vmem>>, vector<512x128xf32>
    %convert_element_type3A_6 = arith.truncf %get3A_5 : vector<512x128xf32> to vector<512x128xbf16>
    %get3A_7 = arith.constant 0 : index
    %get3A_8 = arith.constant 0 : index
    %get3A_9 = vector.load %arg6[%get3A_7, %get3A_8] : memref<4096x128xbf16, #tpu.memory_space<vmem>>, vector<4096x128xbf16>
    %dot_general3A = arith.constant dense<0.000000e+00> : vector<512x4096xf32>
    %dot_general3A_10 = tpu.matmul %convert_element_type3A_6, %get3A_9, %dot_general3A {dimension_numbers = #tpu.dot_dimension_numbers<[1], [1], [0], [0], [0, 0, 1, 0], [], []>, transpose_lhs_hint = false} : vector<512x128xbf16>, vector<4096x128xbf16>, vector<512x4096xf32> -> vector<512x4096xf32>
    %reshape3A = vector.shape_cast %dot_general3A_10 : vector<512x4096xf32> to vector<2097152xf32>
    %swap3A = arith.constant 0 : index
    %swap3A_11 = vector.load %arg3[%swap3A] : memref<2097152xf32, #tpu.memory_space<vmem>>, vector<2097152xf32>
    tpu.vector_store %arg3[%swap3A], %reshape3A {strides = array<i32>} : memref<2097152xf32, #tpu.memory_space<vmem>>, vector<2097152xf32>,
    %get3A_12 = arith.constant 0 : index
    %get3A_13 = arith.constant 0 : index
    %get3A_14 = arith.constant 0 : index
    %get3A_15 = vector.load %arg2[%get3A_12, %get3A_13, %get3A_14] : memref<512x4x128xf32, #tpu.memory_space<vmem>>, vector<512x4x128xf32>
    %mul3A_16 = arith.mulf %get3A_15, %get3A_15 : vector<512x4x128xf32>
    %reduce_sum3A = arith.constant dense<0.000000e+00> : vector<512x4xf32>
    %reduce_sum3A_17 = vector.multi_reduction <add>, %mul3A_16, %reduce_sum3A [2] : vector<512x4x128xf32> to vector<512x4xf32>
    %broadcast_in_dim3A = vector.shape_cast %get3A_5 : vector<512x128xf32> to vector<512x1x128xf32>
    %mul3A_18 = vector.broadcast %broadcast_in_dim3A : vector<512x1x128xf32> to vector<512x4x128xf32>
    %mul3A_19 = arith.mulf %get3A_15, %mul3A_18 : vector<512x4x128xf32>
    %reduce_sum3A_20 = arith.constant dense<0.000000e+00> : vector<512x4xf32>
    %reduce_sum3A_21 = vector.multi_reduction <add>, %mul3A_19, %reduce_sum3A_20 [2] : vector<512x4x128xf32> to vector<512x4xf32>
    %max3A = arith.constant 1.000000e-24 : f32
    %max3A_22 = vector.broadcast %max3A : f32 to vector<512x4xf32>
    %max3A_23 = arith.maximumf %reduce_sum3A_17, %max3A_22 : vector<512x4xf32>
    %rsqrt3A = math.rsqrt %max3A_23 : vector<512x4xf32>
    %mul3A_24 = arith.mulf %reduce_sum3A_21, %rsqrt3A : vector<512x4xf32>
    %exp3A = math.exp %mul3A_24 : vector<512x4xf32>
    %reduce_sum3A_25 = arith.constant dense<0.000000e+00> : vector<512xf32>
    %reduce_sum3A_26 = vector.multi_reduction <add>, %exp3A, %reduce_sum3A_25 [1] : vector<512x4xf32> to vector<512xf32>
    %broadcast_in_dim3A_27 = vector.shape_cast %reduce_sum3A_26 : vector<512xf32> to vector<512x1xf32>
    %swap3A_28 = arith.constant 0 : index
    %swap3A_29 = arith.constant 0 : index
    %swap3A_30 = vector.load %arg4[%swap3A_28, %swap3A_29] : memref<512x1xf32, #tpu.memory_space<vmem>>, vector<512x1xf32>
    tpu.vector_store %arg4[%swap3A_28, %swap3A_29], %broadcast_in_dim3A_27 {strides = array<i32>} : memref<512x1xf32, #tpu.memory_space<vmem>>, vector<512x1xf32>,
    return
  }
  func.func @transform_0(%arg0: i32) -> (i32, i32) {
    %c0_i32 = arith.constant 0 : i32
    %c0_i32_0 = arith.constant 0 : i32
    %c0_i32_1 = arith.constant 0 : i32
    return %c0_i32, %c0_i32_0 : i32, i32
  }
  func.func @transform_1(%arg0: i32) -> (i32, i32, i32) {
    %add3A = arith.constant 4 : i32
    %add3A_0 = arith.addi %add3A, %arg0 : i32
    %c0_i32 = arith.constant 0 : i32
    %c0_i32_1 = arith.constant 0 : i32
    %c0_i32_2 = arith.constant 0 : i32
    return %add3A_0, %c0_i32, %c0_i32_1 : i32, i32, i32
  }
  func.func @transform_2(%arg0: i32) -> i32 {
    %c0_i32 = arith.constant 0 : i32
    return %arg0 : i32
  }
  func.func @transform_3(%arg0: i32) -> (i32, i32) {
    %c0_i32 = arith.constant 0 : i32
    %c0_i32_0 = arith.constant 0 : i32
    return %arg0, %c0_i32 : i32, i32
  }
}

</mosaic_0001>

<sc_bundles>
// kernel: kernel.10.cloned.1.call-start
scs
__scs_entry_jumppad:
0x0: {  	(pc) =	sbr.rel $0x88, $3  }
0x1: {  	(tag) =	ssettag $0x0;
	lr =	simm.s32 $0x1  }
0x2: {  	[smem:$0x3F9F] =	sst lr;
	_ =	strace $0xD0000000  }
0x3: {  	_ = 	snop  }
0x4: {  	_ = 	snop  }
0x5: {  	_ = 	snop  }
0x6: {  	_ = 	snop  }
0x7: {  	_ = 	snop  }
__scs_overlays_trampoline_lowered:
0x8: {  	[smem:$0x3FAE] =	sst s0  }
0x9: {  	[smem:$0x3FAF] =	sst s1  }
0xa: {  	[smem:$0x3FB0] =	sst s2  }
0xb: {  	[smem:$0x3FB1] =	sst s3  }
0xc: {  	[smem:$0x3FB2] =	sst s4  }
0xd: {  	[smem:$0x3FB3] =	sst s5  }
0xe: {  	[smem:$0x3FB4] =	sst s6  }
0xf: {  	[smem:$0x3FB5] =	sst s7  }
0x10: {  	[smem:$0x3FB6] =	sst s8  }
0x11: {  	[smem:$0x3FB7] =	sst s9;
	s0 =	simm.s32 @!p0 $0x0  }
0x12: {  	s1 =	sld [smem:$0x3F9D];
	s0 =	simm.s32 @p0 $0x1  }
0x13: {  	[smem:$0x3FB8] =	sst s0;
	s0 =	simm.s32 @!p1 $0x0  }
0x14: {  	s2 =	sld [smem:$0x3F9C];
	s0 =	simm.s32 @p1 $0x1  }
0x15: {  	[smem:$0x3FB9] =	sst s0;
	s0 =	simm.s32 @!p2 $0x0  }
0x16: {  	s3 =	sld [smem:$0x3FDB];
	s0 =	simm.s32 @p2 $0x1  }
0x17: {  	s4 =	simm.s32 $0x1BF5;
	[smem:$0x3FBB] =	sst s0  }
0x18: {  	s0 =	sld [smem:$0x3F9E];
	_ =	swait.ge [sflag:s4], $0x0  }
0x19: {  	s7 =	sld [smem:$0x3F9F]  }
0x1a: {  	s8 =	sadd.s32 $0xFFFFE003, lr  }
0x1b: {  	s9 =	sadd.s32 $0xFFFFFEF7, lr;
	s5 =	simm.s32 $0xFFFFFFFF;
	p2 =	slt.u32 s8, $0xFFFFF086  }
0x1c: {  	p1 =	slt.u32 s9, $0xF7A;
	s5 =	simm.s32 @!p2 $0x0  }
0x1d: {  	s5 =	simm.s32 @p1 $0x1;
	p0 =	seq.s32 s7, s2  }
0x1e: {  	s7 =	smul.u32 @!p0 $0xF7A, s2;
	p2 =	seq.s32 @!p0 s5, $0x0  }
0x1f: {  	s9 =	smul.u32 $0xF7A, s1;
	s8 =	simm.s32 @!p0 $0x1BF5;
	p2 =	por !p2, p0  }
0x20: {  	[sflag:s8] =	ssyncset.s32 @!p0 $0xFFFFF086;
	s6 =	sadd.s32 @!p0 s3, s7;
	s7 =	simm.s32 @!p0 $0x108  }
0x21: {  	s3 =	sadd.s32 s3, s9;
	s6 =	sadd.s32 @!p0 $0x88, s6;
	s7 =	simm.s32 @p2 $0x1082  }
0x22: {  	[simem:s7], [sflag:s8] =	dma.local @!p0 [hbm:s6], $0xF7A  }
0x23: {  	s9 =	sor.u32 $0xD0000000, s2;
	s6 =	simm.s32 $0x108;
	_ =	swait.ge @!p0 [sflag:s8], $0x0  }
0x24: {  	s3 =	sadd.s32 $0x88, s3;
	s6 =	simm.s32 @!p1 $0x1082;
	[sflag:s4] =	ssyncset.s32 $0xFFFFF086  }
0x25: {  	[simem:s6], [sflag:s4] =	dma.local [hbm:s3], $0xF7A  }
0x26: {  	[smem:$0x3F9F] =	sst s1;
	(tag) =	ssettag s2;
	_ =	strace s9  }
0x27: {  	s1 =	sld [smem:$0x3FAF]  }
0x28: {  	s2 =	sld [smem:$0x3FB0]  }
0x29: {  	s4 =	sld [smem:$0x3FB2]  }
0x2a: {  	p0 =	seq.s32 s5, $0x0;
	s5 =	sld [smem:$0x3FB3]  }
0x2b: {  	s6 =	sld [smem:$0x3FB4]  }
0x2c: {  	s7 =	sld [smem:$0x3FB5]  }
0x2d: {  	s3 =	simm.s32 $0x108;
	s8 =	sld [smem:$0x3FB6]  }
0x2e: {  	s3 =	simm.s32 @!p0 $0x1082;
	s9 =	sld [smem:$0x3FB7]  }
0x2f: {  	lr =	sadd.s32 s0, s3;
	s0 =	sld [smem:$0x3FAE]  }
0x30: {  	s3 =	sld [smem:$0x3FB1]  }
0x31: {  	[smem:$0x3FBA] =	sst s10  }
0x32: {  	s10 =	sld [smem:$0x3FB8];
	_ =	sdelay $0x3  }
0x33: {  	p0 =	seq.s32 s10, $0x1;
	s10 =	sld [smem:$0x3FBA];
	_ =	sdelay $0x3  }
0x34: {  	[smem:$0x3FBA] =	sst s10  }
0x35: {  	s10 =	sld [smem:$0x3FB9];
	_ =	sdelay $0x3  }
0x36: {  	p1 =	seq.s32 s10, $0x1;
	s10 =	sld [smem:$0x3FBA];
	_ =	sdelay $0x3  }
0x37: {  	[smem:$0x3FBA] =	sst s10  }
0x38: {  	s10 =	sld [smem:$0x3FBB]  }
0x39: {  	_ = 	snop;
	(pc) =	sbr.ind lr, $3  }
0x3a: {  	_ = 	snop  }
0x3b: {  	_ = 	snop  }
0x3c: {  	p2 =	seq.s32 s10, $0x1;
	s10 =	sld [smem:$0x3FBA]  }
0x3d: {  	_ =	shalt  }
0x3e: {  	_ =	shalt  }
0x3f: {  	_ =	shalt  }
0x40: {  	_ =	shalt  }
0x41: {  	_ =	shalt  }
0x42: {  	_ =	shalt  }
0x43: {  	_ =	shalt  }
0x44: {  	_ =	shalt  }
0x45: {  	_ =	shalt  }
0x46: {  	_ =	shalt  }
0x47: {  	_ =	shalt  }
0x48: {  	_ =	shalt  }
0x49: {  	_ =	shalt  }
0x4a: {  	_ =	shalt  }
0x4b: {  	_ =	shalt  }
0x4c: {  	_ =	shalt  }
0x4d: {  	_ =	shalt  }
0x4e: {  	_ =	shalt  }
0x4f: {  	_ =	shalt  }
0x50: {  	_ =	shalt  }
0x51: {  	_ =	shalt  }
0x52: {  	_ =	shalt  }
0x53: {  	_ =	shalt  }
0x54: {  	_ =	shalt  }
0x55: {  	_ =	shalt  }
0x56: {  	_ =	shalt  }
0x57: {  	_ =	shalt  }
0x58: {  	_ =	shalt  }
0x59: {  	_ =	shalt  }
0x5a: {  	_ =	shalt  }
0x5b: {  	_ =	shalt  }
0x5c: {  	_ =	shalt  }
0x5d: {  	_ =	shalt  }
0x5e: {  	_ =	shalt  }
0x5f: {  	_ =	shalt  }
0x60: {  	_ =	shalt  }
0x61: {  	_ =	shalt  }
0x62: {  	_ =	shalt  }
0x63: {  	_ =	shalt  }
0x64: {  	_ =	shalt  }
0x65: {  	_ =	shalt  }
0x66: {  	_ =	shalt  }
0x67: {  	_ =	shalt  }
0x68: {  	_ =	shalt  }
0x69: {  	_ =	shalt  }
0x6a: {  	_ =	shalt  }
0x6b: {  	_ =	shalt  }
0x6c: {  	_ =	shalt  }
0x6d: {  	_ =	shalt  }
0x6e: {  	_ =	shalt  }
0x6f: {  	_ =	shalt  }
0x70: {  	_ =	shalt  }
0x71: {  	_ =	shalt  }
0x72: {  	_ =	shalt  }
0x73: {  	_ =	shalt  }
0x74: {  	_ =	shalt  }
0x75: {  	_ =	shalt  }
0x76: {  	_ =	shalt  }
0x77: {  	_ =	shalt  }
0x78: {  	_ =	shalt  }
0x79: {  	_ =	shalt  }
0x7a: {  	_ =	shalt  }
0x7b: {  	_ =	shalt  }
0x7c: {  	_ =	shalt  }
0x7d: {  	_ =	shalt  }
0x7e: {  	_ =	shalt  }
0x7f: {  	_ =	shalt  }
0x80: {  	_ =	shalt  }
0x81: {  	_ =	shalt  }
0x82: {  	_ =	shalt  }
0x83: {  	_ =	shalt  }
0x84: {  	_ =	shalt  }
0x85: {  	_ =	shalt  }
0x86: {  	_ =	shalt  }
0x87: {  	_ =	shalt  }
.Lfunc_end0:
.L_simem_size_0:
called_computation.1_lowered:
.L_overlay_start_0:
0x88: {  	s2 =	sld [smem:$0x3FD9]  }
0x89: {  	s3 =	sld [smem:$0x3FFE];
	_ =	sdelay $0x1  }
0x8a: {  	s1 =	srdreg.scid  }
0x8b: {  	s0 =	sand.u32 $0x1, s1  }
0x8c: {  	s16 =	sshll.u32 s0, $0xA;
	s2 =	sadd.s32 s3, s2  }
0x8d: {  	s2 =	sadd.s32 s2, s16  }
0x8e: {  	[smem:$0x3FC6] =	sst s2  }
0x8f: {  	_ = 	snop  }
0x90: {  	(tm) =	ssettm $0x1  }
0x91: {  	s17 =	sld [smem:$0x3FFB];
	_ =	sdelay $0x3  }
0x92: {  	_ =	strace s17  }
0x93: {  	s2 =	sld [smem:$0x3FFC];
	_ =	sdelay $0x3  }
0x94: {  	_ =	strace s2  }
0x95: {  	s2 =	sld [smem:$0x3FFD];
	_ =	sdelay $0x3  }
0x96: {  	_ =	strace s2  }
0x97: {  	_ =	strace $0x8FFFFFFF  }
0x98: {  	s18 =	sld [smem:$0x3FDB];
	_ =	sdelay $0x1  }
0x99: {  	s19 =	simm.s32 $_scs_section_size  }
0x9a: {  	s4 =	simm.s32 $_size__tile_overlayer_lowered;
	s5 =	simm.s32 $_tile_overlayer_lowered  }
0x9b: {  	s22 =	simm.s32 $0x1BFF;
	s21 =	sshll.u32 s5, $0x1;
	s2 =	sadd.s32 s19, s18  }
0x9c: {  	s6 =	simm.s32 $0x0;
	s20 =	sshll.u32 s4, $0x1;
	s4 =	sadd.s32 s21, s2  }
0x9d: {  	[timem:s6], [sflag:s22] =	dma.local [hbm:s4], s20  }
0x9e: {  	_ =	swait.ge [sflag:s22], s20  }
0x9f: {  	s3 =	ssub.s32 $0x0, s20;
	[sflag:s22] =	ssyncset.done $0x0  }
0xa0: {  	[sflag:s22] =	ssyncadd.s32 s3;
	_ =	sdelay $0x1  }
0xa1: {  	s23 =	simm.s32 $0x1B8B  }
0xa2: {  	_ =	swait.ge [sflag:s23], $0x1  }
0xa3: {  	[sflag:s23] =	ssyncset.done $0x0  }
0xa4: {  	s25 =	simm.s32 $0x1B8E;
	s24 =	sld [smem:$0x3FFE];
	[sflag:s23] =	ssyncadd.s32 $0xFFFFFFFF  }
0xa5: {  	s26 =	simm.s32 $execute0_lowered;
	[smem:$0x3FD2] =	sst s25  }
0xa6: {  	s4 =	sshll.u32 s26, $0x1;
	_ =	strace $0x80000046;
	[dreg:$0x1] =	wrdreg $0xFFFFFFFF  }
0xa7: {  	s28 =	simm.s32 $_size_execute0_lowered;
	s2 =	sadd.s32 s2, s4;
	[dreg:$0x0] =	wrdreg $0x0  }
0xa8: {  	s4 =	sshll.u32 s28, $0x1;
	[dreg:$0x2] =	wrdreg s2  }
0xa9: {  	[dreg:$0x3] =	wrdreg s4  }
0xaa: {  	[dreg:$0x4] =	wrdreg $0xC0  }
0xab: {  	_ =	task [dreg:s6], $0x5FFFF  }
0xac: {  	[dreg:$0x1] =	wrdreg $0xFFFFFFFF  }
0xad: {  	[dreg:$0x0] =	wrdreg $0x60  }
0xae: {  	[dreg:$0x2] =	wrdreg s24  }
0xaf: {  	[dreg:$0x3] =	wrdreg $0xA  }
0xb0: {  	_ =	task.clear_ibuf [dreg:s6], $0x4FFFF;
	_ =	strace $0x90000046  }
0xb1: {  	s29 =	simm.s32 $0xA;
	_ =	strace $0x80000048  }
0xb2: {  	_ =	swait.ge [sflag:s29], $0x1  }
0xb3: {  	[sflag:s29] =	ssyncadd.s32 $0xFFFFFFFF  }
0xb4: {  	_ =	strace $0x90000048  }
0xb5: {  	_ =	sfence  }
0xb6: {  	s30 =	sld [smem:$0x0];
	_ =	sdelay $0x2  }
0xb7: {  	s31 =	sshll.u32 s1, $0xD;
	s1 =	sshrl.u32 s1, $0x2  }
0xb8: {  	s3 =	sand.u32 $0x4000, s31;
	s1 =	sadd.s32 s1, s30  }
0xb9: {  	s0 =	sor.u32 s3, s0;
	s1 =	sshll.u32 s1, $0x11  }
0xba: {  	s0 =	sor.u32 s1, s0  }
0xbb: {  	s0 =	sadd.s32 $0x8F2B, s0  }
0xbc: {  	[sflag:s0] =	ssyncadd.remote.s32 $0x1  }
0xbd: {  	_ =	sfence.sel $0xFFFF  }
0xbe: {  	[dreg:$0x0] =	wrdreg $0xFFFFFFFF;
	(pc) =	sbr.abs _section_cstart, $3  }
0xbf: {  	[dreg:$0x1] =	wrdreg $0xFFFFFFFF  }
0xc0: {  	_ =	task.clear_ibuf [dreg:s6], $0x2FFFF;
	_ =	strace $0x9FFFFFFF  }
0xc1: {  	(tm) =	ssettm $0x7FFFFFFF  }
tec
execute0_lowered:
.L_overlay_start_1:
0x0: {  	(tag) =	ssettag $0x1  }
0x1: {  	s4 =	rddreg [dreg:$0x0]  }
0x2: {  	s0 =	rddreg [dreg:$0x1];
	s3 =	srdreg.scid  }
0x3: {  	s1 =	stileid.u32;
	s2 =	simm.s32 $0x0;
	s30 =	simm.s32 $0x4000  }
0x4: {  	s31 =	simm.s32 $0x4080;
	s9 =	simm.s32 $0x4100;
	s10 =	simm.s32 $0x4200  }
0x5: {  	s11 =	simm.s32 $0x4280;
	s12 =	simm.s32 $0x4300;
	s13 =	simm.s32 $0x4380  }
0x6: {  	s14 =	simm.s32 $0x4400;
	s15 =	simm.s32 $0x4480;
	s16 =	simm.s32 $0x4500  }
0x7: {  	s17 =	simm.s32 $0x4580;
	s18 =	simm.s32 $0x4600;
	s19 =	simm.s32 $0x4680  }
0x8: {  	s20 =	simm.s32 $0x4700;
	s21 =	simm.s32 $0x4780;
	s22 =	simm.s32 $0x1  }
0x9: {  	s23 =	simm.s32 $0x4800;
	s24 =	simm.s32 $0x0;
	[smem:$0x7FF] =	sst s2  }
0xa: {  	s5 =	sand.u32 $0x1, s3;
	_ =	strace $0x80000047;
	[dreg:$0x2] =	wrdreg s30  }
0xb: {  	s28 =	sshll.u32 s1, $0x1;
	s3 =	sadd.s32 $0x1800, s4;
	[dreg:$0x3] =	wrdreg s31  }
0xc: {  	s6 =	sor.u32 s5, s28;
	s5 =	ssub.s32 $0x2, s5;
	[dreg:$0x4] =	wrdreg s9  }
0xd: {  	s9 =	simm.s32 $0x4180;
	s7 =	sshll.u32 s6, $0xB;
	s6 =	sshll.u32 s6, $0x3  }
0xe: {  	s8 =	sshrl.u32 s5, $0x1;
	s7 =	sadd.s32 s7, s4;
	s6 =	sadd.s32 s6, s4  }
0xf: {  	s29 =	ssub.s32 s5, s8;
	s8 =	simm.s32 $0x40;
	s4 =	sadd.s32 $0x101800, s7  }
0x10: {  	v0 =	vimm.f32 $0.0e+00;
	s5 =	sadd.s32 $0x111800, s6;
	s6 =	smax.u32 s29, $0x1;
	s7 =	simm.s32 $0x2  }
.LBB2_1:
0x11: {  	[tilespmem:s2], [sflag:$0x2] =	stream.linear.gather [hbm4b:s4+s2], $0x4000, $0x38;
	[tilespmem:$0x4880] =	vst v63  }
0x12: {  	_ =	swait.ge [sflag:s7], $0x4000  }
0x13: {  	[sflag:s7] =	ssyncset.done $0x0  }
0x14: {  	[sflag:s7] =	ssyncadd.s32 $0xFFFFC000  }
0x15: {  	[tilespmem:$0x4800] =	vst v0  }
0x16: {  	[tilespmem:$0x4810] =	vst v0  }
0x17: {  	[tilespmem:$0x4820] =	vst v0  }
0x18: {  	s25 =	simm.s32 $0x0;
	[tilespmem:$0x4830] =	vst v0  }
.LBB2_2:
0x19: {  	s26 =	rddreg [dreg:$0x2];
	s28 =	sshra.s32 s25, $0x2  }
0x1a: {  	[tilespmem:s26], [sflag:$0x1] =	stream.indirect.gather [hbm4b:s3+s8], $0x1, s28, s8, $0xb8;
	[tilespmem:$0x4880] =	vst v63  }
0x1b: {  	s29 =	rddreg [dreg:$0x3];
	s31 =	sadd.s32 $0x80, s28  }
0x1c: {  	[tilespmem:s29], [sflag:$0x1] =	stream.indirect.gather [hbm4b:s3+s8], $0x1, s31, s8, $0xb8;
	[tilespmem:$0x4880] =	vst v63  }
0x1d: {  	s30 =	rddreg [dreg:$0x4];
	s29 =	sadd.s32 $0x100, s28  }
0x1e: {  	[tilespmem:s30], [sflag:$0x1] =	stream.indirect.gather [hbm4b:s3+s8], $0x1, s29, s8, $0xb8;
	[tilespmem:$0x4880] =	vst v63  }
0x1f: {  	s31 =	sadd.s32 $0x180, s28  }
0x20: {  	[tilespmem:s9], [sflag:$0x1] =	stream.indirect.gather [hbm4b:s3+s8], $0x1, s31, s8, $0xb8;
	[tilespmem:$0x4880] =	vst v63  }
0x21: {  	s29 =	sadd.s32 $0x200, s28  }
0x22: {  	[tilespmem:s10], [sflag:$0x1] =	stream.indirect.gather [hbm4b:s3+s8], $0x1, s29, s8, $0xb8;
	[tilespmem:$0x4880] =	vst v63  }
0x23: {  	s30 =	sadd.s32 $0x280, s28  }
0x24: {  	[tilespmem:s11], [sflag:$0x1] =	stream.indirect.gather [hbm4b:s3+s8], $0x1, s30, s8, $0xb8;
	[tilespmem:$0x4880] =	vst v63  }
0x25: {  	s31 =	sadd.s32 $0x300, s28  }
0x26: {  	[tilespmem:s12], [sflag:$0x1] =	stream.indirect.gather [hbm4b:s3+s8], $0x1, s31, s8, $0xb8;
	[tilespmem:$0x4880] =	vst v63  }
0x27: {  	s29 =	sadd.s32 $0x380, s28  }
0x28: {  	[tilespmem:s13], [sflag:$0x1] =	stream.indirect.gather [hbm4b:s3+s8], $0x1, s29, s8, $0xb8;
	[tilespmem:$0x4880] =	vst v63  }
0x29: {  	s30 =	sadd.s32 $0x400, s28  }
0x2a: {  	[tilespmem:s14], [sflag:$0x1] =	stream.indirect.gather [hbm4b:s3+s8], $0x1, s30, s8, $0xb8;
	[tilespmem:$0x4880] =	vst v63  }
0x2b: {  	s31 =	sadd.s32 $0x480, s28  }
0x2c: {  	[tilespmem:s15], [sflag:$0x1] =	stream.indirect.gather [hbm4b:s3+s8], $0x1, s31, s8, $0xb8;
	[tilespmem:$0x4880] =	vst v63  }
0x2d: {  	s29 =	sadd.s32 $0x500, s28  }
0x2e: {  	[tilespmem:s16], [sflag:$0x1] =	stream.indirect.gather [hbm4b:s3+s8], $0x1, s29, s8, $0xb8;
	[tilespmem:$0x4880] =	vst v63  }
0x2f: {  	s30 =	sadd.s32 $0x580, s28  }
0x30: {  	[tilespmem:s17], [sflag:$0x1] =	stream.indirect.gather [hbm4b:s3+s8], $0x1, s30, s8, $0xb8;
	[tilespmem:$0x4880] =	vst v63  }
0x31: {  	s31 =	sadd.s32 $0x600, s28  }
0x32: {  	[tilespmem:s18], [sflag:$0x1] =	stream.indirect.gather [hbm4b:s3+s8], $0x1, s31, s8, $0xb8;
	[tilespmem:$0x4880] =	vst v63  }
0x33: {  	s29 =	sadd.s32 $0x680, s28  }
0x34: {  	[tilespmem:s19], [sflag:$0x1] =	stream.indirect.gather [hbm4b:s3+s8], $0x1, s29, s8, $0xb8;
	[tilespmem:$0x4880] =	vst v63  }
0x35: {  	s30 =	sadd.s32 $0x700, s28  }
0x36: {  	[tilespmem:s20], [sflag:$0x1] =	stream.indirect.gather [hbm4b:s3+s8], $0x1, s30, s8, $0xb8;
	[tilespmem:$0x4880] =	vst v63  }
0x37: {  	s31 =	sadd.s32 $0x780, s28  }
0x38: {  	[tilespmem:s21], [sflag:$0x1] =	stream.indirect.gather [hbm4b:s3+s8], $0x1, s31, s8, $0xb8;
	[tilespmem:$0x4880] =	vst v63  }
0x39: {  	_ =	swait.ge [sflag:s22], $0x40  }
0x3a: {  	[sflag:s22] =	ssyncset.done $0x0  }
0x3b: {  	[sflag:s22] =	ssyncadd.s32 $0xFFFFFFC0  }
0x3c: {  	_ =	swait.ge [sflag:s22], $0x40  }
0x3d: {  	[sflag:s22] =	ssyncset.done $0x0  }
0x3e: {  	[sflag:s22] =	ssyncadd.s32 $0xFFFFFFC0  }
0x3f: {  	_ =	swait.ge [sflag:s22], $0x40  }
0x40: {  	[sflag:s22] =	ssyncset.done $0x0  }
0x41: {  	[sflag:s22] =	ssyncadd.s32 $0xFFFFFFC0  }
0x42: {  	_ =	swait.ge [sflag:s22], $0x40  }
0x43: {  	[sflag:s22] =	ssyncset.done $0x0  }
0x44: {  	[sflag:s22] =	ssyncadd.s32 $0xFFFFFFC0  }
0x45: {  	_ =	swait.ge [sflag:s22], $0x40  }
0x46: {  	[sflag:s22] =	ssyncset.done $0x0  }
0x47: {  	[sflag:s22] =	ssyncadd.s32 $0xFFFFFFC0  }
0x48: {  	_ =	swait.ge [sflag:s22], $0x40  }
0x49: {  	[sflag:s22] =	ssyncset.done $0x0  }
0x4a: {  	[sflag:s22] =	ssyncadd.s32 $0xFFFFFFC0  }
0x4b: {  	_ =	swait.ge [sflag:s22], $0x40  }
0x4c: {  	[sflag:s22] =	ssyncset.done $0x0  }
0x4d: {  	[sflag:s22] =	ssyncadd.s32 $0xFFFFFFC0  }
0x4e: {  	_ =	swait.ge [sflag:s22], $0x40  }
0x4f: {  	[sflag:s22] =	ssyncset.done $0x0  }
0x50: {  	[sflag:s22] =	ssyncadd.s32 $0xFFFFFFC0  }
0x51: {  	_ =	swait.ge [sflag:s22], $0x40  }
0x52: {  	[sflag:s22] =	ssyncset.done $0x0  }
0x53: {  	[sflag:s22] =	ssyncadd.s32 $0xFFFFFFC0  }
0x54: {  	_ =	swait.ge [sflag:s22], $0x40  }
0x55: {  	[sflag:s22] =	ssyncset.done $0x0  }
0x56: {  	[sflag:s22] =	ssyncadd.s32 $0xFFFFFFC0  }
0x57: {  	_ =	swait.ge [sflag:s22], $0x40  }
0x58: {  	[sflag:s22] =	ssyncset.done $0x0  }
0x59: {  	[sflag:s22] =	ssyncadd.s32 $0xFFFFFFC0  }
0x5a: {  	_ =	swait.ge [sflag:s22], $0x40  }
0x5b: {  	[sflag:s22] =	ssyncset.done $0x0  }
0x5c: {  	[sflag:s22] =	ssyncadd.s32 $0xFFFFFFC0  }
0x5d: {  	_ =	swait.ge [sflag:s22], $0x40  }
0x5e: {  	[sflag:s22] =	ssyncset.done $0x0  }
0x5f: {  	[sflag:s22] =	ssyncadd.s32 $0xFFFFFFC0  }
0x60: {  	_ =	swait.ge [sflag:s22], $0x40  }
0x61: {  	[sflag:s22] =	ssyncset.done $0x0  }
0x62: {  	[sflag:s22] =	ssyncadd.s32 $0xFFFFFFC0  }
0x63: {  	_ =	swait.ge [sflag:s22], $0x40  }
0x64: {  	[sflag:s22] =	ssyncset.done $0x0  }
0x65: {  	[sflag:s22] =	ssyncadd.s32 $0xFFFFFFC0  }
0x66: {  	_ =	swait.ge [sflag:s22], $0x40  }
0x67: {  	[sflag:s22] =	ssyncset.done $0x0  }
0x68: {  	[sflag:s22] =	ssyncadd.s32 $0xFFFFFFC0  }
0x69: {  	v1 =	vld [tilespmem:$0x4800]  }
0x6a: {  	v2 =	vld [tilespmem:$0x4000]  }
0x6b: {  	v3 =	vld [tilespmem:$0x4810]  }
0x6c: {  	v4 =	vld [tilespmem:$0x4010]  }
0x6d: {  	v5 =	vld [tilespmem:$0x4820]  }
0x6e: {  	v6 =	vld [tilespmem:$0x4020]  }
0x6f: {  	v7 =	vld [tilespmem:$0x4830]  }
0x70: {  	v8 =	vld [tilespmem:$0x4030]  }
0x71: {  	v9 =	vld [tilespmem:$0x4080]  }
0x72: {  	v10 =	vld [tilespmem:$0x4090];
	v2 =	vmul.f32 $1.442695020e+00, v2  }
0x73: {  	v11 =	vld [tilespmem:$0x40A0];
	v4 =	vmul.f32 $1.442695020e+00, v4  }
0x74: {  	v62 =	vld [tilespmem:$0x40B0];
	(erf) = vpow2.f32 v2;
	v2 =	vmul.f32 $1.442695020e+00, v6  }
0x75: {  	v12 =	vld [tilespmem:$0x4100];
	v63 =	vmul.f32 $1.442695020e+00, v8;
	(erf) = vpow2.f32 v4  }
0x76: {  	v13 =	vld [tilespmem:$0x4110];
	(erf) = vpow2.f32 v2;
	v2 =	vmul.f32 $1.442695020e+00, v9  }
0x77: {  	v15 =	vld [tilespmem:$0x4120];
	v14 =	vmul.f32 $1.442695020e+00, v10;
	(erf) = vpow2.f32 v63  }
0x78: {  	v16 =	vld [tilespmem:$0x4130];
	(erf) = vpow2.f32 v2;
	v2 =	vmul.f32 $1.442695020e+00, v11  }
0x79: {  	v18 =	vld [tilespmem:$0x4180];
	v17 =	vmul.f32 $1.442695020e+00, v62;
	(erf) = vpow2.f32 v14  }
0x7a: {  	v19 =	vld [tilespmem:$0x4190];
	(erf) = vpow2.f32 v2;
	v2 =	vmul.f32 $1.442695020e+00, v12  }
0x7b: {  	v21 =	vld [tilespmem:$0x41A0];
	v20 =	vmul.f32 $1.442695020e+00, v13;
	(erf) = vpow2.f32 v17  }
0x7c: {  	v22 =	vld [tilespmem:$0x41B0];
	(erf) = vpow2.f32 v2;
	v2 =	vmul.f32 $1.442695020e+00, v15  }
0x7d: {  	v24 =	vld [tilespmem:$0x4200];
	v23 =	vmul.f32 $1.442695020e+00, v16;
	v12 =	vpop (erf);
	(erf) = vpow2.f32 v20  }
0x7e: {  	v26 =	vld [tilespmem:$0x4210];
	v1 =	vadd.f32 v12, v1;
	v25 =	vpop (erf);
	(erf) = vpow2.f32 v2;
	v2 =	vmul.f32 $1.442695020e+00, v18  }
0x7f: {  	v29 =	vld [tilespmem:$0x4220];
	v28 =	vmul.f32 $1.442695020e+00, v19;
	v3 =	vadd.f32 v25, v3;
	v27 =	vpop (erf);
	(erf) = vpow2.f32 v23  }
0x80: {  	v31 =	vld [tilespmem:$0x4230];
	[tilespmem:$0x4800] =	vst v1;
	v5 =	vadd.f32 v27, v5;
	v30 =	vpop (erf);
	(erf) = vpow2.f32 v2;
	v2 =	vmul.f32 $1.442695020e+00, v21  }
0x81: {  	v34 =	vld [tilespmem:$0x4280];
	v33 =	vmul.f32 $1.442695020e+00, v22;
	[tilespmem:$0x4810] =	vst v3;
	v7 =	vadd.f32 v30, v7;
	v32 =	vpop (erf);
	(erf) = vpow2.f32 v28  }
0x82: {  	v36 =	vld [tilespmem:$0x4290];
	[tilespmem:$0x4820] =	vst v5;
	v1 =	vadd.f32 v32, v1;
	v35 =	vpop (erf);
	(erf) = vpow2.f32 v2;
	v2 =	vmul.f32 $1.442695020e+00, v24  }
0x83: {  	v39 =	vld [tilespmem:$0x42A0];
	v38 =	vmul.f32 $1.442695020e+00, v26;
	[tilespmem:$0x4830] =	vst v7;
	v3 =	vadd.f32 v35, v3;
	v37 =	vpop (erf);
	(erf) = vpow2.f32 v33  }
0x84: {  	v41 =	vld [tilespmem:$0x42B0];
	[tilespmem:$0x4800] =	vst v1;
	v5 =	vadd.f32 v37, v5;
	v40 =	vpop (erf);
	(erf) = vpow2.f32 v2;
	v2 =	vmul.f32 $1.442695020e+00, v29  }
0x85: {  	v44 =	vld [tilespmem:$0x4300];
	v43 =	vmul.f32 $1.442695020e+00, v31;
	[tilespmem:$0x4810] =	vst v3;
	v7 =	vadd.f32 v40, v7;
	v42 =	vpop (erf);
	(erf) = vpow2.f32 v38  }
0x86: {  	v46 =	vld [tilespmem:$0x4310];
	[tilespmem:$0x4820] =	vst v5;
	v1 =	vadd.f32 v42, v1;
	v45 =	vpop (erf);
	(erf) = vpow2.f32 v2;
	v2 =	vmul.f32 $1.442695020e+00, v34  }
0x87: {  	v49 =	vld [tilespmem:$0x4320];
	v48 =	vmul.f32 $1.442695020e+00, v36;
	[tilespmem:$0x4830] =	vst v7;
	v3 =	vadd.f32 v45, v3;
	v47 =	vpop (erf);
	(erf) = vpow2.f32 v43  }
0x88: {  	v51 =	vld [tilespmem:$0x4330];
	[tilespmem:$0x4800] =	vst v1;
	v5 =	vadd.f32 v47, v5;
	v50 =	vpop (erf);
	(erf) = vpow2.f32 v2;
	v2 =	vmul.f32 $1.442695020e+00, v39  }
0x89: {  	v54 =	vld [tilespmem:$0x4380];
	v53 =	vmul.f32 $1.442695020e+00, v41;
	[tilespmem:$0x4810] =	vst v3;
	v7 =	vadd.f32 v50, v7;
	v52 =	vpop (erf);
	(erf) = vpow2.f32 v48  }
0x8a: {  	v56 =	vld [tilespmem:$0x4390];
	[tilespmem:$0x4820] =	vst v5;
	v1 =	vadd.f32 v52, v1;
	v55 =	vpop (erf);
	(erf) = vpow2.f32 v2;
	v2 =	vmul.f32 $1.442695020e+00, v44  }
0x8b: {  	v59 =	vld [tilespmem:$0x43A0];
	v58 =	vmul.f32 $1.442695020e+00, v46;
	[tilespmem:$0x4830] =	vst v7;
	v3 =	vadd.f32 v55, v3;
	v57 =	vpop (erf);
	(erf) = vpow2.f32 v53  }
0x8c: {  	v61 =	vld [tilespmem:$0x43B0];
	[tilespmem:$0x4800] =	vst v1;
	v5 =	vadd.f32 v57, v5;
	v60 =	vpop (erf);
	(erf) = vpow2.f32 v2;
	v2 =	vmul.f32 $1.442695020e+00, v49  }
0x8d: {  	v16 =	vld [tilespmem:$0x4400];
	v63 =	vmul.f32 $1.442695020e+00, v51;
	[tilespmem:$0x4810] =	vst v3;
	v7 =	vadd.f32 v60, v7;
	v62 =	vpop (erf);
	(erf) = vpow2.f32 v58  }
0x8e: {  	v18 =	vld [tilespmem:$0x4410];
	[tilespmem:$0x4820] =	vst v5;
	v1 =	vadd.f32 v62, v1;
	v17 =	vpop (erf);
	(erf) = vpow2.f32 v2;
	v2 =	vmul.f32 $1.442695020e+00, v54  }
0x8f: {  	v20 =	vmul.f32 $1.442695020e+00, v56;
	v21 =	vld [tilespmem:$0x4420];
	[tilespmem:$0x4830] =	vst v7;
	v3 =	vadd.f32 v17, v3;
	v19 =	vpop (erf);
	(erf) = vpow2.f32 v63  }
0x90: {  	v23 =	vld [tilespmem:$0x4430];
	[tilespmem:$0x4800] =	vst v1;
	v5 =	vadd.f32 v19, v5;
	v22 =	vpop (erf);
	(erf) = vpow2.f32 v2;
	v2 =	vmul.f32 $1.442695020e+00, v59  }
0x91: {  	v26 =	vld [tilespmem:$0x4480];
	v25 =	vmul.f32 $1.442695020e+00, v61;
	[tilespmem:$0x4810] =	vst v3;
	v7 =	vadd.f32 v22, v7;
	v24 =	vpop (erf);
	(erf) = vpow2.f32 v20  }
0x92: {  	v28 =	vld [tilespmem:$0x4490];
	[tilespmem:$0x4820] =	vst v5;
	v1 =	vadd.f32 v24, v1;
	v27 =	vpop (erf);
	(erf) = vpow2.f32 v2;
	v2 =	vmul.f32 $1.442695020e+00, v16  }
0x93: {  	v31 =	vld [tilespmem:$0x44A0];
	v30 =	vmul.f32 $1.442695020e+00, v18;
	[tilespmem:$0x4830] =	vst v7;
	v3 =	vadd.f32 v27, v3;
	v29 =	vpop (erf);
	(erf) = vpow2.f32 v25  }
0x94: {  	v33 =	vld [tilespmem:$0x44B0];
	[tilespmem:$0x4800] =	vst v1;
	v5 =	vadd.f32 v29, v5;
	v32 =	vpop (erf);
	(erf) = vpow2.f32 v2;
	v2 =	vmul.f32 $1.442695020e+00, v21  }
0x95: {  	v36 =	vld [tilespmem:$0x4500];
	v35 =	vmul.f32 $1.442695020e+00, v23;
	[tilespmem:$0x4810] =	vst v3;
	v7 =	vadd.f32 v32, v7;
	v34 =	vpop (erf);
	(erf) = vpow2.f32 v30  }
0x96: {  	v38 =	vld [tilespmem:$0x4510];
	[tilespmem:$0x4820] =	vst v5;
	v1 =	vadd.f32 v34, v1;
	v37 =	vpop (erf);
	(erf) = vpow2.f32 v2;
	v2 =	vmul.f32 $1.442695020e+00, v26  }
0x97: {  	v41 =	vld [tilespmem:$0x4520];
	v40 =	vmul.f32 $1.442695020e+00, v28;
	[tilespmem:$0x4830] =	vst v7;
	v3 =	vadd.f32 v37, v3;
	v39 =	vpop (erf);
	(erf) = vpow2.f32 v35  }
0x98: {  	v43 =	vld [tilespmem:$0x4530];
	[tilespmem:$0x4800] =	vst v1;
	v5 =	vadd.f32 v39, v5;
	v42 =	vpop (erf);
	(erf) = vpow2.f32 v2;
	v2 =	vmul.f32 $1.442695020e+00, v31  }
0x99: {  	v46 =	vld [tilespmem:$0x4580];
	v45 =	vmul.f32 $1.442695020e+00, v33;
	[tilespmem:$0x4810] =	vst v3;
	v7 =	vadd.f32 v42, v7;
	v44 =	vpop (erf);
	(erf) = vpow2.f32 v40  }
0x9a: {  	v48 =	vld [tilespmem:$0x4590];
	[tilespmem:$0x4820] =	vst v5;
	v1 =	vadd.f32 v44, v1;
	v47 =	vpop (erf);
	(erf) = vpow2.f32 v2;
	v2 =	vmul.f32 $1.442695020e+00, v36  }
0x9b: {  	v51 =	vld [tilespmem:$0x45A0];
	v50 =	vmul.f32 $1.442695020e+00, v38;
	[tilespmem:$0x4830] =	vst v7;
	v3 =	vadd.f32 v47, v3;
	v49 =	vpop (erf);
	(erf) = vpow2.f32 v45  }
0x9c: {  	v53 =	vld [tilespmem:$0x45B0];
	[tilespmem:$0x4800] =	vst v1;
	v5 =	vadd.f32 v49, v5;
	v52 =	vpop (erf);
	(erf) = vpow2.f32 v2;
	v2 =	vmul.f32 $1.442695020e+00, v41  }
0x9d: {  	v56 =	vld [tilespmem:$0x4600];
	v55 =	vmul.f32 $1.442695020e+00, v43;
	[tilespmem:$0x4810] =	vst v3;
	v7 =	vadd.f32 v52, v7;
	v54 =	vpop (erf);
	(erf) = vpow2.f32 v50  }
0x9e: {  	v58 =	vld [tilespmem:$0x4610];
	[tilespmem:$0x4820] =	vst v5;
	v1 =	vadd.f32 v54, v1;
	v57 =	vpop (erf);
	(erf) = vpow2.f32 v2;
	v2 =	vmul.f32 $1.442695020e+00, v46  }
0x9f: {  	v61 =	vld [tilespmem:$0x4620];
	v60 =	vmul.f32 $1.442695020e+00, v48;
	[tilespmem:$0x4830] =	vst v7;
	v3 =	vadd.f32 v57, v3;
	v59 =	vpop (erf);
	(erf) = vpow2.f32 v55  }
0xa0: {  	v63 =	vld [tilespmem:$0x4630];
	[tilespmem:$0x4800] =	vst v1;
	v5 =	vadd.f32 v59, v5;
	v62 =	vpop (erf);
	(erf) = vpow2.f32 v2;
	v2 =	vmul.f32 $1.442695020e+00, v51  }
0xa1: {  	v18 =	vld [tilespmem:$0x4680];
	v17 =	vmul.f32 $1.442695020e+00, v53;
	[tilespmem:$0x4810] =	vst v3;
	v7 =	vadd.f32 v62, v7;
	v16 =	vpop (erf);
	(erf) = vpow2.f32 v60  }
0xa2: {  	v20 =	vld [tilespmem:$0x4690];
	[tilespmem:$0x4820] =	vst v5;
	v1 =	vadd.f32 v16, v1;
	v19 =	vpop (erf);
	(erf) = vpow2.f32 v2;
	v2 =	vmul.f32 $1.442695020e+00, v56  }
0xa3: {  	v23 =	vld [tilespmem:$0x46A0];
	v22 =	vmul.f32 $1.442695020e+00, v58;
	[tilespmem:$0x4830] =	vst v7;
	v3 =	vadd.f32 v19, v3;
	v21 =	vpop (erf);
	(erf) = vpow2.f32 v17  }
0xa4: {  	v25 =	vld [tilespmem:$0x46B0];
	[tilespmem:$0x4800] =	vst v1;
	v5 =	vadd.f32 v21, v5;
	v24 =	vpop (erf);
	(erf) = vpow2.f32 v2;
	v2 =	vmul.f32 $1.442695020e+00, v61  }
0xa5: {  	v28 =	vld [tilespmem:$0x4700];
	v27 =	vmul.f32 $1.442695020e+00, v63;
	[tilespmem:$0x4810] =	vst v3;
	v7 =	vadd.f32 v24, v7;
	v26 =	vpop (erf);
	(erf) = vpow2.f32 v22  }
0xa6: {  	v30 =	vld [tilespmem:$0x4710];
	[tilespmem:$0x4820] =	vst v5;
	v1 =	vadd.f32 v26, v1;
	v29 =	vpop (erf);
	(erf) = vpow2.f32 v2;
	v2 =	vmul.f32 $1.442695020e+00, v18  }
0xa7: {  	v33 =	vld [tilespmem:$0x4720];
	v32 =	vmul.f32 $1.442695020e+00, v20;
	[tilespmem:$0x4830] =	vst v7;
	v3 =	vadd.f32 v29, v3;
	v31 =	vpop (erf);
	(erf) = vpow2.f32 v27  }
0xa8: {  	v35 =	vld [tilespmem:$0x4730];
	[tilespmem:$0x4800] =	vst v1;
	v5 =	vadd.f32 v31, v5;
	v34 =	vpop (erf);
	(erf) = vpow2.f32 v2;
	v2 =	vmul.f32 $1.442695020e+00, v23  }
0xa9: {  	v38 =	vld [tilespmem:$0x4780];
	v37 =	vmul.f32 $1.442695020e+00, v25;
	[tilespmem:$0x4810] =	vst v3;
	v7 =	vadd.f32 v34, v7;
	v36 =	vpop (erf);
	(erf) = vpow2.f32 v32  }
0xaa: {  	v40 =	vld [tilespmem:$0x4790];
	[tilespmem:$0x4820] =	vst v5;
	v1 =	vadd.f32 v36, v1;
	v39 =	vpop (erf);
	(erf) = vpow2.f32 v2;
	v2 =	vmul.f32 $1.442695020e+00, v28  }
0xab: {  	v43 =	vld [tilespmem:$0x47A0];
	v42 =	vmul.f32 $1.442695020e+00, v30;
	[tilespmem:$0x4830] =	vst v7;
	v3 =	vadd.f32 v39, v3;
	v41 =	vpop (erf);
	(erf) = vpow2.f32 v37  }
0xac: {  	v45 =	vld [tilespmem:$0x47B0];
	[tilespmem:$0x4800] =	vst v1;
	v5 =	vadd.f32 v41, v5;
	v44 =	vpop (erf);
	(erf) = vpow2.f32 v2;
	v2 =	vmul.f32 $1.442695020e+00, v33  }
0xad: {  	v47 =	vmul.f32 $1.442695020e+00, v35;
	v7 =	vadd.f32 v44, v7;
	v46 =	vpop (erf);
	(erf) = vpow2.f32 v42;
	[tilespmem:$0x4810] =	vst v3  }
0xae: {  	v1 =	vadd.f32 v46, v1;
	v48 =	vpop (erf);
	(erf) = vpow2.f32 v2;
	[tilespmem:$0x4820] =	vst v5;
	v2 =	vmul.f32 $1.442695020e+00, v38  }
0xaf: {  	v50 =	vmul.f32 $1.442695020e+00, v40;
	v3 =	vadd.f32 v48, v3;
	v49 =	vpop (erf);
	(erf) = vpow2.f32 v47;
	[tilespmem:$0x4830] =	vst v7  }
0xb0: {  	v5 =	vadd.f32 v49, v5;
	v51 =	vpop (erf);
	(erf) = vpow2.f32 v2;
	[tilespmem:$0x4800] =	vst v1;
	v2 =	vmul.f32 $1.442695020e+00, v43  }
0xb1: {  	v54 =	vmul.f32 $1.442695020e+00, v45;
	v52 =	vadd.f32 v51, v7;
	v53 =	vpop (erf);
	(erf) = vpow2.f32 v50;
	[tilespmem:$0x4810] =	vst v3  }
0xb2: {  	v1 =	vadd.f32 v53, v1;
	v55 =	vpop (erf);
	(erf) = vpow2.f32 v2;
	[tilespmem:$0x4820] =	vst v5  }
0xb3: {  	[tilespmem:$0x4830] =	vst v52;
	v2 =	vadd.f32 v55, v3;
	v3 =	vpop (erf);
	(erf) = vpow2.f32 v54  }
0xb4: {  	v56 =	vpop (erf);
	[tilespmem:$0x4800] =	vst v1;
	v3 =	vadd.f32 v3, v5  }
0xb5: {  	v57 =	vpop (erf);
	[tilespmem:$0x4810] =	vst v2;
	v4 =	vadd.f32 v56, v52  }
0xb6: {  	v58 =	vpop (erf);
	[tilespmem:$0x4820] =	vst v3;
	v1 =	vadd.f32 v57, v1  }
0xb7: {  	v59 =	vpop (erf);
	[tilespmem:$0x4830] =	vst v4;
	v2 =	vadd.f32 v58, v2  }
0xb8: {  	v60 =	vpop (erf);
	[tilespmem:$0x4800] =	vst v1;
	v3 =	vadd.f32 v59, v3  }
0xb9: {  	v61 =	vpop (erf);
	[tilespmem:$0x4810] =	vst v2;
	v4 =	vadd.f32 v60, v4  }
0xba: {  	p0 =	sne.s32 s25, $0xE000;
	v62 =	vpop (erf);
	[tilespmem:$0x4820] =	vst v3;
	v1 =	vadd.f32 v61, v1  }
.Ltmp0:
0xbb: {  	v63 =	vpop (erf);
	v2 =	vadd.f32 v62, v2;
	[tilespmem:$0x4830] =	vst v4;
	(pc) =	sbr.rel @p0 .LBB2_2-.Ltmp0, $4  }
0xbc: {  	[tilespmem:$0x4800] =	vst v1;
	v1 =	vadd.f32 v63, v3;
	v3 =	vpop (erf)  }
0xbd: {  	[tilespmem:$0x4810] =	vst v2;
	v2 =	vadd.f32 v3, v4  }
0xbe: {  	[tilespmem:$0x4820] =	vst v1  }
0xbf: {  	s25 =	sadd.s32 $0x2000, s25;
	[tilespmem:$0x4830] =	vst v2  }
0xc0: {  	s24 =	sadd.s32 $0x1, s24  }
0xc1: {  	p0 =	sne.s32 s24, s6  }
.Ltmp1:
0xc2: {  	_ = 	snop;
	(pc) =	sbr.rel @p0 .LBB2_1-.Ltmp1, $4  }
0xc3: {  	[hbm4b:s5+s2] =	stream.linear.scatter [tilespmem:s23], [sflag:$0x2], $0x40, $0x38;
	[tilespmem:$0x4880] =	vst v63  }
0xc4: {  	_ =	swait.ge [sflag:s7], $0x40  }
0xc5: {  	[sflag:s7] =	ssyncset.done $0x0  }
0xc6: {  	[sflag:s7] =	ssyncadd.s32 $0xFFFFFFC0  }
0xc7: {  	_ =	sfence.sel $0x180000  }
0xc8: {  	[bflag:$0x0] =	sbarrier.arrive $0xFFFF  }
0xc9: {  	p0 =	sne.s32 s1, $0x0;
	_ =	strace $0x90000047  }
0xca: {  	s0 =	sadd.s32 @!p0 $0x100000, s0;
	[bflag:$0x2] =	sbarrier.arrive $0xFFFF  }
0xcb: {  	[sflag:s0] =	ssyncadd.tile.s32 @!p0 $0x1;
	_ =	shalt  }
.Lfunc_end2:
_tile_overlayer_lowered:
.L_overlay_start_2:
0xcc: {  	(tag) =	ssettag $0x2  }
0xcd: {  	s0 =	rddreg [dreg:$0x0];
	s2 =	stileid.u32  }
0xce: {  	s1 =	rddreg [dreg:$0x1];
	p0 =	sne.s32 s2, $0x0  }
0xcf: {  	s3 =	rddreg [dreg:$0x2];
	[bflag:$0x3] =	sbarrier.arrive $0xFFFF;
	s2 =	simm.s32 @!p0 $0x1C02  }
0xd0: {  	[timem:s3], [sflag:s2] =	dma.local @!p0 [hbm:s0], s1  }
0xd1: {  	s0 =	simm.s32 @!p0 $0x2  }
0xd2: {  	_ =	swait.ge @!p0 [sflag:s0], s1  }
0xd3: {  	s1 =	ssub.s32 @!p0 $0x0, s1;
	[sflag:s0] =	ssyncset.done @!p0 $0x0  }
0xd4: {  	[sflag:s0] =	ssyncadd.s32 @!p0 s1  }
0xd5: {  	[bflag:$0x3] =	sbarrier.arrive $0xFFFF  }
0xd6: {  	_ =	shalt  }

// kernel: kernel.7.cloned.1.call-start
scs
__scs_entry_jumppad:
0x0: {  	(pc) =	sbr.rel $0x88, $3  }
0x1: {  	(tag) =	ssettag $0x0;
	lr =	simm.s32 $0x1  }
0x2: {  	[smem:$0x3F9F] =	sst lr;
	_ =	strace $0xD0000000  }
0x3: {  	_ = 	snop  }
0x4: {  	_ = 	snop  }
0x5: {  	_ = 	snop  }
0x6: {  	_ = 	snop  }
0x7: {  	_ = 	snop  }
__scs_overlays_trampoline_lowered:
0x8: {  	[smem:$0x3FAE] =	sst s0  }
0x9: {  	[smem:$0x3FAF] =	sst s1  }
0xa: {  	[smem:$0x3FB0] =	sst s2  }
0xb: {  	[smem:$0x3FB1] =	sst s3  }
0xc: {  	[smem:$0x3FB2] =	sst s4  }
0xd: {  	[smem:$0x3FB3] =	sst s5  }
0xe: {  	[smem:$0x3FB4] =	sst s6  }
0xf: {  	[smem:$0x3FB5] =	sst s7  }
0x10: {  	[smem:$0x3FB6] =	sst s8  }
0x11: {  	[smem:$0x3FB7] =	sst s9;
	s0 =	simm.s32 @!p0 $0x0  }
0x12: {  	s1 =	sld [smem:$0x3F9D];
	s0 =	simm.s32 @p0 $0x1  }
0x13: {  	[smem:$0x3FB8] =	sst s0;
	s0 =	simm.s32 @!p1 $0x0  }
0x14: {  	s2 =	sld [smem:$0x3F9C];
	s0 =	simm.s32 @p1 $0x1  }
0x15: {  	[smem:$0x3FB9] =	sst s0;
	s0 =	simm.s32 @!p2 $0x0  }
0x16: {  	s3 =	sld [smem:$0x3FDB];
	s0 =	simm.s32 @p2 $0x1  }
0x17: {  	s4 =	simm.s32 $0x1BF5;
	[smem:$0x3FBB] =	sst s0  }
0x18: {  	s0 =	sld [smem:$0x3F9E];
	_ =	swait.ge [sflag:s4], $0x0  }
0x19: {  	s7 =	sld [smem:$0x3F9F]  }
0x1a: {  	s8 =	sadd.s32 $0xFFFFE003, lr  }
0x1b: {  	s9 =	sadd.s32 $0xFFFFFEF7, lr;
	s5 =	simm.s32 $0xFFFFFFFF;
	p2 =	slt.u32 s8, $0xFFFFF086  }
0x1c: {  	p1 =	slt.u32 s9, $0xF7A;
	s5 =	simm.s32 @!p2 $0x0  }
0x1d: {  	s5 =	simm.s32 @p1 $0x1;
	p0 =	seq.s32 s7, s2  }
0x1e: {  	s7 =	smul.u32 @!p0 $0xF7A, s2;
	p2 =	seq.s32 @!p0 s5, $0x0  }
0x1f: {  	s9 =	smul.u32 $0xF7A, s1;
	s8 =	simm.s32 @!p0 $0x1BF5;
	p2 =	por !p2, p0  }
0x20: {  	[sflag:s8] =	ssyncset.s32 @!p0 $0xFFFFF086;
	s6 =	sadd.s32 @!p0 s3, s7;
	s7 =	simm.s32 @!p0 $0x108  }
0x21: {  	s3 =	sadd.s32 s3, s9;
	s6 =	sadd.s32 @!p0 $0x88, s6;
	s7 =	simm.s32 @p2 $0x1082  }
0x22: {  	[simem:s7], [sflag:s8] =	dma.local @!p0 [hbm:s6], $0xF7A  }
0x23: {  	s9 =	sor.u32 $0xD0000000, s2;
	s6 =	simm.s32 $0x108;
	_ =	swait.ge @!p0 [sflag:s8], $0x0  }
0x24: {  	s3 =	sadd.s32 $0x88, s3;
	s6 =	simm.s32 @!p1 $0x1082;
	[sflag:s4] =	ssyncset.s32 $0xFFFFF086  }
0x25: {  	[simem:s6], [sflag:s4] =	dma.local [hbm:s3], $0xF7A  }
0x26: {  	[smem:$0x3F9F] =	sst s1;
	(tag) =	ssettag s2;
	_ =	strace s9  }
0x27: {  	s1 =	sld [smem:$0x3FAF]  }
0x28: {  	s2 =	sld [smem:$0x3FB0]  }
0x29: {  	s4 =	sld [smem:$0x3FB2]  }
0x2a: {  	p0 =	seq.s32 s5, $0x0;
	s5 =	sld [smem:$0x3FB3]  }
0x2b: {  	s6 =	sld [smem:$0x3FB4]  }
0x2c: {  	s7 =	sld [smem:$0x3FB5]  }
0x2d: {  	s3 =	simm.s32 $0x108;
	s8 =	sld [smem:$0x3FB6]  }
0x2e: {  	s3 =	simm.s32 @!p0 $0x1082;
	s9 =	sld [smem:$0x3FB7]  }
0x2f: {  	lr =	sadd.s32 s0, s3;
	s0 =	sld [smem:$0x3FAE]  }
0x30: {  	s3 =	sld [smem:$0x3FB1]  }
0x31: {  	[smem:$0x3FBA] =	sst s10  }
0x32: {  	s10 =	sld [smem:$0x3FB8];
	_ =	sdelay $0x3  }
0x33: {  	p0 =	seq.s32 s10, $0x1;
	s10 =	sld [smem:$0x3FBA];
	_ =	sdelay $0x3  }
0x34: {  	[smem:$0x3FBA] =	sst s10  }
0x35: {  	s10 =	sld [smem:$0x3FB9];
	_ =	sdelay $0x3  }
0x36: {  	p1 =	seq.s32 s10, $0x1;
	s10 =	sld [smem:$0x3FBA];
	_ =	sdelay $0x3  }
0x37: {  	[smem:$0x3FBA] =	sst s10  }
0x38: {  	s10 =	sld [smem:$0x3FBB]  }
0x39: {  	_ = 	snop;
	(pc) =	sbr.ind lr, $3  }
0x3a: {  	_ = 	snop  }
0x3b: {  	_ = 	snop  }
0x3c: {  	p2 =	seq.s32 s10, $0x1;
	s10 =	sld [smem:$0x3FBA]  }
0x3d: {  	_ =	shalt  }
0x3e: {  	_ =	shalt  }
0x3f: {  	_ =	shalt  }
0x40: {  	_ =	shalt  }
0x41: {  	_ =	shalt  }
0x42: {  	_ =	shalt  }
0x43: {  	_ =	shalt  }
0x44: {  	_ =	shalt  }
0x45: {  	_ =	shalt  }
0x46: {  	_ =	shalt  }
0x47: {  	_ =	shalt  }
0x48: {  	_ =	shalt  }
0x49: {  	_ =	shalt  }
0x4a: {  	_ =	shalt  }
0x4b: {  	_ =	shalt  }
0x4c: {  	_ =	shalt  }
0x4d: {  	_ =	shalt  }
0x4e: {  	_ =	shalt  }
0x4f: {  	_ =	shalt  }
0x50: {  	_ =	shalt  }
0x51: {  	_ =	shalt  }
0x52: {  	_ =	shalt  }
0x53: {  	_ =	shalt  }
0x54: {  	_ =	shalt  }
0x55: {  	_ =	shalt  }
0x56: {  	_ =	shalt  }
0x57: {  	_ =	shalt  }
0x58: {  	_ =	shalt  }
0x59: {  	_ =	shalt  }
0x5a: {  	_ =	shalt  }
0x5b: {  	_ =	shalt  }
0x5c: {  	_ =	shalt  }
0x5d: {  	_ =	shalt  }
0x5e: {  	_ =	shalt  }
0x5f: {  	_ =	shalt  }
0x60: {  	_ =	shalt  }
0x61: {  	_ =	shalt  }
0x62: {  	_ =	shalt  }
0x63: {  	_ =	shalt  }
0x64: {  	_ =	shalt  }
0x65: {  	_ =	shalt  }
0x66: {  	_ =	shalt  }
0x67: {  	_ =	shalt  }
0x68: {  	_ =	shalt  }
0x69: {  	_ =	shalt  }
0x6a: {  	_ =	shalt  }
0x6b: {  	_ =	shalt  }
0x6c: {  	_ =	shalt  }
0x6d: {  	_ =	shalt  }
0x6e: {  	_ =	shalt  }
0x6f: {  	_ =	shalt  }
0x70: {  	_ =	shalt  }
0x71: {  	_ =	shalt  }
0x72: {  	_ =	shalt  }
0x73: {  	_ =	shalt  }
0x74: {  	_ =	shalt  }
0x75: {  	_ =	shalt  }
0x76: {  	_ =	shalt  }
0x77: {  	_ =	shalt  }
0x78: {  	_ =	shalt  }
0x79: {  	_ =	shalt  }
0x7a: {  	_ =	shalt  }
0x7b: {  	_ =	shalt  }
0x7c: {  	_ =	shalt  }
0x7d: {  	_ =	shalt  }
0x7e: {  	_ =	shalt  }
0x7f: {  	_ =	shalt  }
0x80: {  	_ =	shalt  }
0x81: {  	_ =	shalt  }
0x82: {  	_ =	shalt  }
0x83: {  	_ =	shalt  }
0x84: {  	_ =	shalt  }
0x85: {  	_ =	shalt  }
0x86: {  	_ =	shalt  }
0x87: {  	_ =	shalt  }
.Lfunc_end0:
.L_simem_size_0:
called_computation_lowered:
.L_overlay_start_0:
0x88: {  	s2 =	sld [smem:$0x3FD9]  }
0x89: {  	s3 =	sld [smem:$0x3FFE];
	_ =	sdelay $0x1  }
0x8a: {  	s1 =	srdreg.scid  }
0x8b: {  	s0 =	sand.u32 $0x1, s1  }
0x8c: {  	s17 =	sshll.u32 s0, $0xA;
	s2 =	sadd.s32 s3, s2  }
0x8d: {  	s2 =	sadd.s32 s2, s17  }
0x8e: {  	[smem:$0x3FC6] =	sst s2  }
0x8f: {  	_ = 	snop  }
0x90: {  	(tm) =	ssettm $0x1  }
0x91: {  	s18 =	sld [smem:$0x3FFB];
	_ =	sdelay $0x3  }
0x92: {  	_ =	strace s18  }
0x93: {  	s2 =	sld [smem:$0x3FFC];
	_ =	sdelay $0x3  }
0x94: {  	_ =	strace s2  }
0x95: {  	s2 =	sld [smem:$0x3FFD];
	_ =	sdelay $0x3  }
0x96: {  	_ =	strace s2  }
0x97: {  	_ =	strace $0x8FFFFFFF  }
0x98: {  	s19 =	sld [smem:$0x3FDB];
	_ =	sdelay $0x1  }
0x99: {  	s20 =	simm.s32 $_scs_section_size  }
0x9a: {  	s4 =	simm.s32 $_size__tile_overlayer_lowered;
	s5 =	simm.s32 $_tile_overlayer_lowered  }
0x9b: {  	s6 =	simm.s32 $0x1BFF;
	s21 =	sshll.u32 s5, $0x1;
	s3 =	sadd.s32 s20, s19  }
0x9c: {  	s22 =	simm.s32 $0x0;
	s4 =	sshll.u32 s4, $0x1;
	s5 =	sadd.s32 s21, s3  }
0x9d: {  	[timem:s22], [sflag:s6] =	dma.local [hbm:s5], s4  }
0x9e: {  	_ =	swait.ge [sflag:s6], s4  }
0x9f: {  	s4 =	ssub.s32 $0x0, s4;
	[sflag:s6] =	ssyncset.done $0x0  }
0xa0: {  	[sflag:s6] =	ssyncadd.s32 s4;
	_ =	sdelay $0x1  }
0xa1: {  	s23 =	simm.s32 $0x1B8B  }
0xa2: {  	_ =	swait.ge [sflag:s23], $0x1  }
0xa3: {  	[sflag:s23] =	ssyncset.done $0x0  }
0xa4: {  	[sflag:s23] =	ssyncadd.s32 $0xFFFFFFFF  }
0xa5: {  	s4 =	sld [smem:$0x0]  }
0xa6: {  	s5 =	sand.u32 $0xFFFFFFFE, s1  }
0xa7: {  	p0 =	sne.s32 s1, s5  }
0xa8: {  	s5 =	sshll.u32 @p0 s5, $0xE  }
0xa9: {  	s5 =	sadd.s32 @p0 $0x11B8D, s5;
	s6 =	sshll.u32 @p0 s4, $0x11  }
0xaa: {  	s5 =	sor.u32 @p0 s6, s5  }
0xab: {  	[sflag:s5] =	ssyncadd.remote.s32 @p0 $0x1;
	_ =	sdelay $0x1  }
0xac: {  	s5 =	simm.s32 @p0 $0x1B8D  }
0xad: {  	_ =	swait.eq @p0 [sflag:s5], $0x1  }
0xae: {  	[sflag:s5] =	ssyncadd.s32 @p0 $0xFFFFFFFF  }
0xaf: {  	s6 =	sshll.u32 @!p0 s1, $0xE  }
0xb0: {  	s6 =	sor.u32 @!p0 $0x4000, s6;
	s5 =	simm.s32 @!p0 $0x1B8D  }
0xb1: {  	s4 =	sshll.u32 @!p0 s4, $0x11;
	s6 =	sadd.s32 @!p0 $0x11B8D, s6;
	_ =	swait.eq @!p0 [sflag:s5], $0x1  }
0xb2: {  	s4 =	sor.u32 @!p0 s4, s6;
	[sflag:s5] =	ssyncadd.s32 @!p0 $0xFFFFFFFF  }
0xb3: {  	s25 =	simm.s32 $0x1B8E;
	s24 =	sld [smem:$0x3FFE];
	[sflag:s4] =	ssyncadd.remote.s32 @!p0 $0x1  }
0xb4: {  	s26 =	simm.s32 $execute0_lowered;
	[smem:$0x3FD2] =	sst s25  }
0xb5: {  	s5 =	sshll.u32 s26, $0x1;
	_ =	strace $0x80000049;
	[dreg:$0x1] =	wrdreg $0xFFFFFFFF  }
0xb6: {  	s28 =	simm.s32 $_size_execute0_lowered;
	s3 =	sadd.s32 s3, s5;
	[dreg:$0x0] =	wrdreg $0x0  }
0xb7: {  	s5 =	sshll.u32 s28, $0x1;
	[dreg:$0x2] =	wrdreg s3  }
0xb8: {  	[dreg:$0x3] =	wrdreg s5  }
0xb9: {  	[dreg:$0x4] =	wrdreg $0xC0  }
0xba: {  	_ =	task [dreg:s22], $0x5FFFF  }
0xbb: {  	[dreg:$0x1] =	wrdreg $0xFFFFFFFF  }
0xbc: {  	[dreg:$0x0] =	wrdreg $0x60  }
0xbd: {  	[dreg:$0x2] =	wrdreg s24  }
0xbe: {  	[dreg:$0x3] =	wrdreg $0x9  }
0xbf: {  	_ =	task.clear_ibuf [dreg:s22], $0x4FFFF;
	_ =	strace $0x90000049  }
0xc0: {  	s29 =	simm.s32 $0x9;
	_ =	strace $0x8000004B  }
0xc1: {  	_ =	swait.ge [sflag:s29], $0x1  }
0xc2: {  	[sflag:s29] =	ssyncadd.s32 $0xFFFFFFFF  }
0xc3: {  	_ =	strace $0x9000004B  }
0xc4: {  	_ =	sfence  }
0xc5: {  	s30 =	sld [smem:$0x0];
	_ =	sdelay $0x2  }
0xc6: {  	s31 =	sshll.u32 s1, $0xD;
	s1 =	sshrl.u32 s1, $0x2  }
0xc7: {  	s4 =	sand.u32 $0x4000, s31;
	s1 =	sadd.s32 s1, s30  }
0xc8: {  	s0 =	sor.u32 s4, s0;
	s1 =	sshll.u32 s1, $0x11  }
0xc9: {  	s0 =	sor.u32 s1, s0  }
0xca: {  	s0 =	sadd.s32 $0x8F2B, s0  }
0xcb: {  	[sflag:s0] =	ssyncadd.remote.s32 $0x1  }
0xcc: {  	_ =	sfence.sel $0xFFFF  }
0xcd: {  	[dreg:$0x0] =	wrdreg $0xFFFFFFFF;
	(pc) =	sbr.abs _section_cstart, $3  }
0xce: {  	[dreg:$0x1] =	wrdreg $0xFFFFFFFF  }
0xcf: {  	_ =	task.clear_ibuf [dreg:s22], $0x2FFFF;
	_ =	strace $0x9FFFFFFF  }
0xd0: {  	(tm) =	ssettm $0x7FFFFFFF  }
0xd1: {  	_ =	shalt  }
tec
execute0_lowered:
.L_overlay_start_1:
0x0: {  	(tag) =	ssettag $0x1  }
0x1: {  	s4 =	rddreg [dreg:$0x0]  }
0x2: {  	s0 =	rddreg [dreg:$0x1];
	s2 =	simm.s32 $0x0  }
0x3: {  	s3 =	srdreg.scid;
	s1 =	stileid.u32;
	s30 =	simm.s32 $0x4000  }
0x4: {  	s31 =	simm.s32 $0x4080;
	s9 =	simm.s32 $0x4100;
	s10 =	simm.s32 $0x4200  }
0x5: {  	s11 =	simm.s32 $0x4280;
	s12 =	simm.s32 $0x4300;
	s13 =	simm.s32 $0x4380  }
0x6: {  	s14 =	simm.s32 $0x4400;
	s15 =	simm.s32 $0x4480;
	s16 =	simm.s32 $0x4500  }
0x7: {  	s17 =	simm.s32 $0x4580;
	s18 =	simm.s32 $0x4600;
	s19 =	simm.s32 $0x4680  }
0x8: {  	s20 =	simm.s32 $0x4700;
	s21 =	simm.s32 $0x4780;
	s22 =	simm.s32 $0x1  }
0x9: {  	s23 =	simm.s32 $0x4800;
	s24 =	simm.s32 $0x0;
	[smem:$0x7FF] =	sst s2  }
0xa: {  	s5 =	sand.u32 $0x1, s3;
	_ =	strace $0x8000004A;
	[dreg:$0x2] =	wrdreg s30  }
0xb: {  	s28 =	sshll.u32 s1, $0x1;
	s3 =	sadd.s32 $0x111A00, s4;
	[dreg:$0x3] =	wrdreg s31  }
0xc: {  	s6 =	sor.u32 s5, s28;
	s5 =	ssub.s32 $0x2, s5;
	[dreg:$0x4] =	wrdreg s9  }
0xd: {  	s9 =	simm.s32 $0x4180;
	s7 =	sshll.u32 s6, $0xB;
	s6 =	sshll.u32 s6, $0x3  }
0xe: {  	s8 =	sshrl.u32 s5, $0x1;
	s7 =	sadd.s32 s7, s4;
	s6 =	sadd.s32 s6, s4  }
0xf: {  	s29 =	ssub.s32 s5, s8;
	s8 =	simm.s32 $0x40;
	s4 =	sadd.s32 $0x211A00, s7  }
0x10: {  	v0 =	vimm.f32 $0.0e+00;
	s5 =	sadd.s32 $0x221A00, s6;
	s6 =	smax.u32 s29, $0x1;
	s7 =	simm.s32 $0x2  }
.LBB2_1:
0x11: {  	[tilespmem:s2], [sflag:$0x2] =	stream.linear.gather [hbm4b:s4+s2], $0x4000, $0x38;
	[tilespmem:$0x4880] =	vst v63  }
0x12: {  	_ =	swait.ge [sflag:s7], $0x4000  }
0x13: {  	[sflag:s7] =	ssyncset.done $0x0  }
0x14: {  	[sflag:s7] =	ssyncadd.s32 $0xFFFFC000  }
0x15: {  	[tilespmem:$0x4800] =	vst v0  }
0x16: {  	[tilespmem:$0x4810] =	vst v0  }
0x17: {  	[tilespmem:$0x4820] =	vst v0  }
0x18: {  	s25 =	simm.s32 $0x0;
	[tilespmem:$0x4830] =	vst v0  }
.LBB2_2:
0x19: {  	s26 =	rddreg [dreg:$0x2];
	s28 =	sshra.s32 s25, $0x2  }
0x1a: {  	[tilespmem:s26], [sflag:$0x1] =	stream.indirect.gather [hbm4b:s3+s8], $0x1, s28, s8, $0xb8;
	[tilespmem:$0x4880] =	vst v63  }
0x1b: {  	s29 =	rddreg [dreg:$0x3];
	s31 =	sadd.s32 $0x80, s28  }
0x1c: {  	[tilespmem:s29], [sflag:$0x1] =	stream.indirect.gather [hbm4b:s3+s8], $0x1, s31, s8, $0xb8;
	[tilespmem:$0x4880] =	vst v63  }
0x1d: {  	s30 =	rddreg [dreg:$0x4];
	s29 =	sadd.s32 $0x100, s28  }
0x1e: {  	[tilespmem:s30], [sflag:$0x1] =	stream.indirect.gather [hbm4b:s3+s8], $0x1, s29, s8, $0xb8;
	[tilespmem:$0x4880] =	vst v63  }
0x1f: {  	s31 =	sadd.s32 $0x180, s28  }
0x20: {  	[tilespmem:s9], [sflag:$0x1] =	stream.indirect.gather [hbm4b:s3+s8], $0x1, s31, s8, $0xb8;
	[tilespmem:$0x4880] =	vst v63  }
0x21: {  	s29 =	sadd.s32 $0x200, s28  }
0x22: {  	[tilespmem:s10], [sflag:$0x1] =	stream.indirect.gather [hbm4b:s3+s8], $0x1, s29, s8, $0xb8;
	[tilespmem:$0x4880] =	vst v63  }
0x23: {  	s30 =	sadd.s32 $0x280, s28  }
0x24: {  	[tilespmem:s11], [sflag:$0x1] =	stream.indirect.gather [hbm4b:s3+s8], $0x1, s30, s8, $0xb8;
	[tilespmem:$0x4880] =	vst v63  }
0x25: {  	s31 =	sadd.s32 $0x300, s28  }
0x26: {  	[tilespmem:s12], [sflag:$0x1] =	stream.indirect.gather [hbm4b:s3+s8], $0x1, s31, s8, $0xb8;
	[tilespmem:$0x4880] =	vst v63  }
0x27: {  	s29 =	sadd.s32 $0x380, s28  }
0x28: {  	[tilespmem:s13], [sflag:$0x1] =	stream.indirect.gather [hbm4b:s3+s8], $0x1, s29, s8, $0xb8;
	[tilespmem:$0x4880] =	vst v63  }
0x29: {  	s30 =	sadd.s32 $0x400, s28  }
0x2a: {  	[tilespmem:s14], [sflag:$0x1] =	stream.indirect.gather [hbm4b:s3+s8], $0x1, s30, s8, $0xb8;
	[tilespmem:$0x4880] =	vst v63  }
0x2b: {  	s31 =	sadd.s32 $0x480, s28  }
0x2c: {  	[tilespmem:s15], [sflag:$0x1] =	stream.indirect.gather [hbm4b:s3+s8], $0x1, s31, s8, $0xb8;
	[tilespmem:$0x4880] =	vst v63  }
0x2d: {  	s29 =	sadd.s32 $0x500, s28  }
0x2e: {  	[tilespmem:s16], [sflag:$0x1] =	stream.indirect.gather [hbm4b:s3+s8], $0x1, s29, s8, $0xb8;
	[tilespmem:$0x4880] =	vst v63  }
0x2f: {  	s30 =	sadd.s32 $0x580, s28  }
0x30: {  	[tilespmem:s17], [sflag:$0x1] =	stream.indirect.gather [hbm4b:s3+s8], $0x1, s30, s8, $0xb8;
	[tilespmem:$0x4880] =	vst v63  }
0x31: {  	s31 =	sadd.s32 $0x600, s28  }
0x32: {  	[tilespmem:s18], [sflag:$0x1] =	stream.indirect.gather [hbm4b:s3+s8], $0x1, s31, s8, $0xb8;
	[tilespmem:$0x4880] =	vst v63  }
0x33: {  	s29 =	sadd.s32 $0x680, s28  }
0x34: {  	[tilespmem:s19], [sflag:$0x1] =	stream.indirect.gather [hbm4b:s3+s8], $0x1, s29, s8, $0xb8;
	[tilespmem:$0x4880] =	vst v63  }
0x35: {  	s30 =	sadd.s32 $0x700, s28  }
0x36: {  	[tilespmem:s20], [sflag:$0x1] =	stream.indirect.gather [hbm4b:s3+s8], $0x1, s30, s8, $0xb8;
	[tilespmem:$0x4880] =	vst v63  }
0x37: {  	s31 =	sadd.s32 $0x780, s28  }
0x38: {  	[tilespmem:s21], [sflag:$0x1] =	stream.indirect.gather [hbm4b:s3+s8], $0x1, s31, s8, $0xb8;
	[tilespmem:$0x4880] =	vst v63  }
0x39: {  	_ =	swait.ge [sflag:s22], $0x40  }
0x3a: {  	[sflag:s22] =	ssyncset.done $0x0  }
0x3b: {  	[sflag:s22] =	ssyncadd.s32 $0xFFFFFFC0  }
0x3c: {  	_ =	swait.ge [sflag:s22], $0x40  }
0x3d: {  	[sflag:s22] =	ssyncset.done $0x0  }
0x3e: {  	[sflag:s22] =	ssyncadd.s32 $0xFFFFFFC0  }
0x3f: {  	_ =	swait.ge [sflag:s22], $0x40  }
0x40: {  	[sflag:s22] =	ssyncset.done $0x0  }
0x41: {  	[sflag:s22] =	ssyncadd.s32 $0xFFFFFFC0  }
0x42: {  	_ =	swait.ge [sflag:s22], $0x40  }
0x43: {  	[sflag:s22] =	ssyncset.done $0x0  }
0x44: {  	[sflag:s22] =	ssyncadd.s32 $0xFFFFFFC0  }
0x45: {  	_ =	swait.ge [sflag:s22], $0x40  }
0x46: {  	[sflag:s22] =	ssyncset.done $0x0  }
0x47: {  	[sflag:s22] =	ssyncadd.s32 $0xFFFFFFC0  }
0x48: {  	_ =	swait.ge [sflag:s22], $0x40  }
0x49: {  	[sflag:s22] =	ssyncset.done $0x0  }
0x4a: {  	[sflag:s22] =	ssyncadd.s32 $0xFFFFFFC0  }
0x4b: {  	_ =	swait.ge [sflag:s22], $0x40  }
0x4c: {  	[sflag:s22] =	ssyncset.done $0x0  }
0x4d: {  	[sflag:s22] =	ssyncadd.s32 $0xFFFFFFC0  }
0x4e: {  	_ =	swait.ge [sflag:s22], $0x40  }
0x4f: {  	[sflag:s22] =	ssyncset.done $0x0  }
0x50: {  	[sflag:s22] =	ssyncadd.s32 $0xFFFFFFC0  }
0x51: {  	_ =	swait.ge [sflag:s22], $0x40  }
0x52: {  	[sflag:s22] =	ssyncset.done $0x0  }
0x53: {  	[sflag:s22] =	ssyncadd.s32 $0xFFFFFFC0  }
0x54: {  	_ =	swait.ge [sflag:s22], $0x40  }
0x55: {  	[sflag:s22] =	ssyncset.done $0x0  }
0x56: {  	[sflag:s22] =	ssyncadd.s32 $0xFFFFFFC0  }
0x57: {  	_ =	swait.ge [sflag:s22], $0x40  }
0x58: {  	[sflag:s22] =	ssyncset.done $0x0  }
0x59: {  	[sflag:s22] =	ssyncadd.s32 $0xFFFFFFC0  }
0x5a: {  	_ =	swait.ge [sflag:s22], $0x40  }
0x5b: {  	[sflag:s22] =	ssyncset.done $0x0  }
0x5c: {  	[sflag:s22] =	ssyncadd.s32 $0xFFFFFFC0  }
0x5d: {  	_ =	swait.ge [sflag:s22], $0x40  }
0x5e: {  	[sflag:s22] =	ssyncset.done $0x0  }
0x5f: {  	[sflag:s22] =	ssyncadd.s32 $0xFFFFFFC0  }
0x60: {  	_ =	swait.ge [sflag:s22], $0x40  }
0x61: {  	[sflag:s22] =	ssyncset.done $0x0  }
0x62: {  	[sflag:s22] =	ssyncadd.s32 $0xFFFFFFC0  }
0x63: {  	_ =	swait.ge [sflag:s22], $0x40  }
0x64: {  	[sflag:s22] =	ssyncset.done $0x0  }
0x65: {  	[sflag:s22] =	ssyncadd.s32 $0xFFFFFFC0  }
0x66: {  	_ =	swait.ge [sflag:s22], $0x40  }
0x67: {  	[sflag:s22] =	ssyncset.done $0x0  }
0x68: {  	[sflag:s22] =	ssyncadd.s32 $0xFFFFFFC0  }
0x69: {  	v1 =	vld [tilespmem:$0x4800]  }
0x6a: {  	v2 =	vld [tilespmem:$0x4000]  }
0x6b: {  	v3 =	vld [tilespmem:$0x4810]  }
0x6c: {  	v4 =	vld [tilespmem:$0x4010]  }
0x6d: {  	v5 =	vld [tilespmem:$0x4820]  }
0x6e: {  	v6 =	vld [tilespmem:$0x4020]  }
0x6f: {  	v7 =	vld [tilespmem:$0x4830]  }
0x70: {  	v8 =	vld [tilespmem:$0x4030]  }
0x71: {  	v9 =	vld [tilespmem:$0x4080]  }
0x72: {  	v10 =	vld [tilespmem:$0x4090];
	v2 =	vmul.f32 $1.442695020e+00, v2  }
0x73: {  	v11 =	vld [tilespmem:$0x40A0];
	v4 =	vmul.f32 $1.442695020e+00, v4  }
0x74: {  	v62 =	vld [tilespmem:$0x40B0];
	(erf) = vpow2.f32 v2;
	v2 =	vmul.f32 $1.442695020e+00, v6  }
0x75: {  	v12 =	vld [tilespmem:$0x4100];
	v63 =	vmul.f32 $1.442695020e+00, v8;
	(erf) = vpow2.f32 v4  }
0x76: {  	v13 =	vld [tilespmem:$0x4110];
	(erf) = vpow2.f32 v2;
	v2 =	vmul.f32 $1.442695020e+00, v9  }
0x77: {  	v15 =	vld [tilespmem:$0x4120];
	v14 =	vmul.f32 $1.442695020e+00, v10;
	(erf) = vpow2.f32 v63  }
0x78: {  	v16 =	vld [tilespmem:$0x4130];
	(erf) = vpow2.f32 v2;
	v2 =	vmul.f32 $1.442695020e+00, v11  }
0x79: {  	v18 =	vld [tilespmem:$0x4180];
	v17 =	vmul.f32 $1.442695020e+00, v62;
	(erf) = vpow2.f32 v14  }
0x7a: {  	v19 =	vld [tilespmem:$0x4190];
	(erf) = vpow2.f32 v2;
	v2 =	vmul.f32 $1.442695020e+00, v12  }
0x7b: {  	v21 =	vld [tilespmem:$0x41A0];
	v20 =	vmul.f32 $1.442695020e+00, v13;
	(erf) = vpow2.f32 v17  }
0x7c: {  	v22 =	vld [tilespmem:$0x41B0];
	(erf) = vpow2.f32 v2;
	v2 =	vmul.f32 $1.442695020e+00, v15  }
0x7d: {  	v24 =	vld [tilespmem:$0x4200];
	v23 =	vmul.f32 $1.442695020e+00, v16;
	v12 =	vpop (erf);
	(erf) = vpow2.f32 v20  }
0x7e: {  	v26 =	vld [tilespmem:$0x4210];
	v1 =	vadd.f32 v12, v1;
	v25 =	vpop (erf);
	(erf) = vpow2.f32 v2;
	v2 =	vmul.f32 $1.442695020e+00, v18  }
0x7f: {  	v29 =	vld [tilespmem:$0x4220];
	v28 =	vmul.f32 $1.442695020e+00, v19;
	v3 =	vadd.f32 v25, v3;
	v27 =	vpop (erf);
	(erf) = vpow2.f32 v23  }
0x80: {  	v31 =	vld [tilespmem:$0x4230];
	[tilespmem:$0x4800] =	vst v1;
	v5 =	vadd.f32 v27, v5;
	v30 =	vpop (erf);
	(erf) = vpow2.f32 v2;
	v2 =	vmul.f32 $1.442695020e+00, v21  }
0x81: {  	v34 =	vld [tilespmem:$0x4280];
	v33 =	vmul.f32 $1.442695020e+00, v22;
	[tilespmem:$0x4810] =	vst v3;
	v7 =	vadd.f32 v30, v7;
	v32 =	vpop (erf);
	(erf) = vpow2.f32 v28  }
0x82: {  	v36 =	vld [tilespmem:$0x4290];
	[tilespmem:$0x4820] =	vst v5;
	v1 =	vadd.f32 v32, v1;
	v35 =	vpop (erf);
	(erf) = vpow2.f32 v2;
	v2 =	vmul.f32 $1.442695020e+00, v24  }
0x83: {  	v39 =	vld [tilespmem:$0x42A0];
	v38 =	vmul.f32 $1.442695020e+00, v26;
	[tilespmem:$0x4830] =	vst v7;
	v3 =	vadd.f32 v35, v3;
	v37 =	vpop (erf);
	(erf) = vpow2.f32 v33  }
0x84: {  	v41 =	vld [tilespmem:$0x42B0];
	[tilespmem:$0x4800] =	vst v1;
	v5 =	vadd.f32 v37, v5;
	v40 =	vpop (erf);
	(erf) = vpow2.f32 v2;
	v2 =	vmul.f32 $1.442695020e+00, v29  }
0x85: {  	v44 =	vld [tilespmem:$0x4300];
	v43 =	vmul.f32 $1.442695020e+00, v31;
	[tilespmem:$0x4810] =	vst v3;
	v7 =	vadd.f32 v40, v7;
	v42 =	vpop (erf);
	(erf) = vpow2.f32 v38  }
0x86: {  	v46 =	vld [tilespmem:$0x4310];
	[tilespmem:$0x4820] =	vst v5;
	v1 =	vadd.f32 v42, v1;
	v45 =	vpop (erf);
	(erf) = vpow2.f32 v2;
	v2 =	vmul.f32 $1.442695020e+00, v34  }
0x87: {  	v49 =	vld [tilespmem:$0x4320];
	v48 =	vmul.f32 $1.442695020e+00, v36;
	[tilespmem:$0x4830] =	vst v7;
	v3 =	vadd.f32 v45, v3;
	v47 =	vpop (erf);
	(erf) = vpow2.f32 v43  }
0x88: {  	v51 =	vld [tilespmem:$0x4330];
	[tilespmem:$0x4800] =	vst v1;
	v5 =	vadd.f32 v47, v5;
	v50 =	vpop (erf);
	(erf) = vpow2.f32 v2;
	v2 =	vmul.f32 $1.442695020e+00, v39  }
0x89: {  	v54 =	vld [tilespmem:$0x4380];
	v53 =	vmul.f32 $1.442695020e+00, v41;
	[tilespmem:$0x4810] =	vst v3;
	v7 =	vadd.f32 v50, v7;
	v52 =	vpop (erf);
	(erf) = vpow2.f32 v48  }
0x8a: {  	v56 =	vld [tilespmem:$0x4390];
	[tilespmem:$0x4820] =	vst v5;
	v1 =	vadd.f32 v52, v1;
	v55 =	vpop (erf);
	(erf) = vpow2.f32 v2;
	v2 =	vmul.f32 $1.442695020e+00, v44  }
0x8b: {  	v59 =	vld [tilespmem:$0x43A0];
	v58 =	vmul.f32 $1.442695020e+00, v46;
	[tilespmem:$0x4830] =	vst v7;
	v3 =	vadd.f32 v55, v3;
	v57 =	vpop (erf);
	(erf) = vpow2.f32 v53  }
0x8c: {  	v61 =	vld [tilespmem:$0x43B0];
	[tilespmem:$0x4800] =	vst v1;
	v5 =	vadd.f32 v57, v5;
	v60 =	vpop (erf);
	(erf) = vpow2.f32 v2;
	v2 =	vmul.f32 $1.442695020e+00, v49  }
0x8d: {  	v16 =	vld [tilespmem:$0x4400];
	v63 =	vmul.f32 $1.442695020e+00, v51;
	[tilespmem:$0x4810] =	vst v3;
	v7 =	vadd.f32 v60, v7;
	v62 =	vpop (erf);
	(erf) = vpow2.f32 v58  }
0x8e: {  	v18 =	vld [tilespmem:$0x4410];
	[tilespmem:$0x4820] =	vst v5;
	v1 =	vadd.f32 v62, v1;
	v17 =	vpop (erf);
	(erf) = vpow2.f32 v2;
	v2 =	vmul.f32 $1.442695020e+00, v54  }
0x8f: {  	v20 =	vmul.f32 $1.442695020e+00, v56;
	v21 =	vld [tilespmem:$0x4420];
	[tilespmem:$0x4830] =	vst v7;
	v3 =	vadd.f32 v17, v3;
	v19 =	vpop (erf);
	(erf) = vpow2.f32 v63  }
0x90: {  	v23 =	vld [tilespmem:$0x4430];
	[tilespmem:$0x4800] =	vst v1;
	v5 =	vadd.f32 v19, v5;
	v22 =	vpop (erf);
	(erf) = vpow2.f32 v2;
	v2 =	vmul.f32 $1.442695020e+00, v59  }
0x91: {  	v26 =	vld [tilespmem:$0x4480];
	v25 =	vmul.f32 $1.442695020e+00, v61;
	[tilespmem:$0x4810] =	vst v3;
	v7 =	vadd.f32 v22, v7;
	v24 =	vpop (erf);
	(erf) = vpow2.f32 v20  }
0x92: {  	v28 =	vld [tilespmem:$0x4490];
	[tilespmem:$0x4820] =	vst v5;
	v1 =	vadd.f32 v24, v1;
	v27 =	vpop (erf);
	(erf) = vpow2.f32 v2;
	v2 =	vmul.f32 $1.442695020e+00, v16  }
0x93: {  	v31 =	vld [tilespmem:$0x44A0];
	v30 =	vmul.f32 $1.442695020e+00, v18;
	[tilespmem:$0x4830] =	vst v7;
	v3 =	vadd.f32 v27, v3;
	v29 =	vpop (erf);
	(erf) = vpow2.f32 v25  }
0x94: {  	v33 =	vld [tilespmem:$0x44B0];
	[tilespmem:$0x4800] =	vst v1;
	v5 =	vadd.f32 v29, v5;
	v32 =	vpop (erf);
	(erf) = vpow2.f32 v2;
	v2 =	vmul.f32 $1.442695020e+00, v21  }
0x95: {  	v36 =	vld [tilespmem:$0x4500];
	v35 =	vmul.f32 $1.442695020e+00, v23;
	[tilespmem:$0x4810] =	vst v3;
	v7 =	vadd.f32 v32, v7;
	v34 =	vpop (erf);
	(erf) = vpow2.f32 v30  }
0x96: {  	v38 =	vld [tilespmem:$0x4510];
	[tilespmem:$0x4820] =	vst v5;
	v1 =	vadd.f32 v34, v1;
	v37 =	vpop (erf);
	(erf) = vpow2.f32 v2;
	v2 =	vmul.f32 $1.442695020e+00, v26  }
0x97: {  	v41 =	vld [tilespmem:$0x4520];
	v40 =	vmul.f32 $1.442695020e+00, v28;
	[tilespmem:$0x4830] =	vst v7;
	v3 =	vadd.f32 v37, v3;
	v39 =	vpop (erf);
	(erf) = vpow2.f32 v35  }
0x98: {  	v43 =	vld [tilespmem:$0x4530];
	[tilespmem:$0x4800] =	vst v1;
	v5 =	vadd.f32 v39, v5;
	v42 =	vpop (erf);
	(erf) = vpow2.f32 v2;
	v2 =	vmul.f32 $1.442695020e+00, v31  }
0x99: {  	v46 =	vld [tilespmem:$0x4580];
	v45 =	vmul.f32 $1.442695020e+00, v33;
	[tilespmem:$0x4810] =	vst v3;
	v7 =	vadd.f32 v42, v7;
	v44 =	vpop (erf);
	(erf) = vpow2.f32 v40  }
0x9a: {  	v48 =	vld [tilespmem:$0x4590];
	[tilespmem:$0x4820] =	vst v5;
	v1 =	vadd.f32 v44, v1;
	v47 =	vpop (erf);
	(erf) = vpow2.f32 v2;
	v2 =	vmul.f32 $1.442695020e+00, v36  }
0x9b: {  	v51 =	vld [tilespmem:$0x45A0];
	v50 =	vmul.f32 $1.442695020e+00, v38;
	[tilespmem:$0x4830] =	vst v7;
	v3 =	vadd.f32 v47, v3;
	v49 =	vpop (erf);
	(erf) = vpow2.f32 v45  }
0x9c: {  	v53 =	vld [tilespmem:$0x45B0];
	[tilespmem:$0x4800] =	vst v1;
	v5 =	vadd.f32 v49, v5;
	v52 =	vpop (erf);
	(erf) = vpow2.f32 v2;
	v2 =	vmul.f32 $1.442695020e+00, v41  }
0x9d: {  	v56 =	vld [tilespmem:$0x4600];
	v55 =	vmul.f32 $1.442695020e+00, v43;
	[tilespmem:$0x4810] =	vst v3;
	v7 =	vadd.f32 v52, v7;
	v54 =	vpop (erf);
	(erf) = vpow2.f32 v50  }
0x9e: {  	v58 =	vld [tilespmem:$0x4610];
	[tilespmem:$0x4820] =	vst v5;
	v1 =	vadd.f32 v54, v1;
	v57 =	vpop (erf);
	(erf) = vpow2.f32 v2;
	v2 =	vmul.f32 $1.442695020e+00, v46  }
0x9f: {  	v61 =	vld [tilespmem:$0x4620];
	v60 =	vmul.f32 $1.442695020e+00, v48;
	[tilespmem:$0x4830] =	vst v7;
	v3 =	vadd.f32 v57, v3;
	v59 =	vpop (erf);
	(erf) = vpow2.f32 v55  }
0xa0: {  	v63 =	vld [tilespmem:$0x4630];
	[tilespmem:$0x4800] =	vst v1;
	v5 =	vadd.f32 v59, v5;
	v62 =	vpop (erf);
	(erf) = vpow2.f32 v2;
	v2 =	vmul.f32 $1.442695020e+00, v51  }
0xa1: {  	v18 =	vld [tilespmem:$0x4680];
	v17 =	vmul.f32 $1.442695020e+00, v53;
	[tilespmem:$0x4810] =	vst v3;
	v7 =	vadd.f32 v62, v7;
	v16 =	vpop (erf);
	(erf) = vpow2.f32 v60  }
0xa2: {  	v20 =	vld [tilespmem:$0x4690];
	[tilespmem:$0x4820] =	vst v5;
	v1 =	vadd.f32 v16, v1;
	v19 =	vpop (erf);
	(erf) = vpow2.f32 v2;
	v2 =	vmul.f32 $1.442695020e+00, v56  }
0xa3: {  	v23 =	vld [tilespmem:$0x46A0];
	v22 =	vmul.f32 $1.442695020e+00, v58;
	[tilespmem:$0x4830] =	vst v7;
	v3 =	vadd.f32 v19, v3;
	v21 =	vpop (erf);
	(erf) = vpow2.f32 v17  }
0xa4: {  	v25 =	vld [tilespmem:$0x46B0];
	[tilespmem:$0x4800] =	vst v1;
	v5 =	vadd.f32 v21, v5;
	v24 =	vpop (erf);
	(erf) = vpow2.f32 v2;
	v2 =	vmul.f32 $1.442695020e+00, v61  }
0xa5: {  	v28 =	vld [tilespmem:$0x4700];
	v27 =	vmul.f32 $1.442695020e+00, v63;
	[tilespmem:$0x4810] =	vst v3;
	v7 =	vadd.f32 v24, v7;
	v26 =	vpop (erf);
	(erf) = vpow2.f32 v22  }
0xa6: {  	v30 =	vld [tilespmem:$0x4710];
	[tilespmem:$0x4820] =	vst v5;
	v1 =	vadd.f32 v26, v1;
	v29 =	vpop (erf);
	(erf) = vpow2.f32 v2;
	v2 =	vmul.f32 $1.442695020e+00, v18  }
0xa7: {  	v33 =	vld [tilespmem:$0x4720];
	v32 =	vmul.f32 $1.442695020e+00, v20;
	[tilespmem:$0x4830] =	vst v7;
	v3 =	vadd.f32 v29, v3;
	v31 =	vpop (erf);
	(erf) = vpow2.f32 v27  }
0xa8: {  	v35 =	vld [tilespmem:$0x4730];
	[tilespmem:$0x4800] =	vst v1;
	v5 =	vadd.f32 v31, v5;
	v34 =	vpop (erf);
	(erf) = vpow2.f32 v2;
	v2 =	vmul.f32 $1.442695020e+00, v23  }
0xa9: {  	v38 =	vld [tilespmem:$0x4780];
	v37 =	vmul.f32 $1.442695020e+00, v25;
	[tilespmem:$0x4810] =	vst v3;
	v7 =	vadd.f32 v34, v7;
	v36 =	vpop (erf);
	(erf) = vpow2.f32 v32  }
0xaa: {  	v40 =	vld [tilespmem:$0x4790];
	[tilespmem:$0x4820] =	vst v5;
	v1 =	vadd.f32 v36, v1;
	v39 =	vpop (erf);
	(erf) = vpow2.f32 v2;
	v2 =	vmul.f32 $1.442695020e+00, v28  }
0xab: {  	v43 =	vld [tilespmem:$0x47A0];
	v42 =	vmul.f32 $1.442695020e+00, v30;
	[tilespmem:$0x4830] =	vst v7;
	v3 =	vadd.f32 v39, v3;
	v41 =	vpop (erf);
	(erf) = vpow2.f32 v37  }
0xac: {  	v45 =	vld [tilespmem:$0x47B0];
	[tilespmem:$0x4800] =	vst v1;
	v5 =	vadd.f32 v41, v5;
	v44 =	vpop (erf);
	(erf) = vpow2.f32 v2;
	v2 =	vmul.f32 $1.442695020e+00, v33  }
0xad: {  	v47 =	vmul.f32 $1.442695020e+00, v35;
	v7 =	vadd.f32 v44, v7;
	v46 =	vpop (erf);
	(erf) = vpow2.f32 v42;
	[tilespmem:$0x4810] =	vst v3  }
0xae: {  	v1 =	vadd.f32 v46, v1;
	v48 =	vpop (erf);
	(erf) = vpow2.f32 v2;
	[tilespmem:$0x4820] =	vst v5;
	v2 =	vmul.f32 $1.442695020e+00, v38  }
0xaf: {  	v50 =	vmul.f32 $1.442695020e+00, v40;
	v3 =	vadd.f32 v48, v3;
	v49 =	vpop (erf);
	(erf) = vpow2.f32 v47;
	[tilespmem:$0x4830] =	vst v7  }
0xb0: {  	v5 =	vadd.f32 v49, v5;
	v51 =	vpop (erf);
	(erf) = vpow2.f32 v2;
	[tilespmem:$0x4800] =	vst v1;
	v2 =	vmul.f32 $1.442695020e+00, v43  }
0xb1: {  	v54 =	vmul.f32 $1.442695020e+00, v45;
	v52 =	vadd.f32 v51, v7;
	v53 =	vpop (erf);
	(erf) = vpow2.f32 v50;
	[tilespmem:$0x4810] =	vst v3  }
0xb2: {  	v1 =	vadd.f32 v53, v1;
	v55 =	vpop (erf);
	(erf) = vpow2.f32 v2;
	[tilespmem:$0x4820] =	vst v5  }
0xb3: {  	[tilespmem:$0x4830] =	vst v52;
	v2 =	vadd.f32 v55, v3;
	v3 =	vpop (erf);
	(erf) = vpow2.f32 v54  }
0xb4: {  	v56 =	vpop (erf);
	[tilespmem:$0x4800] =	vst v1;
	v3 =	vadd.f32 v3, v5  }
0xb5: {  	v57 =	vpop (erf);
	[tilespmem:$0x4810] =	vst v2;
	v4 =	vadd.f32 v56, v52  }
0xb6: {  	v58 =	vpop (erf);
	[tilespmem:$0x4820] =	vst v3;
	v1 =	vadd.f32 v57, v1  }
0xb7: {  	v59 =	vpop (erf);
	[tilespmem:$0x4830] =	vst v4;
	v2 =	vadd.f32 v58, v2  }
0xb8: {  	v60 =	vpop (erf);
	[tilespmem:$0x4800] =	vst v1;
	v3 =	vadd.f32 v59, v3  }
0xb9: {  	v61 =	vpop (erf);
	[tilespmem:$0x4810] =	vst v2;
	v4 =	vadd.f32 v60, v4  }
0xba: {  	p0 =	sne.s32 s25, $0xE000;
	v62 =	vpop (erf);
	[tilespmem:$0x4820] =	vst v3;
	v1 =	vadd.f32 v61, v1  }
.Ltmp0:
0xbb: {  	v63 =	vpop (erf);
	v2 =	vadd.f32 v62, v2;
	[tilespmem:$0x4830] =	vst v4;
	(pc) =	sbr.rel @p0 .LBB2_2-.Ltmp0, $4  }
0xbc: {  	[tilespmem:$0x4800] =	vst v1;
	v1 =	vadd.f32 v63, v3;
	v3 =	vpop (erf)  }
0xbd: {  	[tilespmem:$0x4810] =	vst v2;
	v2 =	vadd.f32 v3, v4  }
0xbe: {  	[tilespmem:$0x4820] =	vst v1  }
0xbf: {  	s25 =	sadd.s32 $0x2000, s25;
	[tilespmem:$0x4830] =	vst v2  }
0xc0: {  	s24 =	sadd.s32 $0x1, s24  }
0xc1: {  	p0 =	sne.s32 s24, s6  }
.Ltmp1:
0xc2: {  	_ = 	snop;
	(pc) =	sbr.rel @p0 .LBB2_1-.Ltmp1, $4  }
0xc3: {  	[hbm4b:s5+s2] =	stream.linear.scatter [tilespmem:s23], [sflag:$0x2], $0x40, $0x38;
	[tilespmem:$0x4880] =	vst v63  }
0xc4: {  	_ =	swait.ge [sflag:s7], $0x40  }
0xc5: {  	[sflag:s7] =	ssyncset.done $0x0  }
0xc6: {  	[sflag:s7] =	ssyncadd.s32 $0xFFFFFFC0  }
0xc7: {  	_ =	sfence.sel $0x180000  }
0xc8: {  	[bflag:$0x0] =	sbarrier.arrive $0xFFFF  }
0xc9: {  	p0 =	sne.s32 s1, $0x0;
	_ =	strace $0x9000004A  }
0xca: {  	s0 =	sadd.s32 @!p0 $0x100000, s0;
	[bflag:$0x2] =	sbarrier.arrive $0xFFFF  }
0xcb: {  	[sflag:s0] =	ssyncadd.tile.s32 @!p0 $0x1;
	_ =	shalt  }
.Lfunc_end2:
_tile_overlayer_lowered:
.L_overlay_start_2:
0xcc: {  	(tag) =	ssettag $0x2  }
0xcd: {  	s0 =	rddreg [dreg:$0x0];
	s2 =	stileid.u32  }
0xce: {  	s1 =	rddreg [dreg:$0x1];
	p0 =	sne.s32 s2, $0x0  }
0xcf: {  	s3 =	rddreg [dreg:$0x2];
	[bflag:$0x3] =	sbarrier.arrive $0xFFFF;
	s2 =	simm.s32 @!p0 $0x1C02  }
0xd0: {  	[timem:s3], [sflag:s2] =	dma.local @!p0 [hbm:s0], s1  }
0xd1: {  	s0 =	simm.s32 @!p0 $0x2  }
0xd2: {  	_ =	swait.ge @!p0 [sflag:s0], s1  }
0xd3: {  	s1 =	ssub.s32 @!p0 $0x0, s1;
	[sflag:s0] =	ssyncset.done @!p0 $0x0  }
0xd4: {  	[sflag:s0] =	ssyncadd.s32 @!p0 s1  }
0xd5: {  	[bflag:$0x3] =	sbarrier.arrive $0xFFFF  }
0xd6: {  	_ =	shalt  }

</sc_bundles>
